<compile_context>
chip_gen: v7x
topology: tpu7x:2x2x1
jax: 0.10.2.dev20260603
libtpu: 0.0.44.dev20260713+nightly
codegen_flags: <defaults>
</compile_context>

<pallas_src>
import functools

import jax
import jax.numpy as jnp
from jax import lax
from jax.experimental import pallas as pl
from jax.experimental.pallas import tpu as pltpu
from jax.experimental.pallas import tpu_sc as plsc

L = 16
NC = 2
NS = 16
NW = NC * NS
B, C, H, W = 16, 3, 512, 512
PLANE = H * W
W2D = 512
T = 4096
SLOTS = 4
U = 4
THRESH = 0.01

K_SC = 4
M_SC = K_SC * PLANE
CHUNK = M_SC // NW
N_SUB = CHUNK // T
RT = T // W2D

_SCRATCH = (
    [pltpu.VMEM((RT, W2D), jnp.float32) for _ in range(7 * SLOTS)]
    + [pltpu.VMEM((L,), jnp.float32) for _ in range(2)]
    + [pltpu.SemaphoreType.DMA for _ in range(SLOTS)]
)


@functools.partial(
    pl.kernel,
    out_type=jax.ShapeDtypeStruct((2, NW, L), jnp.float32),
    mesh=plsc.VectorSubcoreMesh(core_axis_name="c", subcore_axis_name="s"),
    scratch_types=_SCRATCH,
)
def _sc_partials(in_hbm, tg_hbm, mk_hbm, out_hbm, *s):
    bufs = tuple(s[7 * k:7 * (k + 1)] for k in range(SLOTS))
    sum_b, cnt_b = s[7 * SLOTS], s[7 * SLOTS + 1]
    sems = s[7 * SLOTS + 2:7 * SLOTS + 2 + SLOTS]

    cid = lax.axis_index("c")
    sid = lax.axis_index("s")
    wid = sid * NC + cid
    mb = wid * CHUNK

    def issue(j, slot):
        sem = sems[slot]
        mk_b, i0, i1, i2, t0, t1, t2 = bufs[slot]
        moff = mb + j * T
        bb = moff // PLANE
        q = moff % PLANE
        mrow = pl.multiple_of(moff // W2D, 8)
        descs = [pltpu.async_copy(mk_hbm.at[pl.ds(mrow, RT), :], mk_b, sem)]
        for c, (ib, tb) in enumerate(((i0, t0), (i1, t1), (i2, t2))):
            row = pl.multiple_of(((bb * C + c) * PLANE + q) // W2D, 8)
            descs.append(pltpu.async_copy(in_hbm.at[pl.ds(row, RT), :], ib, sem))
            descs.append(pltpu.async_copy(tg_hbm.at[pl.ds(row, RT), :], tb, sem))
        return descs

    z = jnp.zeros((L,), jnp.float32)
    carry0 = (z,) * 8
    pending = {}
    for j in range(min(SLOTS - 1, N_SUB)):
        pending[j] = issue(j, j % SLOTS)
    for j in range(N_SUB):
        slot = j % SLOTS
        for dsc in pending.pop(j):
            dsc.wait()
        nxt = j + SLOTS - 1
        if nxt < N_SUB:
            pending[nxt] = issue(nxt, nxt % SLOTS)

        def row_loop(r, carry, _bufs=bufs[slot]):
            def step(g, carry2):
                accs = list(carry2)
                mk_v, a0, a1, a2, b0, b1, b2 = _bufs
                for u in range(U):
                    p = u % 2
                    sl = pl.ds((g * U + u) * L, L)
                    m = mk_v[r, sl] > THRESH
                    accs[6 + p] = accs[6 + p] + jnp.where(m, 1.0, 0.0)
                    for c, (av, bv) in enumerate(((a0, b0), (a1, b1), (a2, b2))):
                        d = jnp.abs(av[r, sl] - bv[r, sl])
                        accs[2 * c + p] = accs[2 * c + p] + jnp.where(m, d, 0.0)
                return tuple(accs)

            return lax.fori_loop(0, W2D // (L * U), step, carry)

        carry0 = lax.fori_loop(0, RT, row_loop, carry0)

    sum_b[...] = (carry0[0] + carry0[1]) + (carry0[2] + carry0[3]) \
        + (carry0[4] + carry0[5])
    cnt_b[...] = carry0[6] + carry0[7]
    pltpu.sync_copy(sum_b, out_hbm.at[0, wid])
    pltpu.sync_copy(cnt_b, out_hbm.at[1, wid])


BB = 1


def _tc_body(in_ref, tg_ref, mk_ref, out_ref):
    g = pl.program_id(0)
    psum = jnp.zeros((8, W), jnp.float32)
    pcnt = jnp.zeros((8, W), jnp.float32)
    for k in range(BB):
        mf = jnp.where(mk_ref[k, 0] > THRESH, 1.0, 0.0)
        a, t = in_ref[k], tg_ref[k]
        dsum = (jnp.abs(a[0] - t[0]) + jnp.abs(a[1] - t[1])) \
            + jnp.abs(a[2] - t[2])
        masked = dsum * mf
        psum = psum + jnp.sum(masked.reshape(H // 8, 8, W), axis=0)
        pcnt = pcnt + jnp.sum(mf.reshape(H // 8, 8, W), axis=0)

    @pl.when(g == 0)
    def _init():
        out_ref[0] = psum
        out_ref[1] = pcnt

    @pl.when(g > 0)
    def _accum():
        out_ref[0] += psum
        out_ref[1] += pcnt


def _tc_partials(input, target, mask):
    return pl.pallas_call(
        _tc_body,
        grid=((B - K_SC) // BB,),
        in_specs=[
            pl.BlockSpec((BB, C, H, W), lambda g: (g + K_SC // BB, 0, 0, 0)),
            pl.BlockSpec((BB, C, H, W), lambda g: (g + K_SC // BB, 0, 0, 0)),
            pl.BlockSpec((BB, 1, H, W), lambda g: (g + K_SC // BB, 0, 0, 0)),
        ],
        out_specs=pl.BlockSpec((2, 8, W), lambda g: (0, 0, 0)),
        out_shape=jax.ShapeDtypeStruct((2, 8, W), jnp.float32),
    )(input, target, mask)


def kernel(input, target, mask):
    sc = _sc_partials(
        input.reshape(B * C * H, W),
        target.reshape(B * C * H, W),
        mask.reshape(B * H, W))
    tc = _tc_partials(input, target, mask)
    sel_sum = jnp.sum(sc[0]) + jnp.sum(tc[0])
    count = C * (jnp.sum(sc[1]) + jnp.sum(tc[1]))
    return sel_sum / jnp.maximum(count, 1.0)

# --- scband reference (transcript-rebuilt; emitter-appended) ---
"""Pipeline reference for scband-l1-mask-loss-4947802325815 (READ-ONLY COPY).

The authoritative reference and input builder live on the scoring server;
editing this copy changes nothing except your own understanding.
"""

import jax, jax.numpy as jnp
import numpy as np


def setup_inputs(seed: int = 0) -> dict:
    key = jax.random.key(seed)
    k1, k2, k3 = jax.random.split(key, 3)
    input = jax.random.normal(k1, (16, 3, 512, 512), dtype=jnp.float32)
    target = jax.random.normal(k2, (16, 3, 512, 512), dtype=jnp.float32)
    mask = jax.random.uniform(k3, (16, 1, 512, 512), dtype=jnp.float32)
    return {"input": input, "target": target, "mask": mask}


def reference(input, target, mask):
    # mask = torch.cat((mask, mask, mask), dim=1)
    mask3 = jnp.concatenate((mask, mask, mask), axis=1)
    # nn.Threshold(0.01, 0): x if x > 0.01 else 0; then .bool() -> nonzero
    m = mask3 > 0.01
    # masked_select + L1Loss(mean over selected elements)
    diff = jnp.abs(input - target)
    sel_sum = jnp.sum(jnp.where(m, diff, 0.0))
    count = jnp.sum(m.astype(jnp.float32))
    loss = sel_sum / jnp.maximum(count, 1.0)
    return loss

if __name__ == "__main__":
    import jax
    _d = setup_inputs()
    print(jax.jit(kernel)(*tuple(_d.values())))

</pallas_src>

<mosaic_0001>
#map = affine_map<(d0, d1) -> (0, 0)>
#map1 = affine_map<(d0, d1) -> (0, 0, 0)>
module attributes {stable_mosaic.version = 14 : i64} {
  func.func @_sc_partials(%arg0: i32, %arg1: i32, %arg2: memref<24576x512xf32, #tpu.memory_space<hbm>>, %arg3: memref<24576x512xf32, #tpu.memory_space<hbm>>, %arg4: memref<8192x512xf32, #tpu.memory_space<hbm>>, %arg5: memref<2x32x16xf32, #tpu.memory_space<hbm>>, %arg6: memref<8x512xf32, #tpu.memory_space<vmem>>, %arg7: memref<8x512xf32, #tpu.memory_space<vmem>>, %arg8: memref<8x512xf32, #tpu.memory_space<vmem>>, %arg9: memref<8x512xf32, #tpu.memory_space<vmem>>, %arg10: memref<8x512xf32, #tpu.memory_space<vmem>>, %arg11: memref<8x512xf32, #tpu.memory_space<vmem>>, %arg12: memref<8x512xf32, #tpu.memory_space<vmem>>, %arg13: memref<8x512xf32, #tpu.memory_space<vmem>>, %arg14: memref<8x512xf32, #tpu.memory_space<vmem>>, %arg15: memref<8x512xf32, #tpu.memory_space<vmem>>, %arg16: memref<8x512xf32, #tpu.memory_space<vmem>>, %arg17: memref<8x512xf32, #tpu.memory_space<vmem>>, %arg18: memref<8x512xf32, #tpu.memory_space<vmem>>, %arg19: memref<8x512xf32, #tpu.memory_space<vmem>>, %arg20: memref<8x512xf32, #tpu.memory_space<vmem>>, %arg21: memref<8x512xf32, #tpu.memory_space<vmem>>, %arg22: memref<8x512xf32, #tpu.memory_space<vmem>>, %arg23: memref<8x512xf32, #tpu.memory_space<vmem>>, %arg24: memref<8x512xf32, #tpu.memory_space<vmem>>, %arg25: memref<8x512xf32, #tpu.memory_space<vmem>>, %arg26: memref<8x512xf32, #tpu.memory_space<vmem>>, %arg27: memref<8x512xf32, #tpu.memory_space<vmem>>, %arg28: memref<8x512xf32, #tpu.memory_space<vmem>>, %arg29: memref<8x512xf32, #tpu.memory_space<vmem>>, %arg30: memref<8x512xf32, #tpu.memory_space<vmem>>, %arg31: memref<8x512xf32, #tpu.memory_space<vmem>>, %arg32: memref<8x512xf32, #tpu.memory_space<vmem>>, %arg33: memref<8x512xf32, #tpu.memory_space<vmem>>, %arg34: memref<16xf32, #tpu.memory_space<vmem>>, %arg35: memref<16xf32, #tpu.memory_space<vmem>>, %arg36: memref<!tpu.dma_semaphore, #tpu.memory_space<semaphore_mem>>, %arg37: memref<!tpu.dma_semaphore, #tpu.memory_space<semaphore_mem>>, %arg38: memref<!tpu.dma_semaphore, #tpu.memory_space<semaphore_mem>>, %arg39: memref<!tpu.dma_semaphore, #tpu.memory_space<semaphore_mem>>) attributes {dimension_semantics = [#tpu.dimension_semantics<core_parallel>, #tpu.dimension_semantics<subcore_parallel>], iteration_bounds = array<i64: 2, 16>, scalar_prefetch = 0 : i64, scratch_operands = 34 : i64, tpu.core_type = #tpu.core_type<sc_vector_subcore>, window_params = [{transform_indices = #map}, {transform_indices = #map}, {transform_indices = #map}, {transform_indices = #map1}]} {
    %mul3A = arith.constant 2 : i32
    %mul3A_0 = arith.muli %arg1, %mul3A : i32
    %add3A = arith.addi %mul3A_0, %arg0 : i32
    %mul3A_1 = arith.constant 32768 : i32
    %mul3A_2 = arith.muli %add3A, %mul3A_1 : i32
    %broadcast_in_dim3A = arith.constant 0.000000e+00 : f32
    %broadcast_in_dim3A_3 = vector.broadcast %broadcast_in_dim3A : f32 to vector<16xf32>
    %add3A_4 = arith.constant 0 : i32
    %add3A_5 = arith.addi %mul3A_2, %add3A_4 : i32
    %jit3A = arith.constant 262144 : i32
    %div3A = arith.divsi %add3A_5, %jit3A : i32
    %sign3A = arith.constant 0 : i32
    %sign3A_6 = arith.cmpi sgt, %add3A_5, %sign3A : i32
    %sign3A_7 = arith.extui %sign3A_6 : i1 to i32
    %sign3A_8 = arith.constant 0 : i32
    %sign3A_9 = arith.cmpi slt, %add3A_5, %sign3A_8 : i32
    %sign3A_10 = arith.extui %sign3A_9 : i1 to i32
    %sign3A_11 = arith.subi %sign3A_7, %sign3A_10 : i32
    %sign3A_12 = arith.constant 0 : i32
    %sign3A_13 = arith.cmpi sgt, %jit3A, %sign3A_12 : i32
    %sign3A_14 = arith.extui %sign3A_13 : i1 to i32
    %sign3A_15 = arith.constant 0 : i32
    %sign3A_16 = arith.cmpi slt, %jit3A, %sign3A_15 : i32
    %sign3A_17 = arith.extui %sign3A_16 : i1 to i32
    %sign3A_18 = arith.subi %sign3A_14, %sign3A_17 : i32
    %ne3A = arith.cmpi ne, %sign3A_11, %sign3A_18 : i32
    %rem3A = arith.remsi %add3A_5, %jit3A : i32
    %ne3A_19 = arith.constant 0 : i32
    %ne3A_20 = arith.cmpi ne, %rem3A, %ne3A_19 : i32
    %and3A = arith.andi %ne3A, %ne3A_20 : i1
    %sub3A = arith.constant 1 : i32
    %sub3A_21 = arith.subi %div3A, %sub3A : i32
    %select_n3A = arith.select %and3A, %sub3A_21, %div3A : i32
    %jit3A_22 = arith.constant 262144 : i32
    %eq3A = arith.constant 0 : i32
    %eq3A_23 = arith.cmpi eq, %jit3A_22, %eq3A : i32
    %jit3A_24 = arith.constant 1 : i32
    %select_n3A_25 = arith.select %eq3A_23, %jit3A_24, %jit3A_22 : i32
    %rem3A_26 = arith.remsi %add3A_5, %select_n3A_25 : i32
    %ne3A_27 = arith.constant 0 : i32
    %ne3A_28 = arith.cmpi ne, %rem3A_26, %ne3A_27 : i32
    %lt3A = arith.constant 0 : i32
    %lt3A_29 = arith.cmpi slt, %rem3A_26, %lt3A : i32
    %lt3A_30 = arith.constant 0 : i32
    %lt3A_31 = arith.cmpi slt, %select_n3A_25, %lt3A_30 : i32
    %ne3A_32 = arith.xori %lt3A_29, %lt3A_31 : i1
    %and3A_33 = arith.andi %ne3A_32, %ne3A_28 : i1
    %add3A_34 = arith.addi %rem3A_26, %select_n3A_25 : i32
    %select_n3A_35 = arith.select %and3A_33, %add3A_34, %rem3A_26 : i32
    %jit3A_36 = arith.constant 512 : i32
    %div3A_37 = arith.divsi %add3A_5, %jit3A_36 : i32
    %sign3A_38 = arith.constant 0 : i32
    %sign3A_39 = arith.cmpi sgt, %add3A_5, %sign3A_38 : i32
    %sign3A_40 = arith.extui %sign3A_39 : i1 to i32
    %sign3A_41 = arith.constant 0 : i32
    %sign3A_42 = arith.cmpi slt, %add3A_5, %sign3A_41 : i32
    %sign3A_43 = arith.extui %sign3A_42 : i1 to i32
    %sign3A_44 = arith.subi %sign3A_40, %sign3A_43 : i32
    %sign3A_45 = arith.constant 0 : i32
    %sign3A_46 = arith.cmpi sgt, %jit3A_36, %sign3A_45 : i32
    %sign3A_47 = arith.extui %sign3A_46 : i1 to i32
    %sign3A_48 = arith.constant 0 : i32
    %sign3A_49 = arith.cmpi slt, %jit3A_36, %sign3A_48 : i32
    %sign3A_50 = arith.extui %sign3A_49 : i1 to i32
    %sign3A_51 = arith.subi %sign3A_47, %sign3A_50 : i32
    %ne3A_52 = arith.cmpi ne, %sign3A_44, %sign3A_51 : i32
    %rem3A_53 = arith.remsi %add3A_5, %jit3A_36 : i32
    %ne3A_54 = arith.constant 0 : i32
    %ne3A_55 = arith.cmpi ne, %rem3A_53, %ne3A_54 : i32
    %and3A_56 = arith.andi %ne3A_52, %ne3A_55 : i1
    %sub3A_57 = arith.constant 1 : i32
    %sub3A_58 = arith.subi %div3A_37, %sub3A_57 : i32
    %select_n3A_59 = arith.select %and3A_56, %sub3A_58, %div3A_37 : i32
    %multiple_of3A = tpu.assume_multiple %select_n3A_59, 8 : i32
    %dma_start3A = arith.constant 0 : i32
    %dma_start3A_60 = tpu.memref_slice %arg4[%multiple_of3A, %dma_start3A] : memref<8192x512xf32, #tpu.memory_space<hbm>> -> memref<8x512xf32, #tpu.memory_space<hbm>>
    %dma_start3A_61 = arith.constant 0 : i32
    %dma_start3A_62 = tpu.memref_slice %arg4[%multiple_of3A, %dma_start3A_61] : memref<8192x512xf32, #tpu.memory_space<hbm>> -> memref<8x512xf32, #tpu.memory_space<hbm>>
    tpu.enqueue_dma source(%dma_start3A_62 : memref<8x512xf32, #tpu.memory_space<hbm>>) target(%arg6 : memref<8x512xf32, #tpu.memory_space<vmem>>) target_semaphore(%arg36 : memref<!tpu.dma_semaphore, #tpu.memory_space<semaphore_mem>>)
    %mul3A_63 = arith.constant 3 : i32
    %mul3A_64 = arith.muli %select_n3A, %mul3A_63 : i32
    %add3A_65 = arith.constant 0 : i32
    %add3A_66 = arith.addi %mul3A_64, %add3A_65 : i32
    %mul3A_67 = arith.constant 262144 : i32
    %mul3A_68 = arith.muli %add3A_66, %mul3A_67 : i32
    %add3A_69 = arith.addi %mul3A_68, %select_n3A_35 : i32
    %jit3A_70 = arith.constant 512 : i32
    %div3A_71 = arith.divsi %add3A_69, %jit3A_70 : i32
    %sign3A_72 = arith.constant 0 : i32
    %sign3A_73 = arith.cmpi sgt, %add3A_69, %sign3A_72 : i32
    %sign3A_74 = arith.extui %sign3A_73 : i1 to i32
    %sign3A_75 = arith.constant 0 : i32
    %sign3A_76 = arith.cmpi slt, %add3A_69, %sign3A_75 : i32
    %sign3A_77 = arith.extui %sign3A_76 : i1 to i32
    %sign3A_78 = arith.subi %sign3A_74, %sign3A_77 : i32
    %sign3A_79 = arith.constant 0 : i32
    %sign3A_80 = arith.cmpi sgt, %jit3A_70, %sign3A_79 : i32
    %sign3A_81 = arith.extui %sign3A_80 : i1 to i32
    %sign3A_82 = arith.constant 0 : i32
    %sign3A_83 = arith.cmpi slt, %jit3A_70, %sign3A_82 : i32
    %sign3A_84 = arith.extui %sign3A_83 : i1 to i32
    %sign3A_85 = arith.subi %sign3A_81, %sign3A_84 : i32
    %ne3A_86 = arith.cmpi ne, %sign3A_78, %sign3A_85 : i32
    %rem3A_87 = arith.remsi %add3A_69, %jit3A_70 : i32
    %ne3A_88 = arith.constant 0 : i32
    %ne3A_89 = arith.cmpi ne, %rem3A_87, %ne3A_88 : i32
    %and3A_90 = arith.andi %ne3A_86, %ne3A_89 : i1
    %sub3A_91 = arith.constant 1 : i32
    %sub3A_92 = arith.subi %div3A_71, %sub3A_91 : i32
    %select_n3A_93 = arith.select %and3A_90, %sub3A_92, %div3A_71 : i32
    %multiple_of3A_94 = tpu.assume_multiple %select_n3A_93, 8 : i32
    %dma_start3A_95 = arith.constant 0 : i32
    %dma_start3A_96 = tpu.memref_slice %arg2[%multiple_of3A_94, %dma_start3A_95] : memref<24576x512xf32, #tpu.memory_space<hbm>> -> memref<8x512xf32, #tpu.memory_space<hbm>>
    %dma_start3A_97 = arith.constant 0 : i32
    %dma_start3A_98 = tpu.memref_slice %arg2[%multiple_of3A_94, %dma_start3A_97] : memref<24576x512xf32, #tpu.memory_space<hbm>> -> memref<8x512xf32, #tpu.memory_space<hbm>>
    tpu.enqueue_dma source(%dma_start3A_98 : memref<8x512xf32, #tpu.memory_space<hbm>>) target(%arg7 : memref<8x512xf32, #tpu.memory_space<vmem>>) target_semaphore(%arg36 : memref<!tpu.dma_semaphore, #tpu.memory_space<semaphore_mem>>)
    %dma_start3A_99 = arith.constant 0 : i32
    %dma_start3A_100 = tpu.memref_slice %arg3[%multiple_of3A_94, %dma_start3A_99] : memref<24576x512xf32, #tpu.memory_space<hbm>> -> memref<8x512xf32, #tpu.memory_space<hbm>>
    %dma_start3A_101 = arith.constant 0 : i32
    %dma_start3A_102 = tpu.memref_slice %arg3[%multiple_of3A_94, %dma_start3A_101] : memref<24576x512xf32, #tpu.memory_space<hbm>> -> memref<8x512xf32, #tpu.memory_space<hbm>>
    tpu.enqueue_dma source(%dma_start3A_102 : memref<8x512xf32, #tpu.memory_space<hbm>>) target(%arg10 : memref<8x512xf32, #tpu.memory_space<vmem>>) target_semaphore(%arg36 : memref<!tpu.dma_semaphore, #tpu.memory_space<semaphore_mem>>)
    %mul3A_103 = arith.constant 3 : i32
    %mul3A_104 = arith.muli %select_n3A, %mul3A_103 : i32
    %add3A_105 = arith.constant 1 : i32
    %add3A_106 = arith.addi %mul3A_104, %add3A_105 : i32
    %mul3A_107 = arith.constant 262144 : i32
    %mul3A_108 = arith.muli %add3A_106, %mul3A_107 : i32
    %add3A_109 = arith.addi %mul3A_108, %select_n3A_35 : i32
    %jit3A_110 = arith.constant 512 : i32
    %div3A_111 = arith.divsi %add3A_109, %jit3A_110 : i32
    %sign3A_112 = arith.constant 0 : i32
    %sign3A_113 = arith.cmpi sgt, %add3A_109, %sign3A_112 : i32
    %sign3A_114 = arith.extui %sign3A_113 : i1 to i32
    %sign3A_115 = arith.constant 0 : i32
    %sign3A_116 = arith.cmpi slt, %add3A_109, %sign3A_115 : i32
    %sign3A_117 = arith.extui %sign3A_116 : i1 to i32
    %sign3A_118 = arith.subi %sign3A_114, %sign3A_117 : i32
    %sign3A_119 = arith.constant 0 : i32
    %sign3A_120 = arith.cmpi sgt, %jit3A_110, %sign3A_119 : i32
    %sign3A_121 = arith.extui %sign3A_120 : i1 to i32
    %sign3A_122 = arith.constant 0 : i32
    %sign3A_123 = arith.cmpi slt, %jit3A_110, %sign3A_122 : i32
    %sign3A_124 = arith.extui %sign3A_123 : i1 to i32
    %sign3A_125 = arith.subi %sign3A_121, %sign3A_124 : i32
    %ne3A_126 = arith.cmpi ne, %sign3A_118, %sign3A_125 : i32
    %rem3A_127 = arith.remsi %add3A_109, %jit3A_110 : i32
    %ne3A_128 = arith.constant 0 : i32
    %ne3A_129 = arith.cmpi ne, %rem3A_127, %ne3A_128 : i32
    %and3A_130 = arith.andi %ne3A_126, %ne3A_129 : i1
    %sub3A_131 = arith.constant 1 : i32
    %sub3A_132 = arith.subi %div3A_111, %sub3A_131 : i32
    %select_n3A_133 = arith.select %and3A_130, %sub3A_132, %div3A_111 : i32
    %multiple_of3A_134 = tpu.assume_multiple %select_n3A_133, 8 : i32
    %dma_start3A_135 = arith.constant 0 : i32
    %dma_start3A_136 = tpu.memref_slice %arg2[%multiple_of3A_134, %dma_start3A_135] : memref<24576x512xf32, #tpu.memory_space<hbm>> -> memref<8x512xf32, #tpu.memory_space<hbm>>
    %dma_start3A_137 = arith.constant 0 : i32
    %dma_start3A_138 = tpu.memref_slice %arg2[%multiple_of3A_134, %dma_start3A_137] : memref<24576x512xf32, #tpu.memory_space<hbm>> -> memref<8x512xf32, #tpu.memory_space<hbm>>
    tpu.enqueue_dma source(%dma_start3A_138 : memref<8x512xf32, #tpu.memory_space<hbm>>) target(%arg8 : memref<8x512xf32, #tpu.memory_space<vmem>>) target_semaphore(%arg36 : memref<!tpu.dma_semaphore, #tpu.memory_space<semaphore_mem>>)
    %dma_start3A_139 = arith.constant 0 : i32
    %dma_start3A_140 = tpu.memref_slice %arg3[%multiple_of3A_134, %dma_start3A_139] : memref<24576x512xf32, #tpu.memory_space<hbm>> -> memref<8x512xf32, #tpu.memory_space<hbm>>
    %dma_start3A_141 = arith.constant 0 : i32
    %dma_start3A_142 = tpu.memref_slice %arg3[%multiple_of3A_134, %dma_start3A_141] : memref<24576x512xf32, #tpu.memory_space<hbm>> -> memref<8x512xf32, #tpu.memory_space<hbm>>
    tpu.enqueue_dma source(%dma_start3A_142 : memref<8x512xf32, #tpu.memory_space<hbm>>) target(%arg11 : memref<8x512xf32, #tpu.memory_space<vmem>>) target_semaphore(%arg36 : memref<!tpu.dma_semaphore, #tpu.memory_space<semaphore_mem>>)
    %mul3A_143 = arith.constant 3 : i32
    %mul3A_144 = arith.muli %select_n3A, %mul3A_143 : i32
    %add3A_145 = arith.constant 2 : i32
    %add3A_146 = arith.addi %mul3A_144, %add3A_145 : i32
    %mul3A_147 = arith.constant 262144 : i32
    %mul3A_148 = arith.muli %add3A_146, %mul3A_147 : i32
    %add3A_149 = arith.addi %mul3A_148, %select_n3A_35 : i32
    %jit3A_150 = arith.constant 512 : i32
    %div3A_151 = arith.divsi %add3A_149, %jit3A_150 : i32
    %sign3A_152 = arith.constant 0 : i32
    %sign3A_153 = arith.cmpi sgt, %add3A_149, %sign3A_152 : i32
    %sign3A_154 = arith.extui %sign3A_153 : i1 to i32
    %sign3A_155 = arith.constant 0 : i32
    %sign3A_156 = arith.cmpi slt, %add3A_149, %sign3A_155 : i32
    %sign3A_157 = arith.extui %sign3A_156 : i1 to i32
    %sign3A_158 = arith.subi %sign3A_154, %sign3A_157 : i32
    %sign3A_159 = arith.constant 0 : i32
    %sign3A_160 = arith.cmpi sgt, %jit3A_150, %sign3A_159 : i32
    %sign3A_161 = arith.extui %sign3A_160 : i1 to i32
    %sign3A_162 = arith.constant 0 : i32
    %sign3A_163 = arith.cmpi slt, %jit3A_150, %sign3A_162 : i32
    %sign3A_164 = arith.extui %sign3A_163 : i1 to i32
    %sign3A_165 = arith.subi %sign3A_161, %sign3A_164 : i32
    %ne3A_166 = arith.cmpi ne, %sign3A_158, %sign3A_165 : i32
    %rem3A_167 = arith.remsi %add3A_149, %jit3A_150 : i32
    %ne3A_168 = arith.constant 0 : i32
    %ne3A_169 = arith.cmpi ne, %rem3A_167, %ne3A_168 : i32
    %and3A_170 = arith.andi %ne3A_166, %ne3A_169 : i1
    %sub3A_171 = arith.constant 1 : i32
    %sub3A_172 = arith.subi %div3A_151, %sub3A_171 : i32
    %select_n3A_173 = arith.select %and3A_170, %sub3A_172, %div3A_151 : i32
    %multiple_of3A_174 = tpu.assume_multiple %select_n3A_173, 8 : i32
    %dma_start3A_175 = arith.constant 0 : i32
    %dma_start3A_176 = tpu.memref_slice %arg2[%multiple_of3A_174, %dma_start3A_175] : memref<24576x512xf32, #tpu.memory_space<hbm>> -> memref<8x512xf32, #tpu.memory_space<hbm>>
    %dma_start3A_177 = arith.constant 0 : i32
    %dma_start3A_178 = tpu.memref_slice %arg2[%multiple_of3A_174, %dma_start3A_177] : memref<24576x512xf32, #tpu.memory_space<hbm>> -> memref<8x512xf32, #tpu.memory_space<hbm>>
    tpu.enqueue_dma source(%dma_start3A_178 : memref<8x512xf32, #tpu.memory_space<hbm>>) target(%arg9 : memref<8x512xf32, #tpu.memory_space<vmem>>) target_semaphore(%arg36 : memref<!tpu.dma_semaphore, #tpu.memory_space<semaphore_mem>>)
    %dma_start3A_179 = arith.constant 0 : i32
    %dma_start3A_180 = tpu.memref_slice %arg3[%multiple_of3A_174, %dma_start3A_179] : memref<24576x512xf32, #tpu.memory_space<hbm>> -> memref<8x512xf32, #tpu.memory_space<hbm>>
    %dma_start3A_181 = arith.constant 0 : i32
    %dma_start3A_182 = tpu.memref_slice %arg3[%multiple_of3A_174, %dma_start3A_181] : memref<24576x512xf32, #tpu.memory_space<hbm>> -> memref<8x512xf32, #tpu.memory_space<hbm>>
    tpu.enqueue_dma source(%dma_start3A_182 : memref<8x512xf32, #tpu.memory_space<hbm>>) target(%arg12 : memref<8x512xf32, #tpu.memory_space<vmem>>) target_semaphore(%arg36 : memref<!tpu.dma_semaphore, #tpu.memory_space<semaphore_mem>>)
    %add3A_183 = arith.constant 4096 : i32
    %add3A_184 = arith.addi %mul3A_2, %add3A_183 : i32
    %jit3A_185 = arith.constant 262144 : i32
    %div3A_186 = arith.divsi %add3A_184, %jit3A_185 : i32
    %sign3A_187 = arith.constant 0 : i32
    %sign3A_188 = arith.cmpi sgt, %add3A_184, %sign3A_187 : i32
    %sign3A_189 = arith.extui %sign3A_188 : i1 to i32
    %sign3A_190 = arith.constant 0 : i32
    %sign3A_191 = arith.cmpi slt, %add3A_184, %sign3A_190 : i32
    %sign3A_192 = arith.extui %sign3A_191 : i1 to i32
    %sign3A_193 = arith.subi %sign3A_189, %sign3A_192 : i32
    %sign3A_194 = arith.constant 0 : i32
    %sign3A_195 = arith.cmpi sgt, %jit3A_185, %sign3A_194 : i32
    %sign3A_196 = arith.extui %sign3A_195 : i1 to i32
    %sign3A_197 = arith.constant 0 : i32
    %sign3A_198 = arith.cmpi slt, %jit3A_185, %sign3A_197 : i32
    %sign3A_199 = arith.extui %sign3A_198 : i1 to i32
    %sign3A_200 = arith.subi %sign3A_196, %sign3A_199 : i32
    %ne3A_201 = arith.cmpi ne, %sign3A_193, %sign3A_200 : i32
    %rem3A_202 = arith.remsi %add3A_184, %jit3A_185 : i32
    %ne3A_203 = arith.constant 0 : i32
    %ne3A_204 = arith.cmpi ne, %rem3A_202, %ne3A_203 : i32
    %and3A_205 = arith.andi %ne3A_201, %ne3A_204 : i1
    %sub3A_206 = arith.constant 1 : i32
    %sub3A_207 = arith.subi %div3A_186, %sub3A_206 : i32
    %select_n3A_208 = arith.select %and3A_205, %sub3A_207, %div3A_186 : i32
    %jit3A_209 = arith.constant 262144 : i32
    %eq3A_210 = arith.constant 0 : i32
    %eq3A_211 = arith.cmpi eq, %jit3A_209, %eq3A_210 : i32
    %jit3A_212 = arith.constant 1 : i32
    %select_n3A_213 = arith.select %eq3A_211, %jit3A_212, %jit3A_209 : i32
    %rem3A_214 = arith.remsi %add3A_184, %select_n3A_213 : i32
    %ne3A_215 = arith.constant 0 : i32
    %ne3A_216 = arith.cmpi ne, %rem3A_214, %ne3A_215 : i32
    %lt3A_217 = arith.constant 0 : i32
    %lt3A_218 = arith.cmpi slt, %rem3A_214, %lt3A_217 : i32
    %lt3A_219 = arith.constant 0 : i32
    %lt3A_220 = arith.cmpi slt, %select_n3A_213, %lt3A_219 : i32
    %ne3A_221 = arith.xori %lt3A_218, %lt3A_220 : i1
    %and3A_222 = arith.andi %ne3A_221, %ne3A_216 : i1
    %add3A_223 = arith.addi %rem3A_214, %select_n3A_213 : i32
    %select_n3A_224 = arith.select %and3A_222, %add3A_223, %rem3A_214 : i32
    %jit3A_225 = arith.constant 512 : i32
    %div3A_226 = arith.divsi %add3A_184, %jit3A_225 : i32
    %sign3A_227 = arith.constant 0 : i32
    %sign3A_228 = arith.cmpi sgt, %add3A_184, %sign3A_227 : i32
    %sign3A_229 = arith.extui %sign3A_228 : i1 to i32
    %sign3A_230 = arith.constant 0 : i32
    %sign3A_231 = arith.cmpi slt, %add3A_184, %sign3A_230 : i32
    %sign3A_232 = arith.extui %sign3A_231 : i1 to i32
    %sign3A_233 = arith.subi %sign3A_229, %sign3A_232 : i32
    %sign3A_234 = arith.constant 0 : i32
    %sign3A_235 = arith.cmpi sgt, %jit3A_225, %sign3A_234 : i32
    %sign3A_236 = arith.extui %sign3A_235 : i1 to i32
    %sign3A_237 = arith.constant 0 : i32
    %sign3A_238 = arith.cmpi slt, %jit3A_225, %sign3A_237 : i32
    %sign3A_239 = arith.extui %sign3A_238 : i1 to i32
    %sign3A_240 = arith.subi %sign3A_236, %sign3A_239 : i32
    %ne3A_241 = arith.cmpi ne, %sign3A_233, %sign3A_240 : i32
    %rem3A_242 = arith.remsi %add3A_184, %jit3A_225 : i32
    %ne3A_243 = arith.constant 0 : i32
    %ne3A_244 = arith.cmpi ne, %rem3A_242, %ne3A_243 : i32
    %and3A_245 = arith.andi %ne3A_241, %ne3A_244 : i1
    %sub3A_246 = arith.constant 1 : i32
    %sub3A_247 = arith.subi %div3A_226, %sub3A_246 : i32
    %select_n3A_248 = arith.select %and3A_245, %sub3A_247, %div3A_226 : i32
    %multiple_of3A_249 = tpu.assume_multiple %select_n3A_248, 8 : i32
    %dma_start3A_250 = arith.constant 0 : i32
    %dma_start3A_251 = tpu.memref_slice %arg4[%multiple_of3A_249, %dma_start3A_250] : memref<8192x512xf32, #tpu.memory_space<hbm>> -> memref<8x512xf32, #tpu.memory_space<hbm>>
    %dma_start3A_252 = arith.constant 0 : i32
    %dma_start3A_253 = tpu.memref_slice %arg4[%multiple_of3A_249, %dma_start3A_252] : memref<8192x512xf32, #tpu.memory_space<hbm>> -> memref<8x512xf32, #tpu.memory_space<hbm>>
    tpu.enqueue_dma source(%dma_start3A_253 : memref<8x512xf32, #tpu.memory_space<hbm>>) target(%arg13 : memref<8x512xf32, #tpu.memory_space<vmem>>) target_semaphore(%arg37 : memref<!tpu.dma_semaphore, #tpu.memory_space<semaphore_mem>>)
    %mul3A_254 = arith.constant 3 : i32
    %mul3A_255 = arith.muli %select_n3A_208, %mul3A_254 : i32
    %add3A_256 = arith.constant 0 : i32
    %add3A_257 = arith.addi %mul3A_255, %add3A_256 : i32
    %mul3A_258 = arith.constant 262144 : i32
    %mul3A_259 = arith.muli %add3A_257, %mul3A_258 : i32
    %add3A_260 = arith.addi %mul3A_259, %select_n3A_224 : i32
    %jit3A_261 = arith.constant 512 : i32
    %div3A_262 = arith.divsi %add3A_260, %jit3A_261 : i32
    %sign3A_263 = arith.constant 0 : i32
    %sign3A_264 = arith.cmpi sgt, %add3A_260, %sign3A_263 : i32
    %sign3A_265 = arith.extui %sign3A_264 : i1 to i32
    %sign3A_266 = arith.constant 0 : i32
    %sign3A_267 = arith.cmpi slt, %add3A_260, %sign3A_266 : i32
    %sign3A_268 = arith.extui %sign3A_267 : i1 to i32
    %sign3A_269 = arith.subi %sign3A_265, %sign3A_268 : i32
    %sign3A_270 = arith.constant 0 : i32
    %sign3A_271 = arith.cmpi sgt, %jit3A_261, %sign3A_270 : i32
    %sign3A_272 = arith.extui %sign3A_271 : i1 to i32
    %sign3A_273 = arith.constant 0 : i32
    %sign3A_274 = arith.cmpi slt, %jit3A_261, %sign3A_273 : i32
    %sign3A_275 = arith.extui %sign3A_274 : i1 to i32
    %sign3A_276 = arith.subi %sign3A_272, %sign3A_275 : i32
    %ne3A_277 = arith.cmpi ne, %sign3A_269, %sign3A_276 : i32
    %rem3A_278 = arith.remsi %add3A_260, %jit3A_261 : i32
    %ne3A_279 = arith.constant 0 : i32
    %ne3A_280 = arith.cmpi ne, %rem3A_278, %ne3A_279 : i32
    %and3A_281 = arith.andi %ne3A_277, %ne3A_280 : i1
    %sub3A_282 = arith.constant 1 : i32
    %sub3A_283 = arith.subi %div3A_262, %sub3A_282 : i32
    %select_n3A_284 = arith.select %and3A_281, %sub3A_283, %div3A_262 : i32
    %multiple_of3A_285 = tpu.assume_multiple %select_n3A_284, 8 : i32
    %dma_start3A_286 = arith.constant 0 : i32
    %dma_start3A_287 = tpu.memref_slice %arg2[%multiple_of3A_285, %dma_start3A_286] : memref<24576x512xf32, #tpu.memory_space<hbm>> -> memref<8x512xf32, #tpu.memory_space<hbm>>
    %dma_start3A_288 = arith.constant 0 : i32
    %dma_start3A_289 = tpu.memref_slice %arg2[%multiple_of3A_285, %dma_start3A_288] : memref<24576x512xf32, #tpu.memory_space<hbm>> -> memref<8x512xf32, #tpu.memory_space<hbm>>
    tpu.enqueue_dma source(%dma_start3A_289 : memref<8x512xf32, #tpu.memory_space<hbm>>) target(%arg14 : memref<8x512xf32, #tpu.memory_space<vmem>>) target_semaphore(%arg37 : memref<!tpu.dma_semaphore, #tpu.memory_space<semaphore_mem>>)
    %dma_start3A_290 = arith.constant 0 : i32
    %dma_start3A_291 = tpu.memref_slice %arg3[%multiple_of3A_285, %dma_start3A_290] : memref<24576x512xf32, #tpu.memory_space<hbm>> -> memref<8x512xf32, #tpu.memory_space<hbm>>
    %dma_start3A_292 = arith.constant 0 : i32
    %dma_start3A_293 = tpu.memref_slice %arg3[%multiple_of3A_285, %dma_start3A_292] : memref<24576x512xf32, #tpu.memory_space<hbm>> -> memref<8x512xf32, #tpu.memory_space<hbm>>
    tpu.enqueue_dma source(%dma_start3A_293 : memref<8x512xf32, #tpu.memory_space<hbm>>) target(%arg17 : memref<8x512xf32, #tpu.memory_space<vmem>>) target_semaphore(%arg37 : memref<!tpu.dma_semaphore, #tpu.memory_space<semaphore_mem>>)
    %mul3A_294 = arith.constant 3 : i32
    %mul3A_295 = arith.muli %select_n3A_208, %mul3A_294 : i32
    %add3A_296 = arith.constant 1 : i32
    %add3A_297 = arith.addi %mul3A_295, %add3A_296 : i32
    %mul3A_298 = arith.constant 262144 : i32
    %mul3A_299 = arith.muli %add3A_297, %mul3A_298 : i32
    %add3A_300 = arith.addi %mul3A_299, %select_n3A_224 : i32
    %jit3A_301 = arith.constant 512 : i32
    %div3A_302 = arith.divsi %add3A_300, %jit3A_301 : i32
    %sign3A_303 = arith.constant 0 : i32
    %sign3A_304 = arith.cmpi sgt, %add3A_300, %sign3A_303 : i32
    %sign3A_305 = arith.extui %sign3A_304 : i1 to i32
    %sign3A_306 = arith.constant 0 : i32
    %sign3A_307 = arith.cmpi slt, %add3A_300, %sign3A_306 : i32
    %sign3A_308 = arith.extui %sign3A_307 : i1 to i32
    %sign3A_309 = arith.subi %sign3A_305, %sign3A_308 : i32
    %sign3A_310 = arith.constant 0 : i32
    %sign3A_311 = arith.cmpi sgt, %jit3A_301, %sign3A_310 : i32
    %sign3A_312 = arith.extui %sign3A_311 : i1 to i32
    %sign3A_313 = arith.constant 0 : i32
    %sign3A_314 = arith.cmpi slt, %jit3A_301, %sign3A_313 : i32
    %sign3A_315 = arith.extui %sign3A_314 : i1 to i32
    %sign3A_316 = arith.subi %sign3A_312, %sign3A_315 : i32
    %ne3A_317 = arith.cmpi ne, %sign3A_309, %sign3A_316 : i32
    %rem3A_318 = arith.remsi %add3A_300, %jit3A_301 : i32
    %ne3A_319 = arith.constant 0 : i32
    %ne3A_320 = arith.cmpi ne, %rem3A_318, %ne3A_319 : i32
    %and3A_321 = arith.andi %ne3A_317, %ne3A_320 : i1
    %sub3A_322 = arith.constant 1 : i32
    %sub3A_323 = arith.subi %div3A_302, %sub3A_322 : i32
    %select_n3A_324 = arith.select %and3A_321, %sub3A_323, %div3A_302 : i32
    %multiple_of3A_325 = tpu.assume_multiple %select_n3A_324, 8 : i32
    %dma_start3A_326 = arith.constant 0 : i32
    %dma_start3A_327 = tpu.memref_slice %arg2[%multiple_of3A_325, %dma_start3A_326] : memref<24576x512xf32, #tpu.memory_space<hbm>> -> memref<8x512xf32, #tpu.memory_space<hbm>>
    %dma_start3A_328 = arith.constant 0 : i32
    %dma_start3A_329 = tpu.memref_slice %arg2[%multiple_of3A_325, %dma_start3A_328] : memref<24576x512xf32, #tpu.memory_space<hbm>> -> memref<8x512xf32, #tpu.memory_space<hbm>>
    tpu.enqueue_dma source(%dma_start3A_329 : memref<8x512xf32, #tpu.memory_space<hbm>>) target(%arg15 : memref<8x512xf32, #tpu.memory_space<vmem>>) target_semaphore(%arg37 : memref<!tpu.dma_semaphore, #tpu.memory_space<semaphore_mem>>)
    %dma_start3A_330 = arith.constant 0 : i32
    %dma_start3A_331 = tpu.memref_slice %arg3[%multiple_of3A_325, %dma_start3A_330] : memref<24576x512xf32, #tpu.memory_space<hbm>> -> memref<8x512xf32, #tpu.memory_space<hbm>>
    %dma_start3A_332 = arith.constant 0 : i32
    %dma_start3A_333 = tpu.memref_slice %arg3[%multiple_of3A_325, %dma_start3A_332] : memref<24576x512xf32, #tpu.memory_space<hbm>> -> memref<8x512xf32, #tpu.memory_space<hbm>>
    tpu.enqueue_dma source(%dma_start3A_333 : memref<8x512xf32, #tpu.memory_space<hbm>>) target(%arg18 : memref<8x512xf32, #tpu.memory_space<vmem>>) target_semaphore(%arg37 : memref<!tpu.dma_semaphore, #tpu.memory_space<semaphore_mem>>)
    %mul3A_334 = arith.constant 3 : i32
    %mul3A_335 = arith.muli %select_n3A_208, %mul3A_334 : i32
    %add3A_336 = arith.constant 2 : i32
    %add3A_337 = arith.addi %mul3A_335, %add3A_336 : i32
    %mul3A_338 = arith.constant 262144 : i32
    %mul3A_339 = arith.muli %add3A_337, %mul3A_338 : i32
    %add3A_340 = arith.addi %mul3A_339, %select_n3A_224 : i32
    %jit3A_341 = arith.constant 512 : i32
    %div3A_342 = arith.divsi %add3A_340, %jit3A_341 : i32
    %sign3A_343 = arith.constant 0 : i32
    %sign3A_344 = arith.cmpi sgt, %add3A_340, %sign3A_343 : i32
    %sign3A_345 = arith.extui %sign3A_344 : i1 to i32
    %sign3A_346 = arith.constant 0 : i32
    %sign3A_347 = arith.cmpi slt, %add3A_340, %sign3A_346 : i32
    %sign3A_348 = arith.extui %sign3A_347 : i1 to i32
    %sign3A_349 = arith.subi %sign3A_345, %sign3A_348 : i32
    %sign3A_350 = arith.constant 0 : i32
    %sign3A_351 = arith.cmpi sgt, %jit3A_341, %sign3A_350 : i32
    %sign3A_352 = arith.extui %sign3A_351 : i1 to i32
    %sign3A_353 = arith.constant 0 : i32
    %sign3A_354 = arith.cmpi slt, %jit3A_341, %sign3A_353 : i32
    %sign3A_355 = arith.extui %sign3A_354 : i1 to i32
    %sign3A_356 = arith.subi %sign3A_352, %sign3A_355 : i32
    %ne3A_357 = arith.cmpi ne, %sign3A_349, %sign3A_356 : i32
    %rem3A_358 = arith.remsi %add3A_340, %jit3A_341 : i32
    %ne3A_359 = arith.constant 0 : i32
    %ne3A_360 = arith.cmpi ne, %rem3A_358, %ne3A_359 : i32
    %and3A_361 = arith.andi %ne3A_357, %ne3A_360 : i1
    %sub3A_362 = arith.constant 1 : i32
    %sub3A_363 = arith.subi %div3A_342, %sub3A_362 : i32
    %select_n3A_364 = arith.select %and3A_361, %sub3A_363, %div3A_342 : i32
    %multiple_of3A_365 = tpu.assume_multiple %select_n3A_364, 8 : i32
    %dma_start3A_366 = arith.constant 0 : i32
    %dma_start3A_367 = tpu.memref_slice %arg2[%multiple_of3A_365, %dma_start3A_366] : memref<24576x512xf32, #tpu.memory_space<hbm>> -> memref<8x512xf32, #tpu.memory_space<hbm>>
    %dma_start3A_368 = arith.constant 0 : i32
    %dma_start3A_369 = tpu.memref_slice %arg2[%multiple_of3A_365, %dma_start3A_368] : memref<24576x512xf32, #tpu.memory_space<hbm>> -> memref<8x512xf32, #tpu.memory_space<hbm>>
    tpu.enqueue_dma source(%dma_start3A_369 : memref<8x512xf32, #tpu.memory_space<hbm>>) target(%arg16 : memref<8x512xf32, #tpu.memory_space<vmem>>) target_semaphore(%arg37 : memref<!tpu.dma_semaphore, #tpu.memory_space<semaphore_mem>>)
    %dma_start3A_370 = arith.constant 0 : i32
    %dma_start3A_371 = tpu.memref_slice %arg3[%multiple_of3A_365, %dma_start3A_370] : memref<24576x512xf32, #tpu.memory_space<hbm>> -> memref<8x512xf32, #tpu.memory_space<hbm>>
    %dma_start3A_372 = arith.constant 0 : i32
    %dma_start3A_373 = tpu.memref_slice %arg3[%multiple_of3A_365, %dma_start3A_372] : memref<24576x512xf32, #tpu.memory_space<hbm>> -> memref<8x512xf32, #tpu.memory_space<hbm>>
    tpu.enqueue_dma source(%dma_start3A_373 : memref<8x512xf32, #tpu.memory_space<hbm>>) target(%arg19 : memref<8x512xf32, #tpu.memory_space<vmem>>) target_semaphore(%arg37 : memref<!tpu.dma_semaphore, #tpu.memory_space<semaphore_mem>>)
    %add3A_374 = arith.constant 8192 : i32
    %add3A_375 = arith.addi %mul3A_2, %add3A_374 : i32
    %jit3A_376 = arith.constant 262144 : i32
    %div3A_377 = arith.divsi %add3A_375, %jit3A_376 : i32
    %sign3A_378 = arith.constant 0 : i32
    %sign3A_379 = arith.cmpi sgt, %add3A_375, %sign3A_378 : i32
    %sign3A_380 = arith.extui %sign3A_379 : i1 to i32
    %sign3A_381 = arith.constant 0 : i32
    %sign3A_382 = arith.cmpi slt, %add3A_375, %sign3A_381 : i32
    %sign3A_383 = arith.extui %sign3A_382 : i1 to i32
    %sign3A_384 = arith.subi %sign3A_380, %sign3A_383 : i32
    %sign3A_385 = arith.constant 0 : i32
    %sign3A_386 = arith.cmpi sgt, %jit3A_376, %sign3A_385 : i32
    %sign3A_387 = arith.extui %sign3A_386 : i1 to i32
    %sign3A_388 = arith.constant 0 : i32
    %sign3A_389 = arith.cmpi slt, %jit3A_376, %sign3A_388 : i32
    %sign3A_390 = arith.extui %sign3A_389 : i1 to i32
    %sign3A_391 = arith.subi %sign3A_387, %sign3A_390 : i32
    %ne3A_392 = arith.cmpi ne, %sign3A_384, %sign3A_391 : i32
    %rem3A_393 = arith.remsi %add3A_375, %jit3A_376 : i32
    %ne3A_394 = arith.constant 0 : i32
    %ne3A_395 = arith.cmpi ne, %rem3A_393, %ne3A_394 : i32
    %and3A_396 = arith.andi %ne3A_392, %ne3A_395 : i1
    %sub3A_397 = arith.constant 1 : i32
    %sub3A_398 = arith.subi %div3A_377, %sub3A_397 : i32
    %select_n3A_399 = arith.select %and3A_396, %sub3A_398, %div3A_377 : i32
    %jit3A_400 = arith.constant 262144 : i32
    %eq3A_401 = arith.constant 0 : i32
    %eq3A_402 = arith.cmpi eq, %jit3A_400, %eq3A_401 : i32
    %jit3A_403 = arith.constant 1 : i32
    %select_n3A_404 = arith.select %eq3A_402, %jit3A_403, %jit3A_400 : i32
    %rem3A_405 = arith.remsi %add3A_375, %select_n3A_404 : i32
    %ne3A_406 = arith.constant 0 : i32
    %ne3A_407 = arith.cmpi ne, %rem3A_405, %ne3A_406 : i32
    %lt3A_408 = arith.constant 0 : i32
    %lt3A_409 = arith.cmpi slt, %rem3A_405, %lt3A_408 : i32
    %lt3A_410 = arith.constant 0 : i32
    %lt3A_411 = arith.cmpi slt, %select_n3A_404, %lt3A_410 : i32
    %ne3A_412 = arith.xori %lt3A_409, %lt3A_411 : i1
    %and3A_413 = arith.andi %ne3A_412, %ne3A_407 : i1
    %add3A_414 = arith.addi %rem3A_405, %select_n3A_404 : i32
    %select_n3A_415 = arith.select %and3A_413, %add3A_414, %rem3A_405 : i32
    %jit3A_416 = arith.constant 512 : i32
    %div3A_417 = arith.divsi %add3A_375, %jit3A_416 : i32
    %sign3A_418 = arith.constant 0 : i32
    %sign3A_419 = arith.cmpi sgt, %add3A_375, %sign3A_418 : i32
    %sign3A_420 = arith.extui %sign3A_419 : i1 to i32
    %sign3A_421 = arith.constant 0 : i32
    %sign3A_422 = arith.cmpi slt, %add3A_375, %sign3A_421 : i32
    %sign3A_423 = arith.extui %sign3A_422 : i1 to i32
    %sign3A_424 = arith.subi %sign3A_420, %sign3A_423 : i32
    %sign3A_425 = arith.constant 0 : i32
    %sign3A_426 = arith.cmpi sgt, %jit3A_416, %sign3A_425 : i32
    %sign3A_427 = arith.extui %sign3A_426 : i1 to i32
    %sign3A_428 = arith.constant 0 : i32
    %sign3A_429 = arith.cmpi slt, %jit3A_416, %sign3A_428 : i32
    %sign3A_430 = arith.extui %sign3A_429 : i1 to i32
    %sign3A_431 = arith.subi %sign3A_427, %sign3A_430 : i32
    %ne3A_432 = arith.cmpi ne, %sign3A_424, %sign3A_431 : i32
    %rem3A_433 = arith.remsi %add3A_375, %jit3A_416 : i32
    %ne3A_434 = arith.constant 0 : i32
    %ne3A_435 = arith.cmpi ne, %rem3A_433, %ne3A_434 : i32
    %and3A_436 = arith.andi %ne3A_432, %ne3A_435 : i1
    %sub3A_437 = arith.constant 1 : i32
    %sub3A_438 = arith.subi %div3A_417, %sub3A_437 : i32
    %select_n3A_439 = arith.select %and3A_436, %sub3A_438, %div3A_417 : i32
    %multiple_of3A_440 = tpu.assume_multiple %select_n3A_439, 8 : i32
    %dma_start3A_441 = arith.constant 0 : i32
    %dma_start3A_442 = tpu.memref_slice %arg4[%multiple_of3A_440, %dma_start3A_441] : memref<8192x512xf32, #tpu.memory_space<hbm>> -> memref<8x512xf32, #tpu.memory_space<hbm>>
    %dma_start3A_443 = arith.constant 0 : i32
    %dma_start3A_444 = tpu.memref_slice %arg4[%multiple_of3A_440, %dma_start3A_443] : memref<8192x512xf32, #tpu.memory_space<hbm>> -> memref<8x512xf32, #tpu.memory_space<hbm>>
    tpu.enqueue_dma source(%dma_start3A_444 : memref<8x512xf32, #tpu.memory_space<hbm>>) target(%arg20 : memref<8x512xf32, #tpu.memory_space<vmem>>) target_semaphore(%arg38 : memref<!tpu.dma_semaphore, #tpu.memory_space<semaphore_mem>>)
    %mul3A_445 = arith.constant 3 : i32
    %mul3A_446 = arith.muli %select_n3A_399, %mul3A_445 : i32
    %add3A_447 = arith.constant 0 : i32
    %add3A_448 = arith.addi %mul3A_446, %add3A_447 : i32
    %mul3A_449 = arith.constant 262144 : i32
    %mul3A_450 = arith.muli %add3A_448, %mul3A_449 : i32
    %add3A_451 = arith.addi %mul3A_450, %select_n3A_415 : i32
    %jit3A_452 = arith.constant 512 : i32
    %div3A_453 = arith.divsi %add3A_451, %jit3A_452 : i32
    %sign3A_454 = arith.constant 0 : i32
    %sign3A_455 = arith.cmpi sgt, %add3A_451, %sign3A_454 : i32
    %sign3A_456 = arith.extui %sign3A_455 : i1 to i32
    %sign3A_457 = arith.constant 0 : i32
    %sign3A_458 = arith.cmpi slt, %add3A_451, %sign3A_457 : i32
    %sign3A_459 = arith.extui %sign3A_458 : i1 to i32
    %sign3A_460 = arith.subi %sign3A_456, %sign3A_459 : i32
    %sign3A_461 = arith.constant 0 : i32
    %sign3A_462 = arith.cmpi sgt, %jit3A_452, %sign3A_461 : i32
    %sign3A_463 = arith.extui %sign3A_462 : i1 to i32
    %sign3A_464 = arith.constant 0 : i32
    %sign3A_465 = arith.cmpi slt, %jit3A_452, %sign3A_464 : i32
    %sign3A_466 = arith.extui %sign3A_465 : i1 to i32
    %sign3A_467 = arith.subi %sign3A_463, %sign3A_466 : i32
    %ne3A_468 = arith.cmpi ne, %sign3A_460, %sign3A_467 : i32
    %rem3A_469 = arith.remsi %add3A_451, %jit3A_452 : i32
    %ne3A_470 = arith.constant 0 : i32
    %ne3A_471 = arith.cmpi ne, %rem3A_469, %ne3A_470 : i32
    %and3A_472 = arith.andi %ne3A_468, %ne3A_471 : i1
    %sub3A_473 = arith.constant 1 : i32
    %sub3A_474 = arith.subi %div3A_453, %sub3A_473 : i32
    %select_n3A_475 = arith.select %and3A_472, %sub3A_474, %div3A_453 : i32
    %multiple_of3A_476 = tpu.assume_multiple %select_n3A_475, 8 : i32
    %dma_start3A_477 = arith.constant 0 : i32
    %dma_start3A_478 = tpu.memref_slice %arg2[%multiple_of3A_476, %dma_start3A_477] : memref<24576x512xf32, #tpu.memory_space<hbm>> -> memref<8x512xf32, #tpu.memory_space<hbm>>
    %dma_start3A_479 = arith.constant 0 : i32
    %dma_start3A_480 = tpu.memref_slice %arg2[%multiple_of3A_476, %dma_start3A_479] : memref<24576x512xf32, #tpu.memory_space<hbm>> -> memref<8x512xf32, #tpu.memory_space<hbm>>
    tpu.enqueue_dma source(%dma_start3A_480 : memref<8x512xf32, #tpu.memory_space<hbm>>) target(%arg21 : memref<8x512xf32, #tpu.memory_space<vmem>>) target_semaphore(%arg38 : memref<!tpu.dma_semaphore, #tpu.memory_space<semaphore_mem>>)
    %dma_start3A_481 = arith.constant 0 : i32
    %dma_start3A_482 = tpu.memref_slice %arg3[%multiple_of3A_476, %dma_start3A_481] : memref<24576x512xf32, #tpu.memory_space<hbm>> -> memref<8x512xf32, #tpu.memory_space<hbm>>
    %dma_start3A_483 = arith.constant 0 : i32
    %dma_start3A_484 = tpu.memref_slice %arg3[%multiple_of3A_476, %dma_start3A_483] : memref<24576x512xf32, #tpu.memory_space<hbm>> -> memref<8x512xf32, #tpu.memory_space<hbm>>
    tpu.enqueue_dma source(%dma_start3A_484 : memref<8x512xf32, #tpu.memory_space<hbm>>) target(%arg24 : memref<8x512xf32, #tpu.memory_space<vmem>>) target_semaphore(%arg38 : memref<!tpu.dma_semaphore, #tpu.memory_space<semaphore_mem>>)
    %mul3A_485 = arith.constant 3 : i32
    %mul3A_486 = arith.muli %select_n3A_399, %mul3A_485 : i32
    %add3A_487 = arith.constant 1 : i32
    %add3A_488 = arith.addi %mul3A_486, %add3A_487 : i32
    %mul3A_489 = arith.constant 262144 : i32
    %mul3A_490 = arith.muli %add3A_488, %mul3A_489 : i32
    %add3A_491 = arith.addi %mul3A_490, %select_n3A_415 : i32
    %jit3A_492 = arith.constant 512 : i32
    %div3A_493 = arith.divsi %add3A_491, %jit3A_492 : i32
    %sign3A_494 = arith.constant 0 : i32
    %sign3A_495 = arith.cmpi sgt, %add3A_491, %sign3A_494 : i32
    %sign3A_496 = arith.extui %sign3A_495 : i1 to i32
    %sign3A_497 = arith.constant 0 : i32
    %sign3A_498 = arith.cmpi slt, %add3A_491, %sign3A_497 : i32
    %sign3A_499 = arith.extui %sign3A_498 : i1 to i32
    %sign3A_500 = arith.subi %sign3A_496, %sign3A_499 : i32
    %sign3A_501 = arith.constant 0 : i32
    %sign3A_502 = arith.cmpi sgt, %jit3A_492, %sign3A_501 : i32
    %sign3A_503 = arith.extui %sign3A_502 : i1 to i32
    %sign3A_504 = arith.constant 0 : i32
    %sign3A_505 = arith.cmpi slt, %jit3A_492, %sign3A_504 : i32
    %sign3A_506 = arith.extui %sign3A_505 : i1 to i32
    %sign3A_507 = arith.subi %sign3A_503, %sign3A_506 : i32
    %ne3A_508 = arith.cmpi ne, %sign3A_500, %sign3A_507 : i32
    %rem3A_509 = arith.remsi %add3A_491, %jit3A_492 : i32
    %ne3A_510 = arith.constant 0 : i32
    %ne3A_511 = arith.cmpi ne, %rem3A_509, %ne3A_510 : i32
    %and3A_512 = arith.andi %ne3A_508, %ne3A_511 : i1
    %sub3A_513 = arith.constant 1 : i32
    %sub3A_514 = arith.subi %div3A_493, %sub3A_513 : i32
    %select_n3A_515 = arith.select %and3A_512, %sub3A_514, %div3A_493 : i32
    %multiple_of3A_516 = tpu.assume_multiple %select_n3A_515, 8 : i32
    %dma_start3A_517 = arith.constant 0 : i32
    %dma_start3A_518 = tpu.memref_slice %arg2[%multiple_of3A_516, %dma_start3A_517] : memref<24576x512xf32, #tpu.memory_space<hbm>> -> memref<8x512xf32, #tpu.memory_space<hbm>>
    %dma_start3A_519 = arith.constant 0 : i32
    %dma_start3A_520 = tpu.memref_slice %arg2[%multiple_of3A_516, %dma_start3A_519] : memref<24576x512xf32, #tpu.memory_space<hbm>> -> memref<8x512xf32, #tpu.memory_space<hbm>>
    tpu.enqueue_dma source(%dma_start3A_520 : memref<8x512xf32, #tpu.memory_space<hbm>>) target(%arg22 : memref<8x512xf32, #tpu.memory_space<vmem>>) target_semaphore(%arg38 : memref<!tpu.dma_semaphore, #tpu.memory_space<semaphore_mem>>)
    %dma_start3A_521 = arith.constant 0 : i32
    %dma_start3A_522 = tpu.memref_slice %arg3[%multiple_of3A_516, %dma_start3A_521] : memref<24576x512xf32, #tpu.memory_space<hbm>> -> memref<8x512xf32, #tpu.memory_space<hbm>>
    %dma_start3A_523 = arith.constant 0 : i32
    %dma_start3A_524 = tpu.memref_slice %arg3[%multiple_of3A_516, %dma_start3A_523] : memref<24576x512xf32, #tpu.memory_space<hbm>> -> memref<8x512xf32, #tpu.memory_space<hbm>>
    tpu.enqueue_dma source(%dma_start3A_524 : memref<8x512xf32, #tpu.memory_space<hbm>>) target(%arg25 : memref<8x512xf32, #tpu.memory_space<vmem>>) target_semaphore(%arg38 : memref<!tpu.dma_semaphore, #tpu.memory_space<semaphore_mem>>)
    %mul3A_525 = arith.constant 3 : i32
    %mul3A_526 = arith.muli %select_n3A_399, %mul3A_525 : i32
    %add3A_527 = arith.constant 2 : i32
    %add3A_528 = arith.addi %mul3A_526, %add3A_527 : i32
    %mul3A_529 = arith.constant 262144 : i32
    %mul3A_530 = arith.muli %add3A_528, %mul3A_529 : i32
    %add3A_531 = arith.addi %mul3A_530, %select_n3A_415 : i32
    %jit3A_532 = arith.constant 512 : i32
    %div3A_533 = arith.divsi %add3A_531, %jit3A_532 : i32
    %sign3A_534 = arith.constant 0 : i32
    %sign3A_535 = arith.cmpi sgt, %add3A_531, %sign3A_534 : i32
    %sign3A_536 = arith.extui %sign3A_535 : i1 to i32
    %sign3A_537 = arith.constant 0 : i32
    %sign3A_538 = arith.cmpi slt, %add3A_531, %sign3A_537 : i32
    %sign3A_539 = arith.extui %sign3A_538 : i1 to i32
    %sign3A_540 = arith.subi %sign3A_536, %sign3A_539 : i32
    %sign3A_541 = arith.constant 0 : i32
    %sign3A_542 = arith.cmpi sgt, %jit3A_532, %sign3A_541 : i32
    %sign3A_543 = arith.extui %sign3A_542 : i1 to i32
    %sign3A_544 = arith.constant 0 : i32
    %sign3A_545 = arith.cmpi slt, %jit3A_532, %sign3A_544 : i32
    %sign3A_546 = arith.extui %sign3A_545 : i1 to i32
    %sign3A_547 = arith.subi %sign3A_543, %sign3A_546 : i32
    %ne3A_548 = arith.cmpi ne, %sign3A_540, %sign3A_547 : i32
    %rem3A_549 = arith.remsi %add3A_531, %jit3A_532 : i32
    %ne3A_550 = arith.constant 0 : i32
    %ne3A_551 = arith.cmpi ne, %rem3A_549, %ne3A_550 : i32
    %and3A_552 = arith.andi %ne3A_548, %ne3A_551 : i1
    %sub3A_553 = arith.constant 1 : i32
    %sub3A_554 = arith.subi %div3A_533, %sub3A_553 : i32
    %select_n3A_555 = arith.select %and3A_552, %sub3A_554, %div3A_533 : i32
    %multiple_of3A_556 = tpu.assume_multiple %select_n3A_555, 8 : i32
    %dma_start3A_557 = arith.constant 0 : i32
    %dma_start3A_558 = tpu.memref_slice %arg2[%multiple_of3A_556, %dma_start3A_557] : memref<24576x512xf32, #tpu.memory_space<hbm>> -> memref<8x512xf32, #tpu.memory_space<hbm>>
    %dma_start3A_559 = arith.constant 0 : i32
    %dma_start3A_560 = tpu.memref_slice %arg2[%multiple_of3A_556, %dma_start3A_559] : memref<24576x512xf32, #tpu.memory_space<hbm>> -> memref<8x512xf32, #tpu.memory_space<hbm>>
    tpu.enqueue_dma source(%dma_start3A_560 : memref<8x512xf32, #tpu.memory_space<hbm>>) target(%arg23 : memref<8x512xf32, #tpu.memory_space<vmem>>) target_semaphore(%arg38 : memref<!tpu.dma_semaphore, #tpu.memory_space<semaphore_mem>>)
    %dma_start3A_561 = arith.constant 0 : i32
    %dma_start3A_562 = tpu.memref_slice %arg3[%multiple_of3A_556, %dma_start3A_561] : memref<24576x512xf32, #tpu.memory_space<hbm>> -> memref<8x512xf32, #tpu.memory_space<hbm>>
    %dma_start3A_563 = arith.constant 0 : i32
    %dma_start3A_564 = tpu.memref_slice %arg3[%multiple_of3A_556, %dma_start3A_563] : memref<24576x512xf32, #tpu.memory_space<hbm>> -> memref<8x512xf32, #tpu.memory_space<hbm>>
    tpu.enqueue_dma source(%dma_start3A_564 : memref<8x512xf32, #tpu.memory_space<hbm>>) target(%arg26 : memref<8x512xf32, #tpu.memory_space<vmem>>) target_semaphore(%arg38 : memref<!tpu.dma_semaphore, #tpu.memory_space<semaphore_mem>>)
    %dma_wait3A = arith.constant 0 : i32
    %dma_wait3A_565 = tpu.memref_slice %arg4[%multiple_of3A, %dma_wait3A] : memref<8192x512xf32, #tpu.memory_space<hbm>> -> memref<8x512xf32, #tpu.memory_space<hbm>>
    %dma_wait3A_566 = arith.constant 0 : i32
    %dma_wait3A_567 = tpu.memref_slice %arg4[%multiple_of3A, %dma_wait3A_566] : memref<8192x512xf32, #tpu.memory_space<hbm>> -> memref<8x512xf32, #tpu.memory_space<hbm>>
    tpu.wait_dma2 semaphore(%arg36 : memref<!tpu.dma_semaphore, #tpu.memory_space<semaphore_mem>>) src(%dma_wait3A_567 : memref<8x512xf32, #tpu.memory_space<hbm>>) dst(%arg6 : memref<8x512xf32, #tpu.memory_space<vmem>>)
    %dma_wait3A_568 = arith.constant 0 : i32
    %dma_wait3A_569 = tpu.memref_slice %arg2[%multiple_of3A_94, %dma_wait3A_568] : memref<24576x512xf32, #tpu.memory_space<hbm>> -> memref<8x512xf32, #tpu.memory_space<hbm>>
    %dma_wait3A_570 = arith.constant 0 : i32
    %dma_wait3A_571 = tpu.memref_slice %arg2[%multiple_of3A_94, %dma_wait3A_570] : memref<24576x512xf32, #tpu.memory_space<hbm>> -> memref<8x512xf32, #tpu.memory_space<hbm>>
    tpu.wait_dma2 semaphore(%arg36 : memref<!tpu.dma_semaphore, #tpu.memory_space<semaphore_mem>>) src(%dma_wait3A_571 : memref<8x512xf32, #tpu.memory_space<hbm>>) dst(%arg7 : memref<8x512xf32, #tpu.memory_space<vmem>>)
    %dma_wait3A_572 = arith.constant 0 : i32
    %dma_wait3A_573 = tpu.memref_slice %arg3[%multiple_of3A_94, %dma_wait3A_572] : memref<24576x512xf32, #tpu.memory_space<hbm>> -> memref<8x512xf32, #tpu.memory_space<hbm>>
    %dma_wait3A_574 = arith.constant 0 : i32
    %dma_wait3A_575 = tpu.memref_slice %arg3[%multiple_of3A_94, %dma_wait3A_574] : memref<24576x512xf32, #tpu.memory_space<hbm>> -> memref<8x512xf32, #tpu.memory_space<hbm>>
    tpu.wait_dma2 semaphore(%arg36 : memref<!tpu.dma_semaphore, #tpu.memory_space<semaphore_mem>>) src(%dma_wait3A_575 : memref<8x512xf32, #tpu.memory_space<hbm>>) dst(%arg10 : memref<8x512xf32, #tpu.memory_space<vmem>>)
    %dma_wait3A_576 = arith.constant 0 : i32
    %dma_wait3A_577 = tpu.memref_slice %arg2[%multiple_of3A_134, %dma_wait3A_576] : memref<24576x512xf32, #tpu.memory_space<hbm>> -> memref<8x512xf32, #tpu.memory_space<hbm>>
    %dma_wait3A_578 = arith.constant 0 : i32
    %dma_wait3A_579 = tpu.memref_slice %arg2[%multiple_of3A_134, %dma_wait3A_578] : memref<24576x512xf32, #tpu.memory_space<hbm>> -> memref<8x512xf32, #tpu.memory_space<hbm>>
    tpu.wait_dma2 semaphore(%arg36 : memref<!tpu.dma_semaphore, #tpu.memory_space<semaphore_mem>>) src(%dma_wait3A_579 : memref<8x512xf32, #tpu.memory_space<hbm>>) dst(%arg8 : memref<8x512xf32, #tpu.memory_space<vmem>>)
    %dma_wait3A_580 = arith.constant 0 : i32
    %dma_wait3A_581 = tpu.memref_slice %arg3[%multiple_of3A_134, %dma_wait3A_580] : memref<24576x512xf32, #tpu.memory_space<hbm>> -> memref<8x512xf32, #tpu.memory_space<hbm>>
    %dma_wait3A_582 = arith.constant 0 : i32
    %dma_wait3A_583 = tpu.memref_slice %arg3[%multiple_of3A_134, %dma_wait3A_582] : memref<24576x512xf32, #tpu.memory_space<hbm>> -> memref<8x512xf32, #tpu.memory_space<hbm>>
    tpu.wait_dma2 semaphore(%arg36 : memref<!tpu.dma_semaphore, #tpu.memory_space<semaphore_mem>>) src(%dma_wait3A_583 : memref<8x512xf32, #tpu.memory_space<hbm>>) dst(%arg11 : memref<8x512xf32, #tpu.memory_space<vmem>>)
    %dma_wait3A_584 = arith.constant 0 : i32
    %dma_wait3A_585 = tpu.memref_slice %arg2[%multiple_of3A_174, %dma_wait3A_584] : memref<24576x512xf32, #tpu.memory_space<hbm>> -> memref<8x512xf32, #tpu.memory_space<hbm>>
    %dma_wait3A_586 = arith.constant 0 : i32
    %dma_wait3A_587 = tpu.memref_slice %arg2[%multiple_of3A_174, %dma_wait3A_586] : memref<24576x512xf32, #tpu.memory_space<hbm>> -> memref<8x512xf32, #tpu.memory_space<hbm>>
    tpu.wait_dma2 semaphore(%arg36 : memref<!tpu.dma_semaphore, #tpu.memory_space<semaphore_mem>>) src(%dma_wait3A_587 : memref<8x512xf32, #tpu.memory_space<hbm>>) dst(%arg9 : memref<8x512xf32, #tpu.memory_space<vmem>>)
    %dma_wait3A_588 = arith.constant 0 : i32
    %dma_wait3A_589 = tpu.memref_slice %arg3[%multiple_of3A_174, %dma_wait3A_588] : memref<24576x512xf32, #tpu.memory_space<hbm>> -> memref<8x512xf32, #tpu.memory_space<hbm>>
    %dma_wait3A_590 = arith.constant 0 : i32
    %dma_wait3A_591 = tpu.memref_slice %arg3[%multiple_of3A_174, %dma_wait3A_590] : memref<24576x512xf32, #tpu.memory_space<hbm>> -> memref<8x512xf32, #tpu.memory_space<hbm>>
    tpu.wait_dma2 semaphore(%arg36 : memref<!tpu.dma_semaphore, #tpu.memory_space<semaphore_mem>>) src(%dma_wait3A_591 : memref<8x512xf32, #tpu.memory_space<hbm>>) dst(%arg12 : memref<8x512xf32, #tpu.memory_space<vmem>>)
    %add3A_592 = arith.constant 12288 : i32
    %add3A_593 = arith.addi %mul3A_2, %add3A_592 : i32
    %jit3A_594 = arith.constant 262144 : i32
    %div3A_595 = arith.divsi %add3A_593, %jit3A_594 : i32
    %sign3A_596 = arith.constant 0 : i32
    %sign3A_597 = arith.cmpi sgt, %add3A_593, %sign3A_596 : i32
    %sign3A_598 = arith.extui %sign3A_597 : i1 to i32
    %sign3A_599 = arith.constant 0 : i32
    %sign3A_600 = arith.cmpi slt, %add3A_593, %sign3A_599 : i32
    %sign3A_601 = arith.extui %sign3A_600 : i1 to i32
    %sign3A_602 = arith.subi %sign3A_598, %sign3A_601 : i32
    %sign3A_603 = arith.constant 0 : i32
    %sign3A_604 = arith.cmpi sgt, %jit3A_594, %sign3A_603 : i32
    %sign3A_605 = arith.extui %sign3A_604 : i1 to i32
    %sign3A_606 = arith.constant 0 : i32
    %sign3A_607 = arith.cmpi slt, %jit3A_594, %sign3A_606 : i32
    %sign3A_608 = arith.extui %sign3A_607 : i1 to i32
    %sign3A_609 = arith.subi %sign3A_605, %sign3A_608 : i32
    %ne3A_610 = arith.cmpi ne, %sign3A_602, %sign3A_609 : i32
    %rem3A_611 = arith.remsi %add3A_593, %jit3A_594 : i32
    %ne3A_612 = arith.constant 0 : i32
    %ne3A_613 = arith.cmpi ne, %rem3A_611, %ne3A_612 : i32
    %and3A_614 = arith.andi %ne3A_610, %ne3A_613 : i1
    %sub3A_615 = arith.constant 1 : i32
    %sub3A_616 = arith.subi %div3A_595, %sub3A_615 : i32
    %select_n3A_617 = arith.select %and3A_614, %sub3A_616, %div3A_595 : i32
    %jit3A_618 = arith.constant 262144 : i32
    %eq3A_619 = arith.constant 0 : i32
    %eq3A_620 = arith.cmpi eq, %jit3A_618, %eq3A_619 : i32
    %jit3A_621 = arith.constant 1 : i32
    %select_n3A_622 = arith.select %eq3A_620, %jit3A_621, %jit3A_618 : i32
    %rem3A_623 = arith.remsi %add3A_593, %select_n3A_622 : i32
    %ne3A_624 = arith.constant 0 : i32
    %ne3A_625 = arith.cmpi ne, %rem3A_623, %ne3A_624 : i32
    %lt3A_626 = arith.constant 0 : i32
    %lt3A_627 = arith.cmpi slt, %rem3A_623, %lt3A_626 : i32
    %lt3A_628 = arith.constant 0 : i32
    %lt3A_629 = arith.cmpi slt, %select_n3A_622, %lt3A_628 : i32
    %ne3A_630 = arith.xori %lt3A_627, %lt3A_629 : i1
    %and3A_631 = arith.andi %ne3A_630, %ne3A_625 : i1
    %add3A_632 = arith.addi %rem3A_623, %select_n3A_622 : i32
    %select_n3A_633 = arith.select %and3A_631, %add3A_632, %rem3A_623 : i32
    %jit3A_634 = arith.constant 512 : i32
    %div3A_635 = arith.divsi %add3A_593, %jit3A_634 : i32
    %sign3A_636 = arith.constant 0 : i32
    %sign3A_637 = arith.cmpi sgt, %add3A_593, %sign3A_636 : i32
    %sign3A_638 = arith.extui %sign3A_637 : i1 to i32
    %sign3A_639 = arith.constant 0 : i32
    %sign3A_640 = arith.cmpi slt, %add3A_593, %sign3A_639 : i32
    %sign3A_641 = arith.extui %sign3A_640 : i1 to i32
    %sign3A_642 = arith.subi %sign3A_638, %sign3A_641 : i32
    %sign3A_643 = arith.constant 0 : i32
    %sign3A_644 = arith.cmpi sgt, %jit3A_634, %sign3A_643 : i32
    %sign3A_645 = arith.extui %sign3A_644 : i1 to i32
    %sign3A_646 = arith.constant 0 : i32
    %sign3A_647 = arith.cmpi slt, %jit3A_634, %sign3A_646 : i32
    %sign3A_648 = arith.extui %sign3A_647 : i1 to i32
    %sign3A_649 = arith.subi %sign3A_645, %sign3A_648 : i32
    %ne3A_650 = arith.cmpi ne, %sign3A_642, %sign3A_649 : i32
    %rem3A_651 = arith.remsi %add3A_593, %jit3A_634 : i32
    %ne3A_652 = arith.constant 0 : i32
    %ne3A_653 = arith.cmpi ne, %rem3A_651, %ne3A_652 : i32
    %and3A_654 = arith.andi %ne3A_650, %ne3A_653 : i1
    %sub3A_655 = arith.constant 1 : i32
    %sub3A_656 = arith.subi %div3A_635, %sub3A_655 : i32
    %select_n3A_657 = arith.select %and3A_654, %sub3A_656, %div3A_635 : i32
    %multiple_of3A_658 = tpu.assume_multiple %select_n3A_657, 8 : i32
    %dma_start3A_659 = arith.constant 0 : i32
    %dma_start3A_660 = tpu.memref_slice %arg4[%multiple_of3A_658, %dma_start3A_659] : memref<8192x512xf32, #tpu.memory_space<hbm>> -> memref<8x512xf32, #tpu.memory_space<hbm>>
    %dma_start3A_661 = arith.constant 0 : i32
    %dma_start3A_662 = tpu.memref_slice %arg4[%multiple_of3A_658, %dma_start3A_661] : memref<8192x512xf32, #tpu.memory_space<hbm>> -> memref<8x512xf32, #tpu.memory_space<hbm>>
    tpu.enqueue_dma source(%dma_start3A_662 : memref<8x512xf32, #tpu.memory_space<hbm>>) target(%arg27 : memref<8x512xf32, #tpu.memory_space<vmem>>) target_semaphore(%arg39 : memref<!tpu.dma_semaphore, #tpu.memory_space<semaphore_mem>>)
    %mul3A_663 = arith.constant 3 : i32
    %mul3A_664 = arith.muli %select_n3A_617, %mul3A_663 : i32
    %add3A_665 = arith.constant 0 : i32
    %add3A_666 = arith.addi %mul3A_664, %add3A_665 : i32
    %mul3A_667 = arith.constant 262144 : i32
    %mul3A_668 = arith.muli %add3A_666, %mul3A_667 : i32
    %add3A_669 = arith.addi %mul3A_668, %select_n3A_633 : i32
    %jit3A_670 = arith.constant 512 : i32
    %div3A_671 = arith.divsi %add3A_669, %jit3A_670 : i32
    %sign3A_672 = arith.constant 0 : i32
    %sign3A_673 = arith.cmpi sgt, %add3A_669, %sign3A_672 : i32
    %sign3A_674 = arith.extui %sign3A_673 : i1 to i32
    %sign3A_675 = arith.constant 0 : i32
    %sign3A_676 = arith.cmpi slt, %add3A_669, %sign3A_675 : i32
    %sign3A_677 = arith.extui %sign3A_676 : i1 to i32
    %sign3A_678 = arith.subi %sign3A_674, %sign3A_677 : i32
    %sign3A_679 = arith.constant 0 : i32
    %sign3A_680 = arith.cmpi sgt, %jit3A_670, %sign3A_679 : i32
    %sign3A_681 = arith.extui %sign3A_680 : i1 to i32
    %sign3A_682 = arith.constant 0 : i32
    %sign3A_683 = arith.cmpi slt, %jit3A_670, %sign3A_682 : i32
    %sign3A_684 = arith.extui %sign3A_683 : i1 to i32
    %sign3A_685 = arith.subi %sign3A_681, %sign3A_684 : i32
    %ne3A_686 = arith.cmpi ne, %sign3A_678, %sign3A_685 : i32
    %rem3A_687 = arith.remsi %add3A_669, %jit3A_670 : i32
    %ne3A_688 = arith.constant 0 : i32
    %ne3A_689 = arith.cmpi ne, %rem3A_687, %ne3A_688 : i32
    %and3A_690 = arith.andi %ne3A_686, %ne3A_689 : i1
    %sub3A_691 = arith.constant 1 : i32
    %sub3A_692 = arith.subi %div3A_671, %sub3A_691 : i32
    %select_n3A_693 = arith.select %and3A_690, %sub3A_692, %div3A_671 : i32
    %multiple_of3A_694 = tpu.assume_multiple %select_n3A_693, 8 : i32
    %dma_start3A_695 = arith.constant 0 : i32
    %dma_start3A_696 = tpu.memref_slice %arg2[%multiple_of3A_694, %dma_start3A_695] : memref<24576x512xf32, #tpu.memory_space<hbm>> -> memref<8x512xf32, #tpu.memory_space<hbm>>
    %dma_start3A_697 = arith.constant 0 : i32
    %dma_start3A_698 = tpu.memref_slice %arg2[%multiple_of3A_694, %dma_start3A_697] : memref<24576x512xf32, #tpu.memory_space<hbm>> -> memref<8x512xf32, #tpu.memory_space<hbm>>
    tpu.enqueue_dma source(%dma_start3A_698 : memref<8x512xf32, #tpu.memory_space<hbm>>) target(%arg28 : memref<8x512xf32, #tpu.memory_space<vmem>>) target_semaphore(%arg39 : memref<!tpu.dma_semaphore, #tpu.memory_space<semaphore_mem>>)
    %dma_start3A_699 = arith.constant 0 : i32
    %dma_start3A_700 = tpu.memref_slice %arg3[%multiple_of3A_694, %dma_start3A_699] : memref<24576x512xf32, #tpu.memory_space<hbm>> -> memref<8x512xf32, #tpu.memory_space<hbm>>
    %dma_start3A_701 = arith.constant 0 : i32
    %dma_start3A_702 = tpu.memref_slice %arg3[%multiple_of3A_694, %dma_start3A_701] : memref<24576x512xf32, #tpu.memory_space<hbm>> -> memref<8x512xf32, #tpu.memory_space<hbm>>
    tpu.enqueue_dma source(%dma_start3A_702 : memref<8x512xf32, #tpu.memory_space<hbm>>) target(%arg31 : memref<8x512xf32, #tpu.memory_space<vmem>>) target_semaphore(%arg39 : memref<!tpu.dma_semaphore, #tpu.memory_space<semaphore_mem>>)
    %mul3A_703 = arith.constant 3 : i32
    %mul3A_704 = arith.muli %select_n3A_617, %mul3A_703 : i32
    %add3A_705 = arith.constant 1 : i32
    %add3A_706 = arith.addi %mul3A_704, %add3A_705 : i32
    %mul3A_707 = arith.constant 262144 : i32
    %mul3A_708 = arith.muli %add3A_706, %mul3A_707 : i32
    %add3A_709 = arith.addi %mul3A_708, %select_n3A_633 : i32
    %jit3A_710 = arith.constant 512 : i32
    %div3A_711 = arith.divsi %add3A_709, %jit3A_710 : i32
    %sign3A_712 = arith.constant 0 : i32
    %sign3A_713 = arith.cmpi sgt, %add3A_709, %sign3A_712 : i32
    %sign3A_714 = arith.extui %sign3A_713 : i1 to i32
    %sign3A_715 = arith.constant 0 : i32
    %sign3A_716 = arith.cmpi slt, %add3A_709, %sign3A_715 : i32
    %sign3A_717 = arith.extui %sign3A_716 : i1 to i32
    %sign3A_718 = arith.subi %sign3A_714, %sign3A_717 : i32
    %sign3A_719 = arith.constant 0 : i32
    %sign3A_720 = arith.cmpi sgt, %jit3A_710, %sign3A_719 : i32
    %sign3A_721 = arith.extui %sign3A_720 : i1 to i32
    %sign3A_722 = arith.constant 0 : i32
    %sign3A_723 = arith.cmpi slt, %jit3A_710, %sign3A_722 : i32
    %sign3A_724 = arith.extui %sign3A_723 : i1 to i32
    %sign3A_725 = arith.subi %sign3A_721, %sign3A_724 : i32
    %ne3A_726 = arith.cmpi ne, %sign3A_718, %sign3A_725 : i32
    %rem3A_727 = arith.remsi %add3A_709, %jit3A_710 : i32
    %ne3A_728 = arith.constant 0 : i32
    %ne3A_729 = arith.cmpi ne, %rem3A_727, %ne3A_728 : i32
    %and3A_730 = arith.andi %ne3A_726, %ne3A_729 : i1
    %sub3A_731 = arith.constant 1 : i32
    %sub3A_732 = arith.subi %div3A_711, %sub3A_731 : i32
    %select_n3A_733 = arith.select %and3A_730, %sub3A_732, %div3A_711 : i32
    %multiple_of3A_734 = tpu.assume_multiple %select_n3A_733, 8 : i32
    %dma_start3A_735 = arith.constant 0 : i32
    %dma_start3A_736 = tpu.memref_slice %arg2[%multiple_of3A_734, %dma_start3A_735] : memref<24576x512xf32, #tpu.memory_space<hbm>> -> memref<8x512xf32, #tpu.memory_space<hbm>>
    %dma_start3A_737 = arith.constant 0 : i32
    %dma_start3A_738 = tpu.memref_slice %arg2[%multiple_of3A_734, %dma_start3A_737] : memref<24576x512xf32, #tpu.memory_space<hbm>> -> memref<8x512xf32, #tpu.memory_space<hbm>>
    tpu.enqueue_dma source(%dma_start3A_738 : memref<8x512xf32, #tpu.memory_space<hbm>>) target(%arg29 : memref<8x512xf32, #tpu.memory_space<vmem>>) target_semaphore(%arg39 : memref<!tpu.dma_semaphore, #tpu.memory_space<semaphore_mem>>)
    %dma_start3A_739 = arith.constant 0 : i32
    %dma_start3A_740 = tpu.memref_slice %arg3[%multiple_of3A_734, %dma_start3A_739] : memref<24576x512xf32, #tpu.memory_space<hbm>> -> memref<8x512xf32, #tpu.memory_space<hbm>>
    %dma_start3A_741 = arith.constant 0 : i32
    %dma_start3A_742 = tpu.memref_slice %arg3[%multiple_of3A_734, %dma_start3A_741] : memref<24576x512xf32, #tpu.memory_space<hbm>> -> memref<8x512xf32, #tpu.memory_space<hbm>>
    tpu.enqueue_dma source(%dma_start3A_742 : memref<8x512xf32, #tpu.memory_space<hbm>>) target(%arg32 : memref<8x512xf32, #tpu.memory_space<vmem>>) target_semaphore(%arg39 : memref<!tpu.dma_semaphore, #tpu.memory_space<semaphore_mem>>)
    %mul3A_743 = arith.constant 3 : i32
    %mul3A_744 = arith.muli %select_n3A_617, %mul3A_743 : i32
    %add3A_745 = arith.constant 2 : i32
    %add3A_746 = arith.addi %mul3A_744, %add3A_745 : i32
    %mul3A_747 = arith.constant 262144 : i32
    %mul3A_748 = arith.muli %add3A_746, %mul3A_747 : i32
    %add3A_749 = arith.addi %mul3A_748, %select_n3A_633 : i32
    %jit3A_750 = arith.constant 512 : i32
    %div3A_751 = arith.divsi %add3A_749, %jit3A_750 : i32
    %sign3A_752 = arith.constant 0 : i32
    %sign3A_753 = arith.cmpi sgt, %add3A_749, %sign3A_752 : i32
    %sign3A_754 = arith.extui %sign3A_753 : i1 to i32
    %sign3A_755 = arith.constant 0 : i32
    %sign3A_756 = arith.cmpi slt, %add3A_749, %sign3A_755 : i32
    %sign3A_757 = arith.extui %sign3A_756 : i1 to i32
    %sign3A_758 = arith.subi %sign3A_754, %sign3A_757 : i32
    %sign3A_759 = arith.constant 0 : i32
    %sign3A_760 = arith.cmpi sgt, %jit3A_750, %sign3A_759 : i32
    %sign3A_761 = arith.extui %sign3A_760 : i1 to i32
    %sign3A_762 = arith.constant 0 : i32
    %sign3A_763 = arith.cmpi slt, %jit3A_750, %sign3A_762 : i32
    %sign3A_764 = arith.extui %sign3A_763 : i1 to i32
    %sign3A_765 = arith.subi %sign3A_761, %sign3A_764 : i32
    %ne3A_766 = arith.cmpi ne, %sign3A_758, %sign3A_765 : i32
    %rem3A_767 = arith.remsi %add3A_749, %jit3A_750 : i32
    %ne3A_768 = arith.constant 0 : i32
    %ne3A_769 = arith.cmpi ne, %rem3A_767, %ne3A_768 : i32
    %and3A_770 = arith.andi %ne3A_766, %ne3A_769 : i1
    %sub3A_771 = arith.constant 1 : i32
    %sub3A_772 = arith.subi %div3A_751, %sub3A_771 : i32
    %select_n3A_773 = arith.select %and3A_770, %sub3A_772, %div3A_751 : i32
    %multiple_of3A_774 = tpu.assume_multiple %select_n3A_773, 8 : i32
    %dma_start3A_775 = arith.constant 0 : i32
    %dma_start3A_776 = tpu.memref_slice %arg2[%multiple_of3A_774, %dma_start3A_775] : memref<24576x512xf32, #tpu.memory_space<hbm>> -> memref<8x512xf32, #tpu.memory_space<hbm>>
    %dma_start3A_777 = arith.constant 0 : i32
    %dma_start3A_778 = tpu.memref_slice %arg2[%multiple_of3A_774, %dma_start3A_777] : memref<24576x512xf32, #tpu.memory_space<hbm>> -> memref<8x512xf32, #tpu.memory_space<hbm>>
    tpu.enqueue_dma source(%dma_start3A_778 : memref<8x512xf32, #tpu.memory_space<hbm>>) target(%arg30 : memref<8x512xf32, #tpu.memory_space<vmem>>) target_semaphore(%arg39 : memref<!tpu.dma_semaphore, #tpu.memory_space<semaphore_mem>>)
    %dma_start3A_779 = arith.constant 0 : i32
    %dma_start3A_780 = tpu.memref_slice %arg3[%multiple_of3A_774, %dma_start3A_779] : memref<24576x512xf32, #tpu.memory_space<hbm>> -> memref<8x512xf32, #tpu.memory_space<hbm>>
    %dma_start3A_781 = arith.constant 0 : i32
    %dma_start3A_782 = tpu.memref_slice %arg3[%multiple_of3A_774, %dma_start3A_781] : memref<24576x512xf32, #tpu.memory_space<hbm>> -> memref<8x512xf32, #tpu.memory_space<hbm>>
    tpu.enqueue_dma source(%dma_start3A_782 : memref<8x512xf32, #tpu.memory_space<hbm>>) target(%arg33 : memref<8x512xf32, #tpu.memory_space<vmem>>) target_semaphore(%arg39 : memref<!tpu.dma_semaphore, #tpu.memory_space<semaphore_mem>>)
    %scan3A = arith.constant 0 : i32
    %scan3A_783 = arith.constant 8 : i32
    %scan3A_784 = arith.addi %scan3A, %scan3A_783 : i32
    %scan3A_785 = arith.constant 1 : i32
    %scan3A_786:8 = scf.for %scan3A_1804 = %scan3A to %scan3A_784 step %scan3A_785 iter_args(%scan3A_1805 = %broadcast_in_dim3A_3, %scan3A_1806 = %broadcast_in_dim3A_3, %scan3A_1807 = %broadcast_in_dim3A_3, %scan3A_1808 = %broadcast_in_dim3A_3, %scan3A_1809 = %broadcast_in_dim3A_3, %scan3A_1810 = %broadcast_in_dim3A_3, %scan3A_1811 = %broadcast_in_dim3A_3, %scan3A_1812 = %broadcast_in_dim3A_3) -> (vector<16xf32>, vector<16xf32>, vector<16xf32>, vector<16xf32>, vector<16xf32>, vector<16xf32>, vector<16xf32>, vector<16xf32>)  : i32 {
      %scan3A_1813 = arith.constant 0 : i32
      %scan3A_1814 = arith.constant 8 : i32
      %scan3A_1815 = arith.addi %scan3A_1813, %scan3A_1814 : i32
      %scan3A_1816 = arith.constant 1 : i32
      %scan3A_1817:8 = scf.for %scan3A_1819 = %scan3A_1813 to %scan3A_1815 step %scan3A_1816 iter_args(%scan3A_1820 = %scan3A_1805, %scan3A_1821 = %scan3A_1806, %scan3A_1822 = %scan3A_1807, %scan3A_1823 = %scan3A_1808, %scan3A_1824 = %scan3A_1809, %scan3A_1825 = %scan3A_1810, %scan3A_1826 = %scan3A_1811, %scan3A_1827 = %scan3A_1812) -> (vector<16xf32>, vector<16xf32>, vector<16xf32>, vector<16xf32>, vector<16xf32>, vector<16xf32>, vector<16xf32>, vector<16xf32>)  : i32 {
        %mul3A_1828 = arith.constant 4 : i32
        %mul3A_1829 = arith.muli %scan3A_1819, %mul3A_1828 : i32
        %add3A_1830 = arith.constant 0 : i32
        %add3A_1831 = arith.addi %mul3A_1829, %add3A_1830 : i32
        %mul3A_1832 = arith.constant 16 : i32
        %mul3A_1833 = arith.muli %add3A_1831, %mul3A_1832 : i32
        %get3A = arith.index_cast %scan3A_1804 : i32 to index
        %get3A_1834 = arith.index_cast %mul3A_1833 : i32 to index
        %get3A_1835 = tpu.vector_load %arg6[%get3A, %get3A_1834] {strides = array<i32>} : memref<8x512xf32, #tpu.memory_space<vmem>>, vector<1x16xf32>,
        %get3A_1836 = vector.shape_cast %get3A_1835 : vector<1x16xf32> to vector<16xf32>
        %gt3A = arith.constant 0.00999999977 : f32
        %gt3A_1837 = vector.broadcast %gt3A : f32 to vector<16xf32>
        %gt3A_1838 = arith.cmpf ogt, %get3A_1836, %gt3A_1837 : vector<16xf32>
        %jit3A_1839 = arith.constant 1.000000e+00 : f32
        %jit3A_1840 = arith.constant 0.000000e+00 : f32
        %broadcast_in_dim3A_1841 = vector.broadcast %jit3A_1839 : f32 to vector<16xf32>
        %broadcast_in_dim3A_1842 = vector.broadcast %jit3A_1840 : f32 to vector<16xf32>
        %select_n3A_1843 = arith.select %gt3A_1838, %broadcast_in_dim3A_1841, %broadcast_in_dim3A_1842 : vector<16xi1>, vector<16xf32>
        %add3A_1844 = arith.addf %scan3A_1826, %select_n3A_1843 : vector<16xf32>
        %get3A_1845 = arith.index_cast %scan3A_1804 : i32 to index
        %get3A_1846 = arith.index_cast %mul3A_1833 : i32 to index
        %get3A_1847 = tpu.vector_load %arg7[%get3A_1845, %get3A_1846] {strides = array<i32>} : memref<8x512xf32, #tpu.memory_space<vmem>>, vector<1x16xf32>,
        %get3A_1848 = vector.shape_cast %get3A_1847 : vector<1x16xf32> to vector<16xf32>
        %get3A_1849 = arith.index_cast %scan3A_1804 : i32 to index
        %get3A_1850 = arith.index_cast %mul3A_1833 : i32 to index
        %get3A_1851 = tpu.vector_load %arg10[%get3A_1849, %get3A_1850] {strides = array<i32>} : memref<8x512xf32, #tpu.memory_space<vmem>>, vector<1x16xf32>,
        %get3A_1852 = vector.shape_cast %get3A_1851 : vector<1x16xf32> to vector<16xf32>
        %sub3A_1853 = arith.subf %get3A_1848, %get3A_1852 : vector<16xf32>
        %abs3A = math.absf %sub3A_1853 : vector<16xf32>
        %jit3A_1854 = arith.constant 0.000000e+00 : f32
        %broadcast_in_dim3A_1855 = vector.broadcast %jit3A_1854 : f32 to vector<16xf32>
        %select_n3A_1856 = arith.select %gt3A_1838, %abs3A, %broadcast_in_dim3A_1855 : vector<16xi1>, vector<16xf32>
        %add3A_1857 = arith.addf %scan3A_1820, %select_n3A_1856 : vector<16xf32>
        %get3A_1858 = arith.index_cast %scan3A_1804 : i32 to index
        %get3A_1859 = arith.index_cast %mul3A_1833 : i32 to index
        %get3A_1860 = tpu.vector_load %arg8[%get3A_1858, %get3A_1859] {strides = array<i32>} : memref<8x512xf32, #tpu.memory_space<vmem>>, vector<1x16xf32>,
        %get3A_1861 = vector.shape_cast %get3A_1860 : vector<1x16xf32> to vector<16xf32>
        %get3A_1862 = arith.index_cast %scan3A_1804 : i32 to index
        %get3A_1863 = arith.index_cast %mul3A_1833 : i32 to index
        %get3A_1864 = tpu.vector_load %arg11[%get3A_1862, %get3A_1863] {strides = array<i32>} : memref<8x512xf32, #tpu.memory_space<vmem>>, vector<1x16xf32>,
        %get3A_1865 = vector.shape_cast %get3A_1864 : vector<1x16xf32> to vector<16xf32>
        %sub3A_1866 = arith.subf %get3A_1861, %get3A_1865 : vector<16xf32>
        %abs3A_1867 = math.absf %sub3A_1866 : vector<16xf32>
        %jit3A_1868 = arith.constant 0.000000e+00 : f32
        %broadcast_in_dim3A_1869 = vector.broadcast %jit3A_1868 : f32 to vector<16xf32>
        %select_n3A_1870 = arith.select %gt3A_1838, %abs3A_1867, %broadcast_in_dim3A_1869 : vector<16xi1>, vector<16xf32>
        %add3A_1871 = arith.addf %scan3A_1822, %select_n3A_1870 : vector<16xf32>
        %get3A_1872 = arith.index_cast %scan3A_1804 : i32 to index
        %get3A_1873 = arith.index_cast %mul3A_1833 : i32 to index
        %get3A_1874 = tpu.vector_load %arg9[%get3A_1872, %get3A_1873] {strides = array<i32>} : memref<8x512xf32, #tpu.memory_space<vmem>>, vector<1x16xf32>,
        %get3A_1875 = vector.shape_cast %get3A_1874 : vector<1x16xf32> to vector<16xf32>
        %get3A_1876 = arith.index_cast %scan3A_1804 : i32 to index
        %get3A_1877 = arith.index_cast %mul3A_1833 : i32 to index
        %get3A_1878 = tpu.vector_load %arg12[%get3A_1876, %get3A_1877] {strides = array<i32>} : memref<8x512xf32, #tpu.memory_space<vmem>>, vector<1x16xf32>,
        %get3A_1879 = vector.shape_cast %get3A_1878 : vector<1x16xf32> to vector<16xf32>
        %sub3A_1880 = arith.subf %get3A_1875, %get3A_1879 : vector<16xf32>
        %abs3A_1881 = math.absf %sub3A_1880 : vector<16xf32>
        %jit3A_1882 = arith.constant 0.000000e+00 : f32
        %broadcast_in_dim3A_1883 = vector.broadcast %jit3A_1882 : f32 to vector<16xf32>
        %select_n3A_1884 = arith.select %gt3A_1838, %abs3A_1881, %broadcast_in_dim3A_1883 : vector<16xi1>, vector<16xf32>
        %add3A_1885 = arith.addf %scan3A_1824, %select_n3A_1884 : vector<16xf32>
        %mul3A_1886 = arith.constant 4 : i32
        %mul3A_1887 = arith.muli %scan3A_1819, %mul3A_1886 : i32
        %add3A_1888 = arith.constant 1 : i32
        %add3A_1889 = arith.addi %mul3A_1887, %add3A_1888 : i32
        %mul3A_1890 = arith.constant 16 : i32
        %mul3A_1891 = arith.muli %add3A_1889, %mul3A_1890 : i32
        %get3A_1892 = arith.index_cast %scan3A_1804 : i32 to index
        %get3A_1893 = arith.index_cast %mul3A_1891 : i32 to index
        %get3A_1894 = tpu.vector_load %arg6[%get3A_1892, %get3A_1893] {strides = array<i32>} : memref<8x512xf32, #tpu.memory_space<vmem>>, vector<1x16xf32>,
        %get3A_1895 = vector.shape_cast %get3A_1894 : vector<1x16xf32> to vector<16xf32>
        %gt3A_1896 = arith.constant 0.00999999977 : f32
        %gt3A_1897 = vector.broadcast %gt3A_1896 : f32 to vector<16xf32>
        %gt3A_1898 = arith.cmpf ogt, %get3A_1895, %gt3A_1897 : vector<16xf32>
        %jit3A_1899 = arith.constant 1.000000e+00 : f32
        %jit3A_1900 = arith.constant 0.000000e+00 : f32
        %broadcast_in_dim3A_1901 = vector.broadcast %jit3A_1899 : f32 to vector<16xf32>
        %broadcast_in_dim3A_1902 = vector.broadcast %jit3A_1900 : f32 to vector<16xf32>
        %select_n3A_1903 = arith.select %gt3A_1898, %broadcast_in_dim3A_1901, %broadcast_in_dim3A_1902 : vector<16xi1>, vector<16xf32>
        %add3A_1904 = arith.addf %scan3A_1827, %select_n3A_1903 : vector<16xf32>
        %get3A_1905 = arith.index_cast %scan3A_1804 : i32 to index
        %get3A_1906 = arith.index_cast %mul3A_1891 : i32 to index
        %get3A_1907 = tpu.vector_load %arg7[%get3A_1905, %get3A_1906] {strides = array<i32>} : memref<8x512xf32, #tpu.memory_space<vmem>>, vector<1x16xf32>,
        %get3A_1908 = vector.shape_cast %get3A_1907 : vector<1x16xf32> to vector<16xf32>
        %get3A_1909 = arith.index_cast %scan3A_1804 : i32 to index
        %get3A_1910 = arith.index_cast %mul3A_1891 : i32 to index
        %get3A_1911 = tpu.vector_load %arg10[%get3A_1909, %get3A_1910] {strides = array<i32>} : memref<8x512xf32, #tpu.memory_space<vmem>>, vector<1x16xf32>,
        %get3A_1912 = vector.shape_cast %get3A_1911 : vector<1x16xf32> to vector<16xf32>
        %sub3A_1913 = arith.subf %get3A_1908, %get3A_1912 : vector<16xf32>
        %abs3A_1914 = math.absf %sub3A_1913 : vector<16xf32>
        %jit3A_1915 = arith.constant 0.000000e+00 : f32
        %broadcast_in_dim3A_1916 = vector.broadcast %jit3A_1915 : f32 to vector<16xf32>
        %select_n3A_1917 = arith.select %gt3A_1898, %abs3A_1914, %broadcast_in_dim3A_1916 : vector<16xi1>, vector<16xf32>
        %add3A_1918 = arith.addf %scan3A_1821, %select_n3A_1917 : vector<16xf32>
        %get3A_1919 = arith.index_cast %scan3A_1804 : i32 to index
        %get3A_1920 = arith.index_cast %mul3A_1891 : i32 to index
        %get3A_1921 = tpu.vector_load %arg8[%get3A_1919, %get3A_1920] {strides = array<i32>} : memref<8x512xf32, #tpu.memory_space<vmem>>, vector<1x16xf32>,
        %get3A_1922 = vector.shape_cast %get3A_1921 : vector<1x16xf32> to vector<16xf32>
        %get3A_1923 = arith.index_cast %scan3A_1804 : i32 to index
        %get3A_1924 = arith.index_cast %mul3A_1891 : i32 to index
        %get3A_1925 = tpu.vector_load %arg11[%get3A_1923, %get3A_1924] {strides = array<i32>} : memref<8x512xf32, #tpu.memory_space<vmem>>, vector<1x16xf32>,
        %get3A_1926 = vector.shape_cast %get3A_1925 : vector<1x16xf32> to vector<16xf32>
        %sub3A_1927 = arith.subf %get3A_1922, %get3A_1926 : vector<16xf32>
        %abs3A_1928 = math.absf %sub3A_1927 : vector<16xf32>
        %jit3A_1929 = arith.constant 0.000000e+00 : f32
        %broadcast_in_dim3A_1930 = vector.broadcast %jit3A_1929 : f32 to vector<16xf32>
        %select_n3A_1931 = arith.select %gt3A_1898, %abs3A_1928, %broadcast_in_dim3A_1930 : vector<16xi1>, vector<16xf32>
        %add3A_1932 = arith.addf %scan3A_1823, %select_n3A_1931 : vector<16xf32>
        %get3A_1933 = arith.index_cast %scan3A_1804 : i32 to index
        %get3A_1934 = arith.index_cast %mul3A_1891 : i32 to index
        %get3A_1935 = tpu.vector_load %arg9[%get3A_1933, %get3A_1934] {strides = array<i32>} : memref<8x512xf32, #tpu.memory_space<vmem>>, vector<1x16xf32>,
        %get3A_1936 = vector.shape_cast %get3A_1935 : vector<1x16xf32> to vector<16xf32>
        %get3A_1937 = arith.index_cast %scan3A_1804 : i32 to index
        %get3A_1938 = arith.index_cast %mul3A_1891 : i32 to index
        %get3A_1939 = tpu.vector_load %arg12[%get3A_1937, %get3A_1938] {strides = array<i32>} : memref<8x512xf32, #tpu.memory_space<vmem>>, vector<1x16xf32>,
        %get3A_1940 = vector.shape_cast %get3A_1939 : vector<1x16xf32> to vector<16xf32>
        %sub3A_1941 = arith.subf %get3A_1936, %get3A_1940 : vector<16xf32>
        %abs3A_1942 = math.absf %sub3A_1941 : vector<16xf32>
        %jit3A_1943 = arith.constant 0.000000e+00 : f32
        %broadcast_in_dim3A_1944 = vector.broadcast %jit3A_1943 : f32 to vector<16xf32>
        %select_n3A_1945 = arith.select %gt3A_1898, %abs3A_1942, %broadcast_in_dim3A_1944 : vector<16xi1>, vector<16xf32>
        %add3A_1946 = arith.addf %scan3A_1825, %select_n3A_1945 : vector<16xf32>
        %mul3A_1947 = arith.constant 4 : i32
        %mul3A_1948 = arith.muli %scan3A_1819, %mul3A_1947 : i32
        %add3A_1949 = arith.constant 2 : i32
        %add3A_1950 = arith.addi %mul3A_1948, %add3A_1949 : i32
        %mul3A_1951 = arith.constant 16 : i32
        %mul3A_1952 = arith.muli %add3A_1950, %mul3A_1951 : i32
        %get3A_1953 = arith.index_cast %scan3A_1804 : i32 to index
        %get3A_1954 = arith.index_cast %mul3A_1952 : i32 to index
        %get3A_1955 = tpu.vector_load %arg6[%get3A_1953, %get3A_1954] {strides = array<i32>} : memref<8x512xf32, #tpu.memory_space<vmem>>, vector<1x16xf32>,
        %get3A_1956 = vector.shape_cast %get3A_1955 : vector<1x16xf32> to vector<16xf32>
        %gt3A_1957 = arith.constant 0.00999999977 : f32
        %gt3A_1958 = vector.broadcast %gt3A_1957 : f32 to vector<16xf32>
        %gt3A_1959 = arith.cmpf ogt, %get3A_1956, %gt3A_1958 : vector<16xf32>
        %jit3A_1960 = arith.constant 1.000000e+00 : f32
        %jit3A_1961 = arith.constant 0.000000e+00 : f32
        %broadcast_in_dim3A_1962 = vector.broadcast %jit3A_1960 : f32 to vector<16xf32>
        %broadcast_in_dim3A_1963 = vector.broadcast %jit3A_1961 : f32 to vector<16xf32>
        %select_n3A_1964 = arith.select %gt3A_1959, %broadcast_in_dim3A_1962, %broadcast_in_dim3A_1963 : vector<16xi1>, vector<16xf32>
        %add3A_1965 = arith.addf %add3A_1844, %select_n3A_1964 : vector<16xf32>
        %get3A_1966 = arith.index_cast %scan3A_1804 : i32 to index
        %get3A_1967 = arith.index_cast %mul3A_1952 : i32 to index
        %get3A_1968 = tpu.vector_load %arg7[%get3A_1966, %get3A_1967] {strides = array<i32>} : memref<8x512xf32, #tpu.memory_space<vmem>>, vector<1x16xf32>,
        %get3A_1969 = vector.shape_cast %get3A_1968 : vector<1x16xf32> to vector<16xf32>
        %get3A_1970 = arith.index_cast %scan3A_1804 : i32 to index
        %get3A_1971 = arith.index_cast %mul3A_1952 : i32 to index
        %get3A_1972 = tpu.vector_load %arg10[%get3A_1970, %get3A_1971] {strides = array<i32>} : memref<8x512xf32, #tpu.memory_space<vmem>>, vector<1x16xf32>,
        %get3A_1973 = vector.shape_cast %get3A_1972 : vector<1x16xf32> to vector<16xf32>
        %sub3A_1974 = arith.subf %get3A_1969, %get3A_1973 : vector<16xf32>
        %abs3A_1975 = math.absf %sub3A_1974 : vector<16xf32>
        %jit3A_1976 = arith.constant 0.000000e+00 : f32
        %broadcast_in_dim3A_1977 = vector.broadcast %jit3A_1976 : f32 to vector<16xf32>
        %select_n3A_1978 = arith.select %gt3A_1959, %abs3A_1975, %broadcast_in_dim3A_1977 : vector<16xi1>, vector<16xf32>
        %add3A_1979 = arith.addf %add3A_1857, %select_n3A_1978 : vector<16xf32>
        %get3A_1980 = arith.index_cast %scan3A_1804 : i32 to index
        %get3A_1981 = arith.index_cast %mul3A_1952 : i32 to index
        %get3A_1982 = tpu.vector_load %arg8[%get3A_1980, %get3A_1981] {strides = array<i32>} : memref<8x512xf32, #tpu.memory_space<vmem>>, vector<1x16xf32>,
        %get3A_1983 = vector.shape_cast %get3A_1982 : vector<1x16xf32> to vector<16xf32>
        %get3A_1984 = arith.index_cast %scan3A_1804 : i32 to index
        %get3A_1985 = arith.index_cast %mul3A_1952 : i32 to index
        %get3A_1986 = tpu.vector_load %arg11[%get3A_1984, %get3A_1985] {strides = array<i32>} : memref<8x512xf32, #tpu.memory_space<vmem>>, vector<1x16xf32>,
        %get3A_1987 = vector.shape_cast %get3A_1986 : vector<1x16xf32> to vector<16xf32>
        %sub3A_1988 = arith.subf %get3A_1983, %get3A_1987 : vector<16xf32>
        %abs3A_1989 = math.absf %sub3A_1988 : vector<16xf32>
        %jit3A_1990 = arith.constant 0.000000e+00 : f32
        %broadcast_in_dim3A_1991 = vector.broadcast %jit3A_1990 : f32 to vector<16xf32>
        %select_n3A_1992 = arith.select %gt3A_1959, %abs3A_1989, %broadcast_in_dim3A_1991 : vector<16xi1>, vector<16xf32>
        %add3A_1993 = arith.addf %add3A_1871, %select_n3A_1992 : vector<16xf32>
        %get3A_1994 = arith.index_cast %scan3A_1804 : i32 to index
        %get3A_1995 = arith.index_cast %mul3A_1952 : i32 to index
        %get3A_1996 = tpu.vector_load %arg9[%get3A_1994, %get3A_1995] {strides = array<i32>} : memref<8x512xf32, #tpu.memory_space<vmem>>, vector<1x16xf32>,
        %get3A_1997 = vector.shape_cast %get3A_1996 : vector<1x16xf32> to vector<16xf32>
        %get3A_1998 = arith.index_cast %scan3A_1804 : i32 to index
        %get3A_1999 = arith.index_cast %mul3A_1952 : i32 to index
        %get3A_2000 = tpu.vector_load %arg12[%get3A_1998, %get3A_1999] {strides = array<i32>} : memref<8x512xf32, #tpu.memory_space<vmem>>, vector<1x16xf32>,
        %get3A_2001 = vector.shape_cast %get3A_2000 : vector<1x16xf32> to vector<16xf32>
        %sub3A_2002 = arith.subf %get3A_1997, %get3A_2001 : vector<16xf32>
        %abs3A_2003 = math.absf %sub3A_2002 : vector<16xf32>
        %jit3A_2004 = arith.constant 0.000000e+00 : f32
        %broadcast_in_dim3A_2005 = vector.broadcast %jit3A_2004 : f32 to vector<16xf32>
        %select_n3A_2006 = arith.select %gt3A_1959, %abs3A_2003, %broadcast_in_dim3A_2005 : vector<16xi1>, vector<16xf32>
        %add3A_2007 = arith.addf %add3A_1885, %select_n3A_2006 : vector<16xf32>
        %mul3A_2008 = arith.constant 4 : i32
        %mul3A_2009 = arith.muli %scan3A_1819, %mul3A_2008 : i32
        %add3A_2010 = arith.constant 3 : i32
        %add3A_2011 = arith.addi %mul3A_2009, %add3A_2010 : i32
        %mul3A_2012 = arith.constant 16 : i32
        %mul3A_2013 = arith.muli %add3A_2011, %mul3A_2012 : i32
        %get3A_2014 = arith.index_cast %scan3A_1804 : i32 to index
        %get3A_2015 = arith.index_cast %mul3A_2013 : i32 to index
        %get3A_2016 = tpu.vector_load %arg6[%get3A_2014, %get3A_2015] {strides = array<i32>} : memref<8x512xf32, #tpu.memory_space<vmem>>, vector<1x16xf32>,
        %get3A_2017 = vector.shape_cast %get3A_2016 : vector<1x16xf32> to vector<16xf32>
        %gt3A_2018 = arith.constant 0.00999999977 : f32
        %gt3A_2019 = vector.broadcast %gt3A_2018 : f32 to vector<16xf32>
        %gt3A_2020 = arith.cmpf ogt, %get3A_2017, %gt3A_2019 : vector<16xf32>
        %jit3A_2021 = arith.constant 1.000000e+00 : f32
        %jit3A_2022 = arith.constant 0.000000e+00 : f32
        %broadcast_in_dim3A_2023 = vector.broadcast %jit3A_2021 : f32 to vector<16xf32>
        %broadcast_in_dim3A_2024 = vector.broadcast %jit3A_2022 : f32 to vector<16xf32>
        %select_n3A_2025 = arith.select %gt3A_2020, %broadcast_in_dim3A_2023, %broadcast_in_dim3A_2024 : vector<16xi1>, vector<16xf32>
        %add3A_2026 = arith.addf %add3A_1904, %select_n3A_2025 : vector<16xf32>
        %get3A_2027 = arith.index_cast %scan3A_1804 : i32 to index
        %get3A_2028 = arith.index_cast %mul3A_2013 : i32 to index
        %get3A_2029 = tpu.vector_load %arg7[%get3A_2027, %get3A_2028] {strides = array<i32>} : memref<8x512xf32, #tpu.memory_space<vmem>>, vector<1x16xf32>,
        %get3A_2030 = vector.shape_cast %get3A_2029 : vector<1x16xf32> to vector<16xf32>
        %get3A_2031 = arith.index_cast %scan3A_1804 : i32 to index
        %get3A_2032 = arith.index_cast %mul3A_2013 : i32 to index
        %get3A_2033 = tpu.vector_load %arg10[%get3A_2031, %get3A_2032] {strides = array<i32>} : memref<8x512xf32, #tpu.memory_space<vmem>>, vector<1x16xf32>,
        %get3A_2034 = vector.shape_cast %get3A_2033 : vector<1x16xf32> to vector<16xf32>
        %sub3A_2035 = arith.subf %get3A_2030, %get3A_2034 : vector<16xf32>
        %abs3A_2036 = math.absf %sub3A_2035 : vector<16xf32>
        %jit3A_2037 = arith.constant 0.000000e+00 : f32
        %broadcast_in_dim3A_2038 = vector.broadcast %jit3A_2037 : f32 to vector<16xf32>
        %select_n3A_2039 = arith.select %gt3A_2020, %abs3A_2036, %broadcast_in_dim3A_2038 : vector<16xi1>, vector<16xf32>
        %add3A_2040 = arith.addf %add3A_1918, %select_n3A_2039 : vector<16xf32>
        %get3A_2041 = arith.index_cast %scan3A_1804 : i32 to index
        %get3A_2042 = arith.index_cast %mul3A_2013 : i32 to index
        %get3A_2043 = tpu.vector_load %arg8[%get3A_2041, %get3A_2042] {strides = array<i32>} : memref<8x512xf32, #tpu.memory_space<vmem>>, vector<1x16xf32>,
        %get3A_2044 = vector.shape_cast %get3A_2043 : vector<1x16xf32> to vector<16xf32>
        %get3A_2045 = arith.index_cast %scan3A_1804 : i32 to index
        %get3A_2046 = arith.index_cast %mul3A_2013 : i32 to index
        %get3A_2047 = tpu.vector_load %arg11[%get3A_2045, %get3A_2046] {strides = array<i32>} : memref<8x512xf32, #tpu.memory_space<vmem>>, vector<1x16xf32>,
        %get3A_2048 = vector.shape_cast %get3A_2047 : vector<1x16xf32> to vector<16xf32>
        %sub3A_2049 = arith.subf %get3A_2044, %get3A_2048 : vector<16xf32>
        %abs3A_2050 = math.absf %sub3A_2049 : vector<16xf32>
        %jit3A_2051 = arith.constant 0.000000e+00 : f32
        %broadcast_in_dim3A_2052 = vector.broadcast %jit3A_2051 : f32 to vector<16xf32>
        %select_n3A_2053 = arith.select %gt3A_2020, %abs3A_2050, %broadcast_in_dim3A_2052 : vector<16xi1>, vector<16xf32>
        %add3A_2054 = arith.addf %add3A_1932, %select_n3A_2053 : vector<16xf32>
        %get3A_2055 = arith.index_cast %scan3A_1804 : i32 to index
        %get3A_2056 = arith.index_cast %mul3A_2013 : i32 to index
        %get3A_2057 = tpu.vector_load %arg9[%get3A_2055, %get3A_2056] {strides = array<i32>} : memref<8x512xf32, #tpu.memory_space<vmem>>, vector<1x16xf32>,
        %get3A_2058 = vector.shape_cast %get3A_2057 : vector<1x16xf32> to vector<16xf32>
        %get3A_2059 = arith.index_cast %scan3A_1804 : i32 to index
        %get3A_2060 = arith.index_cast %mul3A_2013 : i32 to index
        %get3A_2061 = tpu.vector_load %arg12[%get3A_2059, %get3A_2060] {strides = array<i32>} : memref<8x512xf32, #tpu.memory_space<vmem>>, vector<1x16xf32>,
        %get3A_2062 = vector.shape_cast %get3A_2061 : vector<1x16xf32> to vector<16xf32>
        %sub3A_2063 = arith.subf %get3A_2058, %get3A_2062 : vector<16xf32>
        %abs3A_2064 = math.absf %sub3A_2063 : vector<16xf32>
        %jit3A_2065 = arith.constant 0.000000e+00 : f32
        %broadcast_in_dim3A_2066 = vector.broadcast %jit3A_2065 : f32 to vector<16xf32>
        %select_n3A_2067 = arith.select %gt3A_2020, %abs3A_2064, %broadcast_in_dim3A_2066 : vector<16xi1>, vector<16xf32>
        %add3A_2068 = arith.addf %add3A_1946, %select_n3A_2067 : vector<16xf32>
        scf.yield %add3A_1979, %add3A_2040, %add3A_1993, %add3A_2054, %add3A_2007, %add3A_2068, %add3A_1965, %add3A_2026 : vector<16xf32>, vector<16xf32>, vector<16xf32>, vector<16xf32>, vector<16xf32>, vector<16xf32>, vector<16xf32>, vector<16xf32>
      }
      %scan3A_1818 = arith.constant 8 : i32
      scf.yield %scan3A_1817#0, %scan3A_1817#1, %scan3A_1817#2, %scan3A_1817#3, %scan3A_1817#4, %scan3A_1817#5, %scan3A_1817#6, %scan3A_1817#7 : vector<16xf32>, vector<16xf32>, vector<16xf32>, vector<16xf32>, vector<16xf32>, vector<16xf32>, vector<16xf32>, vector<16xf32>
    }
    %scan3A_787 = arith.constant 8 : i32
    %dma_wait3A_788 = arith.constant 0 : i32
    %dma_wait3A_789 = tpu.memref_slice %arg4[%multiple_of3A_249, %dma_wait3A_788] : memref<8192x512xf32, #tpu.memory_space<hbm>> -> memref<8x512xf32, #tpu.memory_space<hbm>>
    %dma_wait3A_790 = arith.constant 0 : i32
    %dma_wait3A_791 = tpu.memref_slice %arg4[%multiple_of3A_249, %dma_wait3A_790] : memref<8192x512xf32, #tpu.memory_space<hbm>> -> memref<8x512xf32, #tpu.memory_space<hbm>>
    tpu.wait_dma2 semaphore(%arg37 : memref<!tpu.dma_semaphore, #tpu.memory_space<semaphore_mem>>) src(%dma_wait3A_791 : memref<8x512xf32, #tpu.memory_space<hbm>>) dst(%arg13 : memref<8x512xf32, #tpu.memory_space<vmem>>)
    %dma_wait3A_792 = arith.constant 0 : i32
    %dma_wait3A_793 = tpu.memref_slice %arg2[%multiple_of3A_285, %dma_wait3A_792] : memref<24576x512xf32, #tpu.memory_space<hbm>> -> memref<8x512xf32, #tpu.memory_space<hbm>>
    %dma_wait3A_794 = arith.constant 0 : i32
    %dma_wait3A_795 = tpu.memref_slice %arg2[%multiple_of3A_285, %dma_wait3A_794] : memref<24576x512xf32, #tpu.memory_space<hbm>> -> memref<8x512xf32, #tpu.memory_space<hbm>>
    tpu.wait_dma2 semaphore(%arg37 : memref<!tpu.dma_semaphore, #tpu.memory_space<semaphore_mem>>) src(%dma_wait3A_795 : memref<8x512xf32, #tpu.memory_space<hbm>>) dst(%arg14 : memref<8x512xf32, #tpu.memory_space<vmem>>)
    %dma_wait3A_796 = arith.constant 0 : i32
    %dma_wait3A_797 = tpu.memref_slice %arg3[%multiple_of3A_285, %dma_wait3A_796] : memref<24576x512xf32, #tpu.memory_space<hbm>> -> memref<8x512xf32, #tpu.memory_space<hbm>>
    %dma_wait3A_798 = arith.constant 0 : i32
    %dma_wait3A_799 = tpu.memref_slice %arg3[%multiple_of3A_285, %dma_wait3A_798] : memref<24576x512xf32, #tpu.memory_space<hbm>> -> memref<8x512xf32, #tpu.memory_space<hbm>>
    tpu.wait_dma2 semaphore(%arg37 : memref<!tpu.dma_semaphore, #tpu.memory_space<semaphore_mem>>) src(%dma_wait3A_799 : memref<8x512xf32, #tpu.memory_space<hbm>>) dst(%arg17 : memref<8x512xf32, #tpu.memory_space<vmem>>)
    %dma_wait3A_800 = arith.constant 0 : i32
    %dma_wait3A_801 = tpu.memref_slice %arg2[%multiple_of3A_325, %dma_wait3A_800] : memref<24576x512xf32, #tpu.memory_space<hbm>> -> memref<8x512xf32, #tpu.memory_space<hbm>>
    %dma_wait3A_802 = arith.constant 0 : i32
    %dma_wait3A_803 = tpu.memref_slice %arg2[%multiple_of3A_325, %dma_wait3A_802] : memref<24576x512xf32, #tpu.memory_space<hbm>> -> memref<8x512xf32, #tpu.memory_space<hbm>>
    tpu.wait_dma2 semaphore(%arg37 : memref<!tpu.dma_semaphore, #tpu.memory_space<semaphore_mem>>) src(%dma_wait3A_803 : memref<8x512xf32, #tpu.memory_space<hbm>>) dst(%arg15 : memref<8x512xf32, #tpu.memory_space<vmem>>)
    %dma_wait3A_804 = arith.constant 0 : i32
    %dma_wait3A_805 = tpu.memref_slice %arg3[%multiple_of3A_325, %dma_wait3A_804] : memref<24576x512xf32, #tpu.memory_space<hbm>> -> memref<8x512xf32, #tpu.memory_space<hbm>>
    %dma_wait3A_806 = arith.constant 0 : i32
    %dma_wait3A_807 = tpu.memref_slice %arg3[%multiple_of3A_325, %dma_wait3A_806] : memref<24576x512xf32, #tpu.memory_space<hbm>> -> memref<8x512xf32, #tpu.memory_space<hbm>>
    tpu.wait_dma2 semaphore(%arg37 : memref<!tpu.dma_semaphore, #tpu.memory_space<semaphore_mem>>) src(%dma_wait3A_807 : memref<8x512xf32, #tpu.memory_space<hbm>>) dst(%arg18 : memref<8x512xf32, #tpu.memory_space<vmem>>)
    %dma_wait3A_808 = arith.constant 0 : i32
    %dma_wait3A_809 = tpu.memref_slice %arg2[%multiple_of3A_365, %dma_wait3A_808] : memref<24576x512xf32, #tpu.memory_space<hbm>> -> memref<8x512xf32, #tpu.memory_space<hbm>>
    %dma_wait3A_810 = arith.constant 0 : i32
    %dma_wait3A_811 = tpu.memref_slice %arg2[%multiple_of3A_365, %dma_wait3A_810] : memref<24576x512xf32, #tpu.memory_space<hbm>> -> memref<8x512xf32, #tpu.memory_space<hbm>>
    tpu.wait_dma2 semaphore(%arg37 : memref<!tpu.dma_semaphore, #tpu.memory_space<semaphore_mem>>) src(%dma_wait3A_811 : memref<8x512xf32, #tpu.memory_space<hbm>>) dst(%arg16 : memref<8x512xf32, #tpu.memory_space<vmem>>)
    %dma_wait3A_812 = arith.constant 0 : i32
    %dma_wait3A_813 = tpu.memref_slice %arg3[%multiple_of3A_365, %dma_wait3A_812] : memref<24576x512xf32, #tpu.memory_space<hbm>> -> memref<8x512xf32, #tpu.memory_space<hbm>>
    %dma_wait3A_814 = arith.constant 0 : i32
    %dma_wait3A_815 = tpu.memref_slice %arg3[%multiple_of3A_365, %dma_wait3A_814] : memref<24576x512xf32, #tpu.memory_space<hbm>> -> memref<8x512xf32, #tpu.memory_space<hbm>>
    tpu.wait_dma2 semaphore(%arg37 : memref<!tpu.dma_semaphore, #tpu.memory_space<semaphore_mem>>) src(%dma_wait3A_815 : memref<8x512xf32, #tpu.memory_space<hbm>>) dst(%arg19 : memref<8x512xf32, #tpu.memory_space<vmem>>)
    %add3A_816 = arith.constant 16384 : i32
    %add3A_817 = arith.addi %mul3A_2, %add3A_816 : i32
    %jit3A_818 = arith.constant 262144 : i32
    %div3A_819 = arith.divsi %add3A_817, %jit3A_818 : i32
    %sign3A_820 = arith.constant 0 : i32
    %sign3A_821 = arith.cmpi sgt, %add3A_817, %sign3A_820 : i32
    %sign3A_822 = arith.extui %sign3A_821 : i1 to i32
    %sign3A_823 = arith.constant 0 : i32
    %sign3A_824 = arith.cmpi slt, %add3A_817, %sign3A_823 : i32
    %sign3A_825 = arith.extui %sign3A_824 : i1 to i32
    %sign3A_826 = arith.subi %sign3A_822, %sign3A_825 : i32
    %sign3A_827 = arith.constant 0 : i32
    %sign3A_828 = arith.cmpi sgt, %jit3A_818, %sign3A_827 : i32
    %sign3A_829 = arith.extui %sign3A_828 : i1 to i32
    %sign3A_830 = arith.constant 0 : i32
    %sign3A_831 = arith.cmpi slt, %jit3A_818, %sign3A_830 : i32
    %sign3A_832 = arith.extui %sign3A_831 : i1 to i32
    %sign3A_833 = arith.subi %sign3A_829, %sign3A_832 : i32
    %ne3A_834 = arith.cmpi ne, %sign3A_826, %sign3A_833 : i32
    %rem3A_835 = arith.remsi %add3A_817, %jit3A_818 : i32
    %ne3A_836 = arith.constant 0 : i32
    %ne3A_837 = arith.cmpi ne, %rem3A_835, %ne3A_836 : i32
    %and3A_838 = arith.andi %ne3A_834, %ne3A_837 : i1
    %sub3A_839 = arith.constant 1 : i32
    %sub3A_840 = arith.subi %div3A_819, %sub3A_839 : i32
    %select_n3A_841 = arith.select %and3A_838, %sub3A_840, %div3A_819 : i32
    %jit3A_842 = arith.constant 262144 : i32
    %eq3A_843 = arith.constant 0 : i32
    %eq3A_844 = arith.cmpi eq, %jit3A_842, %eq3A_843 : i32
    %jit3A_845 = arith.constant 1 : i32
    %select_n3A_846 = arith.select %eq3A_844, %jit3A_845, %jit3A_842 : i32
    %rem3A_847 = arith.remsi %add3A_817, %select_n3A_846 : i32
    %ne3A_848 = arith.constant 0 : i32
    %ne3A_849 = arith.cmpi ne, %rem3A_847, %ne3A_848 : i32
    %lt3A_850 = arith.constant 0 : i32
    %lt3A_851 = arith.cmpi slt, %rem3A_847, %lt3A_850 : i32
    %lt3A_852 = arith.constant 0 : i32
    %lt3A_853 = arith.cmpi slt, %select_n3A_846, %lt3A_852 : i32
    %ne3A_854 = arith.xori %lt3A_851, %lt3A_853 : i1
    %and3A_855 = arith.andi %ne3A_854, %ne3A_849 : i1
    %add3A_856 = arith.addi %rem3A_847, %select_n3A_846 : i32
    %select_n3A_857 = arith.select %and3A_855, %add3A_856, %rem3A_847 : i32
    %jit3A_858 = arith.constant 512 : i32
    %div3A_859 = arith.divsi %add3A_817, %jit3A_858 : i32
    %sign3A_860 = arith.constant 0 : i32
    %sign3A_861 = arith.cmpi sgt, %add3A_817, %sign3A_860 : i32
    %sign3A_862 = arith.extui %sign3A_861 : i1 to i32
    %sign3A_863 = arith.constant 0 : i32
    %sign3A_864 = arith.cmpi slt, %add3A_817, %sign3A_863 : i32
    %sign3A_865 = arith.extui %sign3A_864 : i1 to i32
    %sign3A_866 = arith.subi %sign3A_862, %sign3A_865 : i32
    %sign3A_867 = arith.constant 0 : i32
    %sign3A_868 = arith.cmpi sgt, %jit3A_858, %sign3A_867 : i32
    %sign3A_869 = arith.extui %sign3A_868 : i1 to i32
    %sign3A_870 = arith.constant 0 : i32
    %sign3A_871 = arith.cmpi slt, %jit3A_858, %sign3A_870 : i32
    %sign3A_872 = arith.extui %sign3A_871 : i1 to i32
    %sign3A_873 = arith.subi %sign3A_869, %sign3A_872 : i32
    %ne3A_874 = arith.cmpi ne, %sign3A_866, %sign3A_873 : i32
    %rem3A_875 = arith.remsi %add3A_817, %jit3A_858 : i32
    %ne3A_876 = arith.constant 0 : i32
    %ne3A_877 = arith.cmpi ne, %rem3A_875, %ne3A_876 : i32
    %and3A_878 = arith.andi %ne3A_874, %ne3A_877 : i1
    %sub3A_879 = arith.constant 1 : i32
    %sub3A_880 = arith.subi %div3A_859, %sub3A_879 : i32
    %select_n3A_881 = arith.select %and3A_878, %sub3A_880, %div3A_859 : i32
    %multiple_of3A_882 = tpu.assume_multiple %select_n3A_881, 8 : i32
    %dma_start3A_883 = arith.constant 0 : i32
    %dma_start3A_884 = tpu.memref_slice %arg4[%multiple_of3A_882, %dma_start3A_883] : memref<8192x512xf32, #tpu.memory_space<hbm>> -> memref<8x512xf32, #tpu.memory_space<hbm>>
    %dma_start3A_885 = arith.constant 0 : i32
    %dma_start3A_886 = tpu.memref_slice %arg4[%multiple_of3A_882, %dma_start3A_885] : memref<8192x512xf32, #tpu.memory_space<hbm>> -> memref<8x512xf32, #tpu.memory_space<hbm>>
    tpu.enqueue_dma source(%dma_start3A_886 : memref<8x512xf32, #tpu.memory_space<hbm>>) target(%arg6 : memref<8x512xf32, #tpu.memory_space<vmem>>) target_semaphore(%arg36 : memref<!tpu.dma_semaphore, #tpu.memory_space<semaphore_mem>>)
    %mul3A_887 = arith.constant 3 : i32
    %mul3A_888 = arith.muli %select_n3A_841, %mul3A_887 : i32
    %add3A_889 = arith.constant 0 : i32
    %add3A_890 = arith.addi %mul3A_888, %add3A_889 : i32
    %mul3A_891 = arith.constant 262144 : i32
    %mul3A_892 = arith.muli %add3A_890, %mul3A_891 : i32
    %add3A_893 = arith.addi %mul3A_892, %select_n3A_857 : i32
    %jit3A_894 = arith.constant 512 : i32
    %div3A_895 = arith.divsi %add3A_893, %jit3A_894 : i32
    %sign3A_896 = arith.constant 0 : i32
    %sign3A_897 = arith.cmpi sgt, %add3A_893, %sign3A_896 : i32
    %sign3A_898 = arith.extui %sign3A_897 : i1 to i32
    %sign3A_899 = arith.constant 0 : i32
    %sign3A_900 = arith.cmpi slt, %add3A_893, %sign3A_899 : i32
    %sign3A_901 = arith.extui %sign3A_900 : i1 to i32
    %sign3A_902 = arith.subi %sign3A_898, %sign3A_901 : i32
    %sign3A_903 = arith.constant 0 : i32
    %sign3A_904 = arith.cmpi sgt, %jit3A_894, %sign3A_903 : i32
    %sign3A_905 = arith.extui %sign3A_904 : i1 to i32
    %sign3A_906 = arith.constant 0 : i32
    %sign3A_907 = arith.cmpi slt, %jit3A_894, %sign3A_906 : i32
    %sign3A_908 = arith.extui %sign3A_907 : i1 to i32
    %sign3A_909 = arith.subi %sign3A_905, %sign3A_908 : i32
    %ne3A_910 = arith.cmpi ne, %sign3A_902, %sign3A_909 : i32
    %rem3A_911 = arith.remsi %add3A_893, %jit3A_894 : i32
    %ne3A_912 = arith.constant 0 : i32
    %ne3A_913 = arith.cmpi ne, %rem3A_911, %ne3A_912 : i32
    %and3A_914 = arith.andi %ne3A_910, %ne3A_913 : i1
    %sub3A_915 = arith.constant 1 : i32
    %sub3A_916 = arith.subi %div3A_895, %sub3A_915 : i32
    %select_n3A_917 = arith.select %and3A_914, %sub3A_916, %div3A_895 : i32
    %multiple_of3A_918 = tpu.assume_multiple %select_n3A_917, 8 : i32
    %dma_start3A_919 = arith.constant 0 : i32
    %dma_start3A_920 = tpu.memref_slice %arg2[%multiple_of3A_918, %dma_start3A_919] : memref<24576x512xf32, #tpu.memory_space<hbm>> -> memref<8x512xf32, #tpu.memory_space<hbm>>
    %dma_start3A_921 = arith.constant 0 : i32
    %dma_start3A_922 = tpu.memref_slice %arg2[%multiple_of3A_918, %dma_start3A_921] : memref<24576x512xf32, #tpu.memory_space<hbm>> -> memref<8x512xf32, #tpu.memory_space<hbm>>
    tpu.enqueue_dma source(%dma_start3A_922 : memref<8x512xf32, #tpu.memory_space<hbm>>) target(%arg7 : memref<8x512xf32, #tpu.memory_space<vmem>>) target_semaphore(%arg36 : memref<!tpu.dma_semaphore, #tpu.memory_space<semaphore_mem>>)
    %dma_start3A_923 = arith.constant 0 : i32
    %dma_start3A_924 = tpu.memref_slice %arg3[%multiple_of3A_918, %dma_start3A_923] : memref<24576x512xf32, #tpu.memory_space<hbm>> -> memref<8x512xf32, #tpu.memory_space<hbm>>
    %dma_start3A_925 = arith.constant 0 : i32
    %dma_start3A_926 = tpu.memref_slice %arg3[%multiple_of3A_918, %dma_start3A_925] : memref<24576x512xf32, #tpu.memory_space<hbm>> -> memref<8x512xf32, #tpu.memory_space<hbm>>
    tpu.enqueue_dma source(%dma_start3A_926 : memref<8x512xf32, #tpu.memory_space<hbm>>) target(%arg10 : memref<8x512xf32, #tpu.memory_space<vmem>>) target_semaphore(%arg36 : memref<!tpu.dma_semaphore, #tpu.memory_space<semaphore_mem>>)
    %mul3A_927 = arith.constant 3 : i32
    %mul3A_928 = arith.muli %select_n3A_841, %mul3A_927 : i32
    %add3A_929 = arith.constant 1 : i32
    %add3A_930 = arith.addi %mul3A_928, %add3A_929 : i32
    %mul3A_931 = arith.constant 262144 : i32
    %mul3A_932 = arith.muli %add3A_930, %mul3A_931 : i32
    %add3A_933 = arith.addi %mul3A_932, %select_n3A_857 : i32
    %jit3A_934 = arith.constant 512 : i32
    %div3A_935 = arith.divsi %add3A_933, %jit3A_934 : i32
    %sign3A_936 = arith.constant 0 : i32
    %sign3A_937 = arith.cmpi sgt, %add3A_933, %sign3A_936 : i32
    %sign3A_938 = arith.extui %sign3A_937 : i1 to i32
    %sign3A_939 = arith.constant 0 : i32
    %sign3A_940 = arith.cmpi slt, %add3A_933, %sign3A_939 : i32
    %sign3A_941 = arith.extui %sign3A_940 : i1 to i32
    %sign3A_942 = arith.subi %sign3A_938, %sign3A_941 : i32
    %sign3A_943 = arith.constant 0 : i32
    %sign3A_944 = arith.cmpi sgt, %jit3A_934, %sign3A_943 : i32
    %sign3A_945 = arith.extui %sign3A_944 : i1 to i32
    %sign3A_946 = arith.constant 0 : i32
    %sign3A_947 = arith.cmpi slt, %jit3A_934, %sign3A_946 : i32
    %sign3A_948 = arith.extui %sign3A_947 : i1 to i32
    %sign3A_949 = arith.subi %sign3A_945, %sign3A_948 : i32
    %ne3A_950 = arith.cmpi ne, %sign3A_942, %sign3A_949 : i32
    %rem3A_951 = arith.remsi %add3A_933, %jit3A_934 : i32
    %ne3A_952 = arith.constant 0 : i32
    %ne3A_953 = arith.cmpi ne, %rem3A_951, %ne3A_952 : i32
    %and3A_954 = arith.andi %ne3A_950, %ne3A_953 : i1
    %sub3A_955 = arith.constant 1 : i32
    %sub3A_956 = arith.subi %div3A_935, %sub3A_955 : i32
    %select_n3A_957 = arith.select %and3A_954, %sub3A_956, %div3A_935 : i32
    %multiple_of3A_958 = tpu.assume_multiple %select_n3A_957, 8 : i32
    %dma_start3A_959 = arith.constant 0 : i32
    %dma_start3A_960 = tpu.memref_slice %arg2[%multiple_of3A_958, %dma_start3A_959] : memref<24576x512xf32, #tpu.memory_space<hbm>> -> memref<8x512xf32, #tpu.memory_space<hbm>>
    %dma_start3A_961 = arith.constant 0 : i32
    %dma_start3A_962 = tpu.memref_slice %arg2[%multiple_of3A_958, %dma_start3A_961] : memref<24576x512xf32, #tpu.memory_space<hbm>> -> memref<8x512xf32, #tpu.memory_space<hbm>>
    tpu.enqueue_dma source(%dma_start3A_962 : memref<8x512xf32, #tpu.memory_space<hbm>>) target(%arg8 : memref<8x512xf32, #tpu.memory_space<vmem>>) target_semaphore(%arg36 : memref<!tpu.dma_semaphore, #tpu.memory_space<semaphore_mem>>)
    %dma_start3A_963 = arith.constant 0 : i32
    %dma_start3A_964 = tpu.memref_slice %arg3[%multiple_of3A_958, %dma_start3A_963] : memref<24576x512xf32, #tpu.memory_space<hbm>> -> memref<8x512xf32, #tpu.memory_space<hbm>>
    %dma_start3A_965 = arith.constant 0 : i32
    %dma_start3A_966 = tpu.memref_slice %arg3[%multiple_of3A_958, %dma_start3A_965] : memref<24576x512xf32, #tpu.memory_space<hbm>> -> memref<8x512xf32, #tpu.memory_space<hbm>>
    tpu.enqueue_dma source(%dma_start3A_966 : memref<8x512xf32, #tpu.memory_space<hbm>>) target(%arg11 : memref<8x512xf32, #tpu.memory_space<vmem>>) target_semaphore(%arg36 : memref<!tpu.dma_semaphore, #tpu.memory_space<semaphore_mem>>)
    %mul3A_967 = arith.constant 3 : i32
    %mul3A_968 = arith.muli %select_n3A_841, %mul3A_967 : i32
    %add3A_969 = arith.constant 2 : i32
    %add3A_970 = arith.addi %mul3A_968, %add3A_969 : i32
    %mul3A_971 = arith.constant 262144 : i32
    %mul3A_972 = arith.muli %add3A_970, %mul3A_971 : i32
    %add3A_973 = arith.addi %mul3A_972, %select_n3A_857 : i32
    %jit3A_974 = arith.constant 512 : i32
    %div3A_975 = arith.divsi %add3A_973, %jit3A_974 : i32
    %sign3A_976 = arith.constant 0 : i32
    %sign3A_977 = arith.cmpi sgt, %add3A_973, %sign3A_976 : i32
    %sign3A_978 = arith.extui %sign3A_977 : i1 to i32
    %sign3A_979 = arith.constant 0 : i32
    %sign3A_980 = arith.cmpi slt, %add3A_973, %sign3A_979 : i32
    %sign3A_981 = arith.extui %sign3A_980 : i1 to i32
    %sign3A_982 = arith.subi %sign3A_978, %sign3A_981 : i32
    %sign3A_983 = arith.constant 0 : i32
    %sign3A_984 = arith.cmpi sgt, %jit3A_974, %sign3A_983 : i32
    %sign3A_985 = arith.extui %sign3A_984 : i1 to i32
    %sign3A_986 = arith.constant 0 : i32
    %sign3A_987 = arith.cmpi slt, %jit3A_974, %sign3A_986 : i32
    %sign3A_988 = arith.extui %sign3A_987 : i1 to i32
    %sign3A_989 = arith.subi %sign3A_985, %sign3A_988 : i32
    %ne3A_990 = arith.cmpi ne, %sign3A_982, %sign3A_989 : i32
    %rem3A_991 = arith.remsi %add3A_973, %jit3A_974 : i32
    %ne3A_992 = arith.constant 0 : i32
    %ne3A_993 = arith.cmpi ne, %rem3A_991, %ne3A_992 : i32
    %and3A_994 = arith.andi %ne3A_990, %ne3A_993 : i1
    %sub3A_995 = arith.constant 1 : i32
    %sub3A_996 = arith.subi %div3A_975, %sub3A_995 : i32
    %select_n3A_997 = arith.select %and3A_994, %sub3A_996, %div3A_975 : i32
    %multiple_of3A_998 = tpu.assume_multiple %select_n3A_997, 8 : i32
    %dma_start3A_999 = arith.constant 0 : i32
    %dma_start3A_1000 = tpu.memref_slice %arg2[%multiple_of3A_998, %dma_start3A_999] : memref<24576x512xf32, #tpu.memory_space<hbm>> -> memref<8x512xf32, #tpu.memory_space<hbm>>
    %dma_start3A_1001 = arith.constant 0 : i32
    %dma_start3A_1002 = tpu.memref_slice %arg2[%multiple_of3A_998, %dma_start3A_1001] : memref<24576x512xf32, #tpu.memory_space<hbm>> -> memref<8x512xf32, #tpu.memory_space<hbm>>
    tpu.enqueue_dma source(%dma_start3A_1002 : memref<8x512xf32, #tpu.memory_space<hbm>>) target(%arg9 : memref<8x512xf32, #tpu.memory_space<vmem>>) target_semaphore(%arg36 : memref<!tpu.dma_semaphore, #tpu.memory_space<semaphore_mem>>)
    %dma_start3A_1003 = arith.constant 0 : i32
    %dma_start3A_1004 = tpu.memref_slice %arg3[%multiple_of3A_998, %dma_start3A_1003] : memref<24576x512xf32, #tpu.memory_space<hbm>> -> memref<8x512xf32, #tpu.memory_space<hbm>>
    %dma_start3A_1005 = arith.constant 0 : i32
    %dma_start3A_1006 = tpu.memref_slice %arg3[%multiple_of3A_998, %dma_start3A_1005] : memref<24576x512xf32, #tpu.memory_space<hbm>> -> memref<8x512xf32, #tpu.memory_space<hbm>>
    tpu.enqueue_dma source(%dma_start3A_1006 : memref<8x512xf32, #tpu.memory_space<hbm>>) target(%arg12 : memref<8x512xf32, #tpu.memory_space<vmem>>) target_semaphore(%arg36 : memref<!tpu.dma_semaphore, #tpu.memory_space<semaphore_mem>>)
    %scan3A_1007 = arith.constant 0 : i32
    %scan3A_1008 = arith.constant 8 : i32
    %scan3A_1009 = arith.addi %scan3A_1007, %scan3A_1008 : i32
    %scan3A_1010 = arith.constant 1 : i32
    %scan3A_1011:8 = scf.for %scan3A_1804 = %scan3A_1007 to %scan3A_1009 step %scan3A_1010 iter_args(%scan3A_1805 = %scan3A_786#0, %scan3A_1806 = %scan3A_786#1, %scan3A_1807 = %scan3A_786#2, %scan3A_1808 = %scan3A_786#3, %scan3A_1809 = %scan3A_786#4, %scan3A_1810 = %scan3A_786#5, %scan3A_1811 = %scan3A_786#6, %scan3A_1812 = %scan3A_786#7) -> (vector<16xf32>, vector<16xf32>, vector<16xf32>, vector<16xf32>, vector<16xf32>, vector<16xf32>, vector<16xf32>, vector<16xf32>)  : i32 {
      %scan3A_1813 = arith.constant 0 : i32
      %scan3A_1814 = arith.constant 8 : i32
      %scan3A_1815 = arith.addi %scan3A_1813, %scan3A_1814 : i32
      %scan3A_1816 = arith.constant 1 : i32
      %scan3A_1817:8 = scf.for %scan3A_1819 = %scan3A_1813 to %scan3A_1815 step %scan3A_1816 iter_args(%scan3A_1820 = %scan3A_1805, %scan3A_1821 = %scan3A_1806, %scan3A_1822 = %scan3A_1807, %scan3A_1823 = %scan3A_1808, %scan3A_1824 = %scan3A_1809, %scan3A_1825 = %scan3A_1810, %scan3A_1826 = %scan3A_1811, %scan3A_1827 = %scan3A_1812) -> (vector<16xf32>, vector<16xf32>, vector<16xf32>, vector<16xf32>, vector<16xf32>, vector<16xf32>, vector<16xf32>, vector<16xf32>)  : i32 {
        %mul3A_1828 = arith.constant 4 : i32
        %mul3A_1829 = arith.muli %scan3A_1819, %mul3A_1828 : i32
        %add3A_1830 = arith.constant 0 : i32
        %add3A_1831 = arith.addi %mul3A_1829, %add3A_1830 : i32
        %mul3A_1832 = arith.constant 16 : i32
        %mul3A_1833 = arith.muli %add3A_1831, %mul3A_1832 : i32
        %get3A = arith.index_cast %scan3A_1804 : i32 to index
        %get3A_1834 = arith.index_cast %mul3A_1833 : i32 to index
        %get3A_1835 = tpu.vector_load %arg13[%get3A, %get3A_1834] {strides = array<i32>} : memref<8x512xf32, #tpu.memory_space<vmem>>, vector<1x16xf32>,
        %get3A_1836 = vector.shape_cast %get3A_1835 : vector<1x16xf32> to vector<16xf32>
        %gt3A = arith.constant 0.00999999977 : f32
        %gt3A_1837 = vector.broadcast %gt3A : f32 to vector<16xf32>
        %gt3A_1838 = arith.cmpf ogt, %get3A_1836, %gt3A_1837 : vector<16xf32>
        %jit3A_1839 = arith.constant 1.000000e+00 : f32
        %jit3A_1840 = arith.constant 0.000000e+00 : f32
        %broadcast_in_dim3A_1841 = vector.broadcast %jit3A_1839 : f32 to vector<16xf32>
        %broadcast_in_dim3A_1842 = vector.broadcast %jit3A_1840 : f32 to vector<16xf32>
        %select_n3A_1843 = arith.select %gt3A_1838, %broadcast_in_dim3A_1841, %broadcast_in_dim3A_1842 : vector<16xi1>, vector<16xf32>
        %add3A_1844 = arith.addf %scan3A_1826, %select_n3A_1843 : vector<16xf32>
        %get3A_1845 = arith.index_cast %scan3A_1804 : i32 to index
        %get3A_1846 = arith.index_cast %mul3A_1833 : i32 to index
        %get3A_1847 = tpu.vector_load %arg14[%get3A_1845, %get3A_1846] {strides = array<i32>} : memref<8x512xf32, #tpu.memory_space<vmem>>, vector<1x16xf32>,
        %get3A_1848 = vector.shape_cast %get3A_1847 : vector<1x16xf32> to vector<16xf32>
        %get3A_1849 = arith.index_cast %scan3A_1804 : i32 to index
        %get3A_1850 = arith.index_cast %mul3A_1833 : i32 to index
        %get3A_1851 = tpu.vector_load %arg17[%get3A_1849, %get3A_1850] {strides = array<i32>} : memref<8x512xf32, #tpu.memory_space<vmem>>, vector<1x16xf32>,
        %get3A_1852 = vector.shape_cast %get3A_1851 : vector<1x16xf32> to vector<16xf32>
        %sub3A_1853 = arith.subf %get3A_1848, %get3A_1852 : vector<16xf32>
        %abs3A = math.absf %sub3A_1853 : vector<16xf32>
        %jit3A_1854 = arith.constant 0.000000e+00 : f32
        %broadcast_in_dim3A_1855 = vector.broadcast %jit3A_1854 : f32 to vector<16xf32>
        %select_n3A_1856 = arith.select %gt3A_1838, %abs3A, %broadcast_in_dim3A_1855 : vector<16xi1>, vector<16xf32>
        %add3A_1857 = arith.addf %scan3A_1820, %select_n3A_1856 : vector<16xf32>
        %get3A_1858 = arith.index_cast %scan3A_1804 : i32 to index
        %get3A_1859 = arith.index_cast %mul3A_1833 : i32 to index
        %get3A_1860 = tpu.vector_load %arg15[%get3A_1858, %get3A_1859] {strides = array<i32>} : memref<8x512xf32, #tpu.memory_space<vmem>>, vector<1x16xf32>,
        %get3A_1861 = vector.shape_cast %get3A_1860 : vector<1x16xf32> to vector<16xf32>
        %get3A_1862 = arith.index_cast %scan3A_1804 : i32 to index
        %get3A_1863 = arith.index_cast %mul3A_1833 : i32 to index
        %get3A_1864 = tpu.vector_load %arg18[%get3A_1862, %get3A_1863] {strides = array<i32>} : memref<8x512xf32, #tpu.memory_space<vmem>>, vector<1x16xf32>,
        %get3A_1865 = vector.shape_cast %get3A_1864 : vector<1x16xf32> to vector<16xf32>
        %sub3A_1866 = arith.subf %get3A_1861, %get3A_1865 : vector<16xf32>
        %abs3A_1867 = math.absf %sub3A_1866 : vector<16xf32>
        %jit3A_1868 = arith.constant 0.000000e+00 : f32
        %broadcast_in_dim3A_1869 = vector.broadcast %jit3A_1868 : f32 to vector<16xf32>
        %select_n3A_1870 = arith.select %gt3A_1838, %abs3A_1867, %broadcast_in_dim3A_1869 : vector<16xi1>, vector<16xf32>
        %add3A_1871 = arith.addf %scan3A_1822, %select_n3A_1870 : vector<16xf32>
        %get3A_1872 = arith.index_cast %scan3A_1804 : i32 to index
        %get3A_1873 = arith.index_cast %mul3A_1833 : i32 to index
        %get3A_1874 = tpu.vector_load %arg16[%get3A_1872, %get3A_1873] {strides = array<i32>} : memref<8x512xf32, #tpu.memory_space<vmem>>, vector<1x16xf32>,
        %get3A_1875 = vector.shape_cast %get3A_1874 : vector<1x16xf32> to vector<16xf32>
        %get3A_1876 = arith.index_cast %scan3A_1804 : i32 to index
        %get3A_1877 = arith.index_cast %mul3A_1833 : i32 to index
        %get3A_1878 = tpu.vector_load %arg19[%get3A_1876, %get3A_1877] {strides = array<i32>} : memref<8x512xf32, #tpu.memory_space<vmem>>, vector<1x16xf32>,
        %get3A_1879 = vector.shape_cast %get3A_1878 : vector<1x16xf32> to vector<16xf32>
        %sub3A_1880 = arith.subf %get3A_1875, %get3A_1879 : vector<16xf32>
        %abs3A_1881 = math.absf %sub3A_1880 : vector<16xf32>
        %jit3A_1882 = arith.constant 0.000000e+00 : f32
        %broadcast_in_dim3A_1883 = vector.broadcast %jit3A_1882 : f32 to vector<16xf32>
        %select_n3A_1884 = arith.select %gt3A_1838, %abs3A_1881, %broadcast_in_dim3A_1883 : vector<16xi1>, vector<16xf32>
        %add3A_1885 = arith.addf %scan3A_1824, %select_n3A_1884 : vector<16xf32>
        %mul3A_1886 = arith.constant 4 : i32
        %mul3A_1887 = arith.muli %scan3A_1819, %mul3A_1886 : i32
        %add3A_1888 = arith.constant 1 : i32
        %add3A_1889 = arith.addi %mul3A_1887, %add3A_1888 : i32
        %mul3A_1890 = arith.constant 16 : i32
        %mul3A_1891 = arith.muli %add3A_1889, %mul3A_1890 : i32
        %get3A_1892 = arith.index_cast %scan3A_1804 : i32 to index
        %get3A_1893 = arith.index_cast %mul3A_1891 : i32 to index
        %get3A_1894 = tpu.vector_load %arg13[%get3A_1892, %get3A_1893] {strides = array<i32>} : memref<8x512xf32, #tpu.memory_space<vmem>>, vector<1x16xf32>,
        %get3A_1895 = vector.shape_cast %get3A_1894 : vector<1x16xf32> to vector<16xf32>
        %gt3A_1896 = arith.constant 0.00999999977 : f32
        %gt3A_1897 = vector.broadcast %gt3A_1896 : f32 to vector<16xf32>
        %gt3A_1898 = arith.cmpf ogt, %get3A_1895, %gt3A_1897 : vector<16xf32>
        %jit3A_1899 = arith.constant 1.000000e+00 : f32
        %jit3A_1900 = arith.constant 0.000000e+00 : f32
        %broadcast_in_dim3A_1901 = vector.broadcast %jit3A_1899 : f32 to vector<16xf32>
        %broadcast_in_dim3A_1902 = vector.broadcast %jit3A_1900 : f32 to vector<16xf32>
        %select_n3A_1903 = arith.select %gt3A_1898, %broadcast_in_dim3A_1901, %broadcast_in_dim3A_1902 : vector<16xi1>, vector<16xf32>
        %add3A_1904 = arith.addf %scan3A_1827, %select_n3A_1903 : vector<16xf32>
        %get3A_1905 = arith.index_cast %scan3A_1804 : i32 to index
        %get3A_1906 = arith.index_cast %mul3A_1891 : i32 to index
        %get3A_1907 = tpu.vector_load %arg14[%get3A_1905, %get3A_1906] {strides = array<i32>} : memref<8x512xf32, #tpu.memory_space<vmem>>, vector<1x16xf32>,
        %get3A_1908 = vector.shape_cast %get3A_1907 : vector<1x16xf32> to vector<16xf32>
        %get3A_1909 = arith.index_cast %scan3A_1804 : i32 to index
        %get3A_1910 = arith.index_cast %mul3A_1891 : i32 to index
        %get3A_1911 = tpu.vector_load %arg17[%get3A_1909, %get3A_1910] {strides = array<i32>} : memref<8x512xf32, #tpu.memory_space<vmem>>, vector<1x16xf32>,
        %get3A_1912 = vector.shape_cast %get3A_1911 : vector<1x16xf32> to vector<16xf32>
        %sub3A_1913 = arith.subf %get3A_1908, %get3A_1912 : vector<16xf32>
        %abs3A_1914 = math.absf %sub3A_1913 : vector<16xf32>
        %jit3A_1915 = arith.constant 0.000000e+00 : f32
        %broadcast_in_dim3A_1916 = vector.broadcast %jit3A_1915 : f32 to vector<16xf32>
        %select_n3A_1917 = arith.select %gt3A_1898, %abs3A_1914, %broadcast_in_dim3A_1916 : vector<16xi1>, vector<16xf32>
        %add3A_1918 = arith.addf %scan3A_1821, %select_n3A_1917 : vector<16xf32>
        %get3A_1919 = arith.index_cast %scan3A_1804 : i32 to index
        %get3A_1920 = arith.index_cast %mul3A_1891 : i32 to index
        %get3A_1921 = tpu.vector_load %arg15[%get3A_1919, %get3A_1920] {strides = array<i32>} : memref<8x512xf32, #tpu.memory_space<vmem>>, vector<1x16xf32>,
        %get3A_1922 = vector.shape_cast %get3A_1921 : vector<1x16xf32> to vector<16xf32>
        %get3A_1923 = arith.index_cast %scan3A_1804 : i32 to index
        %get3A_1924 = arith.index_cast %mul3A_1891 : i32 to index
        %get3A_1925 = tpu.vector_load %arg18[%get3A_1923, %get3A_1924] {strides = array<i32>} : memref<8x512xf32, #tpu.memory_space<vmem>>, vector<1x16xf32>,
        %get3A_1926 = vector.shape_cast %get3A_1925 : vector<1x16xf32> to vector<16xf32>
        %sub3A_1927 = arith.subf %get3A_1922, %get3A_1926 : vector<16xf32>
        %abs3A_1928 = math.absf %sub3A_1927 : vector<16xf32>
        %jit3A_1929 = arith.constant 0.000000e+00 : f32
        %broadcast_in_dim3A_1930 = vector.broadcast %jit3A_1929 : f32 to vector<16xf32>
        %select_n3A_1931 = arith.select %gt3A_1898, %abs3A_1928, %broadcast_in_dim3A_1930 : vector<16xi1>, vector<16xf32>
        %add3A_1932 = arith.addf %scan3A_1823, %select_n3A_1931 : vector<16xf32>
        %get3A_1933 = arith.index_cast %scan3A_1804 : i32 to index
        %get3A_1934 = arith.index_cast %mul3A_1891 : i32 to index
        %get3A_1935 = tpu.vector_load %arg16[%get3A_1933, %get3A_1934] {strides = array<i32>} : memref<8x512xf32, #tpu.memory_space<vmem>>, vector<1x16xf32>,
        %get3A_1936 = vector.shape_cast %get3A_1935 : vector<1x16xf32> to vector<16xf32>
        %get3A_1937 = arith.index_cast %scan3A_1804 : i32 to index
        %get3A_1938 = arith.index_cast %mul3A_1891 : i32 to index
        %get3A_1939 = tpu.vector_load %arg19[%get3A_1937, %get3A_1938] {strides = array<i32>} : memref<8x512xf32, #tpu.memory_space<vmem>>, vector<1x16xf32>,
        %get3A_1940 = vector.shape_cast %get3A_1939 : vector<1x16xf32> to vector<16xf32>
        %sub3A_1941 = arith.subf %get3A_1936, %get3A_1940 : vector<16xf32>
        %abs3A_1942 = math.absf %sub3A_1941 : vector<16xf32>
        %jit3A_1943 = arith.constant 0.000000e+00 : f32
        %broadcast_in_dim3A_1944 = vector.broadcast %jit3A_1943 : f32 to vector<16xf32>
        %select_n3A_1945 = arith.select %gt3A_1898, %abs3A_1942, %broadcast_in_dim3A_1944 : vector<16xi1>, vector<16xf32>
        %add3A_1946 = arith.addf %scan3A_1825, %select_n3A_1945 : vector<16xf32>
        %mul3A_1947 = arith.constant 4 : i32
        %mul3A_1948 = arith.muli %scan3A_1819, %mul3A_1947 : i32
        %add3A_1949 = arith.constant 2 : i32
        %add3A_1950 = arith.addi %mul3A_1948, %add3A_1949 : i32
        %mul3A_1951 = arith.constant 16 : i32
        %mul3A_1952 = arith.muli %add3A_1950, %mul3A_1951 : i32
        %get3A_1953 = arith.index_cast %scan3A_1804 : i32 to index
        %get3A_1954 = arith.index_cast %mul3A_1952 : i32 to index
        %get3A_1955 = tpu.vector_load %arg13[%get3A_1953, %get3A_1954] {strides = array<i32>} : memref<8x512xf32, #tpu.memory_space<vmem>>, vector<1x16xf32>,
        %get3A_1956 = vector.shape_cast %get3A_1955 : vector<1x16xf32> to vector<16xf32>
        %gt3A_1957 = arith.constant 0.00999999977 : f32
        %gt3A_1958 = vector.broadcast %gt3A_1957 : f32 to vector<16xf32>
        %gt3A_1959 = arith.cmpf ogt, %get3A_1956, %gt3A_1958 : vector<16xf32>
        %jit3A_1960 = arith.constant 1.000000e+00 : f32
        %jit3A_1961 = arith.constant 0.000000e+00 : f32
        %broadcast_in_dim3A_1962 = vector.broadcast %jit3A_1960 : f32 to vector<16xf32>
        %broadcast_in_dim3A_1963 = vector.broadcast %jit3A_1961 : f32 to vector<16xf32>
        %select_n3A_1964 = arith.select %gt3A_1959, %broadcast_in_dim3A_1962, %broadcast_in_dim3A_1963 : vector<16xi1>, vector<16xf32>
        %add3A_1965 = arith.addf %add3A_1844, %select_n3A_1964 : vector<16xf32>
        %get3A_1966 = arith.index_cast %scan3A_1804 : i32 to index
        %get3A_1967 = arith.index_cast %mul3A_1952 : i32 to index
        %get3A_1968 = tpu.vector_load %arg14[%get3A_1966, %get3A_1967] {strides = array<i32>} : memref<8x512xf32, #tpu.memory_space<vmem>>, vector<1x16xf32>,
        %get3A_1969 = vector.shape_cast %get3A_1968 : vector<1x16xf32> to vector<16xf32>
        %get3A_1970 = arith.index_cast %scan3A_1804 : i32 to index
        %get3A_1971 = arith.index_cast %mul3A_1952 : i32 to index
        %get3A_1972 = tpu.vector_load %arg17[%get3A_1970, %get3A_1971] {strides = array<i32>} : memref<8x512xf32, #tpu.memory_space<vmem>>, vector<1x16xf32>,
        %get3A_1973 = vector.shape_cast %get3A_1972 : vector<1x16xf32> to vector<16xf32>
        %sub3A_1974 = arith.subf %get3A_1969, %get3A_1973 : vector<16xf32>
        %abs3A_1975 = math.absf %sub3A_1974 : vector<16xf32>
        %jit3A_1976 = arith.constant 0.000000e+00 : f32
        %broadcast_in_dim3A_1977 = vector.broadcast %jit3A_1976 : f32 to vector<16xf32>
        %select_n3A_1978 = arith.select %gt3A_1959, %abs3A_1975, %broadcast_in_dim3A_1977 : vector<16xi1>, vector<16xf32>
        %add3A_1979 = arith.addf %add3A_1857, %select_n3A_1978 : vector<16xf32>
        %get3A_1980 = arith.index_cast %scan3A_1804 : i32 to index
        %get3A_1981 = arith.index_cast %mul3A_1952 : i32 to index
        %get3A_1982 = tpu.vector_load %arg15[%get3A_1980, %get3A_1981] {strides = array<i32>} : memref<8x512xf32, #tpu.memory_space<vmem>>, vector<1x16xf32>,
        %get3A_1983 = vector.shape_cast %get3A_1982 : vector<1x16xf32> to vector<16xf32>
        %get3A_1984 = arith.index_cast %scan3A_1804 : i32 to index
        %get3A_1985 = arith.index_cast %mul3A_1952 : i32 to index
        %get3A_1986 = tpu.vector_load %arg18[%get3A_1984, %get3A_1985] {strides = array<i32>} : memref<8x512xf32, #tpu.memory_space<vmem>>, vector<1x16xf32>,
        %get3A_1987 = vector.shape_cast %get3A_1986 : vector<1x16xf32> to vector<16xf32>
        %sub3A_1988 = arith.subf %get3A_1983, %get3A_1987 : vector<16xf32>
        %abs3A_1989 = math.absf %sub3A_1988 : vector<16xf32>
        %jit3A_1990 = arith.constant 0.000000e+00 : f32
        %broadcast_in_dim3A_1991 = vector.broadcast %jit3A_1990 : f32 to vector<16xf32>
        %select_n3A_1992 = arith.select %gt3A_1959, %abs3A_1989, %broadcast_in_dim3A_1991 : vector<16xi1>, vector<16xf32>
        %add3A_1993 = arith.addf %add3A_1871, %select_n3A_1992 : vector<16xf32>
        %get3A_1994 = arith.index_cast %scan3A_1804 : i32 to index
        %get3A_1995 = arith.index_cast %mul3A_1952 : i32 to index
        %get3A_1996 = tpu.vector_load %arg16[%get3A_1994, %get3A_1995] {strides = array<i32>} : memref<8x512xf32, #tpu.memory_space<vmem>>, vector<1x16xf32>,
        %get3A_1997 = vector.shape_cast %get3A_1996 : vector<1x16xf32> to vector<16xf32>
        %get3A_1998 = arith.index_cast %scan3A_1804 : i32 to index
        %get3A_1999 = arith.index_cast %mul3A_1952 : i32 to index
        %get3A_2000 = tpu.vector_load %arg19[%get3A_1998, %get3A_1999] {strides = array<i32>} : memref<8x512xf32, #tpu.memory_space<vmem>>, vector<1x16xf32>,
        %get3A_2001 = vector.shape_cast %get3A_2000 : vector<1x16xf32> to vector<16xf32>
        %sub3A_2002 = arith.subf %get3A_1997, %get3A_2001 : vector<16xf32>
        %abs3A_2003 = math.absf %sub3A_2002 : vector<16xf32>
        %jit3A_2004 = arith.constant 0.000000e+00 : f32
        %broadcast_in_dim3A_2005 = vector.broadcast %jit3A_2004 : f32 to vector<16xf32>
        %select_n3A_2006 = arith.select %gt3A_1959, %abs3A_2003, %broadcast_in_dim3A_2005 : vector<16xi1>, vector<16xf32>
        %add3A_2007 = arith.addf %add3A_1885, %select_n3A_2006 : vector<16xf32>
        %mul3A_2008 = arith.constant 4 : i32
        %mul3A_2009 = arith.muli %scan3A_1819, %mul3A_2008 : i32
        %add3A_2010 = arith.constant 3 : i32
        %add3A_2011 = arith.addi %mul3A_2009, %add3A_2010 : i32
        %mul3A_2012 = arith.constant 16 : i32
        %mul3A_2013 = arith.muli %add3A_2011, %mul3A_2012 : i32
        %get3A_2014 = arith.index_cast %scan3A_1804 : i32 to index
        %get3A_2015 = arith.index_cast %mul3A_2013 : i32 to index
        %get3A_2016 = tpu.vector_load %arg13[%get3A_2014, %get3A_2015] {strides = array<i32>} : memref<8x512xf32, #tpu.memory_space<vmem>>, vector<1x16xf32>,
        %get3A_2017 = vector.shape_cast %get3A_2016 : vector<1x16xf32> to vector<16xf32>
        %gt3A_2018 = arith.constant 0.00999999977 : f32
        %gt3A_2019 = vector.broadcast %gt3A_2018 : f32 to vector<16xf32>
        %gt3A_2020 = arith.cmpf ogt, %get3A_2017, %gt3A_2019 : vector<16xf32>
        %jit3A_2021 = arith.constant 1.000000e+00 : f32
        %jit3A_2022 = arith.constant 0.000000e+00 : f32
        %broadcast_in_dim3A_2023 = vector.broadcast %jit3A_2021 : f32 to vector<16xf32>
        %broadcast_in_dim3A_2024 = vector.broadcast %jit3A_2022 : f32 to vector<16xf32>
        %select_n3A_2025 = arith.select %gt3A_2020, %broadcast_in_dim3A_2023, %broadcast_in_dim3A_2024 : vector<16xi1>, vector<16xf32>
        %add3A_2026 = arith.addf %add3A_1904, %select_n3A_2025 : vector<16xf32>
        %get3A_2027 = arith.index_cast %scan3A_1804 : i32 to index
        %get3A_2028 = arith.index_cast %mul3A_2013 : i32 to index
        %get3A_2029 = tpu.vector_load %arg14[%get3A_2027, %get3A_2028] {strides = array<i32>} : memref<8x512xf32, #tpu.memory_space<vmem>>, vector<1x16xf32>,
        %get3A_2030 = vector.shape_cast %get3A_2029 : vector<1x16xf32> to vector<16xf32>
        %get3A_2031 = arith.index_cast %scan3A_1804 : i32 to index
        %get3A_2032 = arith.index_cast %mul3A_2013 : i32 to index
        %get3A_2033 = tpu.vector_load %arg17[%get3A_2031, %get3A_2032] {strides = array<i32>} : memref<8x512xf32, #tpu.memory_space<vmem>>, vector<1x16xf32>,
        %get3A_2034 = vector.shape_cast %get3A_2033 : vector<1x16xf32> to vector<16xf32>
        %sub3A_2035 = arith.subf %get3A_2030, %get3A_2034 : vector<16xf32>
        %abs3A_2036 = math.absf %sub3A_2035 : vector<16xf32>
        %jit3A_2037 = arith.constant 0.000000e+00 : f32
        %broadcast_in_dim3A_2038 = vector.broadcast %jit3A_2037 : f32 to vector<16xf32>
        %select_n3A_2039 = arith.select %gt3A_2020, %abs3A_2036, %broadcast_in_dim3A_2038 : vector<16xi1>, vector<16xf32>
        %add3A_2040 = arith.addf %add3A_1918, %select_n3A_2039 : vector<16xf32>
        %get3A_2041 = arith.index_cast %scan3A_1804 : i32 to index
        %get3A_2042 = arith.index_cast %mul3A_2013 : i32 to index
        %get3A_2043 = tpu.vector_load %arg15[%get3A_2041, %get3A_2042] {strides = array<i32>} : memref<8x512xf32, #tpu.memory_space<vmem>>, vector<1x16xf32>,
        %get3A_2044 = vector.shape_cast %get3A_2043 : vector<1x16xf32> to vector<16xf32>
        %get3A_2045 = arith.index_cast %scan3A_1804 : i32 to index
        %get3A_2046 = arith.index_cast %mul3A_2013 : i32 to index
        %get3A_2047 = tpu.vector_load %arg18[%get3A_2045, %get3A_2046] {strides = array<i32>} : memref<8x512xf32, #tpu.memory_space<vmem>>, vector<1x16xf32>,
        %get3A_2048 = vector.shape_cast %get3A_2047 : vector<1x16xf32> to vector<16xf32>
        %sub3A_2049 = arith.subf %get3A_2044, %get3A_2048 : vector<16xf32>
        %abs3A_2050 = math.absf %sub3A_2049 : vector<16xf32>
        %jit3A_2051 = arith.constant 0.000000e+00 : f32
        %broadcast_in_dim3A_2052 = vector.broadcast %jit3A_2051 : f32 to vector<16xf32>
        %select_n3A_2053 = arith.select %gt3A_2020, %abs3A_2050, %broadcast_in_dim3A_2052 : vector<16xi1>, vector<16xf32>
        %add3A_2054 = arith.addf %add3A_1932, %select_n3A_2053 : vector<16xf32>
        %get3A_2055 = arith.index_cast %scan3A_1804 : i32 to index
        %get3A_2056 = arith.index_cast %mul3A_2013 : i32 to index
        %get3A_2057 = tpu.vector_load %arg16[%get3A_2055, %get3A_2056] {strides = array<i32>} : memref<8x512xf32, #tpu.memory_space<vmem>>, vector<1x16xf32>,
        %get3A_2058 = vector.shape_cast %get3A_2057 : vector<1x16xf32> to vector<16xf32>
        %get3A_2059 = arith.index_cast %scan3A_1804 : i32 to index
        %get3A_2060 = arith.index_cast %mul3A_2013 : i32 to index
        %get3A_2061 = tpu.vector_load %arg19[%get3A_2059, %get3A_2060] {strides = array<i32>} : memref<8x512xf32, #tpu.memory_space<vmem>>, vector<1x16xf32>,
        %get3A_2062 = vector.shape_cast %get3A_2061 : vector<1x16xf32> to vector<16xf32>
        %sub3A_2063 = arith.subf %get3A_2058, %get3A_2062 : vector<16xf32>
        %abs3A_2064 = math.absf %sub3A_2063 : vector<16xf32>
        %jit3A_2065 = arith.constant 0.000000e+00 : f32
        %broadcast_in_dim3A_2066 = vector.broadcast %jit3A_2065 : f32 to vector<16xf32>
        %select_n3A_2067 = arith.select %gt3A_2020, %abs3A_2064, %broadcast_in_dim3A_2066 : vector<16xi1>, vector<16xf32>
        %add3A_2068 = arith.addf %add3A_1946, %select_n3A_2067 : vector<16xf32>
        scf.yield %add3A_1979, %add3A_2040, %add3A_1993, %add3A_2054, %add3A_2007, %add3A_2068, %add3A_1965, %add3A_2026 : vector<16xf32>, vector<16xf32>, vector<16xf32>, vector<16xf32>, vector<16xf32>, vector<16xf32>, vector<16xf32>, vector<16xf32>
      }
      %scan3A_1818 = arith.constant 8 : i32
      scf.yield %scan3A_1817#0, %scan3A_1817#1, %scan3A_1817#2, %scan3A_1817#3, %scan3A_1817#4, %scan3A_1817#5, %scan3A_1817#6, %scan3A_1817#7 : vector<16xf32>, vector<16xf32>, vector<16xf32>, vector<16xf32>, vector<16xf32>, vector<16xf32>, vector<16xf32>, vector<16xf32>
    }
    %scan3A_1012 = arith.constant 8 : i32
    %dma_wait3A_1013 = arith.constant 0 : i32
    %dma_wait3A_1014 = tpu.memref_slice %arg4[%multiple_of3A_440, %dma_wait3A_1013] : memref<8192x512xf32, #tpu.memory_space<hbm>> -> memref<8x512xf32, #tpu.memory_space<hbm>>
    %dma_wait3A_1015 = arith.constant 0 : i32
    %dma_wait3A_1016 = tpu.memref_slice %arg4[%multiple_of3A_440, %dma_wait3A_1015] : memref<8192x512xf32, #tpu.memory_space<hbm>> -> memref<8x512xf32, #tpu.memory_space<hbm>>
    tpu.wait_dma2 semaphore(%arg38 : memref<!tpu.dma_semaphore, #tpu.memory_space<semaphore_mem>>) src(%dma_wait3A_1016 : memref<8x512xf32, #tpu.memory_space<hbm>>) dst(%arg20 : memref<8x512xf32, #tpu.memory_space<vmem>>)
    %dma_wait3A_1017 = arith.constant 0 : i32
    %dma_wait3A_1018 = tpu.memref_slice %arg2[%multiple_of3A_476, %dma_wait3A_1017] : memref<24576x512xf32, #tpu.memory_space<hbm>> -> memref<8x512xf32, #tpu.memory_space<hbm>>
    %dma_wait3A_1019 = arith.constant 0 : i32
    %dma_wait3A_1020 = tpu.memref_slice %arg2[%multiple_of3A_476, %dma_wait3A_1019] : memref<24576x512xf32, #tpu.memory_space<hbm>> -> memref<8x512xf32, #tpu.memory_space<hbm>>
    tpu.wait_dma2 semaphore(%arg38 : memref<!tpu.dma_semaphore, #tpu.memory_space<semaphore_mem>>) src(%dma_wait3A_1020 : memref<8x512xf32, #tpu.memory_space<hbm>>) dst(%arg21 : memref<8x512xf32, #tpu.memory_space<vmem>>)
    %dma_wait3A_1021 = arith.constant 0 : i32
    %dma_wait3A_1022 = tpu.memref_slice %arg3[%multiple_of3A_476, %dma_wait3A_1021] : memref<24576x512xf32, #tpu.memory_space<hbm>> -> memref<8x512xf32, #tpu.memory_space<hbm>>
    %dma_wait3A_1023 = arith.constant 0 : i32
    %dma_wait3A_1024 = tpu.memref_slice %arg3[%multiple_of3A_476, %dma_wait3A_1023] : memref<24576x512xf32, #tpu.memory_space<hbm>> -> memref<8x512xf32, #tpu.memory_space<hbm>>
    tpu.wait_dma2 semaphore(%arg38 : memref<!tpu.dma_semaphore, #tpu.memory_space<semaphore_mem>>) src(%dma_wait3A_1024 : memref<8x512xf32, #tpu.memory_space<hbm>>) dst(%arg24 : memref<8x512xf32, #tpu.memory_space<vmem>>)
    %dma_wait3A_1025 = arith.constant 0 : i32
    %dma_wait3A_1026 = tpu.memref_slice %arg2[%multiple_of3A_516, %dma_wait3A_1025] : memref<24576x512xf32, #tpu.memory_space<hbm>> -> memref<8x512xf32, #tpu.memory_space<hbm>>
    %dma_wait3A_1027 = arith.constant 0 : i32
    %dma_wait3A_1028 = tpu.memref_slice %arg2[%multiple_of3A_516, %dma_wait3A_1027] : memref<24576x512xf32, #tpu.memory_space<hbm>> -> memref<8x512xf32, #tpu.memory_space<hbm>>
    tpu.wait_dma2 semaphore(%arg38 : memref<!tpu.dma_semaphore, #tpu.memory_space<semaphore_mem>>) src(%dma_wait3A_1028 : memref<8x512xf32, #tpu.memory_space<hbm>>) dst(%arg22 : memref<8x512xf32, #tpu.memory_space<vmem>>)
    %dma_wait3A_1029 = arith.constant 0 : i32
    %dma_wait3A_1030 = tpu.memref_slice %arg3[%multiple_of3A_516, %dma_wait3A_1029] : memref<24576x512xf32, #tpu.memory_space<hbm>> -> memref<8x512xf32, #tpu.memory_space<hbm>>
    %dma_wait3A_1031 = arith.constant 0 : i32
    %dma_wait3A_1032 = tpu.memref_slice %arg3[%multiple_of3A_516, %dma_wait3A_1031] : memref<24576x512xf32, #tpu.memory_space<hbm>> -> memref<8x512xf32, #tpu.memory_space<hbm>>
    tpu.wait_dma2 semaphore(%arg38 : memref<!tpu.dma_semaphore, #tpu.memory_space<semaphore_mem>>) src(%dma_wait3A_1032 : memref<8x512xf32, #tpu.memory_space<hbm>>) dst(%arg25 : memref<8x512xf32, #tpu.memory_space<vmem>>)
    %dma_wait3A_1033 = arith.constant 0 : i32
    %dma_wait3A_1034 = tpu.memref_slice %arg2[%multiple_of3A_556, %dma_wait3A_1033] : memref<24576x512xf32, #tpu.memory_space<hbm>> -> memref<8x512xf32, #tpu.memory_space<hbm>>
    %dma_wait3A_1035 = arith.constant 0 : i32
    %dma_wait3A_1036 = tpu.memref_slice %arg2[%multiple_of3A_556, %dma_wait3A_1035] : memref<24576x512xf32, #tpu.memory_space<hbm>> -> memref<8x512xf32, #tpu.memory_space<hbm>>
    tpu.wait_dma2 semaphore(%arg38 : memref<!tpu.dma_semaphore, #tpu.memory_space<semaphore_mem>>) src(%dma_wait3A_1036 : memref<8x512xf32, #tpu.memory_space<hbm>>) dst(%arg23 : memref<8x512xf32, #tpu.memory_space<vmem>>)
    %dma_wait3A_1037 = arith.constant 0 : i32
    %dma_wait3A_1038 = tpu.memref_slice %arg3[%multiple_of3A_556, %dma_wait3A_1037] : memref<24576x512xf32, #tpu.memory_space<hbm>> -> memref<8x512xf32, #tpu.memory_space<hbm>>
    %dma_wait3A_1039 = arith.constant 0 : i32
    %dma_wait3A_1040 = tpu.memref_slice %arg3[%multiple_of3A_556, %dma_wait3A_1039] : memref<24576x512xf32, #tpu.memory_space<hbm>> -> memref<8x512xf32, #tpu.memory_space<hbm>>
    tpu.wait_dma2 semaphore(%arg38 : memref<!tpu.dma_semaphore, #tpu.memory_space<semaphore_mem>>) src(%dma_wait3A_1040 : memref<8x512xf32, #tpu.memory_space<hbm>>) dst(%arg26 : memref<8x512xf32, #tpu.memory_space<vmem>>)
    %add3A_1041 = arith.constant 20480 : i32
    %add3A_1042 = arith.addi %mul3A_2, %add3A_1041 : i32
    %jit3A_1043 = arith.constant 262144 : i32
    %div3A_1044 = arith.divsi %add3A_1042, %jit3A_1043 : i32
    %sign3A_1045 = arith.constant 0 : i32
    %sign3A_1046 = arith.cmpi sgt, %add3A_1042, %sign3A_1045 : i32
    %sign3A_1047 = arith.extui %sign3A_1046 : i1 to i32
    %sign3A_1048 = arith.constant 0 : i32
    %sign3A_1049 = arith.cmpi slt, %add3A_1042, %sign3A_1048 : i32
    %sign3A_1050 = arith.extui %sign3A_1049 : i1 to i32
    %sign3A_1051 = arith.subi %sign3A_1047, %sign3A_1050 : i32
    %sign3A_1052 = arith.constant 0 : i32
    %sign3A_1053 = arith.cmpi sgt, %jit3A_1043, %sign3A_1052 : i32
    %sign3A_1054 = arith.extui %sign3A_1053 : i1 to i32
    %sign3A_1055 = arith.constant 0 : i32
    %sign3A_1056 = arith.cmpi slt, %jit3A_1043, %sign3A_1055 : i32
    %sign3A_1057 = arith.extui %sign3A_1056 : i1 to i32
    %sign3A_1058 = arith.subi %sign3A_1054, %sign3A_1057 : i32
    %ne3A_1059 = arith.cmpi ne, %sign3A_1051, %sign3A_1058 : i32
    %rem3A_1060 = arith.remsi %add3A_1042, %jit3A_1043 : i32
    %ne3A_1061 = arith.constant 0 : i32
    %ne3A_1062 = arith.cmpi ne, %rem3A_1060, %ne3A_1061 : i32
    %and3A_1063 = arith.andi %ne3A_1059, %ne3A_1062 : i1
    %sub3A_1064 = arith.constant 1 : i32
    %sub3A_1065 = arith.subi %div3A_1044, %sub3A_1064 : i32
    %select_n3A_1066 = arith.select %and3A_1063, %sub3A_1065, %div3A_1044 : i32
    %jit3A_1067 = arith.constant 262144 : i32
    %eq3A_1068 = arith.constant 0 : i32
    %eq3A_1069 = arith.cmpi eq, %jit3A_1067, %eq3A_1068 : i32
    %jit3A_1070 = arith.constant 1 : i32
    %select_n3A_1071 = arith.select %eq3A_1069, %jit3A_1070, %jit3A_1067 : i32
    %rem3A_1072 = arith.remsi %add3A_1042, %select_n3A_1071 : i32
    %ne3A_1073 = arith.constant 0 : i32
    %ne3A_1074 = arith.cmpi ne, %rem3A_1072, %ne3A_1073 : i32
    %lt3A_1075 = arith.constant 0 : i32
    %lt3A_1076 = arith.cmpi slt, %rem3A_1072, %lt3A_1075 : i32
    %lt3A_1077 = arith.constant 0 : i32
    %lt3A_1078 = arith.cmpi slt, %select_n3A_1071, %lt3A_1077 : i32
    %ne3A_1079 = arith.xori %lt3A_1076, %lt3A_1078 : i1
    %and3A_1080 = arith.andi %ne3A_1079, %ne3A_1074 : i1
    %add3A_1081 = arith.addi %rem3A_1072, %select_n3A_1071 : i32
    %select_n3A_1082 = arith.select %and3A_1080, %add3A_1081, %rem3A_1072 : i32
    %jit3A_1083 = arith.constant 512 : i32
    %div3A_1084 = arith.divsi %add3A_1042, %jit3A_1083 : i32
    %sign3A_1085 = arith.constant 0 : i32
    %sign3A_1086 = arith.cmpi sgt, %add3A_1042, %sign3A_1085 : i32
    %sign3A_1087 = arith.extui %sign3A_1086 : i1 to i32
    %sign3A_1088 = arith.constant 0 : i32
    %sign3A_1089 = arith.cmpi slt, %add3A_1042, %sign3A_1088 : i32
    %sign3A_1090 = arith.extui %sign3A_1089 : i1 to i32
    %sign3A_1091 = arith.subi %sign3A_1087, %sign3A_1090 : i32
    %sign3A_1092 = arith.constant 0 : i32
    %sign3A_1093 = arith.cmpi sgt, %jit3A_1083, %sign3A_1092 : i32
    %sign3A_1094 = arith.extui %sign3A_1093 : i1 to i32
    %sign3A_1095 = arith.constant 0 : i32
    %sign3A_1096 = arith.cmpi slt, %jit3A_1083, %sign3A_1095 : i32
    %sign3A_1097 = arith.extui %sign3A_1096 : i1 to i32
    %sign3A_1098 = arith.subi %sign3A_1094, %sign3A_1097 : i32
    %ne3A_1099 = arith.cmpi ne, %sign3A_1091, %sign3A_1098 : i32
    %rem3A_1100 = arith.remsi %add3A_1042, %jit3A_1083 : i32
    %ne3A_1101 = arith.constant 0 : i32
    %ne3A_1102 = arith.cmpi ne, %rem3A_1100, %ne3A_1101 : i32
    %and3A_1103 = arith.andi %ne3A_1099, %ne3A_1102 : i1
    %sub3A_1104 = arith.constant 1 : i32
    %sub3A_1105 = arith.subi %div3A_1084, %sub3A_1104 : i32
    %select_n3A_1106 = arith.select %and3A_1103, %sub3A_1105, %div3A_1084 : i32
    %multiple_of3A_1107 = tpu.assume_multiple %select_n3A_1106, 8 : i32
    %dma_start3A_1108 = arith.constant 0 : i32
    %dma_start3A_1109 = tpu.memref_slice %arg4[%multiple_of3A_1107, %dma_start3A_1108] : memref<8192x512xf32, #tpu.memory_space<hbm>> -> memref<8x512xf32, #tpu.memory_space<hbm>>
    %dma_start3A_1110 = arith.constant 0 : i32
    %dma_start3A_1111 = tpu.memref_slice %arg4[%multiple_of3A_1107, %dma_start3A_1110] : memref<8192x512xf32, #tpu.memory_space<hbm>> -> memref<8x512xf32, #tpu.memory_space<hbm>>
    tpu.enqueue_dma source(%dma_start3A_1111 : memref<8x512xf32, #tpu.memory_space<hbm>>) target(%arg13 : memref<8x512xf32, #tpu.memory_space<vmem>>) target_semaphore(%arg37 : memref<!tpu.dma_semaphore, #tpu.memory_space<semaphore_mem>>)
    %mul3A_1112 = arith.constant 3 : i32
    %mul3A_1113 = arith.muli %select_n3A_1066, %mul3A_1112 : i32
    %add3A_1114 = arith.constant 0 : i32
    %add3A_1115 = arith.addi %mul3A_1113, %add3A_1114 : i32
    %mul3A_1116 = arith.constant 262144 : i32
    %mul3A_1117 = arith.muli %add3A_1115, %mul3A_1116 : i32
    %add3A_1118 = arith.addi %mul3A_1117, %select_n3A_1082 : i32
    %jit3A_1119 = arith.constant 512 : i32
    %div3A_1120 = arith.divsi %add3A_1118, %jit3A_1119 : i32
    %sign3A_1121 = arith.constant 0 : i32
    %sign3A_1122 = arith.cmpi sgt, %add3A_1118, %sign3A_1121 : i32
    %sign3A_1123 = arith.extui %sign3A_1122 : i1 to i32
    %sign3A_1124 = arith.constant 0 : i32
    %sign3A_1125 = arith.cmpi slt, %add3A_1118, %sign3A_1124 : i32
    %sign3A_1126 = arith.extui %sign3A_1125 : i1 to i32
    %sign3A_1127 = arith.subi %sign3A_1123, %sign3A_1126 : i32
    %sign3A_1128 = arith.constant 0 : i32
    %sign3A_1129 = arith.cmpi sgt, %jit3A_1119, %sign3A_1128 : i32
    %sign3A_1130 = arith.extui %sign3A_1129 : i1 to i32
    %sign3A_1131 = arith.constant 0 : i32
    %sign3A_1132 = arith.cmpi slt, %jit3A_1119, %sign3A_1131 : i32
    %sign3A_1133 = arith.extui %sign3A_1132 : i1 to i32
    %sign3A_1134 = arith.subi %sign3A_1130, %sign3A_1133 : i32
    %ne3A_1135 = arith.cmpi ne, %sign3A_1127, %sign3A_1134 : i32
    %rem3A_1136 = arith.remsi %add3A_1118, %jit3A_1119 : i32
    %ne3A_1137 = arith.constant 0 : i32
    %ne3A_1138 = arith.cmpi ne, %rem3A_1136, %ne3A_1137 : i32
    %and3A_1139 = arith.andi %ne3A_1135, %ne3A_1138 : i1
    %sub3A_1140 = arith.constant 1 : i32
    %sub3A_1141 = arith.subi %div3A_1120, %sub3A_1140 : i32
    %select_n3A_1142 = arith.select %and3A_1139, %sub3A_1141, %div3A_1120 : i32
    %multiple_of3A_1143 = tpu.assume_multiple %select_n3A_1142, 8 : i32
    %dma_start3A_1144 = arith.constant 0 : i32
    %dma_start3A_1145 = tpu.memref_slice %arg2[%multiple_of3A_1143, %dma_start3A_1144] : memref<24576x512xf32, #tpu.memory_space<hbm>> -> memref<8x512xf32, #tpu.memory_space<hbm>>
    %dma_start3A_1146 = arith.constant 0 : i32
    %dma_start3A_1147 = tpu.memref_slice %arg2[%multiple_of3A_1143, %dma_start3A_1146] : memref<24576x512xf32, #tpu.memory_space<hbm>> -> memref<8x512xf32, #tpu.memory_space<hbm>>
    tpu.enqueue_dma source(%dma_start3A_1147 : memref<8x512xf32, #tpu.memory_space<hbm>>) target(%arg14 : memref<8x512xf32, #tpu.memory_space<vmem>>) target_semaphore(%arg37 : memref<!tpu.dma_semaphore, #tpu.memory_space<semaphore_mem>>)
    %dma_start3A_1148 = arith.constant 0 : i32
    %dma_start3A_1149 = tpu.memref_slice %arg3[%multiple_of3A_1143, %dma_start3A_1148] : memref<24576x512xf32, #tpu.memory_space<hbm>> -> memref<8x512xf32, #tpu.memory_space<hbm>>
    %dma_start3A_1150 = arith.constant 0 : i32
    %dma_start3A_1151 = tpu.memref_slice %arg3[%multiple_of3A_1143, %dma_start3A_1150] : memref<24576x512xf32, #tpu.memory_space<hbm>> -> memref<8x512xf32, #tpu.memory_space<hbm>>
    tpu.enqueue_dma source(%dma_start3A_1151 : memref<8x512xf32, #tpu.memory_space<hbm>>) target(%arg17 : memref<8x512xf32, #tpu.memory_space<vmem>>) target_semaphore(%arg37 : memref<!tpu.dma_semaphore, #tpu.memory_space<semaphore_mem>>)
    %mul3A_1152 = arith.constant 3 : i32
    %mul3A_1153 = arith.muli %select_n3A_1066, %mul3A_1152 : i32
    %add3A_1154 = arith.constant 1 : i32
    %add3A_1155 = arith.addi %mul3A_1153, %add3A_1154 : i32
    %mul3A_1156 = arith.constant 262144 : i32
    %mul3A_1157 = arith.muli %add3A_1155, %mul3A_1156 : i32
    %add3A_1158 = arith.addi %mul3A_1157, %select_n3A_1082 : i32
    %jit3A_1159 = arith.constant 512 : i32
    %div3A_1160 = arith.divsi %add3A_1158, %jit3A_1159 : i32
    %sign3A_1161 = arith.constant 0 : i32
    %sign3A_1162 = arith.cmpi sgt, %add3A_1158, %sign3A_1161 : i32
    %sign3A_1163 = arith.extui %sign3A_1162 : i1 to i32
    %sign3A_1164 = arith.constant 0 : i32
    %sign3A_1165 = arith.cmpi slt, %add3A_1158, %sign3A_1164 : i32
    %sign3A_1166 = arith.extui %sign3A_1165 : i1 to i32
    %sign3A_1167 = arith.subi %sign3A_1163, %sign3A_1166 : i32
    %sign3A_1168 = arith.constant 0 : i32
    %sign3A_1169 = arith.cmpi sgt, %jit3A_1159, %sign3A_1168 : i32
    %sign3A_1170 = arith.extui %sign3A_1169 : i1 to i32
    %sign3A_1171 = arith.constant 0 : i32
    %sign3A_1172 = arith.cmpi slt, %jit3A_1159, %sign3A_1171 : i32
    %sign3A_1173 = arith.extui %sign3A_1172 : i1 to i32
    %sign3A_1174 = arith.subi %sign3A_1170, %sign3A_1173 : i32
    %ne3A_1175 = arith.cmpi ne, %sign3A_1167, %sign3A_1174 : i32
    %rem3A_1176 = arith.remsi %add3A_1158, %jit3A_1159 : i32
    %ne3A_1177 = arith.constant 0 : i32
    %ne3A_1178 = arith.cmpi ne, %rem3A_1176, %ne3A_1177 : i32
    %and3A_1179 = arith.andi %ne3A_1175, %ne3A_1178 : i1
    %sub3A_1180 = arith.constant 1 : i32
    %sub3A_1181 = arith.subi %div3A_1160, %sub3A_1180 : i32
    %select_n3A_1182 = arith.select %and3A_1179, %sub3A_1181, %div3A_1160 : i32
    %multiple_of3A_1183 = tpu.assume_multiple %select_n3A_1182, 8 : i32
    %dma_start3A_1184 = arith.constant 0 : i32
    %dma_start3A_1185 = tpu.memref_slice %arg2[%multiple_of3A_1183, %dma_start3A_1184] : memref<24576x512xf32, #tpu.memory_space<hbm>> -> memref<8x512xf32, #tpu.memory_space<hbm>>
    %dma_start3A_1186 = arith.constant 0 : i32
    %dma_start3A_1187 = tpu.memref_slice %arg2[%multiple_of3A_1183, %dma_start3A_1186] : memref<24576x512xf32, #tpu.memory_space<hbm>> -> memref<8x512xf32, #tpu.memory_space<hbm>>
    tpu.enqueue_dma source(%dma_start3A_1187 : memref<8x512xf32, #tpu.memory_space<hbm>>) target(%arg15 : memref<8x512xf32, #tpu.memory_space<vmem>>) target_semaphore(%arg37 : memref<!tpu.dma_semaphore, #tpu.memory_space<semaphore_mem>>)
    %dma_start3A_1188 = arith.constant 0 : i32
    %dma_start3A_1189 = tpu.memref_slice %arg3[%multiple_of3A_1183, %dma_start3A_1188] : memref<24576x512xf32, #tpu.memory_space<hbm>> -> memref<8x512xf32, #tpu.memory_space<hbm>>
    %dma_start3A_1190 = arith.constant 0 : i32
    %dma_start3A_1191 = tpu.memref_slice %arg3[%multiple_of3A_1183, %dma_start3A_1190] : memref<24576x512xf32, #tpu.memory_space<hbm>> -> memref<8x512xf32, #tpu.memory_space<hbm>>
    tpu.enqueue_dma source(%dma_start3A_1191 : memref<8x512xf32, #tpu.memory_space<hbm>>) target(%arg18 : memref<8x512xf32, #tpu.memory_space<vmem>>) target_semaphore(%arg37 : memref<!tpu.dma_semaphore, #tpu.memory_space<semaphore_mem>>)
    %mul3A_1192 = arith.constant 3 : i32
    %mul3A_1193 = arith.muli %select_n3A_1066, %mul3A_1192 : i32
    %add3A_1194 = arith.constant 2 : i32
    %add3A_1195 = arith.addi %mul3A_1193, %add3A_1194 : i32
    %mul3A_1196 = arith.constant 262144 : i32
    %mul3A_1197 = arith.muli %add3A_1195, %mul3A_1196 : i32
    %add3A_1198 = arith.addi %mul3A_1197, %select_n3A_1082 : i32
    %jit3A_1199 = arith.constant 512 : i32
    %div3A_1200 = arith.divsi %add3A_1198, %jit3A_1199 : i32
    %sign3A_1201 = arith.constant 0 : i32
    %sign3A_1202 = arith.cmpi sgt, %add3A_1198, %sign3A_1201 : i32
    %sign3A_1203 = arith.extui %sign3A_1202 : i1 to i32
    %sign3A_1204 = arith.constant 0 : i32
    %sign3A_1205 = arith.cmpi slt, %add3A_1198, %sign3A_1204 : i32
    %sign3A_1206 = arith.extui %sign3A_1205 : i1 to i32
    %sign3A_1207 = arith.subi %sign3A_1203, %sign3A_1206 : i32
    %sign3A_1208 = arith.constant 0 : i32
    %sign3A_1209 = arith.cmpi sgt, %jit3A_1199, %sign3A_1208 : i32
    %sign3A_1210 = arith.extui %sign3A_1209 : i1 to i32
    %sign3A_1211 = arith.constant 0 : i32
    %sign3A_1212 = arith.cmpi slt, %jit3A_1199, %sign3A_1211 : i32
    %sign3A_1213 = arith.extui %sign3A_1212 : i1 to i32
    %sign3A_1214 = arith.subi %sign3A_1210, %sign3A_1213 : i32
    %ne3A_1215 = arith.cmpi ne, %sign3A_1207, %sign3A_1214 : i32
    %rem3A_1216 = arith.remsi %add3A_1198, %jit3A_1199 : i32
    %ne3A_1217 = arith.constant 0 : i32
    %ne3A_1218 = arith.cmpi ne, %rem3A_1216, %ne3A_1217 : i32
    %and3A_1219 = arith.andi %ne3A_1215, %ne3A_1218 : i1
    %sub3A_1220 = arith.constant 1 : i32
    %sub3A_1221 = arith.subi %div3A_1200, %sub3A_1220 : i32
    %select_n3A_1222 = arith.select %and3A_1219, %sub3A_1221, %div3A_1200 : i32
    %multiple_of3A_1223 = tpu.assume_multiple %select_n3A_1222, 8 : i32
    %dma_start3A_1224 = arith.constant 0 : i32
    %dma_start3A_1225 = tpu.memref_slice %arg2[%multiple_of3A_1223, %dma_start3A_1224] : memref<24576x512xf32, #tpu.memory_space<hbm>> -> memref<8x512xf32, #tpu.memory_space<hbm>>
    %dma_start3A_1226 = arith.constant 0 : i32
    %dma_start3A_1227 = tpu.memref_slice %arg2[%multiple_of3A_1223, %dma_start3A_1226] : memref<24576x512xf32, #tpu.memory_space<hbm>> -> memref<8x512xf32, #tpu.memory_space<hbm>>
    tpu.enqueue_dma source(%dma_start3A_1227 : memref<8x512xf32, #tpu.memory_space<hbm>>) target(%arg16 : memref<8x512xf32, #tpu.memory_space<vmem>>) target_semaphore(%arg37 : memref<!tpu.dma_semaphore, #tpu.memory_space<semaphore_mem>>)
    %dma_start3A_1228 = arith.constant 0 : i32
    %dma_start3A_1229 = tpu.memref_slice %arg3[%multiple_of3A_1223, %dma_start3A_1228] : memref<24576x512xf32, #tpu.memory_space<hbm>> -> memref<8x512xf32, #tpu.memory_space<hbm>>
    %dma_start3A_1230 = arith.constant 0 : i32
    %dma_start3A_1231 = tpu.memref_slice %arg3[%multiple_of3A_1223, %dma_start3A_1230] : memref<24576x512xf32, #tpu.memory_space<hbm>> -> memref<8x512xf32, #tpu.memory_space<hbm>>
    tpu.enqueue_dma source(%dma_start3A_1231 : memref<8x512xf32, #tpu.memory_space<hbm>>) target(%arg19 : memref<8x512xf32, #tpu.memory_space<vmem>>) target_semaphore(%arg37 : memref<!tpu.dma_semaphore, #tpu.memory_space<semaphore_mem>>)
    %scan3A_1232 = arith.constant 0 : i32
    %scan3A_1233 = arith.constant 8 : i32
    %scan3A_1234 = arith.addi %scan3A_1232, %scan3A_1233 : i32
    %scan3A_1235 = arith.constant 1 : i32
    %scan3A_1236:8 = scf.for %scan3A_1804 = %scan3A_1232 to %scan3A_1234 step %scan3A_1235 iter_args(%scan3A_1805 = %scan3A_1011#0, %scan3A_1806 = %scan3A_1011#1, %scan3A_1807 = %scan3A_1011#2, %scan3A_1808 = %scan3A_1011#3, %scan3A_1809 = %scan3A_1011#4, %scan3A_1810 = %scan3A_1011#5, %scan3A_1811 = %scan3A_1011#6, %scan3A_1812 = %scan3A_1011#7) -> (vector<16xf32>, vector<16xf32>, vector<16xf32>, vector<16xf32>, vector<16xf32>, vector<16xf32>, vector<16xf32>, vector<16xf32>)  : i32 {
      %scan3A_1813 = arith.constant 0 : i32
      %scan3A_1814 = arith.constant 8 : i32
      %scan3A_1815 = arith.addi %scan3A_1813, %scan3A_1814 : i32
      %scan3A_1816 = arith.constant 1 : i32
      %scan3A_1817:8 = scf.for %scan3A_1819 = %scan3A_1813 to %scan3A_1815 step %scan3A_1816 iter_args(%scan3A_1820 = %scan3A_1805, %scan3A_1821 = %scan3A_1806, %scan3A_1822 = %scan3A_1807, %scan3A_1823 = %scan3A_1808, %scan3A_1824 = %scan3A_1809, %scan3A_1825 = %scan3A_1810, %scan3A_1826 = %scan3A_1811, %scan3A_1827 = %scan3A_1812) -> (vector<16xf32>, vector<16xf32>, vector<16xf32>, vector<16xf32>, vector<16xf32>, vector<16xf32>, vector<16xf32>, vector<16xf32>)  : i32 {
        %mul3A_1828 = arith.constant 4 : i32
        %mul3A_1829 = arith.muli %scan3A_1819, %mul3A_1828 : i32
        %add3A_1830 = arith.constant 0 : i32
        %add3A_1831 = arith.addi %mul3A_1829, %add3A_1830 : i32
        %mul3A_1832 = arith.constant 16 : i32
        %mul3A_1833 = arith.muli %add3A_1831, %mul3A_1832 : i32
        %get3A = arith.index_cast %scan3A_1804 : i32 to index
        %get3A_1834 = arith.index_cast %mul3A_1833 : i32 to index
        %get3A_1835 = tpu.vector_load %arg20[%get3A, %get3A_1834] {strides = array<i32>} : memref<8x512xf32, #tpu.memory_space<vmem>>, vector<1x16xf32>,
        %get3A_1836 = vector.shape_cast %get3A_1835 : vector<1x16xf32> to vector<16xf32>
        %gt3A = arith.constant 0.00999999977 : f32
        %gt3A_1837 = vector.broadcast %gt3A : f32 to vector<16xf32>
        %gt3A_1838 = arith.cmpf ogt, %get3A_1836, %gt3A_1837 : vector<16xf32>
        %jit3A_1839 = arith.constant 1.000000e+00 : f32
        %jit3A_1840 = arith.constant 0.000000e+00 : f32
        %broadcast_in_dim3A_1841 = vector.broadcast %jit3A_1839 : f32 to vector<16xf32>
        %broadcast_in_dim3A_1842 = vector.broadcast %jit3A_1840 : f32 to vector<16xf32>
        %select_n3A_1843 = arith.select %gt3A_1838, %broadcast_in_dim3A_1841, %broadcast_in_dim3A_1842 : vector<16xi1>, vector<16xf32>
        %add3A_1844 = arith.addf %scan3A_1826, %select_n3A_1843 : vector<16xf32>
        %get3A_1845 = arith.index_cast %scan3A_1804 : i32 to index
        %get3A_1846 = arith.index_cast %mul3A_1833 : i32 to index
        %get3A_1847 = tpu.vector_load %arg21[%get3A_1845, %get3A_1846] {strides = array<i32>} : memref<8x512xf32, #tpu.memory_space<vmem>>, vector<1x16xf32>,
        %get3A_1848 = vector.shape_cast %get3A_1847 : vector<1x16xf32> to vector<16xf32>
        %get3A_1849 = arith.index_cast %scan3A_1804 : i32 to index
        %get3A_1850 = arith.index_cast %mul3A_1833 : i32 to index
        %get3A_1851 = tpu.vector_load %arg24[%get3A_1849, %get3A_1850] {strides = array<i32>} : memref<8x512xf32, #tpu.memory_space<vmem>>, vector<1x16xf32>,
        %get3A_1852 = vector.shape_cast %get3A_1851 : vector<1x16xf32> to vector<16xf32>
        %sub3A_1853 = arith.subf %get3A_1848, %get3A_1852 : vector<16xf32>
        %abs3A = math.absf %sub3A_1853 : vector<16xf32>
        %jit3A_1854 = arith.constant 0.000000e+00 : f32
        %broadcast_in_dim3A_1855 = vector.broadcast %jit3A_1854 : f32 to vector<16xf32>
        %select_n3A_1856 = arith.select %gt3A_1838, %abs3A, %broadcast_in_dim3A_1855 : vector<16xi1>, vector<16xf32>
        %add3A_1857 = arith.addf %scan3A_1820, %select_n3A_1856 : vector<16xf32>
        %get3A_1858 = arith.index_cast %scan3A_1804 : i32 to index
        %get3A_1859 = arith.index_cast %mul3A_1833 : i32 to index
        %get3A_1860 = tpu.vector_load %arg22[%get3A_1858, %get3A_1859] {strides = array<i32>} : memref<8x512xf32, #tpu.memory_space<vmem>>, vector<1x16xf32>,
        %get3A_1861 = vector.shape_cast %get3A_1860 : vector<1x16xf32> to vector<16xf32>
        %get3A_1862 = arith.index_cast %scan3A_1804 : i32 to index
        %get3A_1863 = arith.index_cast %mul3A_1833 : i32 to index
        %get3A_1864 = tpu.vector_load %arg25[%get3A_1862, %get3A_1863] {strides = array<i32>} : memref<8x512xf32, #tpu.memory_space<vmem>>, vector<1x16xf32>,
        %get3A_1865 = vector.shape_cast %get3A_1864 : vector<1x16xf32> to vector<16xf32>
        %sub3A_1866 = arith.subf %get3A_1861, %get3A_1865 : vector<16xf32>
        %abs3A_1867 = math.absf %sub3A_1866 : vector<16xf32>
        %jit3A_1868 = arith.constant 0.000000e+00 : f32
        %broadcast_in_dim3A_1869 = vector.broadcast %jit3A_1868 : f32 to vector<16xf32>
        %select_n3A_1870 = arith.select %gt3A_1838, %abs3A_1867, %broadcast_in_dim3A_1869 : vector<16xi1>, vector<16xf32>
        %add3A_1871 = arith.addf %scan3A_1822, %select_n3A_1870 : vector<16xf32>
        %get3A_1872 = arith.index_cast %scan3A_1804 : i32 to index
        %get3A_1873 = arith.index_cast %mul3A_1833 : i32 to index
        %get3A_1874 = tpu.vector_load %arg23[%get3A_1872, %get3A_1873] {strides = array<i32>} : memref<8x512xf32, #tpu.memory_space<vmem>>, vector<1x16xf32>,
        %get3A_1875 = vector.shape_cast %get3A_1874 : vector<1x16xf32> to vector<16xf32>
        %get3A_1876 = arith.index_cast %scan3A_1804 : i32 to index
        %get3A_1877 = arith.index_cast %mul3A_1833 : i32 to index
        %get3A_1878 = tpu.vector_load %arg26[%get3A_1876, %get3A_1877] {strides = array<i32>} : memref<8x512xf32, #tpu.memory_space<vmem>>, vector<1x16xf32>,
        %get3A_1879 = vector.shape_cast %get3A_1878 : vector<1x16xf32> to vector<16xf32>
        %sub3A_1880 = arith.subf %get3A_1875, %get3A_1879 : vector<16xf32>
        %abs3A_1881 = math.absf %sub3A_1880 : vector<16xf32>
        %jit3A_1882 = arith.constant 0.000000e+00 : f32
        %broadcast_in_dim3A_1883 = vector.broadcast %jit3A_1882 : f32 to vector<16xf32>
        %select_n3A_1884 = arith.select %gt3A_1838, %abs3A_1881, %broadcast_in_dim3A_1883 : vector<16xi1>, vector<16xf32>
        %add3A_1885 = arith.addf %scan3A_1824, %select_n3A_1884 : vector<16xf32>
        %mul3A_1886 = arith.constant 4 : i32
        %mul3A_1887 = arith.muli %scan3A_1819, %mul3A_1886 : i32
        %add3A_1888 = arith.constant 1 : i32
        %add3A_1889 = arith.addi %mul3A_1887, %add3A_1888 : i32
        %mul3A_1890 = arith.constant 16 : i32
        %mul3A_1891 = arith.muli %add3A_1889, %mul3A_1890 : i32
        %get3A_1892 = arith.index_cast %scan3A_1804 : i32 to index
        %get3A_1893 = arith.index_cast %mul3A_1891 : i32 to index
        %get3A_1894 = tpu.vector_load %arg20[%get3A_1892, %get3A_1893] {strides = array<i32>} : memref<8x512xf32, #tpu.memory_space<vmem>>, vector<1x16xf32>,
        %get3A_1895 = vector.shape_cast %get3A_1894 : vector<1x16xf32> to vector<16xf32>
        %gt3A_1896 = arith.constant 0.00999999977 : f32
        %gt3A_1897 = vector.broadcast %gt3A_1896 : f32 to vector<16xf32>
        %gt3A_1898 = arith.cmpf ogt, %get3A_1895, %gt3A_1897 : vector<16xf32>
        %jit3A_1899 = arith.constant 1.000000e+00 : f32
        %jit3A_1900 = arith.constant 0.000000e+00 : f32
        %broadcast_in_dim3A_1901 = vector.broadcast %jit3A_1899 : f32 to vector<16xf32>
        %broadcast_in_dim3A_1902 = vector.broadcast %jit3A_1900 : f32 to vector<16xf32>
        %select_n3A_1903 = arith.select %gt3A_1898, %broadcast_in_dim3A_1901, %broadcast_in_dim3A_1902 : vector<16xi1>, vector<16xf32>
        %add3A_1904 = arith.addf %scan3A_1827, %select_n3A_1903 : vector<16xf32>
        %get3A_1905 = arith.index_cast %scan3A_1804 : i32 to index
        %get3A_1906 = arith.index_cast %mul3A_1891 : i32 to index
        %get3A_1907 = tpu.vector_load %arg21[%get3A_1905, %get3A_1906] {strides = array<i32>} : memref<8x512xf32, #tpu.memory_space<vmem>>, vector<1x16xf32>,
        %get3A_1908 = vector.shape_cast %get3A_1907 : vector<1x16xf32> to vector<16xf32>
        %get3A_1909 = arith.index_cast %scan3A_1804 : i32 to index
        %get3A_1910 = arith.index_cast %mul3A_1891 : i32 to index
        %get3A_1911 = tpu.vector_load %arg24[%get3A_1909, %get3A_1910] {strides = array<i32>} : memref<8x512xf32, #tpu.memory_space<vmem>>, vector<1x16xf32>,
        %get3A_1912 = vector.shape_cast %get3A_1911 : vector<1x16xf32> to vector<16xf32>
        %sub3A_1913 = arith.subf %get3A_1908, %get3A_1912 : vector<16xf32>
        %abs3A_1914 = math.absf %sub3A_1913 : vector<16xf32>
        %jit3A_1915 = arith.constant 0.000000e+00 : f32
        %broadcast_in_dim3A_1916 = vector.broadcast %jit3A_1915 : f32 to vector<16xf32>
        %select_n3A_1917 = arith.select %gt3A_1898, %abs3A_1914, %broadcast_in_dim3A_1916 : vector<16xi1>, vector<16xf32>
        %add3A_1918 = arith.addf %scan3A_1821, %select_n3A_1917 : vector<16xf32>
        %get3A_1919 = arith.index_cast %scan3A_1804 : i32 to index
        %get3A_1920 = arith.index_cast %mul3A_1891 : i32 to index
        %get3A_1921 = tpu.vector_load %arg22[%get3A_1919, %get3A_1920] {strides = array<i32>} : memref<8x512xf32, #tpu.memory_space<vmem>>, vector<1x16xf32>,
        %get3A_1922 = vector.shape_cast %get3A_1921 : vector<1x16xf32> to vector<16xf32>
        %get3A_1923 = arith.index_cast %scan3A_1804 : i32 to index
        %get3A_1924 = arith.index_cast %mul3A_1891 : i32 to index
        %get3A_1925 = tpu.vector_load %arg25[%get3A_1923, %get3A_1924] {strides = array<i32>} : memref<8x512xf32, #tpu.memory_space<vmem>>, vector<1x16xf32>,
        %get3A_1926 = vector.shape_cast %get3A_1925 : vector<1x16xf32> to vector<16xf32>
        %sub3A_1927 = arith.subf %get3A_1922, %get3A_1926 : vector<16xf32>
        %abs3A_1928 = math.absf %sub3A_1927 : vector<16xf32>
        %jit3A_1929 = arith.constant 0.000000e+00 : f32
        %broadcast_in_dim3A_1930 = vector.broadcast %jit3A_1929 : f32 to vector<16xf32>
        %select_n3A_1931 = arith.select %gt3A_1898, %abs3A_1928, %broadcast_in_dim3A_1930 : vector<16xi1>, vector<16xf32>
        %add3A_1932 = arith.addf %scan3A_1823, %select_n3A_1931 : vector<16xf32>
        %get3A_1933 = arith.index_cast %scan3A_1804 : i32 to index
        %get3A_1934 = arith.index_cast %mul3A_1891 : i32 to index
        %get3A_1935 = tpu.vector_load %arg23[%get3A_1933, %get3A_1934] {strides = array<i32>} : memref<8x512xf32, #tpu.memory_space<vmem>>, vector<1x16xf32>,
        %get3A_1936 = vector.shape_cast %get3A_1935 : vector<1x16xf32> to vector<16xf32>
        %get3A_1937 = arith.index_cast %scan3A_1804 : i32 to index
        %get3A_1938 = arith.index_cast %mul3A_1891 : i32 to index
        %get3A_1939 = tpu.vector_load %arg26[%get3A_1937, %get3A_1938] {strides = array<i32>} : memref<8x512xf32, #tpu.memory_space<vmem>>, vector<1x16xf32>,
        %get3A_1940 = vector.shape_cast %get3A_1939 : vector<1x16xf32> to vector<16xf32>
        %sub3A_1941 = arith.subf %get3A_1936, %get3A_1940 : vector<16xf32>
        %abs3A_1942 = math.absf %sub3A_1941 : vector<16xf32>
        %jit3A_1943 = arith.constant 0.000000e+00 : f32
        %broadcast_in_dim3A_1944 = vector.broadcast %jit3A_1943 : f32 to vector<16xf32>
        %select_n3A_1945 = arith.select %gt3A_1898, %abs3A_1942, %broadcast_in_dim3A_1944 : vector<16xi1>, vector<16xf32>
        %add3A_1946 = arith.addf %scan3A_1825, %select_n3A_1945 : vector<16xf32>
        %mul3A_1947 = arith.constant 4 : i32
        %mul3A_1948 = arith.muli %scan3A_1819, %mul3A_1947 : i32
        %add3A_1949 = arith.constant 2 : i32
        %add3A_1950 = arith.addi %mul3A_1948, %add3A_1949 : i32
        %mul3A_1951 = arith.constant 16 : i32
        %mul3A_1952 = arith.muli %add3A_1950, %mul3A_1951 : i32
        %get3A_1953 = arith.index_cast %scan3A_1804 : i32 to index
        %get3A_1954 = arith.index_cast %mul3A_1952 : i32 to index
        %get3A_1955 = tpu.vector_load %arg20[%get3A_1953, %get3A_1954] {strides = array<i32>} : memref<8x512xf32, #tpu.memory_space<vmem>>, vector<1x16xf32>,
        %get3A_1956 = vector.shape_cast %get3A_1955 : vector<1x16xf32> to vector<16xf32>
        %gt3A_1957 = arith.constant 0.00999999977 : f32
        %gt3A_1958 = vector.broadcast %gt3A_1957 : f32 to vector<16xf32>
        %gt3A_1959 = arith.cmpf ogt, %get3A_1956, %gt3A_1958 : vector<16xf32>
        %jit3A_1960 = arith.constant 1.000000e+00 : f32
        %jit3A_1961 = arith.constant 0.000000e+00 : f32
        %broadcast_in_dim3A_1962 = vector.broadcast %jit3A_1960 : f32 to vector<16xf32>
        %broadcast_in_dim3A_1963 = vector.broadcast %jit3A_1961 : f32 to vector<16xf32>
        %select_n3A_1964 = arith.select %gt3A_1959, %broadcast_in_dim3A_1962, %broadcast_in_dim3A_1963 : vector<16xi1>, vector<16xf32>
        %add3A_1965 = arith.addf %add3A_1844, %select_n3A_1964 : vector<16xf32>
        %get3A_1966 = arith.index_cast %scan3A_1804 : i32 to index
        %get3A_1967 = arith.index_cast %mul3A_1952 : i32 to index
        %get3A_1968 = tpu.vector_load %arg21[%get3A_1966, %get3A_1967] {strides = array<i32>} : memref<8x512xf32, #tpu.memory_space<vmem>>, vector<1x16xf32>,
        %get3A_1969 = vector.shape_cast %get3A_1968 : vector<1x16xf32> to vector<16xf32>
        %get3A_1970 = arith.index_cast %scan3A_1804 : i32 to index
        %get3A_1971 = arith.index_cast %mul3A_1952 : i32 to index
        %get3A_1972 = tpu.vector_load %arg24[%get3A_1970, %get3A_1971] {strides = array<i32>} : memref<8x512xf32, #tpu.memory_space<vmem>>, vector<1x16xf32>,
        %get3A_1973 = vector.shape_cast %get3A_1972 : vector<1x16xf32> to vector<16xf32>
        %sub3A_1974 = arith.subf %get3A_1969, %get3A_1973 : vector<16xf32>
        %abs3A_1975 = math.absf %sub3A_1974 : vector<16xf32>
        %jit3A_1976 = arith.constant 0.000000e+00 : f32
        %broadcast_in_dim3A_1977 = vector.broadcast %jit3A_1976 : f32 to vector<16xf32>
        %select_n3A_1978 = arith.select %gt3A_1959, %abs3A_1975, %broadcast_in_dim3A_1977 : vector<16xi1>, vector<16xf32>
        %add3A_1979 = arith.addf %add3A_1857, %select_n3A_1978 : vector<16xf32>
        %get3A_1980 = arith.index_cast %scan3A_1804 : i32 to index
        %get3A_1981 = arith.index_cast %mul3A_1952 : i32 to index
        %get3A_1982 = tpu.vector_load %arg22[%get3A_1980, %get3A_1981] {strides = array<i32>} : memref<8x512xf32, #tpu.memory_space<vmem>>, vector<1x16xf32>,
        %get3A_1983 = vector.shape_cast %get3A_1982 : vector<1x16xf32> to vector<16xf32>
        %get3A_1984 = arith.index_cast %scan3A_1804 : i32 to index
        %get3A_1985 = arith.index_cast %mul3A_1952 : i32 to index
        %get3A_1986 = tpu.vector_load %arg25[%get3A_1984, %get3A_1985] {strides = array<i32>} : memref<8x512xf32, #tpu.memory_space<vmem>>, vector<1x16xf32>,
        %get3A_1987 = vector.shape_cast %get3A_1986 : vector<1x16xf32> to vector<16xf32>
        %sub3A_1988 = arith.subf %get3A_1983, %get3A_1987 : vector<16xf32>
        %abs3A_1989 = math.absf %sub3A_1988 : vector<16xf32>
        %jit3A_1990 = arith.constant 0.000000e+00 : f32
        %broadcast_in_dim3A_1991 = vector.broadcast %jit3A_1990 : f32 to vector<16xf32>
        %select_n3A_1992 = arith.select %gt3A_1959, %abs3A_1989, %broadcast_in_dim3A_1991 : vector<16xi1>, vector<16xf32>
        %add3A_1993 = arith.addf %add3A_1871, %select_n3A_1992 : vector<16xf32>
        %get3A_1994 = arith.index_cast %scan3A_1804 : i32 to index
        %get3A_1995 = arith.index_cast %mul3A_1952 : i32 to index
        %get3A_1996 = tpu.vector_load %arg23[%get3A_1994, %get3A_1995] {strides = array<i32>} : memref<8x512xf32, #tpu.memory_space<vmem>>, vector<1x16xf32>,
        %get3A_1997 = vector.shape_cast %get3A_1996 : vector<1x16xf32> to vector<16xf32>
        %get3A_1998 = arith.index_cast %scan3A_1804 : i32 to index
        %get3A_1999 = arith.index_cast %mul3A_1952 : i32 to index
        %get3A_2000 = tpu.vector_load %arg26[%get3A_1998, %get3A_1999] {strides = array<i32>} : memref<8x512xf32, #tpu.memory_space<vmem>>, vector<1x16xf32>,
        %get3A_2001 = vector.shape_cast %get3A_2000 : vector<1x16xf32> to vector<16xf32>
        %sub3A_2002 = arith.subf %get3A_1997, %get3A_2001 : vector<16xf32>
        %abs3A_2003 = math.absf %sub3A_2002 : vector<16xf32>
        %jit3A_2004 = arith.constant 0.000000e+00 : f32
        %broadcast_in_dim3A_2005 = vector.broadcast %jit3A_2004 : f32 to vector<16xf32>
        %select_n3A_2006 = arith.select %gt3A_1959, %abs3A_2003, %broadcast_in_dim3A_2005 : vector<16xi1>, vector<16xf32>
        %add3A_2007 = arith.addf %add3A_1885, %select_n3A_2006 : vector<16xf32>
        %mul3A_2008 = arith.constant 4 : i32
        %mul3A_2009 = arith.muli %scan3A_1819, %mul3A_2008 : i32
        %add3A_2010 = arith.constant 3 : i32
        %add3A_2011 = arith.addi %mul3A_2009, %add3A_2010 : i32
        %mul3A_2012 = arith.constant 16 : i32
        %mul3A_2013 = arith.muli %add3A_2011, %mul3A_2012 : i32
        %get3A_2014 = arith.index_cast %scan3A_1804 : i32 to index
        %get3A_2015 = arith.index_cast %mul3A_2013 : i32 to index
        %get3A_2016 = tpu.vector_load %arg20[%get3A_2014, %get3A_2015] {strides = array<i32>} : memref<8x512xf32, #tpu.memory_space<vmem>>, vector<1x16xf32>,
        %get3A_2017 = vector.shape_cast %get3A_2016 : vector<1x16xf32> to vector<16xf32>
        %gt3A_2018 = arith.constant 0.00999999977 : f32
        %gt3A_2019 = vector.broadcast %gt3A_2018 : f32 to vector<16xf32>
        %gt3A_2020 = arith.cmpf ogt, %get3A_2017, %gt3A_2019 : vector<16xf32>
        %jit3A_2021 = arith.constant 1.000000e+00 : f32
        %jit3A_2022 = arith.constant 0.000000e+00 : f32
        %broadcast_in_dim3A_2023 = vector.broadcast %jit3A_2021 : f32 to vector<16xf32>
        %broadcast_in_dim3A_2024 = vector.broadcast %jit3A_2022 : f32 to vector<16xf32>
        %select_n3A_2025 = arith.select %gt3A_2020, %broadcast_in_dim3A_2023, %broadcast_in_dim3A_2024 : vector<16xi1>, vector<16xf32>
        %add3A_2026 = arith.addf %add3A_1904, %select_n3A_2025 : vector<16xf32>
        %get3A_2027 = arith.index_cast %scan3A_1804 : i32 to index
        %get3A_2028 = arith.index_cast %mul3A_2013 : i32 to index
        %get3A_2029 = tpu.vector_load %arg21[%get3A_2027, %get3A_2028] {strides = array<i32>} : memref<8x512xf32, #tpu.memory_space<vmem>>, vector<1x16xf32>,
        %get3A_2030 = vector.shape_cast %get3A_2029 : vector<1x16xf32> to vector<16xf32>
        %get3A_2031 = arith.index_cast %scan3A_1804 : i32 to index
        %get3A_2032 = arith.index_cast %mul3A_2013 : i32 to index
        %get3A_2033 = tpu.vector_load %arg24[%get3A_2031, %get3A_2032] {strides = array<i32>} : memref<8x512xf32, #tpu.memory_space<vmem>>, vector<1x16xf32>,
        %get3A_2034 = vector.shape_cast %get3A_2033 : vector<1x16xf32> to vector<16xf32>
        %sub3A_2035 = arith.subf %get3A_2030, %get3A_2034 : vector<16xf32>
        %abs3A_2036 = math.absf %sub3A_2035 : vector<16xf32>
        %jit3A_2037 = arith.constant 0.000000e+00 : f32
        %broadcast_in_dim3A_2038 = vector.broadcast %jit3A_2037 : f32 to vector<16xf32>
        %select_n3A_2039 = arith.select %gt3A_2020, %abs3A_2036, %broadcast_in_dim3A_2038 : vector<16xi1>, vector<16xf32>
        %add3A_2040 = arith.addf %add3A_1918, %select_n3A_2039 : vector<16xf32>
        %get3A_2041 = arith.index_cast %scan3A_1804 : i32 to index
        %get3A_2042 = arith.index_cast %mul3A_2013 : i32 to index
        %get3A_2043 = tpu.vector_load %arg22[%get3A_2041, %get3A_2042] {strides = array<i32>} : memref<8x512xf32, #tpu.memory_space<vmem>>, vector<1x16xf32>,
        %get3A_2044 = vector.shape_cast %get3A_2043 : vector<1x16xf32> to vector<16xf32>
        %get3A_2045 = arith.index_cast %scan3A_1804 : i32 to index
        %get3A_2046 = arith.index_cast %mul3A_2013 : i32 to index
        %get3A_2047 = tpu.vector_load %arg25[%get3A_2045, %get3A_2046] {strides = array<i32>} : memref<8x512xf32, #tpu.memory_space<vmem>>, vector<1x16xf32>,
        %get3A_2048 = vector.shape_cast %get3A_2047 : vector<1x16xf32> to vector<16xf32>
        %sub3A_2049 = arith.subf %get3A_2044, %get3A_2048 : vector<16xf32>
        %abs3A_2050 = math.absf %sub3A_2049 : vector<16xf32>
        %jit3A_2051 = arith.constant 0.000000e+00 : f32
        %broadcast_in_dim3A_2052 = vector.broadcast %jit3A_2051 : f32 to vector<16xf32>
        %select_n3A_2053 = arith.select %gt3A_2020, %abs3A_2050, %broadcast_in_dim3A_2052 : vector<16xi1>, vector<16xf32>
        %add3A_2054 = arith.addf %add3A_1932, %select_n3A_2053 : vector<16xf32>
        %get3A_2055 = arith.index_cast %scan3A_1804 : i32 to index
        %get3A_2056 = arith.index_cast %mul3A_2013 : i32 to index
        %get3A_2057 = tpu.vector_load %arg23[%get3A_2055, %get3A_2056] {strides = array<i32>} : memref<8x512xf32, #tpu.memory_space<vmem>>, vector<1x16xf32>,
        %get3A_2058 = vector.shape_cast %get3A_2057 : vector<1x16xf32> to vector<16xf32>
        %get3A_2059 = arith.index_cast %scan3A_1804 : i32 to index
        %get3A_2060 = arith.index_cast %mul3A_2013 : i32 to index
        %get3A_2061 = tpu.vector_load %arg26[%get3A_2059, %get3A_2060] {strides = array<i32>} : memref<8x512xf32, #tpu.memory_space<vmem>>, vector<1x16xf32>,
        %get3A_2062 = vector.shape_cast %get3A_2061 : vector<1x16xf32> to vector<16xf32>
        %sub3A_2063 = arith.subf %get3A_2058, %get3A_2062 : vector<16xf32>
        %abs3A_2064 = math.absf %sub3A_2063 : vector<16xf32>
        %jit3A_2065 = arith.constant 0.000000e+00 : f32
        %broadcast_in_dim3A_2066 = vector.broadcast %jit3A_2065 : f32 to vector<16xf32>
        %select_n3A_2067 = arith.select %gt3A_2020, %abs3A_2064, %broadcast_in_dim3A_2066 : vector<16xi1>, vector<16xf32>
        %add3A_2068 = arith.addf %add3A_1946, %select_n3A_2067 : vector<16xf32>
        scf.yield %add3A_1979, %add3A_2040, %add3A_1993, %add3A_2054, %add3A_2007, %add3A_2068, %add3A_1965, %add3A_2026 : vector<16xf32>, vector<16xf32>, vector<16xf32>, vector<16xf32>, vector<16xf32>, vector<16xf32>, vector<16xf32>, vector<16xf32>
      }
      %scan3A_1818 = arith.constant 8 : i32
      scf.yield %scan3A_1817#0, %scan3A_1817#1, %scan3A_1817#2, %scan3A_1817#3, %scan3A_1817#4, %scan3A_1817#5, %scan3A_1817#6, %scan3A_1817#7 : vector<16xf32>, vector<16xf32>, vector<16xf32>, vector<16xf32>, vector<16xf32>, vector<16xf32>, vector<16xf32>, vector<16xf32>
    }
    %scan3A_1237 = arith.constant 8 : i32
    %dma_wait3A_1238 = arith.constant 0 : i32
    %dma_wait3A_1239 = tpu.memref_slice %arg4[%multiple_of3A_658, %dma_wait3A_1238] : memref<8192x512xf32, #tpu.memory_space<hbm>> -> memref<8x512xf32, #tpu.memory_space<hbm>>
    %dma_wait3A_1240 = arith.constant 0 : i32
    %dma_wait3A_1241 = tpu.memref_slice %arg4[%multiple_of3A_658, %dma_wait3A_1240] : memref<8192x512xf32, #tpu.memory_space<hbm>> -> memref<8x512xf32, #tpu.memory_space<hbm>>
    tpu.wait_dma2 semaphore(%arg39 : memref<!tpu.dma_semaphore, #tpu.memory_space<semaphore_mem>>) src(%dma_wait3A_1241 : memref<8x512xf32, #tpu.memory_space<hbm>>) dst(%arg27 : memref<8x512xf32, #tpu.memory_space<vmem>>)
    %dma_wait3A_1242 = arith.constant 0 : i32
    %dma_wait3A_1243 = tpu.memref_slice %arg2[%multiple_of3A_694, %dma_wait3A_1242] : memref<24576x512xf32, #tpu.memory_space<hbm>> -> memref<8x512xf32, #tpu.memory_space<hbm>>
    %dma_wait3A_1244 = arith.constant 0 : i32
    %dma_wait3A_1245 = tpu.memref_slice %arg2[%multiple_of3A_694, %dma_wait3A_1244] : memref<24576x512xf32, #tpu.memory_space<hbm>> -> memref<8x512xf32, #tpu.memory_space<hbm>>
    tpu.wait_dma2 semaphore(%arg39 : memref<!tpu.dma_semaphore, #tpu.memory_space<semaphore_mem>>) src(%dma_wait3A_1245 : memref<8x512xf32, #tpu.memory_space<hbm>>) dst(%arg28 : memref<8x512xf32, #tpu.memory_space<vmem>>)
    %dma_wait3A_1246 = arith.constant 0 : i32
    %dma_wait3A_1247 = tpu.memref_slice %arg3[%multiple_of3A_694, %dma_wait3A_1246] : memref<24576x512xf32, #tpu.memory_space<hbm>> -> memref<8x512xf32, #tpu.memory_space<hbm>>
    %dma_wait3A_1248 = arith.constant 0 : i32
    %dma_wait3A_1249 = tpu.memref_slice %arg3[%multiple_of3A_694, %dma_wait3A_1248] : memref<24576x512xf32, #tpu.memory_space<hbm>> -> memref<8x512xf32, #tpu.memory_space<hbm>>
    tpu.wait_dma2 semaphore(%arg39 : memref<!tpu.dma_semaphore, #tpu.memory_space<semaphore_mem>>) src(%dma_wait3A_1249 : memref<8x512xf32, #tpu.memory_space<hbm>>) dst(%arg31 : memref<8x512xf32, #tpu.memory_space<vmem>>)
    %dma_wait3A_1250 = arith.constant 0 : i32
    %dma_wait3A_1251 = tpu.memref_slice %arg2[%multiple_of3A_734, %dma_wait3A_1250] : memref<24576x512xf32, #tpu.memory_space<hbm>> -> memref<8x512xf32, #tpu.memory_space<hbm>>
    %dma_wait3A_1252 = arith.constant 0 : i32
    %dma_wait3A_1253 = tpu.memref_slice %arg2[%multiple_of3A_734, %dma_wait3A_1252] : memref<24576x512xf32, #tpu.memory_space<hbm>> -> memref<8x512xf32, #tpu.memory_space<hbm>>
    tpu.wait_dma2 semaphore(%arg39 : memref<!tpu.dma_semaphore, #tpu.memory_space<semaphore_mem>>) src(%dma_wait3A_1253 : memref<8x512xf32, #tpu.memory_space<hbm>>) dst(%arg29 : memref<8x512xf32, #tpu.memory_space<vmem>>)
    %dma_wait3A_1254 = arith.constant 0 : i32
    %dma_wait3A_1255 = tpu.memref_slice %arg3[%multiple_of3A_734, %dma_wait3A_1254] : memref<24576x512xf32, #tpu.memory_space<hbm>> -> memref<8x512xf32, #tpu.memory_space<hbm>>
    %dma_wait3A_1256 = arith.constant 0 : i32
    %dma_wait3A_1257 = tpu.memref_slice %arg3[%multiple_of3A_734, %dma_wait3A_1256] : memref<24576x512xf32, #tpu.memory_space<hbm>> -> memref<8x512xf32, #tpu.memory_space<hbm>>
    tpu.wait_dma2 semaphore(%arg39 : memref<!tpu.dma_semaphore, #tpu.memory_space<semaphore_mem>>) src(%dma_wait3A_1257 : memref<8x512xf32, #tpu.memory_space<hbm>>) dst(%arg32 : memref<8x512xf32, #tpu.memory_space<vmem>>)
    %dma_wait3A_1258 = arith.constant 0 : i32
    %dma_wait3A_1259 = tpu.memref_slice %arg2[%multiple_of3A_774, %dma_wait3A_1258] : memref<24576x512xf32, #tpu.memory_space<hbm>> -> memref<8x512xf32, #tpu.memory_space<hbm>>
    %dma_wait3A_1260 = arith.constant 0 : i32
    %dma_wait3A_1261 = tpu.memref_slice %arg2[%multiple_of3A_774, %dma_wait3A_1260] : memref<24576x512xf32, #tpu.memory_space<hbm>> -> memref<8x512xf32, #tpu.memory_space<hbm>>
    tpu.wait_dma2 semaphore(%arg39 : memref<!tpu.dma_semaphore, #tpu.memory_space<semaphore_mem>>) src(%dma_wait3A_1261 : memref<8x512xf32, #tpu.memory_space<hbm>>) dst(%arg30 : memref<8x512xf32, #tpu.memory_space<vmem>>)
    %dma_wait3A_1262 = arith.constant 0 : i32
    %dma_wait3A_1263 = tpu.memref_slice %arg3[%multiple_of3A_774, %dma_wait3A_1262] : memref<24576x512xf32, #tpu.memory_space<hbm>> -> memref<8x512xf32, #tpu.memory_space<hbm>>
    %dma_wait3A_1264 = arith.constant 0 : i32
    %dma_wait3A_1265 = tpu.memref_slice %arg3[%multiple_of3A_774, %dma_wait3A_1264] : memref<24576x512xf32, #tpu.memory_space<hbm>> -> memref<8x512xf32, #tpu.memory_space<hbm>>
    tpu.wait_dma2 semaphore(%arg39 : memref<!tpu.dma_semaphore, #tpu.memory_space<semaphore_mem>>) src(%dma_wait3A_1265 : memref<8x512xf32, #tpu.memory_space<hbm>>) dst(%arg33 : memref<8x512xf32, #tpu.memory_space<vmem>>)
    %add3A_1266 = arith.constant 24576 : i32
    %add3A_1267 = arith.addi %mul3A_2, %add3A_1266 : i32
    %jit3A_1268 = arith.constant 262144 : i32
    %div3A_1269 = arith.divsi %add3A_1267, %jit3A_1268 : i32
    %sign3A_1270 = arith.constant 0 : i32
    %sign3A_1271 = arith.cmpi sgt, %add3A_1267, %sign3A_1270 : i32
    %sign3A_1272 = arith.extui %sign3A_1271 : i1 to i32
    %sign3A_1273 = arith.constant 0 : i32
    %sign3A_1274 = arith.cmpi slt, %add3A_1267, %sign3A_1273 : i32
    %sign3A_1275 = arith.extui %sign3A_1274 : i1 to i32
    %sign3A_1276 = arith.subi %sign3A_1272, %sign3A_1275 : i32
    %sign3A_1277 = arith.constant 0 : i32
    %sign3A_1278 = arith.cmpi sgt, %jit3A_1268, %sign3A_1277 : i32
    %sign3A_1279 = arith.extui %sign3A_1278 : i1 to i32
    %sign3A_1280 = arith.constant 0 : i32
    %sign3A_1281 = arith.cmpi slt, %jit3A_1268, %sign3A_1280 : i32
    %sign3A_1282 = arith.extui %sign3A_1281 : i1 to i32
    %sign3A_1283 = arith.subi %sign3A_1279, %sign3A_1282 : i32
    %ne3A_1284 = arith.cmpi ne, %sign3A_1276, %sign3A_1283 : i32
    %rem3A_1285 = arith.remsi %add3A_1267, %jit3A_1268 : i32
    %ne3A_1286 = arith.constant 0 : i32
    %ne3A_1287 = arith.cmpi ne, %rem3A_1285, %ne3A_1286 : i32
    %and3A_1288 = arith.andi %ne3A_1284, %ne3A_1287 : i1
    %sub3A_1289 = arith.constant 1 : i32
    %sub3A_1290 = arith.subi %div3A_1269, %sub3A_1289 : i32
    %select_n3A_1291 = arith.select %and3A_1288, %sub3A_1290, %div3A_1269 : i32
    %jit3A_1292 = arith.constant 262144 : i32
    %eq3A_1293 = arith.constant 0 : i32
    %eq3A_1294 = arith.cmpi eq, %jit3A_1292, %eq3A_1293 : i32
    %jit3A_1295 = arith.constant 1 : i32
    %select_n3A_1296 = arith.select %eq3A_1294, %jit3A_1295, %jit3A_1292 : i32
    %rem3A_1297 = arith.remsi %add3A_1267, %select_n3A_1296 : i32
    %ne3A_1298 = arith.constant 0 : i32
    %ne3A_1299 = arith.cmpi ne, %rem3A_1297, %ne3A_1298 : i32
    %lt3A_1300 = arith.constant 0 : i32
    %lt3A_1301 = arith.cmpi slt, %rem3A_1297, %lt3A_1300 : i32
    %lt3A_1302 = arith.constant 0 : i32
    %lt3A_1303 = arith.cmpi slt, %select_n3A_1296, %lt3A_1302 : i32
    %ne3A_1304 = arith.xori %lt3A_1301, %lt3A_1303 : i1
    %and3A_1305 = arith.andi %ne3A_1304, %ne3A_1299 : i1
    %add3A_1306 = arith.addi %rem3A_1297, %select_n3A_1296 : i32
    %select_n3A_1307 = arith.select %and3A_1305, %add3A_1306, %rem3A_1297 : i32
    %jit3A_1308 = arith.constant 512 : i32
    %div3A_1309 = arith.divsi %add3A_1267, %jit3A_1308 : i32
    %sign3A_1310 = arith.constant 0 : i32
    %sign3A_1311 = arith.cmpi sgt, %add3A_1267, %sign3A_1310 : i32
    %sign3A_1312 = arith.extui %sign3A_1311 : i1 to i32
    %sign3A_1313 = arith.constant 0 : i32
    %sign3A_1314 = arith.cmpi slt, %add3A_1267, %sign3A_1313 : i32
    %sign3A_1315 = arith.extui %sign3A_1314 : i1 to i32
    %sign3A_1316 = arith.subi %sign3A_1312, %sign3A_1315 : i32
    %sign3A_1317 = arith.constant 0 : i32
    %sign3A_1318 = arith.cmpi sgt, %jit3A_1308, %sign3A_1317 : i32
    %sign3A_1319 = arith.extui %sign3A_1318 : i1 to i32
    %sign3A_1320 = arith.constant 0 : i32
    %sign3A_1321 = arith.cmpi slt, %jit3A_1308, %sign3A_1320 : i32
    %sign3A_1322 = arith.extui %sign3A_1321 : i1 to i32
    %sign3A_1323 = arith.subi %sign3A_1319, %sign3A_1322 : i32
    %ne3A_1324 = arith.cmpi ne, %sign3A_1316, %sign3A_1323 : i32
    %rem3A_1325 = arith.remsi %add3A_1267, %jit3A_1308 : i32
    %ne3A_1326 = arith.constant 0 : i32
    %ne3A_1327 = arith.cmpi ne, %rem3A_1325, %ne3A_1326 : i32
    %and3A_1328 = arith.andi %ne3A_1324, %ne3A_1327 : i1
    %sub3A_1329 = arith.constant 1 : i32
    %sub3A_1330 = arith.subi %div3A_1309, %sub3A_1329 : i32
    %select_n3A_1331 = arith.select %and3A_1328, %sub3A_1330, %div3A_1309 : i32
    %multiple_of3A_1332 = tpu.assume_multiple %select_n3A_1331, 8 : i32
    %dma_start3A_1333 = arith.constant 0 : i32
    %dma_start3A_1334 = tpu.memref_slice %arg4[%multiple_of3A_1332, %dma_start3A_1333] : memref<8192x512xf32, #tpu.memory_space<hbm>> -> memref<8x512xf32, #tpu.memory_space<hbm>>
    %dma_start3A_1335 = arith.constant 0 : i32
    %dma_start3A_1336 = tpu.memref_slice %arg4[%multiple_of3A_1332, %dma_start3A_1335] : memref<8192x512xf32, #tpu.memory_space<hbm>> -> memref<8x512xf32, #tpu.memory_space<hbm>>
    tpu.enqueue_dma source(%dma_start3A_1336 : memref<8x512xf32, #tpu.memory_space<hbm>>) target(%arg20 : memref<8x512xf32, #tpu.memory_space<vmem>>) target_semaphore(%arg38 : memref<!tpu.dma_semaphore, #tpu.memory_space<semaphore_mem>>)
    %mul3A_1337 = arith.constant 3 : i32
    %mul3A_1338 = arith.muli %select_n3A_1291, %mul3A_1337 : i32
    %add3A_1339 = arith.constant 0 : i32
    %add3A_1340 = arith.addi %mul3A_1338, %add3A_1339 : i32
    %mul3A_1341 = arith.constant 262144 : i32
    %mul3A_1342 = arith.muli %add3A_1340, %mul3A_1341 : i32
    %add3A_1343 = arith.addi %mul3A_1342, %select_n3A_1307 : i32
    %jit3A_1344 = arith.constant 512 : i32
    %div3A_1345 = arith.divsi %add3A_1343, %jit3A_1344 : i32
    %sign3A_1346 = arith.constant 0 : i32
    %sign3A_1347 = arith.cmpi sgt, %add3A_1343, %sign3A_1346 : i32
    %sign3A_1348 = arith.extui %sign3A_1347 : i1 to i32
    %sign3A_1349 = arith.constant 0 : i32
    %sign3A_1350 = arith.cmpi slt, %add3A_1343, %sign3A_1349 : i32
    %sign3A_1351 = arith.extui %sign3A_1350 : i1 to i32
    %sign3A_1352 = arith.subi %sign3A_1348, %sign3A_1351 : i32
    %sign3A_1353 = arith.constant 0 : i32
    %sign3A_1354 = arith.cmpi sgt, %jit3A_1344, %sign3A_1353 : i32
    %sign3A_1355 = arith.extui %sign3A_1354 : i1 to i32
    %sign3A_1356 = arith.constant 0 : i32
    %sign3A_1357 = arith.cmpi slt, %jit3A_1344, %sign3A_1356 : i32
    %sign3A_1358 = arith.extui %sign3A_1357 : i1 to i32
    %sign3A_1359 = arith.subi %sign3A_1355, %sign3A_1358 : i32
    %ne3A_1360 = arith.cmpi ne, %sign3A_1352, %sign3A_1359 : i32
    %rem3A_1361 = arith.remsi %add3A_1343, %jit3A_1344 : i32
    %ne3A_1362 = arith.constant 0 : i32
    %ne3A_1363 = arith.cmpi ne, %rem3A_1361, %ne3A_1362 : i32
    %and3A_1364 = arith.andi %ne3A_1360, %ne3A_1363 : i1
    %sub3A_1365 = arith.constant 1 : i32
    %sub3A_1366 = arith.subi %div3A_1345, %sub3A_1365 : i32
    %select_n3A_1367 = arith.select %and3A_1364, %sub3A_1366, %div3A_1345 : i32
    %multiple_of3A_1368 = tpu.assume_multiple %select_n3A_1367, 8 : i32
    %dma_start3A_1369 = arith.constant 0 : i32
    %dma_start3A_1370 = tpu.memref_slice %arg2[%multiple_of3A_1368, %dma_start3A_1369] : memref<24576x512xf32, #tpu.memory_space<hbm>> -> memref<8x512xf32, #tpu.memory_space<hbm>>
    %dma_start3A_1371 = arith.constant 0 : i32
    %dma_start3A_1372 = tpu.memref_slice %arg2[%multiple_of3A_1368, %dma_start3A_1371] : memref<24576x512xf32, #tpu.memory_space<hbm>> -> memref<8x512xf32, #tpu.memory_space<hbm>>
    tpu.enqueue_dma source(%dma_start3A_1372 : memref<8x512xf32, #tpu.memory_space<hbm>>) target(%arg21 : memref<8x512xf32, #tpu.memory_space<vmem>>) target_semaphore(%arg38 : memref<!tpu.dma_semaphore, #tpu.memory_space<semaphore_mem>>)
    %dma_start3A_1373 = arith.constant 0 : i32
    %dma_start3A_1374 = tpu.memref_slice %arg3[%multiple_of3A_1368, %dma_start3A_1373] : memref<24576x512xf32, #tpu.memory_space<hbm>> -> memref<8x512xf32, #tpu.memory_space<hbm>>
    %dma_start3A_1375 = arith.constant 0 : i32
    %dma_start3A_1376 = tpu.memref_slice %arg3[%multiple_of3A_1368, %dma_start3A_1375] : memref<24576x512xf32, #tpu.memory_space<hbm>> -> memref<8x512xf32, #tpu.memory_space<hbm>>
    tpu.enqueue_dma source(%dma_start3A_1376 : memref<8x512xf32, #tpu.memory_space<hbm>>) target(%arg24 : memref<8x512xf32, #tpu.memory_space<vmem>>) target_semaphore(%arg38 : memref<!tpu.dma_semaphore, #tpu.memory_space<semaphore_mem>>)
    %mul3A_1377 = arith.constant 3 : i32
    %mul3A_1378 = arith.muli %select_n3A_1291, %mul3A_1377 : i32
    %add3A_1379 = arith.constant 1 : i32
    %add3A_1380 = arith.addi %mul3A_1378, %add3A_1379 : i32
    %mul3A_1381 = arith.constant 262144 : i32
    %mul3A_1382 = arith.muli %add3A_1380, %mul3A_1381 : i32
    %add3A_1383 = arith.addi %mul3A_1382, %select_n3A_1307 : i32
    %jit3A_1384 = arith.constant 512 : i32
    %div3A_1385 = arith.divsi %add3A_1383, %jit3A_1384 : i32
    %sign3A_1386 = arith.constant 0 : i32
    %sign3A_1387 = arith.cmpi sgt, %add3A_1383, %sign3A_1386 : i32
    %sign3A_1388 = arith.extui %sign3A_1387 : i1 to i32
    %sign3A_1389 = arith.constant 0 : i32
    %sign3A_1390 = arith.cmpi slt, %add3A_1383, %sign3A_1389 : i32
    %sign3A_1391 = arith.extui %sign3A_1390 : i1 to i32
    %sign3A_1392 = arith.subi %sign3A_1388, %sign3A_1391 : i32
    %sign3A_1393 = arith.constant 0 : i32
    %sign3A_1394 = arith.cmpi sgt, %jit3A_1384, %sign3A_1393 : i32
    %sign3A_1395 = arith.extui %sign3A_1394 : i1 to i32
    %sign3A_1396 = arith.constant 0 : i32
    %sign3A_1397 = arith.cmpi slt, %jit3A_1384, %sign3A_1396 : i32
    %sign3A_1398 = arith.extui %sign3A_1397 : i1 to i32
    %sign3A_1399 = arith.subi %sign3A_1395, %sign3A_1398 : i32
    %ne3A_1400 = arith.cmpi ne, %sign3A_1392, %sign3A_1399 : i32
    %rem3A_1401 = arith.remsi %add3A_1383, %jit3A_1384 : i32
    %ne3A_1402 = arith.constant 0 : i32
    %ne3A_1403 = arith.cmpi ne, %rem3A_1401, %ne3A_1402 : i32
    %and3A_1404 = arith.andi %ne3A_1400, %ne3A_1403 : i1
    %sub3A_1405 = arith.constant 1 : i32
    %sub3A_1406 = arith.subi %div3A_1385, %sub3A_1405 : i32
    %select_n3A_1407 = arith.select %and3A_1404, %sub3A_1406, %div3A_1385 : i32
    %multiple_of3A_1408 = tpu.assume_multiple %select_n3A_1407, 8 : i32
    %dma_start3A_1409 = arith.constant 0 : i32
    %dma_start3A_1410 = tpu.memref_slice %arg2[%multiple_of3A_1408, %dma_start3A_1409] : memref<24576x512xf32, #tpu.memory_space<hbm>> -> memref<8x512xf32, #tpu.memory_space<hbm>>
    %dma_start3A_1411 = arith.constant 0 : i32
    %dma_start3A_1412 = tpu.memref_slice %arg2[%multiple_of3A_1408, %dma_start3A_1411] : memref<24576x512xf32, #tpu.memory_space<hbm>> -> memref<8x512xf32, #tpu.memory_space<hbm>>
    tpu.enqueue_dma source(%dma_start3A_1412 : memref<8x512xf32, #tpu.memory_space<hbm>>) target(%arg22 : memref<8x512xf32, #tpu.memory_space<vmem>>) target_semaphore(%arg38 : memref<!tpu.dma_semaphore, #tpu.memory_space<semaphore_mem>>)
    %dma_start3A_1413 = arith.constant 0 : i32
    %dma_start3A_1414 = tpu.memref_slice %arg3[%multiple_of3A_1408, %dma_start3A_1413] : memref<24576x512xf32, #tpu.memory_space<hbm>> -> memref<8x512xf32, #tpu.memory_space<hbm>>
    %dma_start3A_1415 = arith.constant 0 : i32
    %dma_start3A_1416 = tpu.memref_slice %arg3[%multiple_of3A_1408, %dma_start3A_1415] : memref<24576x512xf32, #tpu.memory_space<hbm>> -> memref<8x512xf32, #tpu.memory_space<hbm>>
    tpu.enqueue_dma source(%dma_start3A_1416 : memref<8x512xf32, #tpu.memory_space<hbm>>) target(%arg25 : memref<8x512xf32, #tpu.memory_space<vmem>>) target_semaphore(%arg38 : memref<!tpu.dma_semaphore, #tpu.memory_space<semaphore_mem>>)
    %mul3A_1417 = arith.constant 3 : i32
    %mul3A_1418 = arith.muli %select_n3A_1291, %mul3A_1417 : i32
    %add3A_1419 = arith.constant 2 : i32
    %add3A_1420 = arith.addi %mul3A_1418, %add3A_1419 : i32
    %mul3A_1421 = arith.constant 262144 : i32
    %mul3A_1422 = arith.muli %add3A_1420, %mul3A_1421 : i32
    %add3A_1423 = arith.addi %mul3A_1422, %select_n3A_1307 : i32
    %jit3A_1424 = arith.constant 512 : i32
    %div3A_1425 = arith.divsi %add3A_1423, %jit3A_1424 : i32
    %sign3A_1426 = arith.constant 0 : i32
    %sign3A_1427 = arith.cmpi sgt, %add3A_1423, %sign3A_1426 : i32
    %sign3A_1428 = arith.extui %sign3A_1427 : i1 to i32
    %sign3A_1429 = arith.constant 0 : i32
    %sign3A_1430 = arith.cmpi slt, %add3A_1423, %sign3A_1429 : i32
    %sign3A_1431 = arith.extui %sign3A_1430 : i1 to i32
    %sign3A_1432 = arith.subi %sign3A_1428, %sign3A_1431 : i32
    %sign3A_1433 = arith.constant 0 : i32
    %sign3A_1434 = arith.cmpi sgt, %jit3A_1424, %sign3A_1433 : i32
    %sign3A_1435 = arith.extui %sign3A_1434 : i1 to i32
    %sign3A_1436 = arith.constant 0 : i32
    %sign3A_1437 = arith.cmpi slt, %jit3A_1424, %sign3A_1436 : i32
    %sign3A_1438 = arith.extui %sign3A_1437 : i1 to i32
    %sign3A_1439 = arith.subi %sign3A_1435, %sign3A_1438 : i32
    %ne3A_1440 = arith.cmpi ne, %sign3A_1432, %sign3A_1439 : i32
    %rem3A_1441 = arith.remsi %add3A_1423, %jit3A_1424 : i32
    %ne3A_1442 = arith.constant 0 : i32
    %ne3A_1443 = arith.cmpi ne, %rem3A_1441, %ne3A_1442 : i32
    %and3A_1444 = arith.andi %ne3A_1440, %ne3A_1443 : i1
    %sub3A_1445 = arith.constant 1 : i32
    %sub3A_1446 = arith.subi %div3A_1425, %sub3A_1445 : i32
    %select_n3A_1447 = arith.select %and3A_1444, %sub3A_1446, %div3A_1425 : i32
    %multiple_of3A_1448 = tpu.assume_multiple %select_n3A_1447, 8 : i32
    %dma_start3A_1449 = arith.constant 0 : i32
    %dma_start3A_1450 = tpu.memref_slice %arg2[%multiple_of3A_1448, %dma_start3A_1449] : memref<24576x512xf32, #tpu.memory_space<hbm>> -> memref<8x512xf32, #tpu.memory_space<hbm>>
    %dma_start3A_1451 = arith.constant 0 : i32
    %dma_start3A_1452 = tpu.memref_slice %arg2[%multiple_of3A_1448, %dma_start3A_1451] : memref<24576x512xf32, #tpu.memory_space<hbm>> -> memref<8x512xf32, #tpu.memory_space<hbm>>
    tpu.enqueue_dma source(%dma_start3A_1452 : memref<8x512xf32, #tpu.memory_space<hbm>>) target(%arg23 : memref<8x512xf32, #tpu.memory_space<vmem>>) target_semaphore(%arg38 : memref<!tpu.dma_semaphore, #tpu.memory_space<semaphore_mem>>)
    %dma_start3A_1453 = arith.constant 0 : i32
    %dma_start3A_1454 = tpu.memref_slice %arg3[%multiple_of3A_1448, %dma_start3A_1453] : memref<24576x512xf32, #tpu.memory_space<hbm>> -> memref<8x512xf32, #tpu.memory_space<hbm>>
    %dma_start3A_1455 = arith.constant 0 : i32
    %dma_start3A_1456 = tpu.memref_slice %arg3[%multiple_of3A_1448, %dma_start3A_1455] : memref<24576x512xf32, #tpu.memory_space<hbm>> -> memref<8x512xf32, #tpu.memory_space<hbm>>
    tpu.enqueue_dma source(%dma_start3A_1456 : memref<8x512xf32, #tpu.memory_space<hbm>>) target(%arg26 : memref<8x512xf32, #tpu.memory_space<vmem>>) target_semaphore(%arg38 : memref<!tpu.dma_semaphore, #tpu.memory_space<semaphore_mem>>)
    %scan3A_1457 = arith.constant 0 : i32
    %scan3A_1458 = arith.constant 8 : i32
    %scan3A_1459 = arith.addi %scan3A_1457, %scan3A_1458 : i32
    %scan3A_1460 = arith.constant 1 : i32
    %scan3A_1461:8 = scf.for %scan3A_1804 = %scan3A_1457 to %scan3A_1459 step %scan3A_1460 iter_args(%scan3A_1805 = %scan3A_1236#0, %scan3A_1806 = %scan3A_1236#1, %scan3A_1807 = %scan3A_1236#2, %scan3A_1808 = %scan3A_1236#3, %scan3A_1809 = %scan3A_1236#4, %scan3A_1810 = %scan3A_1236#5, %scan3A_1811 = %scan3A_1236#6, %scan3A_1812 = %scan3A_1236#7) -> (vector<16xf32>, vector<16xf32>, vector<16xf32>, vector<16xf32>, vector<16xf32>, vector<16xf32>, vector<16xf32>, vector<16xf32>)  : i32 {
      %scan3A_1813 = arith.constant 0 : i32
      %scan3A_1814 = arith.constant 8 : i32
      %scan3A_1815 = arith.addi %scan3A_1813, %scan3A_1814 : i32
      %scan3A_1816 = arith.constant 1 : i32
      %scan3A_1817:8 = scf.for %scan3A_1819 = %scan3A_1813 to %scan3A_1815 step %scan3A_1816 iter_args(%scan3A_1820 = %scan3A_1805, %scan3A_1821 = %scan3A_1806, %scan3A_1822 = %scan3A_1807, %scan3A_1823 = %scan3A_1808, %scan3A_1824 = %scan3A_1809, %scan3A_1825 = %scan3A_1810, %scan3A_1826 = %scan3A_1811, %scan3A_1827 = %scan3A_1812) -> (vector<16xf32>, vector<16xf32>, vector<16xf32>, vector<16xf32>, vector<16xf32>, vector<16xf32>, vector<16xf32>, vector<16xf32>)  : i32 {
        %mul3A_1828 = arith.constant 4 : i32
        %mul3A_1829 = arith.muli %scan3A_1819, %mul3A_1828 : i32
        %add3A_1830 = arith.constant 0 : i32
        %add3A_1831 = arith.addi %mul3A_1829, %add3A_1830 : i32
        %mul3A_1832 = arith.constant 16 : i32
        %mul3A_1833 = arith.muli %add3A_1831, %mul3A_1832 : i32
        %get3A = arith.index_cast %scan3A_1804 : i32 to index
        %get3A_1834 = arith.index_cast %mul3A_1833 : i32 to index
        %get3A_1835 = tpu.vector_load %arg27[%get3A, %get3A_1834] {strides = array<i32>} : memref<8x512xf32, #tpu.memory_space<vmem>>, vector<1x16xf32>,
        %get3A_1836 = vector.shape_cast %get3A_1835 : vector<1x16xf32> to vector<16xf32>
        %gt3A = arith.constant 0.00999999977 : f32
        %gt3A_1837 = vector.broadcast %gt3A : f32 to vector<16xf32>
        %gt3A_1838 = arith.cmpf ogt, %get3A_1836, %gt3A_1837 : vector<16xf32>
        %jit3A_1839 = arith.constant 1.000000e+00 : f32
        %jit3A_1840 = arith.constant 0.000000e+00 : f32
        %broadcast_in_dim3A_1841 = vector.broadcast %jit3A_1839 : f32 to vector<16xf32>
        %broadcast_in_dim3A_1842 = vector.broadcast %jit3A_1840 : f32 to vector<16xf32>
        %select_n3A_1843 = arith.select %gt3A_1838, %broadcast_in_dim3A_1841, %broadcast_in_dim3A_1842 : vector<16xi1>, vector<16xf32>
        %add3A_1844 = arith.addf %scan3A_1826, %select_n3A_1843 : vector<16xf32>
        %get3A_1845 = arith.index_cast %scan3A_1804 : i32 to index
        %get3A_1846 = arith.index_cast %mul3A_1833 : i32 to index
        %get3A_1847 = tpu.vector_load %arg28[%get3A_1845, %get3A_1846] {strides = array<i32>} : memref<8x512xf32, #tpu.memory_space<vmem>>, vector<1x16xf32>,
        %get3A_1848 = vector.shape_cast %get3A_1847 : vector<1x16xf32> to vector<16xf32>
        %get3A_1849 = arith.index_cast %scan3A_1804 : i32 to index
        %get3A_1850 = arith.index_cast %mul3A_1833 : i32 to index
        %get3A_1851 = tpu.vector_load %arg31[%get3A_1849, %get3A_1850] {strides = array<i32>} : memref<8x512xf32, #tpu.memory_space<vmem>>, vector<1x16xf32>,
        %get3A_1852 = vector.shape_cast %get3A_1851 : vector<1x16xf32> to vector<16xf32>
        %sub3A_1853 = arith.subf %get3A_1848, %get3A_1852 : vector<16xf32>
        %abs3A = math.absf %sub3A_1853 : vector<16xf32>
        %jit3A_1854 = arith.constant 0.000000e+00 : f32
        %broadcast_in_dim3A_1855 = vector.broadcast %jit3A_1854 : f32 to vector<16xf32>
        %select_n3A_1856 = arith.select %gt3A_1838, %abs3A, %broadcast_in_dim3A_1855 : vector<16xi1>, vector<16xf32>
        %add3A_1857 = arith.addf %scan3A_1820, %select_n3A_1856 : vector<16xf32>
        %get3A_1858 = arith.index_cast %scan3A_1804 : i32 to index
        %get3A_1859 = arith.index_cast %mul3A_1833 : i32 to index
        %get3A_1860 = tpu.vector_load %arg29[%get3A_1858, %get3A_1859] {strides = array<i32>} : memref<8x512xf32, #tpu.memory_space<vmem>>, vector<1x16xf32>,
        %get3A_1861 = vector.shape_cast %get3A_1860 : vector<1x16xf32> to vector<16xf32>
        %get3A_1862 = arith.index_cast %scan3A_1804 : i32 to index
        %get3A_1863 = arith.index_cast %mul3A_1833 : i32 to index
        %get3A_1864 = tpu.vector_load %arg32[%get3A_1862, %get3A_1863] {strides = array<i32>} : memref<8x512xf32, #tpu.memory_space<vmem>>, vector<1x16xf32>,
        %get3A_1865 = vector.shape_cast %get3A_1864 : vector<1x16xf32> to vector<16xf32>
        %sub3A_1866 = arith.subf %get3A_1861, %get3A_1865 : vector<16xf32>
        %abs3A_1867 = math.absf %sub3A_1866 : vector<16xf32>
        %jit3A_1868 = arith.constant 0.000000e+00 : f32
        %broadcast_in_dim3A_1869 = vector.broadcast %jit3A_1868 : f32 to vector<16xf32>
        %select_n3A_1870 = arith.select %gt3A_1838, %abs3A_1867, %broadcast_in_dim3A_1869 : vector<16xi1>, vector<16xf32>
        %add3A_1871 = arith.addf %scan3A_1822, %select_n3A_1870 : vector<16xf32>
        %get3A_1872 = arith.index_cast %scan3A_1804 : i32 to index
        %get3A_1873 = arith.index_cast %mul3A_1833 : i32 to index
        %get3A_1874 = tpu.vector_load %arg30[%get3A_1872, %get3A_1873] {strides = array<i32>} : memref<8x512xf32, #tpu.memory_space<vmem>>, vector<1x16xf32>,
        %get3A_1875 = vector.shape_cast %get3A_1874 : vector<1x16xf32> to vector<16xf32>
        %get3A_1876 = arith.index_cast %scan3A_1804 : i32 to index
        %get3A_1877 = arith.index_cast %mul3A_1833 : i32 to index
        %get3A_1878 = tpu.vector_load %arg33[%get3A_1876, %get3A_1877] {strides = array<i32>} : memref<8x512xf32, #tpu.memory_space<vmem>>, vector<1x16xf32>,
        %get3A_1879 = vector.shape_cast %get3A_1878 : vector<1x16xf32> to vector<16xf32>
        %sub3A_1880 = arith.subf %get3A_1875, %get3A_1879 : vector<16xf32>
        %abs3A_1881 = math.absf %sub3A_1880 : vector<16xf32>
        %jit3A_1882 = arith.constant 0.000000e+00 : f32
        %broadcast_in_dim3A_1883 = vector.broadcast %jit3A_1882 : f32 to vector<16xf32>
        %select_n3A_1884 = arith.select %gt3A_1838, %abs3A_1881, %broadcast_in_dim3A_1883 : vector<16xi1>, vector<16xf32>
        %add3A_1885 = arith.addf %scan3A_1824, %select_n3A_1884 : vector<16xf32>
        %mul3A_1886 = arith.constant 4 : i32
        %mul3A_1887 = arith.muli %scan3A_1819, %mul3A_1886 : i32
        %add3A_1888 = arith.constant 1 : i32
        %add3A_1889 = arith.addi %mul3A_1887, %add3A_1888 : i32
        %mul3A_1890 = arith.constant 16 : i32
        %mul3A_1891 = arith.muli %add3A_1889, %mul3A_1890 : i32
        %get3A_1892 = arith.index_cast %scan3A_1804 : i32 to index
        %get3A_1893 = arith.index_cast %mul3A_1891 : i32 to index
        %get3A_1894 = tpu.vector_load %arg27[%get3A_1892, %get3A_1893] {strides = array<i32>} : memref<8x512xf32, #tpu.memory_space<vmem>>, vector<1x16xf32>,
        %get3A_1895 = vector.shape_cast %get3A_1894 : vector<1x16xf32> to vector<16xf32>
        %gt3A_1896 = arith.constant 0.00999999977 : f32
        %gt3A_1897 = vector.broadcast %gt3A_1896 : f32 to vector<16xf32>
        %gt3A_1898 = arith.cmpf ogt, %get3A_1895, %gt3A_1897 : vector<16xf32>
        %jit3A_1899 = arith.constant 1.000000e+00 : f32
        %jit3A_1900 = arith.constant 0.000000e+00 : f32
        %broadcast_in_dim3A_1901 = vector.broadcast %jit3A_1899 : f32 to vector<16xf32>
        %broadcast_in_dim3A_1902 = vector.broadcast %jit3A_1900 : f32 to vector<16xf32>
        %select_n3A_1903 = arith.select %gt3A_1898, %broadcast_in_dim3A_1901, %broadcast_in_dim3A_1902 : vector<16xi1>, vector<16xf32>
        %add3A_1904 = arith.addf %scan3A_1827, %select_n3A_1903 : vector<16xf32>
        %get3A_1905 = arith.index_cast %scan3A_1804 : i32 to index
        %get3A_1906 = arith.index_cast %mul3A_1891 : i32 to index
        %get3A_1907 = tpu.vector_load %arg28[%get3A_1905, %get3A_1906] {strides = array<i32>} : memref<8x512xf32, #tpu.memory_space<vmem>>, vector<1x16xf32>,
        %get3A_1908 = vector.shape_cast %get3A_1907 : vector<1x16xf32> to vector<16xf32>
        %get3A_1909 = arith.index_cast %scan3A_1804 : i32 to index
        %get3A_1910 = arith.index_cast %mul3A_1891 : i32 to index
        %get3A_1911 = tpu.vector_load %arg31[%get3A_1909, %get3A_1910] {strides = array<i32>} : memref<8x512xf32, #tpu.memory_space<vmem>>, vector<1x16xf32>,
        %get3A_1912 = vector.shape_cast %get3A_1911 : vector<1x16xf32> to vector<16xf32>
        %sub3A_1913 = arith.subf %get3A_1908, %get3A_1912 : vector<16xf32>
        %abs3A_1914 = math.absf %sub3A_1913 : vector<16xf32>
        %jit3A_1915 = arith.constant 0.000000e+00 : f32
        %broadcast_in_dim3A_1916 = vector.broadcast %jit3A_1915 : f32 to vector<16xf32>
        %select_n3A_1917 = arith.select %gt3A_1898, %abs3A_1914, %broadcast_in_dim3A_1916 : vector<16xi1>, vector<16xf32>
        %add3A_1918 = arith.addf %scan3A_1821, %select_n3A_1917 : vector<16xf32>
        %get3A_1919 = arith.index_cast %scan3A_1804 : i32 to index
        %get3A_1920 = arith.index_cast %mul3A_1891 : i32 to index
        %get3A_1921 = tpu.vector_load %arg29[%get3A_1919, %get3A_1920] {strides = array<i32>} : memref<8x512xf32, #tpu.memory_space<vmem>>, vector<1x16xf32>,
        %get3A_1922 = vector.shape_cast %get3A_1921 : vector<1x16xf32> to vector<16xf32>
        %get3A_1923 = arith.index_cast %scan3A_1804 : i32 to index
        %get3A_1924 = arith.index_cast %mul3A_1891 : i32 to index
        %get3A_1925 = tpu.vector_load %arg32[%get3A_1923, %get3A_1924] {strides = array<i32>} : memref<8x512xf32, #tpu.memory_space<vmem>>, vector<1x16xf32>,
        %get3A_1926 = vector.shape_cast %get3A_1925 : vector<1x16xf32> to vector<16xf32>
        %sub3A_1927 = arith.subf %get3A_1922, %get3A_1926 : vector<16xf32>
        %abs3A_1928 = math.absf %sub3A_1927 : vector<16xf32>
        %jit3A_1929 = arith.constant 0.000000e+00 : f32
        %broadcast_in_dim3A_1930 = vector.broadcast %jit3A_1929 : f32 to vector<16xf32>
        %select_n3A_1931 = arith.select %gt3A_1898, %abs3A_1928, %broadcast_in_dim3A_1930 : vector<16xi1>, vector<16xf32>
        %add3A_1932 = arith.addf %scan3A_1823, %select_n3A_1931 : vector<16xf32>
        %get3A_1933 = arith.index_cast %scan3A_1804 : i32 to index
        %get3A_1934 = arith.index_cast %mul3A_1891 : i32 to index
        %get3A_1935 = tpu.vector_load %arg30[%get3A_1933, %get3A_1934] {strides = array<i32>} : memref<8x512xf32, #tpu.memory_space<vmem>>, vector<1x16xf32>,
        %get3A_1936 = vector.shape_cast %get3A_1935 : vector<1x16xf32> to vector<16xf32>
        %get3A_1937 = arith.index_cast %scan3A_1804 : i32 to index
        %get3A_1938 = arith.index_cast %mul3A_1891 : i32 to index
        %get3A_1939 = tpu.vector_load %arg33[%get3A_1937, %get3A_1938] {strides = array<i32>} : memref<8x512xf32, #tpu.memory_space<vmem>>, vector<1x16xf32>,
        %get3A_1940 = vector.shape_cast %get3A_1939 : vector<1x16xf32> to vector<16xf32>
        %sub3A_1941 = arith.subf %get3A_1936, %get3A_1940 : vector<16xf32>
        %abs3A_1942 = math.absf %sub3A_1941 : vector<16xf32>
        %jit3A_1943 = arith.constant 0.000000e+00 : f32
        %broadcast_in_dim3A_1944 = vector.broadcast %jit3A_1943 : f32 to vector<16xf32>
        %select_n3A_1945 = arith.select %gt3A_1898, %abs3A_1942, %broadcast_in_dim3A_1944 : vector<16xi1>, vector<16xf32>
        %add3A_1946 = arith.addf %scan3A_1825, %select_n3A_1945 : vector<16xf32>
        %mul3A_1947 = arith.constant 4 : i32
        %mul3A_1948 = arith.muli %scan3A_1819, %mul3A_1947 : i32
        %add3A_1949 = arith.constant 2 : i32
        %add3A_1950 = arith.addi %mul3A_1948, %add3A_1949 : i32
        %mul3A_1951 = arith.constant 16 : i32
        %mul3A_1952 = arith.muli %add3A_1950, %mul3A_1951 : i32
        %get3A_1953 = arith.index_cast %scan3A_1804 : i32 to index
        %get3A_1954 = arith.index_cast %mul3A_1952 : i32 to index
        %get3A_1955 = tpu.vector_load %arg27[%get3A_1953, %get3A_1954] {strides = array<i32>} : memref<8x512xf32, #tpu.memory_space<vmem>>, vector<1x16xf32>,
        %get3A_1956 = vector.shape_cast %get3A_1955 : vector<1x16xf32> to vector<16xf32>
        %gt3A_1957 = arith.constant 0.00999999977 : f32
        %gt3A_1958 = vector.broadcast %gt3A_1957 : f32 to vector<16xf32>
        %gt3A_1959 = arith.cmpf ogt, %get3A_1956, %gt3A_1958 : vector<16xf32>
        %jit3A_1960 = arith.constant 1.000000e+00 : f32
        %jit3A_1961 = arith.constant 0.000000e+00 : f32
        %broadcast_in_dim3A_1962 = vector.broadcast %jit3A_1960 : f32 to vector<16xf32>
        %broadcast_in_dim3A_1963 = vector.broadcast %jit3A_1961 : f32 to vector<16xf32>
        %select_n3A_1964 = arith.select %gt3A_1959, %broadcast_in_dim3A_1962, %broadcast_in_dim3A_1963 : vector<16xi1>, vector<16xf32>
        %add3A_1965 = arith.addf %add3A_1844, %select_n3A_1964 : vector<16xf32>
        %get3A_1966 = arith.index_cast %scan3A_1804 : i32 to index
        %get3A_1967 = arith.index_cast %mul3A_1952 : i32 to index
        %get3A_1968 = tpu.vector_load %arg28[%get3A_1966, %get3A_1967] {strides = array<i32>} : memref<8x512xf32, #tpu.memory_space<vmem>>, vector<1x16xf32>,
        %get3A_1969 = vector.shape_cast %get3A_1968 : vector<1x16xf32> to vector<16xf32>
        %get3A_1970 = arith.index_cast %scan3A_1804 : i32 to index
        %get3A_1971 = arith.index_cast %mul3A_1952 : i32 to index
        %get3A_1972 = tpu.vector_load %arg31[%get3A_1970, %get3A_1971] {strides = array<i32>} : memref<8x512xf32, #tpu.memory_space<vmem>>, vector<1x16xf32>,
        %get3A_1973 = vector.shape_cast %get3A_1972 : vector<1x16xf32> to vector<16xf32>
        %sub3A_1974 = arith.subf %get3A_1969, %get3A_1973 : vector<16xf32>
        %abs3A_1975 = math.absf %sub3A_1974 : vector<16xf32>
        %jit3A_1976 = arith.constant 0.000000e+00 : f32
        %broadcast_in_dim3A_1977 = vector.broadcast %jit3A_1976 : f32 to vector<16xf32>
        %select_n3A_1978 = arith.select %gt3A_1959, %abs3A_1975, %broadcast_in_dim3A_1977 : vector<16xi1>, vector<16xf32>
        %add3A_1979 = arith.addf %add3A_1857, %select_n3A_1978 : vector<16xf32>
        %get3A_1980 = arith.index_cast %scan3A_1804 : i32 to index
        %get3A_1981 = arith.index_cast %mul3A_1952 : i32 to index
        %get3A_1982 = tpu.vector_load %arg29[%get3A_1980, %get3A_1981] {strides = array<i32>} : memref<8x512xf32, #tpu.memory_space<vmem>>, vector<1x16xf32>,
        %get3A_1983 = vector.shape_cast %get3A_1982 : vector<1x16xf32> to vector<16xf32>
        %get3A_1984 = arith.index_cast %scan3A_1804 : i32 to index
        %get3A_1985 = arith.index_cast %mul3A_1952 : i32 to index
        %get3A_1986 = tpu.vector_load %arg32[%get3A_1984, %get3A_1985] {strides = array<i32>} : memref<8x512xf32, #tpu.memory_space<vmem>>, vector<1x16xf32>,
        %get3A_1987 = vector.shape_cast %get3A_1986 : vector<1x16xf32> to vector<16xf32>
        %sub3A_1988 = arith.subf %get3A_1983, %get3A_1987 : vector<16xf32>
        %abs3A_1989 = math.absf %sub3A_1988 : vector<16xf32>
        %jit3A_1990 = arith.constant 0.000000e+00 : f32
        %broadcast_in_dim3A_1991 = vector.broadcast %jit3A_1990 : f32 to vector<16xf32>
        %select_n3A_1992 = arith.select %gt3A_1959, %abs3A_1989, %broadcast_in_dim3A_1991 : vector<16xi1>, vector<16xf32>
        %add3A_1993 = arith.addf %add3A_1871, %select_n3A_1992 : vector<16xf32>
        %get3A_1994 = arith.index_cast %scan3A_1804 : i32 to index
        %get3A_1995 = arith.index_cast %mul3A_1952 : i32 to index
        %get3A_1996 = tpu.vector_load %arg30[%get3A_1994, %get3A_1995] {strides = array<i32>} : memref<8x512xf32, #tpu.memory_space<vmem>>, vector<1x16xf32>,
        %get3A_1997 = vector.shape_cast %get3A_1996 : vector<1x16xf32> to vector<16xf32>
        %get3A_1998 = arith.index_cast %scan3A_1804 : i32 to index
        %get3A_1999 = arith.index_cast %mul3A_1952 : i32 to index
        %get3A_2000 = tpu.vector_load %arg33[%get3A_1998, %get3A_1999] {strides = array<i32>} : memref<8x512xf32, #tpu.memory_space<vmem>>, vector<1x16xf32>,
        %get3A_2001 = vector.shape_cast %get3A_2000 : vector<1x16xf32> to vector<16xf32>
        %sub3A_2002 = arith.subf %get3A_1997, %get3A_2001 : vector<16xf32>
        %abs3A_2003 = math.absf %sub3A_2002 : vector<16xf32>
        %jit3A_2004 = arith.constant 0.000000e+00 : f32
        %broadcast_in_dim3A_2005 = vector.broadcast %jit3A_2004 : f32 to vector<16xf32>
        %select_n3A_2006 = arith.select %gt3A_1959, %abs3A_2003, %broadcast_in_dim3A_2005 : vector<16xi1>, vector<16xf32>
        %add3A_2007 = arith.addf %add3A_1885, %select_n3A_2006 : vector<16xf32>
        %mul3A_2008 = arith.constant 4 : i32
        %mul3A_2009 = arith.muli %scan3A_1819, %mul3A_2008 : i32
        %add3A_2010 = arith.constant 3 : i32
        %add3A_2011 = arith.addi %mul3A_2009, %add3A_2010 : i32
        %mul3A_2012 = arith.constant 16 : i32
        %mul3A_2013 = arith.muli %add3A_2011, %mul3A_2012 : i32
        %get3A_2014 = arith.index_cast %scan3A_1804 : i32 to index
        %get3A_2015 = arith.index_cast %mul3A_2013 : i32 to index
        %get3A_2016 = tpu.vector_load %arg27[%get3A_2014, %get3A_2015] {strides = array<i32>} : memref<8x512xf32, #tpu.memory_space<vmem>>, vector<1x16xf32>,
        %get3A_2017 = vector.shape_cast %get3A_2016 : vector<1x16xf32> to vector<16xf32>
        %gt3A_2018 = arith.constant 0.00999999977 : f32
        %gt3A_2019 = vector.broadcast %gt3A_2018 : f32 to vector<16xf32>
        %gt3A_2020 = arith.cmpf ogt, %get3A_2017, %gt3A_2019 : vector<16xf32>
        %jit3A_2021 = arith.constant 1.000000e+00 : f32
        %jit3A_2022 = arith.constant 0.000000e+00 : f32
        %broadcast_in_dim3A_2023 = vector.broadcast %jit3A_2021 : f32 to vector<16xf32>
        %broadcast_in_dim3A_2024 = vector.broadcast %jit3A_2022 : f32 to vector<16xf32>
        %select_n3A_2025 = arith.select %gt3A_2020, %broadcast_in_dim3A_2023, %broadcast_in_dim3A_2024 : vector<16xi1>, vector<16xf32>
        %add3A_2026 = arith.addf %add3A_1904, %select_n3A_2025 : vector<16xf32>
        %get3A_2027 = arith.index_cast %scan3A_1804 : i32 to index
        %get3A_2028 = arith.index_cast %mul3A_2013 : i32 to index
        %get3A_2029 = tpu.vector_load %arg28[%get3A_2027, %get3A_2028] {strides = array<i32>} : memref<8x512xf32, #tpu.memory_space<vmem>>, vector<1x16xf32>,
        %get3A_2030 = vector.shape_cast %get3A_2029 : vector<1x16xf32> to vector<16xf32>
        %get3A_2031 = arith.index_cast %scan3A_1804 : i32 to index
        %get3A_2032 = arith.index_cast %mul3A_2013 : i32 to index
        %get3A_2033 = tpu.vector_load %arg31[%get3A_2031, %get3A_2032] {strides = array<i32>} : memref<8x512xf32, #tpu.memory_space<vmem>>, vector<1x16xf32>,
        %get3A_2034 = vector.shape_cast %get3A_2033 : vector<1x16xf32> to vector<16xf32>
        %sub3A_2035 = arith.subf %get3A_2030, %get3A_2034 : vector<16xf32>
        %abs3A_2036 = math.absf %sub3A_2035 : vector<16xf32>
        %jit3A_2037 = arith.constant 0.000000e+00 : f32
        %broadcast_in_dim3A_2038 = vector.broadcast %jit3A_2037 : f32 to vector<16xf32>
        %select_n3A_2039 = arith.select %gt3A_2020, %abs3A_2036, %broadcast_in_dim3A_2038 : vector<16xi1>, vector<16xf32>
        %add3A_2040 = arith.addf %add3A_1918, %select_n3A_2039 : vector<16xf32>
        %get3A_2041 = arith.index_cast %scan3A_1804 : i32 to index
        %get3A_2042 = arith.index_cast %mul3A_2013 : i32 to index
        %get3A_2043 = tpu.vector_load %arg29[%get3A_2041, %get3A_2042] {strides = array<i32>} : memref<8x512xf32, #tpu.memory_space<vmem>>, vector<1x16xf32>,
        %get3A_2044 = vector.shape_cast %get3A_2043 : vector<1x16xf32> to vector<16xf32>
        %get3A_2045 = arith.index_cast %scan3A_1804 : i32 to index
        %get3A_2046 = arith.index_cast %mul3A_2013 : i32 to index
        %get3A_2047 = tpu.vector_load %arg32[%get3A_2045, %get3A_2046] {strides = array<i32>} : memref<8x512xf32, #tpu.memory_space<vmem>>, vector<1x16xf32>,
        %get3A_2048 = vector.shape_cast %get3A_2047 : vector<1x16xf32> to vector<16xf32>
        %sub3A_2049 = arith.subf %get3A_2044, %get3A_2048 : vector<16xf32>
        %abs3A_2050 = math.absf %sub3A_2049 : vector<16xf32>
        %jit3A_2051 = arith.constant 0.000000e+00 : f32
        %broadcast_in_dim3A_2052 = vector.broadcast %jit3A_2051 : f32 to vector<16xf32>
        %select_n3A_2053 = arith.select %gt3A_2020, %abs3A_2050, %broadcast_in_dim3A_2052 : vector<16xi1>, vector<16xf32>
        %add3A_2054 = arith.addf %add3A_1932, %select_n3A_2053 : vector<16xf32>
        %get3A_2055 = arith.index_cast %scan3A_1804 : i32 to index
        %get3A_2056 = arith.index_cast %mul3A_2013 : i32 to index
        %get3A_2057 = tpu.vector_load %arg30[%get3A_2055, %get3A_2056] {strides = array<i32>} : memref<8x512xf32, #tpu.memory_space<vmem>>, vector<1x16xf32>,
        %get3A_2058 = vector.shape_cast %get3A_2057 : vector<1x16xf32> to vector<16xf32>
        %get3A_2059 = arith.index_cast %scan3A_1804 : i32 to index
        %get3A_2060 = arith.index_cast %mul3A_2013 : i32 to index
        %get3A_2061 = tpu.vector_load %arg33[%get3A_2059, %get3A_2060] {strides = array<i32>} : memref<8x512xf32, #tpu.memory_space<vmem>>, vector<1x16xf32>,
        %get3A_2062 = vector.shape_cast %get3A_2061 : vector<1x16xf32> to vector<16xf32>
        %sub3A_2063 = arith.subf %get3A_2058, %get3A_2062 : vector<16xf32>
        %abs3A_2064 = math.absf %sub3A_2063 : vector<16xf32>
        %jit3A_2065 = arith.constant 0.000000e+00 : f32
        %broadcast_in_dim3A_2066 = vector.broadcast %jit3A_2065 : f32 to vector<16xf32>
        %select_n3A_2067 = arith.select %gt3A_2020, %abs3A_2064, %broadcast_in_dim3A_2066 : vector<16xi1>, vector<16xf32>
        %add3A_2068 = arith.addf %add3A_1946, %select_n3A_2067 : vector<16xf32>
        scf.yield %add3A_1979, %add3A_2040, %add3A_1993, %add3A_2054, %add3A_2007, %add3A_2068, %add3A_1965, %add3A_2026 : vector<16xf32>, vector<16xf32>, vector<16xf32>, vector<16xf32>, vector<16xf32>, vector<16xf32>, vector<16xf32>, vector<16xf32>
      }
      %scan3A_1818 = arith.constant 8 : i32
      scf.yield %scan3A_1817#0, %scan3A_1817#1, %scan3A_1817#2, %scan3A_1817#3, %scan3A_1817#4, %scan3A_1817#5, %scan3A_1817#6, %scan3A_1817#7 : vector<16xf32>, vector<16xf32>, vector<16xf32>, vector<16xf32>, vector<16xf32>, vector<16xf32>, vector<16xf32>, vector<16xf32>
    }
    %scan3A_1462 = arith.constant 8 : i32
    %dma_wait3A_1463 = arith.constant 0 : i32
    %dma_wait3A_1464 = tpu.memref_slice %arg4[%multiple_of3A_882, %dma_wait3A_1463] : memref<8192x512xf32, #tpu.memory_space<hbm>> -> memref<8x512xf32, #tpu.memory_space<hbm>>
    %dma_wait3A_1465 = arith.constant 0 : i32
    %dma_wait3A_1466 = tpu.memref_slice %arg4[%multiple_of3A_882, %dma_wait3A_1465] : memref<8192x512xf32, #tpu.memory_space<hbm>> -> memref<8x512xf32, #tpu.memory_space<hbm>>
    tpu.wait_dma2 semaphore(%arg36 : memref<!tpu.dma_semaphore, #tpu.memory_space<semaphore_mem>>) src(%dma_wait3A_1466 : memref<8x512xf32, #tpu.memory_space<hbm>>) dst(%arg6 : memref<8x512xf32, #tpu.memory_space<vmem>>)
    %dma_wait3A_1467 = arith.constant 0 : i32
    %dma_wait3A_1468 = tpu.memref_slice %arg2[%multiple_of3A_918, %dma_wait3A_1467] : memref<24576x512xf32, #tpu.memory_space<hbm>> -> memref<8x512xf32, #tpu.memory_space<hbm>>
    %dma_wait3A_1469 = arith.constant 0 : i32
    %dma_wait3A_1470 = tpu.memref_slice %arg2[%multiple_of3A_918, %dma_wait3A_1469] : memref<24576x512xf32, #tpu.memory_space<hbm>> -> memref<8x512xf32, #tpu.memory_space<hbm>>
    tpu.wait_dma2 semaphore(%arg36 : memref<!tpu.dma_semaphore, #tpu.memory_space<semaphore_mem>>) src(%dma_wait3A_1470 : memref<8x512xf32, #tpu.memory_space<hbm>>) dst(%arg7 : memref<8x512xf32, #tpu.memory_space<vmem>>)
    %dma_wait3A_1471 = arith.constant 0 : i32
    %dma_wait3A_1472 = tpu.memref_slice %arg3[%multiple_of3A_918, %dma_wait3A_1471] : memref<24576x512xf32, #tpu.memory_space<hbm>> -> memref<8x512xf32, #tpu.memory_space<hbm>>
    %dma_wait3A_1473 = arith.constant 0 : i32
    %dma_wait3A_1474 = tpu.memref_slice %arg3[%multiple_of3A_918, %dma_wait3A_1473] : memref<24576x512xf32, #tpu.memory_space<hbm>> -> memref<8x512xf32, #tpu.memory_space<hbm>>
    tpu.wait_dma2 semaphore(%arg36 : memref<!tpu.dma_semaphore, #tpu.memory_space<semaphore_mem>>) src(%dma_wait3A_1474 : memref<8x512xf32, #tpu.memory_space<hbm>>) dst(%arg10 : memref<8x512xf32, #tpu.memory_space<vmem>>)
    %dma_wait3A_1475 = arith.constant 0 : i32
    %dma_wait3A_1476 = tpu.memref_slice %arg2[%multiple_of3A_958, %dma_wait3A_1475] : memref<24576x512xf32, #tpu.memory_space<hbm>> -> memref<8x512xf32, #tpu.memory_space<hbm>>
    %dma_wait3A_1477 = arith.constant 0 : i32
    %dma_wait3A_1478 = tpu.memref_slice %arg2[%multiple_of3A_958, %dma_wait3A_1477] : memref<24576x512xf32, #tpu.memory_space<hbm>> -> memref<8x512xf32, #tpu.memory_space<hbm>>
    tpu.wait_dma2 semaphore(%arg36 : memref<!tpu.dma_semaphore, #tpu.memory_space<semaphore_mem>>) src(%dma_wait3A_1478 : memref<8x512xf32, #tpu.memory_space<hbm>>) dst(%arg8 : memref<8x512xf32, #tpu.memory_space<vmem>>)
    %dma_wait3A_1479 = arith.constant 0 : i32
    %dma_wait3A_1480 = tpu.memref_slice %arg3[%multiple_of3A_958, %dma_wait3A_1479] : memref<24576x512xf32, #tpu.memory_space<hbm>> -> memref<8x512xf32, #tpu.memory_space<hbm>>
    %dma_wait3A_1481 = arith.constant 0 : i32
    %dma_wait3A_1482 = tpu.memref_slice %arg3[%multiple_of3A_958, %dma_wait3A_1481] : memref<24576x512xf32, #tpu.memory_space<hbm>> -> memref<8x512xf32, #tpu.memory_space<hbm>>
    tpu.wait_dma2 semaphore(%arg36 : memref<!tpu.dma_semaphore, #tpu.memory_space<semaphore_mem>>) src(%dma_wait3A_1482 : memref<8x512xf32, #tpu.memory_space<hbm>>) dst(%arg11 : memref<8x512xf32, #tpu.memory_space<vmem>>)
    %dma_wait3A_1483 = arith.constant 0 : i32
    %dma_wait3A_1484 = tpu.memref_slice %arg2[%multiple_of3A_998, %dma_wait3A_1483] : memref<24576x512xf32, #tpu.memory_space<hbm>> -> memref<8x512xf32, #tpu.memory_space<hbm>>
    %dma_wait3A_1485 = arith.constant 0 : i32
    %dma_wait3A_1486 = tpu.memref_slice %arg2[%multiple_of3A_998, %dma_wait3A_1485] : memref<24576x512xf32, #tpu.memory_space<hbm>> -> memref<8x512xf32, #tpu.memory_space<hbm>>
    tpu.wait_dma2 semaphore(%arg36 : memref<!tpu.dma_semaphore, #tpu.memory_space<semaphore_mem>>) src(%dma_wait3A_1486 : memref<8x512xf32, #tpu.memory_space<hbm>>) dst(%arg9 : memref<8x512xf32, #tpu.memory_space<vmem>>)
    %dma_wait3A_1487 = arith.constant 0 : i32
    %dma_wait3A_1488 = tpu.memref_slice %arg3[%multiple_of3A_998, %dma_wait3A_1487] : memref<24576x512xf32, #tpu.memory_space<hbm>> -> memref<8x512xf32, #tpu.memory_space<hbm>>
    %dma_wait3A_1489 = arith.constant 0 : i32
    %dma_wait3A_1490 = tpu.memref_slice %arg3[%multiple_of3A_998, %dma_wait3A_1489] : memref<24576x512xf32, #tpu.memory_space<hbm>> -> memref<8x512xf32, #tpu.memory_space<hbm>>
    tpu.wait_dma2 semaphore(%arg36 : memref<!tpu.dma_semaphore, #tpu.memory_space<semaphore_mem>>) src(%dma_wait3A_1490 : memref<8x512xf32, #tpu.memory_space<hbm>>) dst(%arg12 : memref<8x512xf32, #tpu.memory_space<vmem>>)
    %add3A_1491 = arith.constant 28672 : i32
    %add3A_1492 = arith.addi %mul3A_2, %add3A_1491 : i32
    %jit3A_1493 = arith.constant 262144 : i32
    %div3A_1494 = arith.divsi %add3A_1492, %jit3A_1493 : i32
    %sign3A_1495 = arith.constant 0 : i32
    %sign3A_1496 = arith.cmpi sgt, %add3A_1492, %sign3A_1495 : i32
    %sign3A_1497 = arith.extui %sign3A_1496 : i1 to i32
    %sign3A_1498 = arith.constant 0 : i32
    %sign3A_1499 = arith.cmpi slt, %add3A_1492, %sign3A_1498 : i32
    %sign3A_1500 = arith.extui %sign3A_1499 : i1 to i32
    %sign3A_1501 = arith.subi %sign3A_1497, %sign3A_1500 : i32
    %sign3A_1502 = arith.constant 0 : i32
    %sign3A_1503 = arith.cmpi sgt, %jit3A_1493, %sign3A_1502 : i32
    %sign3A_1504 = arith.extui %sign3A_1503 : i1 to i32
    %sign3A_1505 = arith.constant 0 : i32
    %sign3A_1506 = arith.cmpi slt, %jit3A_1493, %sign3A_1505 : i32
    %sign3A_1507 = arith.extui %sign3A_1506 : i1 to i32
    %sign3A_1508 = arith.subi %sign3A_1504, %sign3A_1507 : i32
    %ne3A_1509 = arith.cmpi ne, %sign3A_1501, %sign3A_1508 : i32
    %rem3A_1510 = arith.remsi %add3A_1492, %jit3A_1493 : i32
    %ne3A_1511 = arith.constant 0 : i32
    %ne3A_1512 = arith.cmpi ne, %rem3A_1510, %ne3A_1511 : i32
    %and3A_1513 = arith.andi %ne3A_1509, %ne3A_1512 : i1
    %sub3A_1514 = arith.constant 1 : i32
    %sub3A_1515 = arith.subi %div3A_1494, %sub3A_1514 : i32
    %select_n3A_1516 = arith.select %and3A_1513, %sub3A_1515, %div3A_1494 : i32
    %jit3A_1517 = arith.constant 262144 : i32
    %eq3A_1518 = arith.constant 0 : i32
    %eq3A_1519 = arith.cmpi eq, %jit3A_1517, %eq3A_1518 : i32
    %jit3A_1520 = arith.constant 1 : i32
    %select_n3A_1521 = arith.select %eq3A_1519, %jit3A_1520, %jit3A_1517 : i32
    %rem3A_1522 = arith.remsi %add3A_1492, %select_n3A_1521 : i32
    %ne3A_1523 = arith.constant 0 : i32
    %ne3A_1524 = arith.cmpi ne, %rem3A_1522, %ne3A_1523 : i32
    %lt3A_1525 = arith.constant 0 : i32
    %lt3A_1526 = arith.cmpi slt, %rem3A_1522, %lt3A_1525 : i32
    %lt3A_1527 = arith.constant 0 : i32
    %lt3A_1528 = arith.cmpi slt, %select_n3A_1521, %lt3A_1527 : i32
    %ne3A_1529 = arith.xori %lt3A_1526, %lt3A_1528 : i1
    %and3A_1530 = arith.andi %ne3A_1529, %ne3A_1524 : i1
    %add3A_1531 = arith.addi %rem3A_1522, %select_n3A_1521 : i32
    %select_n3A_1532 = arith.select %and3A_1530, %add3A_1531, %rem3A_1522 : i32
    %jit3A_1533 = arith.constant 512 : i32
    %div3A_1534 = arith.divsi %add3A_1492, %jit3A_1533 : i32
    %sign3A_1535 = arith.constant 0 : i32
    %sign3A_1536 = arith.cmpi sgt, %add3A_1492, %sign3A_1535 : i32
    %sign3A_1537 = arith.extui %sign3A_1536 : i1 to i32
    %sign3A_1538 = arith.constant 0 : i32
    %sign3A_1539 = arith.cmpi slt, %add3A_1492, %sign3A_1538 : i32
    %sign3A_1540 = arith.extui %sign3A_1539 : i1 to i32
    %sign3A_1541 = arith.subi %sign3A_1537, %sign3A_1540 : i32
    %sign3A_1542 = arith.constant 0 : i32
    %sign3A_1543 = arith.cmpi sgt, %jit3A_1533, %sign3A_1542 : i32
    %sign3A_1544 = arith.extui %sign3A_1543 : i1 to i32
    %sign3A_1545 = arith.constant 0 : i32
    %sign3A_1546 = arith.cmpi slt, %jit3A_1533, %sign3A_1545 : i32
    %sign3A_1547 = arith.extui %sign3A_1546 : i1 to i32
    %sign3A_1548 = arith.subi %sign3A_1544, %sign3A_1547 : i32
    %ne3A_1549 = arith.cmpi ne, %sign3A_1541, %sign3A_1548 : i32
    %rem3A_1550 = arith.remsi %add3A_1492, %jit3A_1533 : i32
    %ne3A_1551 = arith.constant 0 : i32
    %ne3A_1552 = arith.cmpi ne, %rem3A_1550, %ne3A_1551 : i32
    %and3A_1553 = arith.andi %ne3A_1549, %ne3A_1552 : i1
    %sub3A_1554 = arith.constant 1 : i32
    %sub3A_1555 = arith.subi %div3A_1534, %sub3A_1554 : i32
    %select_n3A_1556 = arith.select %and3A_1553, %sub3A_1555, %div3A_1534 : i32
    %multiple_of3A_1557 = tpu.assume_multiple %select_n3A_1556, 8 : i32
    %dma_start3A_1558 = arith.constant 0 : i32
    %dma_start3A_1559 = tpu.memref_slice %arg4[%multiple_of3A_1557, %dma_start3A_1558] : memref<8192x512xf32, #tpu.memory_space<hbm>> -> memref<8x512xf32, #tpu.memory_space<hbm>>
    %dma_start3A_1560 = arith.constant 0 : i32
    %dma_start3A_1561 = tpu.memref_slice %arg4[%multiple_of3A_1557, %dma_start3A_1560] : memref<8192x512xf32, #tpu.memory_space<hbm>> -> memref<8x512xf32, #tpu.memory_space<hbm>>
    tpu.enqueue_dma source(%dma_start3A_1561 : memref<8x512xf32, #tpu.memory_space<hbm>>) target(%arg27 : memref<8x512xf32, #tpu.memory_space<vmem>>) target_semaphore(%arg39 : memref<!tpu.dma_semaphore, #tpu.memory_space<semaphore_mem>>)
    %mul3A_1562 = arith.constant 3 : i32
    %mul3A_1563 = arith.muli %select_n3A_1516, %mul3A_1562 : i32
    %add3A_1564 = arith.constant 0 : i32
    %add3A_1565 = arith.addi %mul3A_1563, %add3A_1564 : i32
    %mul3A_1566 = arith.constant 262144 : i32
    %mul3A_1567 = arith.muli %add3A_1565, %mul3A_1566 : i32
    %add3A_1568 = arith.addi %mul3A_1567, %select_n3A_1532 : i32
    %jit3A_1569 = arith.constant 512 : i32
    %div3A_1570 = arith.divsi %add3A_1568, %jit3A_1569 : i32
    %sign3A_1571 = arith.constant 0 : i32
    %sign3A_1572 = arith.cmpi sgt, %add3A_1568, %sign3A_1571 : i32
    %sign3A_1573 = arith.extui %sign3A_1572 : i1 to i32
    %sign3A_1574 = arith.constant 0 : i32
    %sign3A_1575 = arith.cmpi slt, %add3A_1568, %sign3A_1574 : i32
    %sign3A_1576 = arith.extui %sign3A_1575 : i1 to i32
    %sign3A_1577 = arith.subi %sign3A_1573, %sign3A_1576 : i32
    %sign3A_1578 = arith.constant 0 : i32
    %sign3A_1579 = arith.cmpi sgt, %jit3A_1569, %sign3A_1578 : i32
    %sign3A_1580 = arith.extui %sign3A_1579 : i1 to i32
    %sign3A_1581 = arith.constant 0 : i32
    %sign3A_1582 = arith.cmpi slt, %jit3A_1569, %sign3A_1581 : i32
    %sign3A_1583 = arith.extui %sign3A_1582 : i1 to i32
    %sign3A_1584 = arith.subi %sign3A_1580, %sign3A_1583 : i32
    %ne3A_1585 = arith.cmpi ne, %sign3A_1577, %sign3A_1584 : i32
    %rem3A_1586 = arith.remsi %add3A_1568, %jit3A_1569 : i32
    %ne3A_1587 = arith.constant 0 : i32
    %ne3A_1588 = arith.cmpi ne, %rem3A_1586, %ne3A_1587 : i32
    %and3A_1589 = arith.andi %ne3A_1585, %ne3A_1588 : i1
    %sub3A_1590 = arith.constant 1 : i32
    %sub3A_1591 = arith.subi %div3A_1570, %sub3A_1590 : i32
    %select_n3A_1592 = arith.select %and3A_1589, %sub3A_1591, %div3A_1570 : i32
    %multiple_of3A_1593 = tpu.assume_multiple %select_n3A_1592, 8 : i32
    %dma_start3A_1594 = arith.constant 0 : i32
    %dma_start3A_1595 = tpu.memref_slice %arg2[%multiple_of3A_1593, %dma_start3A_1594] : memref<24576x512xf32, #tpu.memory_space<hbm>> -> memref<8x512xf32, #tpu.memory_space<hbm>>
    %dma_start3A_1596 = arith.constant 0 : i32
    %dma_start3A_1597 = tpu.memref_slice %arg2[%multiple_of3A_1593, %dma_start3A_1596] : memref<24576x512xf32, #tpu.memory_space<hbm>> -> memref<8x512xf32, #tpu.memory_space<hbm>>
    tpu.enqueue_dma source(%dma_start3A_1597 : memref<8x512xf32, #tpu.memory_space<hbm>>) target(%arg28 : memref<8x512xf32, #tpu.memory_space<vmem>>) target_semaphore(%arg39 : memref<!tpu.dma_semaphore, #tpu.memory_space<semaphore_mem>>)
    %dma_start3A_1598 = arith.constant 0 : i32
    %dma_start3A_1599 = tpu.memref_slice %arg3[%multiple_of3A_1593, %dma_start3A_1598] : memref<24576x512xf32, #tpu.memory_space<hbm>> -> memref<8x512xf32, #tpu.memory_space<hbm>>
    %dma_start3A_1600 = arith.constant 0 : i32
    %dma_start3A_1601 = tpu.memref_slice %arg3[%multiple_of3A_1593, %dma_start3A_1600] : memref<24576x512xf32, #tpu.memory_space<hbm>> -> memref<8x512xf32, #tpu.memory_space<hbm>>
    tpu.enqueue_dma source(%dma_start3A_1601 : memref<8x512xf32, #tpu.memory_space<hbm>>) target(%arg31 : memref<8x512xf32, #tpu.memory_space<vmem>>) target_semaphore(%arg39 : memref<!tpu.dma_semaphore, #tpu.memory_space<semaphore_mem>>)
    %mul3A_1602 = arith.constant 3 : i32
    %mul3A_1603 = arith.muli %select_n3A_1516, %mul3A_1602 : i32
    %add3A_1604 = arith.constant 1 : i32
    %add3A_1605 = arith.addi %mul3A_1603, %add3A_1604 : i32
    %mul3A_1606 = arith.constant 262144 : i32
    %mul3A_1607 = arith.muli %add3A_1605, %mul3A_1606 : i32
    %add3A_1608 = arith.addi %mul3A_1607, %select_n3A_1532 : i32
    %jit3A_1609 = arith.constant 512 : i32
    %div3A_1610 = arith.divsi %add3A_1608, %jit3A_1609 : i32
    %sign3A_1611 = arith.constant 0 : i32
    %sign3A_1612 = arith.cmpi sgt, %add3A_1608, %sign3A_1611 : i32
    %sign3A_1613 = arith.extui %sign3A_1612 : i1 to i32
    %sign3A_1614 = arith.constant 0 : i32
    %sign3A_1615 = arith.cmpi slt, %add3A_1608, %sign3A_1614 : i32
    %sign3A_1616 = arith.extui %sign3A_1615 : i1 to i32
    %sign3A_1617 = arith.subi %sign3A_1613, %sign3A_1616 : i32
    %sign3A_1618 = arith.constant 0 : i32
    %sign3A_1619 = arith.cmpi sgt, %jit3A_1609, %sign3A_1618 : i32
    %sign3A_1620 = arith.extui %sign3A_1619 : i1 to i32
    %sign3A_1621 = arith.constant 0 : i32
    %sign3A_1622 = arith.cmpi slt, %jit3A_1609, %sign3A_1621 : i32
    %sign3A_1623 = arith.extui %sign3A_1622 : i1 to i32
    %sign3A_1624 = arith.subi %sign3A_1620, %sign3A_1623 : i32
    %ne3A_1625 = arith.cmpi ne, %sign3A_1617, %sign3A_1624 : i32
    %rem3A_1626 = arith.remsi %add3A_1608, %jit3A_1609 : i32
    %ne3A_1627 = arith.constant 0 : i32
    %ne3A_1628 = arith.cmpi ne, %rem3A_1626, %ne3A_1627 : i32
    %and3A_1629 = arith.andi %ne3A_1625, %ne3A_1628 : i1
    %sub3A_1630 = arith.constant 1 : i32
    %sub3A_1631 = arith.subi %div3A_1610, %sub3A_1630 : i32
    %select_n3A_1632 = arith.select %and3A_1629, %sub3A_1631, %div3A_1610 : i32
    %multiple_of3A_1633 = tpu.assume_multiple %select_n3A_1632, 8 : i32
    %dma_start3A_1634 = arith.constant 0 : i32
    %dma_start3A_1635 = tpu.memref_slice %arg2[%multiple_of3A_1633, %dma_start3A_1634] : memref<24576x512xf32, #tpu.memory_space<hbm>> -> memref<8x512xf32, #tpu.memory_space<hbm>>
    %dma_start3A_1636 = arith.constant 0 : i32
    %dma_start3A_1637 = tpu.memref_slice %arg2[%multiple_of3A_1633, %dma_start3A_1636] : memref<24576x512xf32, #tpu.memory_space<hbm>> -> memref<8x512xf32, #tpu.memory_space<hbm>>
    tpu.enqueue_dma source(%dma_start3A_1637 : memref<8x512xf32, #tpu.memory_space<hbm>>) target(%arg29 : memref<8x512xf32, #tpu.memory_space<vmem>>) target_semaphore(%arg39 : memref<!tpu.dma_semaphore, #tpu.memory_space<semaphore_mem>>)
    %dma_start3A_1638 = arith.constant 0 : i32
    %dma_start3A_1639 = tpu.memref_slice %arg3[%multiple_of3A_1633, %dma_start3A_1638] : memref<24576x512xf32, #tpu.memory_space<hbm>> -> memref<8x512xf32, #tpu.memory_space<hbm>>
    %dma_start3A_1640 = arith.constant 0 : i32
    %dma_start3A_1641 = tpu.memref_slice %arg3[%multiple_of3A_1633, %dma_start3A_1640] : memref<24576x512xf32, #tpu.memory_space<hbm>> -> memref<8x512xf32, #tpu.memory_space<hbm>>
    tpu.enqueue_dma source(%dma_start3A_1641 : memref<8x512xf32, #tpu.memory_space<hbm>>) target(%arg32 : memref<8x512xf32, #tpu.memory_space<vmem>>) target_semaphore(%arg39 : memref<!tpu.dma_semaphore, #tpu.memory_space<semaphore_mem>>)
    %mul3A_1642 = arith.constant 3 : i32
    %mul3A_1643 = arith.muli %select_n3A_1516, %mul3A_1642 : i32
    %add3A_1644 = arith.constant 2 : i32
    %add3A_1645 = arith.addi %mul3A_1643, %add3A_1644 : i32
    %mul3A_1646 = arith.constant 262144 : i32
    %mul3A_1647 = arith.muli %add3A_1645, %mul3A_1646 : i32
    %add3A_1648 = arith.addi %mul3A_1647, %select_n3A_1532 : i32
    %jit3A_1649 = arith.constant 512 : i32
    %div3A_1650 = arith.divsi %add3A_1648, %jit3A_1649 : i32
    %sign3A_1651 = arith.constant 0 : i32
    %sign3A_1652 = arith.cmpi sgt, %add3A_1648, %sign3A_1651 : i32
    %sign3A_1653 = arith.extui %sign3A_1652 : i1 to i32
    %sign3A_1654 = arith.constant 0 : i32
    %sign3A_1655 = arith.cmpi slt, %add3A_1648, %sign3A_1654 : i32
    %sign3A_1656 = arith.extui %sign3A_1655 : i1 to i32
    %sign3A_1657 = arith.subi %sign3A_1653, %sign3A_1656 : i32
    %sign3A_1658 = arith.constant 0 : i32
    %sign3A_1659 = arith.cmpi sgt, %jit3A_1649, %sign3A_1658 : i32
    %sign3A_1660 = arith.extui %sign3A_1659 : i1 to i32
    %sign3A_1661 = arith.constant 0 : i32
    %sign3A_1662 = arith.cmpi slt, %jit3A_1649, %sign3A_1661 : i32
    %sign3A_1663 = arith.extui %sign3A_1662 : i1 to i32
    %sign3A_1664 = arith.subi %sign3A_1660, %sign3A_1663 : i32
    %ne3A_1665 = arith.cmpi ne, %sign3A_1657, %sign3A_1664 : i32
    %rem3A_1666 = arith.remsi %add3A_1648, %jit3A_1649 : i32
    %ne3A_1667 = arith.constant 0 : i32
    %ne3A_1668 = arith.cmpi ne, %rem3A_1666, %ne3A_1667 : i32
    %and3A_1669 = arith.andi %ne3A_1665, %ne3A_1668 : i1
    %sub3A_1670 = arith.constant 1 : i32
    %sub3A_1671 = arith.subi %div3A_1650, %sub3A_1670 : i32
    %select_n3A_1672 = arith.select %and3A_1669, %sub3A_1671, %div3A_1650 : i32
    %multiple_of3A_1673 = tpu.assume_multiple %select_n3A_1672, 8 : i32
    %dma_start3A_1674 = arith.constant 0 : i32
    %dma_start3A_1675 = tpu.memref_slice %arg2[%multiple_of3A_1673, %dma_start3A_1674] : memref<24576x512xf32, #tpu.memory_space<hbm>> -> memref<8x512xf32, #tpu.memory_space<hbm>>
    %dma_start3A_1676 = arith.constant 0 : i32
    %dma_start3A_1677 = tpu.memref_slice %arg2[%multiple_of3A_1673, %dma_start3A_1676] : memref<24576x512xf32, #tpu.memory_space<hbm>> -> memref<8x512xf32, #tpu.memory_space<hbm>>
    tpu.enqueue_dma source(%dma_start3A_1677 : memref<8x512xf32, #tpu.memory_space<hbm>>) target(%arg30 : memref<8x512xf32, #tpu.memory_space<vmem>>) target_semaphore(%arg39 : memref<!tpu.dma_semaphore, #tpu.memory_space<semaphore_mem>>)
    %dma_start3A_1678 = arith.constant 0 : i32
    %dma_start3A_1679 = tpu.memref_slice %arg3[%multiple_of3A_1673, %dma_start3A_1678] : memref<24576x512xf32, #tpu.memory_space<hbm>> -> memref<8x512xf32, #tpu.memory_space<hbm>>
    %dma_start3A_1680 = arith.constant 0 : i32
    %dma_start3A_1681 = tpu.memref_slice %arg3[%multiple_of3A_1673, %dma_start3A_1680] : memref<24576x512xf32, #tpu.memory_space<hbm>> -> memref<8x512xf32, #tpu.memory_space<hbm>>
    tpu.enqueue_dma source(%dma_start3A_1681 : memref<8x512xf32, #tpu.memory_space<hbm>>) target(%arg33 : memref<8x512xf32, #tpu.memory_space<vmem>>) target_semaphore(%arg39 : memref<!tpu.dma_semaphore, #tpu.memory_space<semaphore_mem>>)
    %scan3A_1682 = arith.constant 0 : i32
    %scan3A_1683 = arith.constant 8 : i32
    %scan3A_1684 = arith.addi %scan3A_1682, %scan3A_1683 : i32
    %scan3A_1685 = arith.constant 1 : i32
    %scan3A_1686:8 = scf.for %scan3A_1804 = %scan3A_1682 to %scan3A_1684 step %scan3A_1685 iter_args(%scan3A_1805 = %scan3A_1461#0, %scan3A_1806 = %scan3A_1461#1, %scan3A_1807 = %scan3A_1461#2, %scan3A_1808 = %scan3A_1461#3, %scan3A_1809 = %scan3A_1461#4, %scan3A_1810 = %scan3A_1461#5, %scan3A_1811 = %scan3A_1461#6, %scan3A_1812 = %scan3A_1461#7) -> (vector<16xf32>, vector<16xf32>, vector<16xf32>, vector<16xf32>, vector<16xf32>, vector<16xf32>, vector<16xf32>, vector<16xf32>)  : i32 {
      %scan3A_1813 = arith.constant 0 : i32
      %scan3A_1814 = arith.constant 8 : i32
      %scan3A_1815 = arith.addi %scan3A_1813, %scan3A_1814 : i32
      %scan3A_1816 = arith.constant 1 : i32
      %scan3A_1817:8 = scf.for %scan3A_1819 = %scan3A_1813 to %scan3A_1815 step %scan3A_1816 iter_args(%scan3A_1820 = %scan3A_1805, %scan3A_1821 = %scan3A_1806, %scan3A_1822 = %scan3A_1807, %scan3A_1823 = %scan3A_1808, %scan3A_1824 = %scan3A_1809, %scan3A_1825 = %scan3A_1810, %scan3A_1826 = %scan3A_1811, %scan3A_1827 = %scan3A_1812) -> (vector<16xf32>, vector<16xf32>, vector<16xf32>, vector<16xf32>, vector<16xf32>, vector<16xf32>, vector<16xf32>, vector<16xf32>)  : i32 {
        %mul3A_1828 = arith.constant 4 : i32
        %mul3A_1829 = arith.muli %scan3A_1819, %mul3A_1828 : i32
        %add3A_1830 = arith.constant 0 : i32
        %add3A_1831 = arith.addi %mul3A_1829, %add3A_1830 : i32
        %mul3A_1832 = arith.constant 16 : i32
        %mul3A_1833 = arith.muli %add3A_1831, %mul3A_1832 : i32
        %get3A = arith.index_cast %scan3A_1804 : i32 to index
        %get3A_1834 = arith.index_cast %mul3A_1833 : i32 to index
        %get3A_1835 = tpu.vector_load %arg6[%get3A, %get3A_1834] {strides = array<i32>} : memref<8x512xf32, #tpu.memory_space<vmem>>, vector<1x16xf32>,
        %get3A_1836 = vector.shape_cast %get3A_1835 : vector<1x16xf32> to vector<16xf32>
        %gt3A = arith.constant 0.00999999977 : f32
        %gt3A_1837 = vector.broadcast %gt3A : f32 to vector<16xf32>
        %gt3A_1838 = arith.cmpf ogt, %get3A_1836, %gt3A_1837 : vector<16xf32>
        %jit3A_1839 = arith.constant 1.000000e+00 : f32
        %jit3A_1840 = arith.constant 0.000000e+00 : f32
        %broadcast_in_dim3A_1841 = vector.broadcast %jit3A_1839 : f32 to vector<16xf32>
        %broadcast_in_dim3A_1842 = vector.broadcast %jit3A_1840 : f32 to vector<16xf32>
        %select_n3A_1843 = arith.select %gt3A_1838, %broadcast_in_dim3A_1841, %broadcast_in_dim3A_1842 : vector<16xi1>, vector<16xf32>
        %add3A_1844 = arith.addf %scan3A_1826, %select_n3A_1843 : vector<16xf32>
        %get3A_1845 = arith.index_cast %scan3A_1804 : i32 to index
        %get3A_1846 = arith.index_cast %mul3A_1833 : i32 to index
        %get3A_1847 = tpu.vector_load %arg7[%get3A_1845, %get3A_1846] {strides = array<i32>} : memref<8x512xf32, #tpu.memory_space<vmem>>, vector<1x16xf32>,
        %get3A_1848 = vector.shape_cast %get3A_1847 : vector<1x16xf32> to vector<16xf32>
        %get3A_1849 = arith.index_cast %scan3A_1804 : i32 to index
        %get3A_1850 = arith.index_cast %mul3A_1833 : i32 to index
        %get3A_1851 = tpu.vector_load %arg10[%get3A_1849, %get3A_1850] {strides = array<i32>} : memref<8x512xf32, #tpu.memory_space<vmem>>, vector<1x16xf32>,
        %get3A_1852 = vector.shape_cast %get3A_1851 : vector<1x16xf32> to vector<16xf32>
        %sub3A_1853 = arith.subf %get3A_1848, %get3A_1852 : vector<16xf32>
        %abs3A = math.absf %sub3A_1853 : vector<16xf32>
        %jit3A_1854 = arith.constant 0.000000e+00 : f32
        %broadcast_in_dim3A_1855 = vector.broadcast %jit3A_1854 : f32 to vector<16xf32>
        %select_n3A_1856 = arith.select %gt3A_1838, %abs3A, %broadcast_in_dim3A_1855 : vector<16xi1>, vector<16xf32>
        %add3A_1857 = arith.addf %scan3A_1820, %select_n3A_1856 : vector<16xf32>
        %get3A_1858 = arith.index_cast %scan3A_1804 : i32 to index
        %get3A_1859 = arith.index_cast %mul3A_1833 : i32 to index
        %get3A_1860 = tpu.vector_load %arg8[%get3A_1858, %get3A_1859] {strides = array<i32>} : memref<8x512xf32, #tpu.memory_space<vmem>>, vector<1x16xf32>,
        %get3A_1861 = vector.shape_cast %get3A_1860 : vector<1x16xf32> to vector<16xf32>
        %get3A_1862 = arith.index_cast %scan3A_1804 : i32 to index
        %get3A_1863 = arith.index_cast %mul3A_1833 : i32 to index
        %get3A_1864 = tpu.vector_load %arg11[%get3A_1862, %get3A_1863] {strides = array<i32>} : memref<8x512xf32, #tpu.memory_space<vmem>>, vector<1x16xf32>,
        %get3A_1865 = vector.shape_cast %get3A_1864 : vector<1x16xf32> to vector<16xf32>
        %sub3A_1866 = arith.subf %get3A_1861, %get3A_1865 : vector<16xf32>
        %abs3A_1867 = math.absf %sub3A_1866 : vector<16xf32>
        %jit3A_1868 = arith.constant 0.000000e+00 : f32
        %broadcast_in_dim3A_1869 = vector.broadcast %jit3A_1868 : f32 to vector<16xf32>
        %select_n3A_1870 = arith.select %gt3A_1838, %abs3A_1867, %broadcast_in_dim3A_1869 : vector<16xi1>, vector<16xf32>
        %add3A_1871 = arith.addf %scan3A_1822, %select_n3A_1870 : vector<16xf32>
        %get3A_1872 = arith.index_cast %scan3A_1804 : i32 to index
        %get3A_1873 = arith.index_cast %mul3A_1833 : i32 to index
        %get3A_1874 = tpu.vector_load %arg9[%get3A_1872, %get3A_1873] {strides = array<i32>} : memref<8x512xf32, #tpu.memory_space<vmem>>, vector<1x16xf32>,
        %get3A_1875 = vector.shape_cast %get3A_1874 : vector<1x16xf32> to vector<16xf32>
        %get3A_1876 = arith.index_cast %scan3A_1804 : i32 to index
        %get3A_1877 = arith.index_cast %mul3A_1833 : i32 to index
        %get3A_1878 = tpu.vector_load %arg12[%get3A_1876, %get3A_1877] {strides = array<i32>} : memref<8x512xf32, #tpu.memory_space<vmem>>, vector<1x16xf32>,
        %get3A_1879 = vector.shape_cast %get3A_1878 : vector<1x16xf32> to vector<16xf32>
        %sub3A_1880 = arith.subf %get3A_1875, %get3A_1879 : vector<16xf32>
        %abs3A_1881 = math.absf %sub3A_1880 : vector<16xf32>
        %jit3A_1882 = arith.constant 0.000000e+00 : f32
        %broadcast_in_dim3A_1883 = vector.broadcast %jit3A_1882 : f32 to vector<16xf32>
        %select_n3A_1884 = arith.select %gt3A_1838, %abs3A_1881, %broadcast_in_dim3A_1883 : vector<16xi1>, vector<16xf32>
        %add3A_1885 = arith.addf %scan3A_1824, %select_n3A_1884 : vector<16xf32>
        %mul3A_1886 = arith.constant 4 : i32
        %mul3A_1887 = arith.muli %scan3A_1819, %mul3A_1886 : i32
        %add3A_1888 = arith.constant 1 : i32
        %add3A_1889 = arith.addi %mul3A_1887, %add3A_1888 : i32
        %mul3A_1890 = arith.constant 16 : i32
        %mul3A_1891 = arith.muli %add3A_1889, %mul3A_1890 : i32
        %get3A_1892 = arith.index_cast %scan3A_1804 : i32 to index
        %get3A_1893 = arith.index_cast %mul3A_1891 : i32 to index
        %get3A_1894 = tpu.vector_load %arg6[%get3A_1892, %get3A_1893] {strides = array<i32>} : memref<8x512xf32, #tpu.memory_space<vmem>>, vector<1x16xf32>,
        %get3A_1895 = vector.shape_cast %get3A_1894 : vector<1x16xf32> to vector<16xf32>
        %gt3A_1896 = arith.constant 0.00999999977 : f32
        %gt3A_1897 = vector.broadcast %gt3A_1896 : f32 to vector<16xf32>
        %gt3A_1898 = arith.cmpf ogt, %get3A_1895, %gt3A_1897 : vector<16xf32>
        %jit3A_1899 = arith.constant 1.000000e+00 : f32
        %jit3A_1900 = arith.constant 0.000000e+00 : f32
        %broadcast_in_dim3A_1901 = vector.broadcast %jit3A_1899 : f32 to vector<16xf32>
        %broadcast_in_dim3A_1902 = vector.broadcast %jit3A_1900 : f32 to vector<16xf32>
        %select_n3A_1903 = arith.select %gt3A_1898, %broadcast_in_dim3A_1901, %broadcast_in_dim3A_1902 : vector<16xi1>, vector<16xf32>
        %add3A_1904 = arith.addf %scan3A_1827, %select_n3A_1903 : vector<16xf32>
        %get3A_1905 = arith.index_cast %scan3A_1804 : i32 to index
        %get3A_1906 = arith.index_cast %mul3A_1891 : i32 to index
        %get3A_1907 = tpu.vector_load %arg7[%get3A_1905, %get3A_1906] {strides = array<i32>} : memref<8x512xf32, #tpu.memory_space<vmem>>, vector<1x16xf32>,
        %get3A_1908 = vector.shape_cast %get3A_1907 : vector<1x16xf32> to vector<16xf32>
        %get3A_1909 = arith.index_cast %scan3A_1804 : i32 to index
        %get3A_1910 = arith.index_cast %mul3A_1891 : i32 to index
        %get3A_1911 = tpu.vector_load %arg10[%get3A_1909, %get3A_1910] {strides = array<i32>} : memref<8x512xf32, #tpu.memory_space<vmem>>, vector<1x16xf32>,
        %get3A_1912 = vector.shape_cast %get3A_1911 : vector<1x16xf32> to vector<16xf32>
        %sub3A_1913 = arith.subf %get3A_1908, %get3A_1912 : vector<16xf32>
        %abs3A_1914 = math.absf %sub3A_1913 : vector<16xf32>
        %jit3A_1915 = arith.constant 0.000000e+00 : f32
        %broadcast_in_dim3A_1916 = vector.broadcast %jit3A_1915 : f32 to vector<16xf32>
        %select_n3A_1917 = arith.select %gt3A_1898, %abs3A_1914, %broadcast_in_dim3A_1916 : vector<16xi1>, vector<16xf32>
        %add3A_1918 = arith.addf %scan3A_1821, %select_n3A_1917 : vector<16xf32>
        %get3A_1919 = arith.index_cast %scan3A_1804 : i32 to index
        %get3A_1920 = arith.index_cast %mul3A_1891 : i32 to index
        %get3A_1921 = tpu.vector_load %arg8[%get3A_1919, %get3A_1920] {strides = array<i32>} : memref<8x512xf32, #tpu.memory_space<vmem>>, vector<1x16xf32>,
        %get3A_1922 = vector.shape_cast %get3A_1921 : vector<1x16xf32> to vector<16xf32>
        %get3A_1923 = arith.index_cast %scan3A_1804 : i32 to index
        %get3A_1924 = arith.index_cast %mul3A_1891 : i32 to index
        %get3A_1925 = tpu.vector_load %arg11[%get3A_1923, %get3A_1924] {strides = array<i32>} : memref<8x512xf32, #tpu.memory_space<vmem>>, vector<1x16xf32>,
        %get3A_1926 = vector.shape_cast %get3A_1925 : vector<1x16xf32> to vector<16xf32>
        %sub3A_1927 = arith.subf %get3A_1922, %get3A_1926 : vector<16xf32>
        %abs3A_1928 = math.absf %sub3A_1927 : vector<16xf32>
        %jit3A_1929 = arith.constant 0.000000e+00 : f32
        %broadcast_in_dim3A_1930 = vector.broadcast %jit3A_1929 : f32 to vector<16xf32>
        %select_n3A_1931 = arith.select %gt3A_1898, %abs3A_1928, %broadcast_in_dim3A_1930 : vector<16xi1>, vector<16xf32>
        %add3A_1932 = arith.addf %scan3A_1823, %select_n3A_1931 : vector<16xf32>
        %get3A_1933 = arith.index_cast %scan3A_1804 : i32 to index
        %get3A_1934 = arith.index_cast %mul3A_1891 : i32 to index
        %get3A_1935 = tpu.vector_load %arg9[%get3A_1933, %get3A_1934] {strides = array<i32>} : memref<8x512xf32, #tpu.memory_space<vmem>>, vector<1x16xf32>,
        %get3A_1936 = vector.shape_cast %get3A_1935 : vector<1x16xf32> to vector<16xf32>
        %get3A_1937 = arith.index_cast %scan3A_1804 : i32 to index
        %get3A_1938 = arith.index_cast %mul3A_1891 : i32 to index
        %get3A_1939 = tpu.vector_load %arg12[%get3A_1937, %get3A_1938] {strides = array<i32>} : memref<8x512xf32, #tpu.memory_space<vmem>>, vector<1x16xf32>,
        %get3A_1940 = vector.shape_cast %get3A_1939 : vector<1x16xf32> to vector<16xf32>
        %sub3A_1941 = arith.subf %get3A_1936, %get3A_1940 : vector<16xf32>
        %abs3A_1942 = math.absf %sub3A_1941 : vector<16xf32>
        %jit3A_1943 = arith.constant 0.000000e+00 : f32
        %broadcast_in_dim3A_1944 = vector.broadcast %jit3A_1943 : f32 to vector<16xf32>
        %select_n3A_1945 = arith.select %gt3A_1898, %abs3A_1942, %broadcast_in_dim3A_1944 : vector<16xi1>, vector<16xf32>
        %add3A_1946 = arith.addf %scan3A_1825, %select_n3A_1945 : vector<16xf32>
        %mul3A_1947 = arith.constant 4 : i32
        %mul3A_1948 = arith.muli %scan3A_1819, %mul3A_1947 : i32
        %add3A_1949 = arith.constant 2 : i32
        %add3A_1950 = arith.addi %mul3A_1948, %add3A_1949 : i32
        %mul3A_1951 = arith.constant 16 : i32
        %mul3A_1952 = arith.muli %add3A_1950, %mul3A_1951 : i32
        %get3A_1953 = arith.index_cast %scan3A_1804 : i32 to index
        %get3A_1954 = arith.index_cast %mul3A_1952 : i32 to index
        %get3A_1955 = tpu.vector_load %arg6[%get3A_1953, %get3A_1954] {strides = array<i32>} : memref<8x512xf32, #tpu.memory_space<vmem>>, vector<1x16xf32>,
        %get3A_1956 = vector.shape_cast %get3A_1955 : vector<1x16xf32> to vector<16xf32>
        %gt3A_1957 = arith.constant 0.00999999977 : f32
        %gt3A_1958 = vector.broadcast %gt3A_1957 : f32 to vector<16xf32>
        %gt3A_1959 = arith.cmpf ogt, %get3A_1956, %gt3A_1958 : vector<16xf32>
        %jit3A_1960 = arith.constant 1.000000e+00 : f32
        %jit3A_1961 = arith.constant 0.000000e+00 : f32
        %broadcast_in_dim3A_1962 = vector.broadcast %jit3A_1960 : f32 to vector<16xf32>
        %broadcast_in_dim3A_1963 = vector.broadcast %jit3A_1961 : f32 to vector<16xf32>
        %select_n3A_1964 = arith.select %gt3A_1959, %broadcast_in_dim3A_1962, %broadcast_in_dim3A_1963 : vector<16xi1>, vector<16xf32>
        %add3A_1965 = arith.addf %add3A_1844, %select_n3A_1964 : vector<16xf32>
        %get3A_1966 = arith.index_cast %scan3A_1804 : i32 to index
        %get3A_1967 = arith.index_cast %mul3A_1952 : i32 to index
        %get3A_1968 = tpu.vector_load %arg7[%get3A_1966, %get3A_1967] {strides = array<i32>} : memref<8x512xf32, #tpu.memory_space<vmem>>, vector<1x16xf32>,
        %get3A_1969 = vector.shape_cast %get3A_1968 : vector<1x16xf32> to vector<16xf32>
        %get3A_1970 = arith.index_cast %scan3A_1804 : i32 to index
        %get3A_1971 = arith.index_cast %mul3A_1952 : i32 to index
        %get3A_1972 = tpu.vector_load %arg10[%get3A_1970, %get3A_1971] {strides = array<i32>} : memref<8x512xf32, #tpu.memory_space<vmem>>, vector<1x16xf32>,
        %get3A_1973 = vector.shape_cast %get3A_1972 : vector<1x16xf32> to vector<16xf32>
        %sub3A_1974 = arith.subf %get3A_1969, %get3A_1973 : vector<16xf32>
        %abs3A_1975 = math.absf %sub3A_1974 : vector<16xf32>
        %jit3A_1976 = arith.constant 0.000000e+00 : f32
        %broadcast_in_dim3A_1977 = vector.broadcast %jit3A_1976 : f32 to vector<16xf32>
        %select_n3A_1978 = arith.select %gt3A_1959, %abs3A_1975, %broadcast_in_dim3A_1977 : vector<16xi1>, vector<16xf32>
        %add3A_1979 = arith.addf %add3A_1857, %select_n3A_1978 : vector<16xf32>
        %get3A_1980 = arith.index_cast %scan3A_1804 : i32 to index
        %get3A_1981 = arith.index_cast %mul3A_1952 : i32 to index
        %get3A_1982 = tpu.vector_load %arg8[%get3A_1980, %get3A_1981] {strides = array<i32>} : memref<8x512xf32, #tpu.memory_space<vmem>>, vector<1x16xf32>,
        %get3A_1983 = vector.shape_cast %get3A_1982 : vector<1x16xf32> to vector<16xf32>
        %get3A_1984 = arith.index_cast %scan3A_1804 : i32 to index
        %get3A_1985 = arith.index_cast %mul3A_1952 : i32 to index
        %get3A_1986 = tpu.vector_load %arg11[%get3A_1984, %get3A_1985] {strides = array<i32>} : memref<8x512xf32, #tpu.memory_space<vmem>>, vector<1x16xf32>,
        %get3A_1987 = vector.shape_cast %get3A_1986 : vector<1x16xf32> to vector<16xf32>
        %sub3A_1988 = arith.subf %get3A_1983, %get3A_1987 : vector<16xf32>
        %abs3A_1989 = math.absf %sub3A_1988 : vector<16xf32>
        %jit3A_1990 = arith.constant 0.000000e+00 : f32
        %broadcast_in_dim3A_1991 = vector.broadcast %jit3A_1990 : f32 to vector<16xf32>
        %select_n3A_1992 = arith.select %gt3A_1959, %abs3A_1989, %broadcast_in_dim3A_1991 : vector<16xi1>, vector<16xf32>
        %add3A_1993 = arith.addf %add3A_1871, %select_n3A_1992 : vector<16xf32>
        %get3A_1994 = arith.index_cast %scan3A_1804 : i32 to index
        %get3A_1995 = arith.index_cast %mul3A_1952 : i32 to index
        %get3A_1996 = tpu.vector_load %arg9[%get3A_1994, %get3A_1995] {strides = array<i32>} : memref<8x512xf32, #tpu.memory_space<vmem>>, vector<1x16xf32>,
        %get3A_1997 = vector.shape_cast %get3A_1996 : vector<1x16xf32> to vector<16xf32>
        %get3A_1998 = arith.index_cast %scan3A_1804 : i32 to index
        %get3A_1999 = arith.index_cast %mul3A_1952 : i32 to index
        %get3A_2000 = tpu.vector_load %arg12[%get3A_1998, %get3A_1999] {strides = array<i32>} : memref<8x512xf32, #tpu.memory_space<vmem>>, vector<1x16xf32>,
        %get3A_2001 = vector.shape_cast %get3A_2000 : vector<1x16xf32> to vector<16xf32>
        %sub3A_2002 = arith.subf %get3A_1997, %get3A_2001 : vector<16xf32>
        %abs3A_2003 = math.absf %sub3A_2002 : vector<16xf32>
        %jit3A_2004 = arith.constant 0.000000e+00 : f32
        %broadcast_in_dim3A_2005 = vector.broadcast %jit3A_2004 : f32 to vector<16xf32>
        %select_n3A_2006 = arith.select %gt3A_1959, %abs3A_2003, %broadcast_in_dim3A_2005 : vector<16xi1>, vector<16xf32>
        %add3A_2007 = arith.addf %add3A_1885, %select_n3A_2006 : vector<16xf32>
        %mul3A_2008 = arith.constant 4 : i32
        %mul3A_2009 = arith.muli %scan3A_1819, %mul3A_2008 : i32
        %add3A_2010 = arith.constant 3 : i32
        %add3A_2011 = arith.addi %mul3A_2009, %add3A_2010 : i32
        %mul3A_2012 = arith.constant 16 : i32
        %mul3A_2013 = arith.muli %add3A_2011, %mul3A_2012 : i32
        %get3A_2014 = arith.index_cast %scan3A_1804 : i32 to index
        %get3A_2015 = arith.index_cast %mul3A_2013 : i32 to index
        %get3A_2016 = tpu.vector_load %arg6[%get3A_2014, %get3A_2015] {strides = array<i32>} : memref<8x512xf32, #tpu.memory_space<vmem>>, vector<1x16xf32>,
        %get3A_2017 = vector.shape_cast %get3A_2016 : vector<1x16xf32> to vector<16xf32>
        %gt3A_2018 = arith.constant 0.00999999977 : f32
        %gt3A_2019 = vector.broadcast %gt3A_2018 : f32 to vector<16xf32>
        %gt3A_2020 = arith.cmpf ogt, %get3A_2017, %gt3A_2019 : vector<16xf32>
        %jit3A_2021 = arith.constant 1.000000e+00 : f32
        %jit3A_2022 = arith.constant 0.000000e+00 : f32
        %broadcast_in_dim3A_2023 = vector.broadcast %jit3A_2021 : f32 to vector<16xf32>
        %broadcast_in_dim3A_2024 = vector.broadcast %jit3A_2022 : f32 to vector<16xf32>
        %select_n3A_2025 = arith.select %gt3A_2020, %broadcast_in_dim3A_2023, %broadcast_in_dim3A_2024 : vector<16xi1>, vector<16xf32>
        %add3A_2026 = arith.addf %add3A_1904, %select_n3A_2025 : vector<16xf32>
        %get3A_2027 = arith.index_cast %scan3A_1804 : i32 to index
        %get3A_2028 = arith.index_cast %mul3A_2013 : i32 to index
        %get3A_2029 = tpu.vector_load %arg7[%get3A_2027, %get3A_2028] {strides = array<i32>} : memref<8x512xf32, #tpu.memory_space<vmem>>, vector<1x16xf32>,
        %get3A_2030 = vector.shape_cast %get3A_2029 : vector<1x16xf32> to vector<16xf32>
        %get3A_2031 = arith.index_cast %scan3A_1804 : i32 to index
        %get3A_2032 = arith.index_cast %mul3A_2013 : i32 to index
        %get3A_2033 = tpu.vector_load %arg10[%get3A_2031, %get3A_2032] {strides = array<i32>} : memref<8x512xf32, #tpu.memory_space<vmem>>, vector<1x16xf32>,
        %get3A_2034 = vector.shape_cast %get3A_2033 : vector<1x16xf32> to vector<16xf32>
        %sub3A_2035 = arith.subf %get3A_2030, %get3A_2034 : vector<16xf32>
        %abs3A_2036 = math.absf %sub3A_2035 : vector<16xf32>
        %jit3A_2037 = arith.constant 0.000000e+00 : f32
        %broadcast_in_dim3A_2038 = vector.broadcast %jit3A_2037 : f32 to vector<16xf32>
        %select_n3A_2039 = arith.select %gt3A_2020, %abs3A_2036, %broadcast_in_dim3A_2038 : vector<16xi1>, vector<16xf32>
        %add3A_2040 = arith.addf %add3A_1918, %select_n3A_2039 : vector<16xf32>
        %get3A_2041 = arith.index_cast %scan3A_1804 : i32 to index
        %get3A_2042 = arith.index_cast %mul3A_2013 : i32 to index
        %get3A_2043 = tpu.vector_load %arg8[%get3A_2041, %get3A_2042] {strides = array<i32>} : memref<8x512xf32, #tpu.memory_space<vmem>>, vector<1x16xf32>,
        %get3A_2044 = vector.shape_cast %get3A_2043 : vector<1x16xf32> to vector<16xf32>
        %get3A_2045 = arith.index_cast %scan3A_1804 : i32 to index
        %get3A_2046 = arith.index_cast %mul3A_2013 : i32 to index
        %get3A_2047 = tpu.vector_load %arg11[%get3A_2045, %get3A_2046] {strides = array<i32>} : memref<8x512xf32, #tpu.memory_space<vmem>>, vector<1x16xf32>,
        %get3A_2048 = vector.shape_cast %get3A_2047 : vector<1x16xf32> to vector<16xf32>
        %sub3A_2049 = arith.subf %get3A_2044, %get3A_2048 : vector<16xf32>
        %abs3A_2050 = math.absf %sub3A_2049 : vector<16xf32>
        %jit3A_2051 = arith.constant 0.000000e+00 : f32
        %broadcast_in_dim3A_2052 = vector.broadcast %jit3A_2051 : f32 to vector<16xf32>
        %select_n3A_2053 = arith.select %gt3A_2020, %abs3A_2050, %broadcast_in_dim3A_2052 : vector<16xi1>, vector<16xf32>
        %add3A_2054 = arith.addf %add3A_1932, %select_n3A_2053 : vector<16xf32>
        %get3A_2055 = arith.index_cast %scan3A_1804 : i32 to index
        %get3A_2056 = arith.index_cast %mul3A_2013 : i32 to index
        %get3A_2057 = tpu.vector_load %arg9[%get3A_2055, %get3A_2056] {strides = array<i32>} : memref<8x512xf32, #tpu.memory_space<vmem>>, vector<1x16xf32>,
        %get3A_2058 = vector.shape_cast %get3A_2057 : vector<1x16xf32> to vector<16xf32>
        %get3A_2059 = arith.index_cast %scan3A_1804 : i32 to index
        %get3A_2060 = arith.index_cast %mul3A_2013 : i32 to index
        %get3A_2061 = tpu.vector_load %arg12[%get3A_2059, %get3A_2060] {strides = array<i32>} : memref<8x512xf32, #tpu.memory_space<vmem>>, vector<1x16xf32>,
        %get3A_2062 = vector.shape_cast %get3A_2061 : vector<1x16xf32> to vector<16xf32>
        %sub3A_2063 = arith.subf %get3A_2058, %get3A_2062 : vector<16xf32>
        %abs3A_2064 = math.absf %sub3A_2063 : vector<16xf32>
        %jit3A_2065 = arith.constant 0.000000e+00 : f32
        %broadcast_in_dim3A_2066 = vector.broadcast %jit3A_2065 : f32 to vector<16xf32>
        %select_n3A_2067 = arith.select %gt3A_2020, %abs3A_2064, %broadcast_in_dim3A_2066 : vector<16xi1>, vector<16xf32>
        %add3A_2068 = arith.addf %add3A_1946, %select_n3A_2067 : vector<16xf32>
        scf.yield %add3A_1979, %add3A_2040, %add3A_1993, %add3A_2054, %add3A_2007, %add3A_2068, %add3A_1965, %add3A_2026 : vector<16xf32>, vector<16xf32>, vector<16xf32>, vector<16xf32>, vector<16xf32>, vector<16xf32>, vector<16xf32>, vector<16xf32>
      }
      %scan3A_1818 = arith.constant 8 : i32
      scf.yield %scan3A_1817#0, %scan3A_1817#1, %scan3A_1817#2, %scan3A_1817#3, %scan3A_1817#4, %scan3A_1817#5, %scan3A_1817#6, %scan3A_1817#7 : vector<16xf32>, vector<16xf32>, vector<16xf32>, vector<16xf32>, vector<16xf32>, vector<16xf32>, vector<16xf32>, vector<16xf32>
    }
    %scan3A_1687 = arith.constant 8 : i32
    %dma_wait3A_1688 = arith.constant 0 : i32
    %dma_wait3A_1689 = tpu.memref_slice %arg4[%multiple_of3A_1107, %dma_wait3A_1688] : memref<8192x512xf32, #tpu.memory_space<hbm>> -> memref<8x512xf32, #tpu.memory_space<hbm>>
    %dma_wait3A_1690 = arith.constant 0 : i32
    %dma_wait3A_1691 = tpu.memref_slice %arg4[%multiple_of3A_1107, %dma_wait3A_1690] : memref<8192x512xf32, #tpu.memory_space<hbm>> -> memref<8x512xf32, #tpu.memory_space<hbm>>
    tpu.wait_dma2 semaphore(%arg37 : memref<!tpu.dma_semaphore, #tpu.memory_space<semaphore_mem>>) src(%dma_wait3A_1691 : memref<8x512xf32, #tpu.memory_space<hbm>>) dst(%arg13 : memref<8x512xf32, #tpu.memory_space<vmem>>)
    %dma_wait3A_1692 = arith.constant 0 : i32
    %dma_wait3A_1693 = tpu.memref_slice %arg2[%multiple_of3A_1143, %dma_wait3A_1692] : memref<24576x512xf32, #tpu.memory_space<hbm>> -> memref<8x512xf32, #tpu.memory_space<hbm>>
    %dma_wait3A_1694 = arith.constant 0 : i32
    %dma_wait3A_1695 = tpu.memref_slice %arg2[%multiple_of3A_1143, %dma_wait3A_1694] : memref<24576x512xf32, #tpu.memory_space<hbm>> -> memref<8x512xf32, #tpu.memory_space<hbm>>
    tpu.wait_dma2 semaphore(%arg37 : memref<!tpu.dma_semaphore, #tpu.memory_space<semaphore_mem>>) src(%dma_wait3A_1695 : memref<8x512xf32, #tpu.memory_space<hbm>>) dst(%arg14 : memref<8x512xf32, #tpu.memory_space<vmem>>)
    %dma_wait3A_1696 = arith.constant 0 : i32
    %dma_wait3A_1697 = tpu.memref_slice %arg3[%multiple_of3A_1143, %dma_wait3A_1696] : memref<24576x512xf32, #tpu.memory_space<hbm>> -> memref<8x512xf32, #tpu.memory_space<hbm>>
    %dma_wait3A_1698 = arith.constant 0 : i32
    %dma_wait3A_1699 = tpu.memref_slice %arg3[%multiple_of3A_1143, %dma_wait3A_1698] : memref<24576x512xf32, #tpu.memory_space<hbm>> -> memref<8x512xf32, #tpu.memory_space<hbm>>
    tpu.wait_dma2 semaphore(%arg37 : memref<!tpu.dma_semaphore, #tpu.memory_space<semaphore_mem>>) src(%dma_wait3A_1699 : memref<8x512xf32, #tpu.memory_space<hbm>>) dst(%arg17 : memref<8x512xf32, #tpu.memory_space<vmem>>)
    %dma_wait3A_1700 = arith.constant 0 : i32
    %dma_wait3A_1701 = tpu.memref_slice %arg2[%multiple_of3A_1183, %dma_wait3A_1700] : memref<24576x512xf32, #tpu.memory_space<hbm>> -> memref<8x512xf32, #tpu.memory_space<hbm>>
    %dma_wait3A_1702 = arith.constant 0 : i32
    %dma_wait3A_1703 = tpu.memref_slice %arg2[%multiple_of3A_1183, %dma_wait3A_1702] : memref<24576x512xf32, #tpu.memory_space<hbm>> -> memref<8x512xf32, #tpu.memory_space<hbm>>
    tpu.wait_dma2 semaphore(%arg37 : memref<!tpu.dma_semaphore, #tpu.memory_space<semaphore_mem>>) src(%dma_wait3A_1703 : memref<8x512xf32, #tpu.memory_space<hbm>>) dst(%arg15 : memref<8x512xf32, #tpu.memory_space<vmem>>)
    %dma_wait3A_1704 = arith.constant 0 : i32
    %dma_wait3A_1705 = tpu.memref_slice %arg3[%multiple_of3A_1183, %dma_wait3A_1704] : memref<24576x512xf32, #tpu.memory_space<hbm>> -> memref<8x512xf32, #tpu.memory_space<hbm>>
    %dma_wait3A_1706 = arith.constant 0 : i32
    %dma_wait3A_1707 = tpu.memref_slice %arg3[%multiple_of3A_1183, %dma_wait3A_1706] : memref<24576x512xf32, #tpu.memory_space<hbm>> -> memref<8x512xf32, #tpu.memory_space<hbm>>
    tpu.wait_dma2 semaphore(%arg37 : memref<!tpu.dma_semaphore, #tpu.memory_space<semaphore_mem>>) src(%dma_wait3A_1707 : memref<8x512xf32, #tpu.memory_space<hbm>>) dst(%arg18 : memref<8x512xf32, #tpu.memory_space<vmem>>)
    %dma_wait3A_1708 = arith.constant 0 : i32
    %dma_wait3A_1709 = tpu.memref_slice %arg2[%multiple_of3A_1223, %dma_wait3A_1708] : memref<24576x512xf32, #tpu.memory_space<hbm>> -> memref<8x512xf32, #tpu.memory_space<hbm>>
    %dma_wait3A_1710 = arith.constant 0 : i32
    %dma_wait3A_1711 = tpu.memref_slice %arg2[%multiple_of3A_1223, %dma_wait3A_1710] : memref<24576x512xf32, #tpu.memory_space<hbm>> -> memref<8x512xf32, #tpu.memory_space<hbm>>
    tpu.wait_dma2 semaphore(%arg37 : memref<!tpu.dma_semaphore, #tpu.memory_space<semaphore_mem>>) src(%dma_wait3A_1711 : memref<8x512xf32, #tpu.memory_space<hbm>>) dst(%arg16 : memref<8x512xf32, #tpu.memory_space<vmem>>)
    %dma_wait3A_1712 = arith.constant 0 : i32
    %dma_wait3A_1713 = tpu.memref_slice %arg3[%multiple_of3A_1223, %dma_wait3A_1712] : memref<24576x512xf32, #tpu.memory_space<hbm>> -> memref<8x512xf32, #tpu.memory_space<hbm>>
    %dma_wait3A_1714 = arith.constant 0 : i32
    %dma_wait3A_1715 = tpu.memref_slice %arg3[%multiple_of3A_1223, %dma_wait3A_1714] : memref<24576x512xf32, #tpu.memory_space<hbm>> -> memref<8x512xf32, #tpu.memory_space<hbm>>
    tpu.wait_dma2 semaphore(%arg37 : memref<!tpu.dma_semaphore, #tpu.memory_space<semaphore_mem>>) src(%dma_wait3A_1715 : memref<8x512xf32, #tpu.memory_space<hbm>>) dst(%arg19 : memref<8x512xf32, #tpu.memory_space<vmem>>)
    %scan3A_1716 = arith.constant 0 : i32
    %scan3A_1717 = arith.constant 8 : i32
    %scan3A_1718 = arith.addi %scan3A_1716, %scan3A_1717 : i32
    %scan3A_1719 = arith.constant 1 : i32
    %scan3A_1720:8 = scf.for %scan3A_1804 = %scan3A_1716 to %scan3A_1718 step %scan3A_1719 iter_args(%scan3A_1805 = %scan3A_1686#0, %scan3A_1806 = %scan3A_1686#1, %scan3A_1807 = %scan3A_1686#2, %scan3A_1808 = %scan3A_1686#3, %scan3A_1809 = %scan3A_1686#4, %scan3A_1810 = %scan3A_1686#5, %scan3A_1811 = %scan3A_1686#6, %scan3A_1812 = %scan3A_1686#7) -> (vector<16xf32>, vector<16xf32>, vector<16xf32>, vector<16xf32>, vector<16xf32>, vector<16xf32>, vector<16xf32>, vector<16xf32>)  : i32 {
      %scan3A_1813 = arith.constant 0 : i32
      %scan3A_1814 = arith.constant 8 : i32
      %scan3A_1815 = arith.addi %scan3A_1813, %scan3A_1814 : i32
      %scan3A_1816 = arith.constant 1 : i32
      %scan3A_1817:8 = scf.for %scan3A_1819 = %scan3A_1813 to %scan3A_1815 step %scan3A_1816 iter_args(%scan3A_1820 = %scan3A_1805, %scan3A_1821 = %scan3A_1806, %scan3A_1822 = %scan3A_1807, %scan3A_1823 = %scan3A_1808, %scan3A_1824 = %scan3A_1809, %scan3A_1825 = %scan3A_1810, %scan3A_1826 = %scan3A_1811, %scan3A_1827 = %scan3A_1812) -> (vector<16xf32>, vector<16xf32>, vector<16xf32>, vector<16xf32>, vector<16xf32>, vector<16xf32>, vector<16xf32>, vector<16xf32>)  : i32 {
        %mul3A_1828 = arith.constant 4 : i32
        %mul3A_1829 = arith.muli %scan3A_1819, %mul3A_1828 : i32
        %add3A_1830 = arith.constant 0 : i32
        %add3A_1831 = arith.addi %mul3A_1829, %add3A_1830 : i32
        %mul3A_1832 = arith.constant 16 : i32
        %mul3A_1833 = arith.muli %add3A_1831, %mul3A_1832 : i32
        %get3A = arith.index_cast %scan3A_1804 : i32 to index
        %get3A_1834 = arith.index_cast %mul3A_1833 : i32 to index
        %get3A_1835 = tpu.vector_load %arg13[%get3A, %get3A_1834] {strides = array<i32>} : memref<8x512xf32, #tpu.memory_space<vmem>>, vector<1x16xf32>,
        %get3A_1836 = vector.shape_cast %get3A_1835 : vector<1x16xf32> to vector<16xf32>
        %gt3A = arith.constant 0.00999999977 : f32
        %gt3A_1837 = vector.broadcast %gt3A : f32 to vector<16xf32>
        %gt3A_1838 = arith.cmpf ogt, %get3A_1836, %gt3A_1837 : vector<16xf32>
        %jit3A_1839 = arith.constant 1.000000e+00 : f32
        %jit3A_1840 = arith.constant 0.000000e+00 : f32
        %broadcast_in_dim3A_1841 = vector.broadcast %jit3A_1839 : f32 to vector<16xf32>
        %broadcast_in_dim3A_1842 = vector.broadcast %jit3A_1840 : f32 to vector<16xf32>
        %select_n3A_1843 = arith.select %gt3A_1838, %broadcast_in_dim3A_1841, %broadcast_in_dim3A_1842 : vector<16xi1>, vector<16xf32>
        %add3A_1844 = arith.addf %scan3A_1826, %select_n3A_1843 : vector<16xf32>
        %get3A_1845 = arith.index_cast %scan3A_1804 : i32 to index
        %get3A_1846 = arith.index_cast %mul3A_1833 : i32 to index
        %get3A_1847 = tpu.vector_load %arg14[%get3A_1845, %get3A_1846] {strides = array<i32>} : memref<8x512xf32, #tpu.memory_space<vmem>>, vector<1x16xf32>,
        %get3A_1848 = vector.shape_cast %get3A_1847 : vector<1x16xf32> to vector<16xf32>
        %get3A_1849 = arith.index_cast %scan3A_1804 : i32 to index
        %get3A_1850 = arith.index_cast %mul3A_1833 : i32 to index
        %get3A_1851 = tpu.vector_load %arg17[%get3A_1849, %get3A_1850] {strides = array<i32>} : memref<8x512xf32, #tpu.memory_space<vmem>>, vector<1x16xf32>,
        %get3A_1852 = vector.shape_cast %get3A_1851 : vector<1x16xf32> to vector<16xf32>
        %sub3A_1853 = arith.subf %get3A_1848, %get3A_1852 : vector<16xf32>
        %abs3A = math.absf %sub3A_1853 : vector<16xf32>
        %jit3A_1854 = arith.constant 0.000000e+00 : f32
        %broadcast_in_dim3A_1855 = vector.broadcast %jit3A_1854 : f32 to vector<16xf32>
        %select_n3A_1856 = arith.select %gt3A_1838, %abs3A, %broadcast_in_dim3A_1855 : vector<16xi1>, vector<16xf32>
        %add3A_1857 = arith.addf %scan3A_1820, %select_n3A_1856 : vector<16xf32>
        %get3A_1858 = arith.index_cast %scan3A_1804 : i32 to index
        %get3A_1859 = arith.index_cast %mul3A_1833 : i32 to index
        %get3A_1860 = tpu.vector_load %arg15[%get3A_1858, %get3A_1859] {strides = array<i32>} : memref<8x512xf32, #tpu.memory_space<vmem>>, vector<1x16xf32>,
        %get3A_1861 = vector.shape_cast %get3A_1860 : vector<1x16xf32> to vector<16xf32>
        %get3A_1862 = arith.index_cast %scan3A_1804 : i32 to index
        %get3A_1863 = arith.index_cast %mul3A_1833 : i32 to index
        %get3A_1864 = tpu.vector_load %arg18[%get3A_1862, %get3A_1863] {strides = array<i32>} : memref<8x512xf32, #tpu.memory_space<vmem>>, vector<1x16xf32>,
        %get3A_1865 = vector.shape_cast %get3A_1864 : vector<1x16xf32> to vector<16xf32>
        %sub3A_1866 = arith.subf %get3A_1861, %get3A_1865 : vector<16xf32>
        %abs3A_1867 = math.absf %sub3A_1866 : vector<16xf32>
        %jit3A_1868 = arith.constant 0.000000e+00 : f32
        %broadcast_in_dim3A_1869 = vector.broadcast %jit3A_1868 : f32 to vector<16xf32>
        %select_n3A_1870 = arith.select %gt3A_1838, %abs3A_1867, %broadcast_in_dim3A_1869 : vector<16xi1>, vector<16xf32>
        %add3A_1871 = arith.addf %scan3A_1822, %select_n3A_1870 : vector<16xf32>
        %get3A_1872 = arith.index_cast %scan3A_1804 : i32 to index
        %get3A_1873 = arith.index_cast %mul3A_1833 : i32 to index
        %get3A_1874 = tpu.vector_load %arg16[%get3A_1872, %get3A_1873] {strides = array<i32>} : memref<8x512xf32, #tpu.memory_space<vmem>>, vector<1x16xf32>,
        %get3A_1875 = vector.shape_cast %get3A_1874 : vector<1x16xf32> to vector<16xf32>
        %get3A_1876 = arith.index_cast %scan3A_1804 : i32 to index
        %get3A_1877 = arith.index_cast %mul3A_1833 : i32 to index
        %get3A_1878 = tpu.vector_load %arg19[%get3A_1876, %get3A_1877] {strides = array<i32>} : memref<8x512xf32, #tpu.memory_space<vmem>>, vector<1x16xf32>,
        %get3A_1879 = vector.shape_cast %get3A_1878 : vector<1x16xf32> to vector<16xf32>
        %sub3A_1880 = arith.subf %get3A_1875, %get3A_1879 : vector<16xf32>
        %abs3A_1881 = math.absf %sub3A_1880 : vector<16xf32>
        %jit3A_1882 = arith.constant 0.000000e+00 : f32
        %broadcast_in_dim3A_1883 = vector.broadcast %jit3A_1882 : f32 to vector<16xf32>
        %select_n3A_1884 = arith.select %gt3A_1838, %abs3A_1881, %broadcast_in_dim3A_1883 : vector<16xi1>, vector<16xf32>
        %add3A_1885 = arith.addf %scan3A_1824, %select_n3A_1884 : vector<16xf32>
        %mul3A_1886 = arith.constant 4 : i32
        %mul3A_1887 = arith.muli %scan3A_1819, %mul3A_1886 : i32
        %add3A_1888 = arith.constant 1 : i32
        %add3A_1889 = arith.addi %mul3A_1887, %add3A_1888 : i32
        %mul3A_1890 = arith.constant 16 : i32
        %mul3A_1891 = arith.muli %add3A_1889, %mul3A_1890 : i32
        %get3A_1892 = arith.index_cast %scan3A_1804 : i32 to index
        %get3A_1893 = arith.index_cast %mul3A_1891 : i32 to index
        %get3A_1894 = tpu.vector_load %arg13[%get3A_1892, %get3A_1893] {strides = array<i32>} : memref<8x512xf32, #tpu.memory_space<vmem>>, vector<1x16xf32>,
        %get3A_1895 = vector.shape_cast %get3A_1894 : vector<1x16xf32> to vector<16xf32>
        %gt3A_1896 = arith.constant 0.00999999977 : f32
        %gt3A_1897 = vector.broadcast %gt3A_1896 : f32 to vector<16xf32>
        %gt3A_1898 = arith.cmpf ogt, %get3A_1895, %gt3A_1897 : vector<16xf32>
        %jit3A_1899 = arith.constant 1.000000e+00 : f32
        %jit3A_1900 = arith.constant 0.000000e+00 : f32
        %broadcast_in_dim3A_1901 = vector.broadcast %jit3A_1899 : f32 to vector<16xf32>
        %broadcast_in_dim3A_1902 = vector.broadcast %jit3A_1900 : f32 to vector<16xf32>
        %select_n3A_1903 = arith.select %gt3A_1898, %broadcast_in_dim3A_1901, %broadcast_in_dim3A_1902 : vector<16xi1>, vector<16xf32>
        %add3A_1904 = arith.addf %scan3A_1827, %select_n3A_1903 : vector<16xf32>
        %get3A_1905 = arith.index_cast %scan3A_1804 : i32 to index
        %get3A_1906 = arith.index_cast %mul3A_1891 : i32 to index
        %get3A_1907 = tpu.vector_load %arg14[%get3A_1905, %get3A_1906] {strides = array<i32>} : memref<8x512xf32, #tpu.memory_space<vmem>>, vector<1x16xf32>,
        %get3A_1908 = vector.shape_cast %get3A_1907 : vector<1x16xf32> to vector<16xf32>
        %get3A_1909 = arith.index_cast %scan3A_1804 : i32 to index
        %get3A_1910 = arith.index_cast %mul3A_1891 : i32 to index
        %get3A_1911 = tpu.vector_load %arg17[%get3A_1909, %get3A_1910] {strides = array<i32>} : memref<8x512xf32, #tpu.memory_space<vmem>>, vector<1x16xf32>,
        %get3A_1912 = vector.shape_cast %get3A_1911 : vector<1x16xf32> to vector<16xf32>
        %sub3A_1913 = arith.subf %get3A_1908, %get3A_1912 : vector<16xf32>
        %abs3A_1914 = math.absf %sub3A_1913 : vector<16xf32>
        %jit3A_1915 = arith.constant 0.000000e+00 : f32
        %broadcast_in_dim3A_1916 = vector.broadcast %jit3A_1915 : f32 to vector<16xf32>
        %select_n3A_1917 = arith.select %gt3A_1898, %abs3A_1914, %broadcast_in_dim3A_1916 : vector<16xi1>, vector<16xf32>
        %add3A_1918 = arith.addf %scan3A_1821, %select_n3A_1917 : vector<16xf32>
        %get3A_1919 = arith.index_cast %scan3A_1804 : i32 to index
        %get3A_1920 = arith.index_cast %mul3A_1891 : i32 to index
        %get3A_1921 = tpu.vector_load %arg15[%get3A_1919, %get3A_1920] {strides = array<i32>} : memref<8x512xf32, #tpu.memory_space<vmem>>, vector<1x16xf32>,
        %get3A_1922 = vector.shape_cast %get3A_1921 : vector<1x16xf32> to vector<16xf32>
        %get3A_1923 = arith.index_cast %scan3A_1804 : i32 to index
        %get3A_1924 = arith.index_cast %mul3A_1891 : i32 to index
        %get3A_1925 = tpu.vector_load %arg18[%get3A_1923, %get3A_1924] {strides = array<i32>} : memref<8x512xf32, #tpu.memory_space<vmem>>, vector<1x16xf32>,
        %get3A_1926 = vector.shape_cast %get3A_1925 : vector<1x16xf32> to vector<16xf32>
        %sub3A_1927 = arith.subf %get3A_1922, %get3A_1926 : vector<16xf32>
        %abs3A_1928 = math.absf %sub3A_1927 : vector<16xf32>
        %jit3A_1929 = arith.constant 0.000000e+00 : f32
        %broadcast_in_dim3A_1930 = vector.broadcast %jit3A_1929 : f32 to vector<16xf32>
        %select_n3A_1931 = arith.select %gt3A_1898, %abs3A_1928, %broadcast_in_dim3A_1930 : vector<16xi1>, vector<16xf32>
        %add3A_1932 = arith.addf %scan3A_1823, %select_n3A_1931 : vector<16xf32>
        %get3A_1933 = arith.index_cast %scan3A_1804 : i32 to index
        %get3A_1934 = arith.index_cast %mul3A_1891 : i32 to index
        %get3A_1935 = tpu.vector_load %arg16[%get3A_1933, %get3A_1934] {strides = array<i32>} : memref<8x512xf32, #tpu.memory_space<vmem>>, vector<1x16xf32>,
        %get3A_1936 = vector.shape_cast %get3A_1935 : vector<1x16xf32> to vector<16xf32>
        %get3A_1937 = arith.index_cast %scan3A_1804 : i32 to index
        %get3A_1938 = arith.index_cast %mul3A_1891 : i32 to index
        %get3A_1939 = tpu.vector_load %arg19[%get3A_1937, %get3A_1938] {strides = array<i32>} : memref<8x512xf32, #tpu.memory_space<vmem>>, vector<1x16xf32>,
        %get3A_1940 = vector.shape_cast %get3A_1939 : vector<1x16xf32> to vector<16xf32>
        %sub3A_1941 = arith.subf %get3A_1936, %get3A_1940 : vector<16xf32>
        %abs3A_1942 = math.absf %sub3A_1941 : vector<16xf32>
        %jit3A_1943 = arith.constant 0.000000e+00 : f32
        %broadcast_in_dim3A_1944 = vector.broadcast %jit3A_1943 : f32 to vector<16xf32>
        %select_n3A_1945 = arith.select %gt3A_1898, %abs3A_1942, %broadcast_in_dim3A_1944 : vector<16xi1>, vector<16xf32>
        %add3A_1946 = arith.addf %scan3A_1825, %select_n3A_1945 : vector<16xf32>
        %mul3A_1947 = arith.constant 4 : i32
        %mul3A_1948 = arith.muli %scan3A_1819, %mul3A_1947 : i32
        %add3A_1949 = arith.constant 2 : i32
        %add3A_1950 = arith.addi %mul3A_1948, %add3A_1949 : i32
        %mul3A_1951 = arith.constant 16 : i32
        %mul3A_1952 = arith.muli %add3A_1950, %mul3A_1951 : i32
        %get3A_1953 = arith.index_cast %scan3A_1804 : i32 to index
        %get3A_1954 = arith.index_cast %mul3A_1952 : i32 to index
        %get3A_1955 = tpu.vector_load %arg13[%get3A_1953, %get3A_1954] {strides = array<i32>} : memref<8x512xf32, #tpu.memory_space<vmem>>, vector<1x16xf32>,
        %get3A_1956 = vector.shape_cast %get3A_1955 : vector<1x16xf32> to vector<16xf32>
        %gt3A_1957 = arith.constant 0.00999999977 : f32
        %gt3A_1958 = vector.broadcast %gt3A_1957 : f32 to vector<16xf32>
        %gt3A_1959 = arith.cmpf ogt, %get3A_1956, %gt3A_1958 : vector<16xf32>
        %jit3A_1960 = arith.constant 1.000000e+00 : f32
        %jit3A_1961 = arith.constant 0.000000e+00 : f32
        %broadcast_in_dim3A_1962 = vector.broadcast %jit3A_1960 : f32 to vector<16xf32>
        %broadcast_in_dim3A_1963 = vector.broadcast %jit3A_1961 : f32 to vector<16xf32>
        %select_n3A_1964 = arith.select %gt3A_1959, %broadcast_in_dim3A_1962, %broadcast_in_dim3A_1963 : vector<16xi1>, vector<16xf32>
        %add3A_1965 = arith.addf %add3A_1844, %select_n3A_1964 : vector<16xf32>
        %get3A_1966 = arith.index_cast %scan3A_1804 : i32 to index
        %get3A_1967 = arith.index_cast %mul3A_1952 : i32 to index
        %get3A_1968 = tpu.vector_load %arg14[%get3A_1966, %get3A_1967] {strides = array<i32>} : memref<8x512xf32, #tpu.memory_space<vmem>>, vector<1x16xf32>,
        %get3A_1969 = vector.shape_cast %get3A_1968 : vector<1x16xf32> to vector<16xf32>
        %get3A_1970 = arith.index_cast %scan3A_1804 : i32 to index
        %get3A_1971 = arith.index_cast %mul3A_1952 : i32 to index
        %get3A_1972 = tpu.vector_load %arg17[%get3A_1970, %get3A_1971] {strides = array<i32>} : memref<8x512xf32, #tpu.memory_space<vmem>>, vector<1x16xf32>,
        %get3A_1973 = vector.shape_cast %get3A_1972 : vector<1x16xf32> to vector<16xf32>
        %sub3A_1974 = arith.subf %get3A_1969, %get3A_1973 : vector<16xf32>
        %abs3A_1975 = math.absf %sub3A_1974 : vector<16xf32>
        %jit3A_1976 = arith.constant 0.000000e+00 : f32
        %broadcast_in_dim3A_1977 = vector.broadcast %jit3A_1976 : f32 to vector<16xf32>
        %select_n3A_1978 = arith.select %gt3A_1959, %abs3A_1975, %broadcast_in_dim3A_1977 : vector<16xi1>, vector<16xf32>
        %add3A_1979 = arith.addf %add3A_1857, %select_n3A_1978 : vector<16xf32>
        %get3A_1980 = arith.index_cast %scan3A_1804 : i32 to index
        %get3A_1981 = arith.index_cast %mul3A_1952 : i32 to index
        %get3A_1982 = tpu.vector_load %arg15[%get3A_1980, %get3A_1981] {strides = array<i32>} : memref<8x512xf32, #tpu.memory_space<vmem>>, vector<1x16xf32>,
        %get3A_1983 = vector.shape_cast %get3A_1982 : vector<1x16xf32> to vector<16xf32>
        %get3A_1984 = arith.index_cast %scan3A_1804 : i32 to index
        %get3A_1985 = arith.index_cast %mul3A_1952 : i32 to index
        %get3A_1986 = tpu.vector_load %arg18[%get3A_1984, %get3A_1985] {strides = array<i32>} : memref<8x512xf32, #tpu.memory_space<vmem>>, vector<1x16xf32>,
        %get3A_1987 = vector.shape_cast %get3A_1986 : vector<1x16xf32> to vector<16xf32>
        %sub3A_1988 = arith.subf %get3A_1983, %get3A_1987 : vector<16xf32>
        %abs3A_1989 = math.absf %sub3A_1988 : vector<16xf32>
        %jit3A_1990 = arith.constant 0.000000e+00 : f32
        %broadcast_in_dim3A_1991 = vector.broadcast %jit3A_1990 : f32 to vector<16xf32>
        %select_n3A_1992 = arith.select %gt3A_1959, %abs3A_1989, %broadcast_in_dim3A_1991 : vector<16xi1>, vector<16xf32>
        %add3A_1993 = arith.addf %add3A_1871, %select_n3A_1992 : vector<16xf32>
        %get3A_1994 = arith.index_cast %scan3A_1804 : i32 to index
        %get3A_1995 = arith.index_cast %mul3A_1952 : i32 to index
        %get3A_1996 = tpu.vector_load %arg16[%get3A_1994, %get3A_1995] {strides = array<i32>} : memref<8x512xf32, #tpu.memory_space<vmem>>, vector<1x16xf32>,
        %get3A_1997 = vector.shape_cast %get3A_1996 : vector<1x16xf32> to vector<16xf32>
        %get3A_1998 = arith.index_cast %scan3A_1804 : i32 to index
        %get3A_1999 = arith.index_cast %mul3A_1952 : i32 to index
        %get3A_2000 = tpu.vector_load %arg19[%get3A_1998, %get3A_1999] {strides = array<i32>} : memref<8x512xf32, #tpu.memory_space<vmem>>, vector<1x16xf32>,
        %get3A_2001 = vector.shape_cast %get3A_2000 : vector<1x16xf32> to vector<16xf32>
        %sub3A_2002 = arith.subf %get3A_1997, %get3A_2001 : vector<16xf32>
        %abs3A_2003 = math.absf %sub3A_2002 : vector<16xf32>
        %jit3A_2004 = arith.constant 0.000000e+00 : f32
        %broadcast_in_dim3A_2005 = vector.broadcast %jit3A_2004 : f32 to vector<16xf32>
        %select_n3A_2006 = arith.select %gt3A_1959, %abs3A_2003, %broadcast_in_dim3A_2005 : vector<16xi1>, vector<16xf32>
        %add3A_2007 = arith.addf %add3A_1885, %select_n3A_2006 : vector<16xf32>
        %mul3A_2008 = arith.constant 4 : i32
        %mul3A_2009 = arith.muli %scan3A_1819, %mul3A_2008 : i32
        %add3A_2010 = arith.constant 3 : i32
        %add3A_2011 = arith.addi %mul3A_2009, %add3A_2010 : i32
        %mul3A_2012 = arith.constant 16 : i32
        %mul3A_2013 = arith.muli %add3A_2011, %mul3A_2012 : i32
        %get3A_2014 = arith.index_cast %scan3A_1804 : i32 to index
        %get3A_2015 = arith.index_cast %mul3A_2013 : i32 to index
        %get3A_2016 = tpu.vector_load %arg13[%get3A_2014, %get3A_2015] {strides = array<i32>} : memref<8x512xf32, #tpu.memory_space<vmem>>, vector<1x16xf32>,
        %get3A_2017 = vector.shape_cast %get3A_2016 : vector<1x16xf32> to vector<16xf32>
        %gt3A_2018 = arith.constant 0.00999999977 : f32
        %gt3A_2019 = vector.broadcast %gt3A_2018 : f32 to vector<16xf32>
        %gt3A_2020 = arith.cmpf ogt, %get3A_2017, %gt3A_2019 : vector<16xf32>
        %jit3A_2021 = arith.constant 1.000000e+00 : f32
        %jit3A_2022 = arith.constant 0.000000e+00 : f32
        %broadcast_in_dim3A_2023 = vector.broadcast %jit3A_2021 : f32 to vector<16xf32>
        %broadcast_in_dim3A_2024 = vector.broadcast %jit3A_2022 : f32 to vector<16xf32>
        %select_n3A_2025 = arith.select %gt3A_2020, %broadcast_in_dim3A_2023, %broadcast_in_dim3A_2024 : vector<16xi1>, vector<16xf32>
        %add3A_2026 = arith.addf %add3A_1904, %select_n3A_2025 : vector<16xf32>
        %get3A_2027 = arith.index_cast %scan3A_1804 : i32 to index
        %get3A_2028 = arith.index_cast %mul3A_2013 : i32 to index
        %get3A_2029 = tpu.vector_load %arg14[%get3A_2027, %get3A_2028] {strides = array<i32>} : memref<8x512xf32, #tpu.memory_space<vmem>>, vector<1x16xf32>,
        %get3A_2030 = vector.shape_cast %get3A_2029 : vector<1x16xf32> to vector<16xf32>
        %get3A_2031 = arith.index_cast %scan3A_1804 : i32 to index
        %get3A_2032 = arith.index_cast %mul3A_2013 : i32 to index
        %get3A_2033 = tpu.vector_load %arg17[%get3A_2031, %get3A_2032] {strides = array<i32>} : memref<8x512xf32, #tpu.memory_space<vmem>>, vector<1x16xf32>,
        %get3A_2034 = vector.shape_cast %get3A_2033 : vector<1x16xf32> to vector<16xf32>
        %sub3A_2035 = arith.subf %get3A_2030, %get3A_2034 : vector<16xf32>
        %abs3A_2036 = math.absf %sub3A_2035 : vector<16xf32>
        %jit3A_2037 = arith.constant 0.000000e+00 : f32
        %broadcast_in_dim3A_2038 = vector.broadcast %jit3A_2037 : f32 to vector<16xf32>
        %select_n3A_2039 = arith.select %gt3A_2020, %abs3A_2036, %broadcast_in_dim3A_2038 : vector<16xi1>, vector<16xf32>
        %add3A_2040 = arith.addf %add3A_1918, %select_n3A_2039 : vector<16xf32>
        %get3A_2041 = arith.index_cast %scan3A_1804 : i32 to index
        %get3A_2042 = arith.index_cast %mul3A_2013 : i32 to index
        %get3A_2043 = tpu.vector_load %arg15[%get3A_2041, %get3A_2042] {strides = array<i32>} : memref<8x512xf32, #tpu.memory_space<vmem>>, vector<1x16xf32>,
        %get3A_2044 = vector.shape_cast %get3A_2043 : vector<1x16xf32> to vector<16xf32>
        %get3A_2045 = arith.index_cast %scan3A_1804 : i32 to index
        %get3A_2046 = arith.index_cast %mul3A_2013 : i32 to index
        %get3A_2047 = tpu.vector_load %arg18[%get3A_2045, %get3A_2046] {strides = array<i32>} : memref<8x512xf32, #tpu.memory_space<vmem>>, vector<1x16xf32>,
        %get3A_2048 = vector.shape_cast %get3A_2047 : vector<1x16xf32> to vector<16xf32>
        %sub3A_2049 = arith.subf %get3A_2044, %get3A_2048 : vector<16xf32>
        %abs3A_2050 = math.absf %sub3A_2049 : vector<16xf32>
        %jit3A_2051 = arith.constant 0.000000e+00 : f32
        %broadcast_in_dim3A_2052 = vector.broadcast %jit3A_2051 : f32 to vector<16xf32>
        %select_n3A_2053 = arith.select %gt3A_2020, %abs3A_2050, %broadcast_in_dim3A_2052 : vector<16xi1>, vector<16xf32>
        %add3A_2054 = arith.addf %add3A_1932, %select_n3A_2053 : vector<16xf32>
        %get3A_2055 = arith.index_cast %scan3A_1804 : i32 to index
        %get3A_2056 = arith.index_cast %mul3A_2013 : i32 to index
        %get3A_2057 = tpu.vector_load %arg16[%get3A_2055, %get3A_2056] {strides = array<i32>} : memref<8x512xf32, #tpu.memory_space<vmem>>, vector<1x16xf32>,
        %get3A_2058 = vector.shape_cast %get3A_2057 : vector<1x16xf32> to vector<16xf32>
        %get3A_2059 = arith.index_cast %scan3A_1804 : i32 to index
        %get3A_2060 = arith.index_cast %mul3A_2013 : i32 to index
        %get3A_2061 = tpu.vector_load %arg19[%get3A_2059, %get3A_2060] {strides = array<i32>} : memref<8x512xf32, #tpu.memory_space<vmem>>, vector<1x16xf32>,
        %get3A_2062 = vector.shape_cast %get3A_2061 : vector<1x16xf32> to vector<16xf32>
        %sub3A_2063 = arith.subf %get3A_2058, %get3A_2062 : vector<16xf32>
        %abs3A_2064 = math.absf %sub3A_2063 : vector<16xf32>
        %jit3A_2065 = arith.constant 0.000000e+00 : f32
        %broadcast_in_dim3A_2066 = vector.broadcast %jit3A_2065 : f32 to vector<16xf32>
        %select_n3A_2067 = arith.select %gt3A_2020, %abs3A_2064, %broadcast_in_dim3A_2066 : vector<16xi1>, vector<16xf32>
        %add3A_2068 = arith.addf %add3A_1946, %select_n3A_2067 : vector<16xf32>
        scf.yield %add3A_1979, %add3A_2040, %add3A_1993, %add3A_2054, %add3A_2007, %add3A_2068, %add3A_1965, %add3A_2026 : vector<16xf32>, vector<16xf32>, vector<16xf32>, vector<16xf32>, vector<16xf32>, vector<16xf32>, vector<16xf32>, vector<16xf32>
      }
      %scan3A_1818 = arith.constant 8 : i32
      scf.yield %scan3A_1817#0, %scan3A_1817#1, %scan3A_1817#2, %scan3A_1817#3, %scan3A_1817#4, %scan3A_1817#5, %scan3A_1817#6, %scan3A_1817#7 : vector<16xf32>, vector<16xf32>, vector<16xf32>, vector<16xf32>, vector<16xf32>, vector<16xf32>, vector<16xf32>, vector<16xf32>
    }
    %scan3A_1721 = arith.constant 8 : i32
    %dma_wait3A_1722 = arith.constant 0 : i32
    %dma_wait3A_1723 = tpu.memref_slice %arg4[%multiple_of3A_1332, %dma_wait3A_1722] : memref<8192x512xf32, #tpu.memory_space<hbm>> -> memref<8x512xf32, #tpu.memory_space<hbm>>
    %dma_wait3A_1724 = arith.constant 0 : i32
    %dma_wait3A_1725 = tpu.memref_slice %arg4[%multiple_of3A_1332, %dma_wait3A_1724] : memref<8192x512xf32, #tpu.memory_space<hbm>> -> memref<8x512xf32, #tpu.memory_space<hbm>>
    tpu.wait_dma2 semaphore(%arg38 : memref<!tpu.dma_semaphore, #tpu.memory_space<semaphore_mem>>) src(%dma_wait3A_1725 : memref<8x512xf32, #tpu.memory_space<hbm>>) dst(%arg20 : memref<8x512xf32, #tpu.memory_space<vmem>>)
    %dma_wait3A_1726 = arith.constant 0 : i32
    %dma_wait3A_1727 = tpu.memref_slice %arg2[%multiple_of3A_1368, %dma_wait3A_1726] : memref<24576x512xf32, #tpu.memory_space<hbm>> -> memref<8x512xf32, #tpu.memory_space<hbm>>
    %dma_wait3A_1728 = arith.constant 0 : i32
    %dma_wait3A_1729 = tpu.memref_slice %arg2[%multiple_of3A_1368, %dma_wait3A_1728] : memref<24576x512xf32, #tpu.memory_space<hbm>> -> memref<8x512xf32, #tpu.memory_space<hbm>>
    tpu.wait_dma2 semaphore(%arg38 : memref<!tpu.dma_semaphore, #tpu.memory_space<semaphore_mem>>) src(%dma_wait3A_1729 : memref<8x512xf32, #tpu.memory_space<hbm>>) dst(%arg21 : memref<8x512xf32, #tpu.memory_space<vmem>>)
    %dma_wait3A_1730 = arith.constant 0 : i32
    %dma_wait3A_1731 = tpu.memref_slice %arg3[%multiple_of3A_1368, %dma_wait3A_1730] : memref<24576x512xf32, #tpu.memory_space<hbm>> -> memref<8x512xf32, #tpu.memory_space<hbm>>
    %dma_wait3A_1732 = arith.constant 0 : i32
    %dma_wait3A_1733 = tpu.memref_slice %arg3[%multiple_of3A_1368, %dma_wait3A_1732] : memref<24576x512xf32, #tpu.memory_space<hbm>> -> memref<8x512xf32, #tpu.memory_space<hbm>>
    tpu.wait_dma2 semaphore(%arg38 : memref<!tpu.dma_semaphore, #tpu.memory_space<semaphore_mem>>) src(%dma_wait3A_1733 : memref<8x512xf32, #tpu.memory_space<hbm>>) dst(%arg24 : memref<8x512xf32, #tpu.memory_space<vmem>>)
    %dma_wait3A_1734 = arith.constant 0 : i32
    %dma_wait3A_1735 = tpu.memref_slice %arg2[%multiple_of3A_1408, %dma_wait3A_1734] : memref<24576x512xf32, #tpu.memory_space<hbm>> -> memref<8x512xf32, #tpu.memory_space<hbm>>
    %dma_wait3A_1736 = arith.constant 0 : i32
    %dma_wait3A_1737 = tpu.memref_slice %arg2[%multiple_of3A_1408, %dma_wait3A_1736] : memref<24576x512xf32, #tpu.memory_space<hbm>> -> memref<8x512xf32, #tpu.memory_space<hbm>>
    tpu.wait_dma2 semaphore(%arg38 : memref<!tpu.dma_semaphore, #tpu.memory_space<semaphore_mem>>) src(%dma_wait3A_1737 : memref<8x512xf32, #tpu.memory_space<hbm>>) dst(%arg22 : memref<8x512xf32, #tpu.memory_space<vmem>>)
    %dma_wait3A_1738 = arith.constant 0 : i32
    %dma_wait3A_1739 = tpu.memref_slice %arg3[%multiple_of3A_1408, %dma_wait3A_1738] : memref<24576x512xf32, #tpu.memory_space<hbm>> -> memref<8x512xf32, #tpu.memory_space<hbm>>
    %dma_wait3A_1740 = arith.constant 0 : i32
    %dma_wait3A_1741 = tpu.memref_slice %arg3[%multiple_of3A_1408, %dma_wait3A_1740] : memref<24576x512xf32, #tpu.memory_space<hbm>> -> memref<8x512xf32, #tpu.memory_space<hbm>>
    tpu.wait_dma2 semaphore(%arg38 : memref<!tpu.dma_semaphore, #tpu.memory_space<semaphore_mem>>) src(%dma_wait3A_1741 : memref<8x512xf32, #tpu.memory_space<hbm>>) dst(%arg25 : memref<8x512xf32, #tpu.memory_space<vmem>>)
    %dma_wait3A_1742 = arith.constant 0 : i32
    %dma_wait3A_1743 = tpu.memref_slice %arg2[%multiple_of3A_1448, %dma_wait3A_1742] : memref<24576x512xf32, #tpu.memory_space<hbm>> -> memref<8x512xf32, #tpu.memory_space<hbm>>
    %dma_wait3A_1744 = arith.constant 0 : i32
    %dma_wait3A_1745 = tpu.memref_slice %arg2[%multiple_of3A_1448, %dma_wait3A_1744] : memref<24576x512xf32, #tpu.memory_space<hbm>> -> memref<8x512xf32, #tpu.memory_space<hbm>>
    tpu.wait_dma2 semaphore(%arg38 : memref<!tpu.dma_semaphore, #tpu.memory_space<semaphore_mem>>) src(%dma_wait3A_1745 : memref<8x512xf32, #tpu.memory_space<hbm>>) dst(%arg23 : memref<8x512xf32, #tpu.memory_space<vmem>>)
    %dma_wait3A_1746 = arith.constant 0 : i32
    %dma_wait3A_1747 = tpu.memref_slice %arg3[%multiple_of3A_1448, %dma_wait3A_1746] : memref<24576x512xf32, #tpu.memory_space<hbm>> -> memref<8x512xf32, #tpu.memory_space<hbm>>
    %dma_wait3A_1748 = arith.constant 0 : i32
    %dma_wait3A_1749 = tpu.memref_slice %arg3[%multiple_of3A_1448, %dma_wait3A_1748] : memref<24576x512xf32, #tpu.memory_space<hbm>> -> memref<8x512xf32, #tpu.memory_space<hbm>>
    tpu.wait_dma2 semaphore(%arg38 : memref<!tpu.dma_semaphore, #tpu.memory_space<semaphore_mem>>) src(%dma_wait3A_1749 : memref<8x512xf32, #tpu.memory_space<hbm>>) dst(%arg26 : memref<8x512xf32, #tpu.memory_space<vmem>>)
    %scan3A_1750 = arith.constant 0 : i32
    %scan3A_1751 = arith.constant 8 : i32
    %scan3A_1752 = arith.addi %scan3A_1750, %scan3A_1751 : i32
    %scan3A_1753 = arith.constant 1 : i32
    %scan3A_1754:8 = scf.for %scan3A_1804 = %scan3A_1750 to %scan3A_1752 step %scan3A_1753 iter_args(%scan3A_1805 = %scan3A_1720#0, %scan3A_1806 = %scan3A_1720#1, %scan3A_1807 = %scan3A_1720#2, %scan3A_1808 = %scan3A_1720#3, %scan3A_1809 = %scan3A_1720#4, %scan3A_1810 = %scan3A_1720#5, %scan3A_1811 = %scan3A_1720#6, %scan3A_1812 = %scan3A_1720#7) -> (vector<16xf32>, vector<16xf32>, vector<16xf32>, vector<16xf32>, vector<16xf32>, vector<16xf32>, vector<16xf32>, vector<16xf32>)  : i32 {
      %scan3A_1813 = arith.constant 0 : i32
      %scan3A_1814 = arith.constant 8 : i32
      %scan3A_1815 = arith.addi %scan3A_1813, %scan3A_1814 : i32
      %scan3A_1816 = arith.constant 1 : i32
      %scan3A_1817:8 = scf.for %scan3A_1819 = %scan3A_1813 to %scan3A_1815 step %scan3A_1816 iter_args(%scan3A_1820 = %scan3A_1805, %scan3A_1821 = %scan3A_1806, %scan3A_1822 = %scan3A_1807, %scan3A_1823 = %scan3A_1808, %scan3A_1824 = %scan3A_1809, %scan3A_1825 = %scan3A_1810, %scan3A_1826 = %scan3A_1811, %scan3A_1827 = %scan3A_1812) -> (vector<16xf32>, vector<16xf32>, vector<16xf32>, vector<16xf32>, vector<16xf32>, vector<16xf32>, vector<16xf32>, vector<16xf32>)  : i32 {
        %mul3A_1828 = arith.constant 4 : i32
        %mul3A_1829 = arith.muli %scan3A_1819, %mul3A_1828 : i32
        %add3A_1830 = arith.constant 0 : i32
        %add3A_1831 = arith.addi %mul3A_1829, %add3A_1830 : i32
        %mul3A_1832 = arith.constant 16 : i32
        %mul3A_1833 = arith.muli %add3A_1831, %mul3A_1832 : i32
        %get3A = arith.index_cast %scan3A_1804 : i32 to index
        %get3A_1834 = arith.index_cast %mul3A_1833 : i32 to index
        %get3A_1835 = tpu.vector_load %arg20[%get3A, %get3A_1834] {strides = array<i32>} : memref<8x512xf32, #tpu.memory_space<vmem>>, vector<1x16xf32>,
        %get3A_1836 = vector.shape_cast %get3A_1835 : vector<1x16xf32> to vector<16xf32>
        %gt3A = arith.constant 0.00999999977 : f32
        %gt3A_1837 = vector.broadcast %gt3A : f32 to vector<16xf32>
        %gt3A_1838 = arith.cmpf ogt, %get3A_1836, %gt3A_1837 : vector<16xf32>
        %jit3A_1839 = arith.constant 1.000000e+00 : f32
        %jit3A_1840 = arith.constant 0.000000e+00 : f32
        %broadcast_in_dim3A_1841 = vector.broadcast %jit3A_1839 : f32 to vector<16xf32>
        %broadcast_in_dim3A_1842 = vector.broadcast %jit3A_1840 : f32 to vector<16xf32>
        %select_n3A_1843 = arith.select %gt3A_1838, %broadcast_in_dim3A_1841, %broadcast_in_dim3A_1842 : vector<16xi1>, vector<16xf32>
        %add3A_1844 = arith.addf %scan3A_1826, %select_n3A_1843 : vector<16xf32>
        %get3A_1845 = arith.index_cast %scan3A_1804 : i32 to index
        %get3A_1846 = arith.index_cast %mul3A_1833 : i32 to index
        %get3A_1847 = tpu.vector_load %arg21[%get3A_1845, %get3A_1846] {strides = array<i32>} : memref<8x512xf32, #tpu.memory_space<vmem>>, vector<1x16xf32>,
        %get3A_1848 = vector.shape_cast %get3A_1847 : vector<1x16xf32> to vector<16xf32>
        %get3A_1849 = arith.index_cast %scan3A_1804 : i32 to index
        %get3A_1850 = arith.index_cast %mul3A_1833 : i32 to index
        %get3A_1851 = tpu.vector_load %arg24[%get3A_1849, %get3A_1850] {strides = array<i32>} : memref<8x512xf32, #tpu.memory_space<vmem>>, vector<1x16xf32>,
        %get3A_1852 = vector.shape_cast %get3A_1851 : vector<1x16xf32> to vector<16xf32>
        %sub3A_1853 = arith.subf %get3A_1848, %get3A_1852 : vector<16xf32>
        %abs3A = math.absf %sub3A_1853 : vector<16xf32>
        %jit3A_1854 = arith.constant 0.000000e+00 : f32
        %broadcast_in_dim3A_1855 = vector.broadcast %jit3A_1854 : f32 to vector<16xf32>
        %select_n3A_1856 = arith.select %gt3A_1838, %abs3A, %broadcast_in_dim3A_1855 : vector<16xi1>, vector<16xf32>
        %add3A_1857 = arith.addf %scan3A_1820, %select_n3A_1856 : vector<16xf32>
        %get3A_1858 = arith.index_cast %scan3A_1804 : i32 to index
        %get3A_1859 = arith.index_cast %mul3A_1833 : i32 to index
        %get3A_1860 = tpu.vector_load %arg22[%get3A_1858, %get3A_1859] {strides = array<i32>} : memref<8x512xf32, #tpu.memory_space<vmem>>, vector<1x16xf32>,
        %get3A_1861 = vector.shape_cast %get3A_1860 : vector<1x16xf32> to vector<16xf32>
        %get3A_1862 = arith.index_cast %scan3A_1804 : i32 to index
        %get3A_1863 = arith.index_cast %mul3A_1833 : i32 to index
        %get3A_1864 = tpu.vector_load %arg25[%get3A_1862, %get3A_1863] {strides = array<i32>} : memref<8x512xf32, #tpu.memory_space<vmem>>, vector<1x16xf32>,
        %get3A_1865 = vector.shape_cast %get3A_1864 : vector<1x16xf32> to vector<16xf32>
        %sub3A_1866 = arith.subf %get3A_1861, %get3A_1865 : vector<16xf32>
        %abs3A_1867 = math.absf %sub3A_1866 : vector<16xf32>
        %jit3A_1868 = arith.constant 0.000000e+00 : f32
        %broadcast_in_dim3A_1869 = vector.broadcast %jit3A_1868 : f32 to vector<16xf32>
        %select_n3A_1870 = arith.select %gt3A_1838, %abs3A_1867, %broadcast_in_dim3A_1869 : vector<16xi1>, vector<16xf32>
        %add3A_1871 = arith.addf %scan3A_1822, %select_n3A_1870 : vector<16xf32>
        %get3A_1872 = arith.index_cast %scan3A_1804 : i32 to index
        %get3A_1873 = arith.index_cast %mul3A_1833 : i32 to index
        %get3A_1874 = tpu.vector_load %arg23[%get3A_1872, %get3A_1873] {strides = array<i32>} : memref<8x512xf32, #tpu.memory_space<vmem>>, vector<1x16xf32>,
        %get3A_1875 = vector.shape_cast %get3A_1874 : vector<1x16xf32> to vector<16xf32>
        %get3A_1876 = arith.index_cast %scan3A_1804 : i32 to index
        %get3A_1877 = arith.index_cast %mul3A_1833 : i32 to index
        %get3A_1878 = tpu.vector_load %arg26[%get3A_1876, %get3A_1877] {strides = array<i32>} : memref<8x512xf32, #tpu.memory_space<vmem>>, vector<1x16xf32>,
        %get3A_1879 = vector.shape_cast %get3A_1878 : vector<1x16xf32> to vector<16xf32>
        %sub3A_1880 = arith.subf %get3A_1875, %get3A_1879 : vector<16xf32>
        %abs3A_1881 = math.absf %sub3A_1880 : vector<16xf32>
        %jit3A_1882 = arith.constant 0.000000e+00 : f32
        %broadcast_in_dim3A_1883 = vector.broadcast %jit3A_1882 : f32 to vector<16xf32>
        %select_n3A_1884 = arith.select %gt3A_1838, %abs3A_1881, %broadcast_in_dim3A_1883 : vector<16xi1>, vector<16xf32>
        %add3A_1885 = arith.addf %scan3A_1824, %select_n3A_1884 : vector<16xf32>
        %mul3A_1886 = arith.constant 4 : i32
        %mul3A_1887 = arith.muli %scan3A_1819, %mul3A_1886 : i32
        %add3A_1888 = arith.constant 1 : i32
        %add3A_1889 = arith.addi %mul3A_1887, %add3A_1888 : i32
        %mul3A_1890 = arith.constant 16 : i32
        %mul3A_1891 = arith.muli %add3A_1889, %mul3A_1890 : i32
        %get3A_1892 = arith.index_cast %scan3A_1804 : i32 to index
        %get3A_1893 = arith.index_cast %mul3A_1891 : i32 to index
        %get3A_1894 = tpu.vector_load %arg20[%get3A_1892, %get3A_1893] {strides = array<i32>} : memref<8x512xf32, #tpu.memory_space<vmem>>, vector<1x16xf32>,
        %get3A_1895 = vector.shape_cast %get3A_1894 : vector<1x16xf32> to vector<16xf32>
        %gt3A_1896 = arith.constant 0.00999999977 : f32
        %gt3A_1897 = vector.broadcast %gt3A_1896 : f32 to vector<16xf32>
        %gt3A_1898 = arith.cmpf ogt, %get3A_1895, %gt3A_1897 : vector<16xf32>
        %jit3A_1899 = arith.constant 1.000000e+00 : f32
        %jit3A_1900 = arith.constant 0.000000e+00 : f32
        %broadcast_in_dim3A_1901 = vector.broadcast %jit3A_1899 : f32 to vector<16xf32>
        %broadcast_in_dim3A_1902 = vector.broadcast %jit3A_1900 : f32 to vector<16xf32>
        %select_n3A_1903 = arith.select %gt3A_1898, %broadcast_in_dim3A_1901, %broadcast_in_dim3A_1902 : vector<16xi1>, vector<16xf32>
        %add3A_1904 = arith.addf %scan3A_1827, %select_n3A_1903 : vector<16xf32>
        %get3A_1905 = arith.index_cast %scan3A_1804 : i32 to index
        %get3A_1906 = arith.index_cast %mul3A_1891 : i32 to index
        %get3A_1907 = tpu.vector_load %arg21[%get3A_1905, %get3A_1906] {strides = array<i32>} : memref<8x512xf32, #tpu.memory_space<vmem>>, vector<1x16xf32>,
        %get3A_1908 = vector.shape_cast %get3A_1907 : vector<1x16xf32> to vector<16xf32>
        %get3A_1909 = arith.index_cast %scan3A_1804 : i32 to index
        %get3A_1910 = arith.index_cast %mul3A_1891 : i32 to index
        %get3A_1911 = tpu.vector_load %arg24[%get3A_1909, %get3A_1910] {strides = array<i32>} : memref<8x512xf32, #tpu.memory_space<vmem>>, vector<1x16xf32>,
        %get3A_1912 = vector.shape_cast %get3A_1911 : vector<1x16xf32> to vector<16xf32>
        %sub3A_1913 = arith.subf %get3A_1908, %get3A_1912 : vector<16xf32>
        %abs3A_1914 = math.absf %sub3A_1913 : vector<16xf32>
        %jit3A_1915 = arith.constant 0.000000e+00 : f32
        %broadcast_in_dim3A_1916 = vector.broadcast %jit3A_1915 : f32 to vector<16xf32>
        %select_n3A_1917 = arith.select %gt3A_1898, %abs3A_1914, %broadcast_in_dim3A_1916 : vector<16xi1>, vector<16xf32>
        %add3A_1918 = arith.addf %scan3A_1821, %select_n3A_1917 : vector<16xf32>
        %get3A_1919 = arith.index_cast %scan3A_1804 : i32 to index
        %get3A_1920 = arith.index_cast %mul3A_1891 : i32 to index
        %get3A_1921 = tpu.vector_load %arg22[%get3A_1919, %get3A_1920] {strides = array<i32>} : memref<8x512xf32, #tpu.memory_space<vmem>>, vector<1x16xf32>,
        %get3A_1922 = vector.shape_cast %get3A_1921 : vector<1x16xf32> to vector<16xf32>
        %get3A_1923 = arith.index_cast %scan3A_1804 : i32 to index
        %get3A_1924 = arith.index_cast %mul3A_1891 : i32 to index
        %get3A_1925 = tpu.vector_load %arg25[%get3A_1923, %get3A_1924] {strides = array<i32>} : memref<8x512xf32, #tpu.memory_space<vmem>>, vector<1x16xf32>,
        %get3A_1926 = vector.shape_cast %get3A_1925 : vector<1x16xf32> to vector<16xf32>
        %sub3A_1927 = arith.subf %get3A_1922, %get3A_1926 : vector<16xf32>
        %abs3A_1928 = math.absf %sub3A_1927 : vector<16xf32>
        %jit3A_1929 = arith.constant 0.000000e+00 : f32
        %broadcast_in_dim3A_1930 = vector.broadcast %jit3A_1929 : f32 to vector<16xf32>
        %select_n3A_1931 = arith.select %gt3A_1898, %abs3A_1928, %broadcast_in_dim3A_1930 : vector<16xi1>, vector<16xf32>
        %add3A_1932 = arith.addf %scan3A_1823, %select_n3A_1931 : vector<16xf32>
        %get3A_1933 = arith.index_cast %scan3A_1804 : i32 to index
        %get3A_1934 = arith.index_cast %mul3A_1891 : i32 to index
        %get3A_1935 = tpu.vector_load %arg23[%get3A_1933, %get3A_1934] {strides = array<i32>} : memref<8x512xf32, #tpu.memory_space<vmem>>, vector<1x16xf32>,
        %get3A_1936 = vector.shape_cast %get3A_1935 : vector<1x16xf32> to vector<16xf32>
        %get3A_1937 = arith.index_cast %scan3A_1804 : i32 to index
        %get3A_1938 = arith.index_cast %mul3A_1891 : i32 to index
        %get3A_1939 = tpu.vector_load %arg26[%get3A_1937, %get3A_1938] {strides = array<i32>} : memref<8x512xf32, #tpu.memory_space<vmem>>, vector<1x16xf32>,
        %get3A_1940 = vector.shape_cast %get3A_1939 : vector<1x16xf32> to vector<16xf32>
        %sub3A_1941 = arith.subf %get3A_1936, %get3A_1940 : vector<16xf32>
        %abs3A_1942 = math.absf %sub3A_1941 : vector<16xf32>
        %jit3A_1943 = arith.constant 0.000000e+00 : f32
        %broadcast_in_dim3A_1944 = vector.broadcast %jit3A_1943 : f32 to vector<16xf32>
        %select_n3A_1945 = arith.select %gt3A_1898, %abs3A_1942, %broadcast_in_dim3A_1944 : vector<16xi1>, vector<16xf32>
        %add3A_1946 = arith.addf %scan3A_1825, %select_n3A_1945 : vector<16xf32>
        %mul3A_1947 = arith.constant 4 : i32
        %mul3A_1948 = arith.muli %scan3A_1819, %mul3A_1947 : i32
        %add3A_1949 = arith.constant 2 : i32
        %add3A_1950 = arith.addi %mul3A_1948, %add3A_1949 : i32
        %mul3A_1951 = arith.constant 16 : i32
        %mul3A_1952 = arith.muli %add3A_1950, %mul3A_1951 : i32
        %get3A_1953 = arith.index_cast %scan3A_1804 : i32 to index
        %get3A_1954 = arith.index_cast %mul3A_1952 : i32 to index
        %get3A_1955 = tpu.vector_load %arg20[%get3A_1953, %get3A_1954] {strides = array<i32>} : memref<8x512xf32, #tpu.memory_space<vmem>>, vector<1x16xf32>,
        %get3A_1956 = vector.shape_cast %get3A_1955 : vector<1x16xf32> to vector<16xf32>
        %gt3A_1957 = arith.constant 0.00999999977 : f32
        %gt3A_1958 = vector.broadcast %gt3A_1957 : f32 to vector<16xf32>
        %gt3A_1959 = arith.cmpf ogt, %get3A_1956, %gt3A_1958 : vector<16xf32>
        %jit3A_1960 = arith.constant 1.000000e+00 : f32
        %jit3A_1961 = arith.constant 0.000000e+00 : f32
        %broadcast_in_dim3A_1962 = vector.broadcast %jit3A_1960 : f32 to vector<16xf32>
        %broadcast_in_dim3A_1963 = vector.broadcast %jit3A_1961 : f32 to vector<16xf32>
        %select_n3A_1964 = arith.select %gt3A_1959, %broadcast_in_dim3A_1962, %broadcast_in_dim3A_1963 : vector<16xi1>, vector<16xf32>
        %add3A_1965 = arith.addf %add3A_1844, %select_n3A_1964 : vector<16xf32>
        %get3A_1966 = arith.index_cast %scan3A_1804 : i32 to index
        %get3A_1967 = arith.index_cast %mul3A_1952 : i32 to index
        %get3A_1968 = tpu.vector_load %arg21[%get3A_1966, %get3A_1967] {strides = array<i32>} : memref<8x512xf32, #tpu.memory_space<vmem>>, vector<1x16xf32>,
        %get3A_1969 = vector.shape_cast %get3A_1968 : vector<1x16xf32> to vector<16xf32>
        %get3A_1970 = arith.index_cast %scan3A_1804 : i32 to index
        %get3A_1971 = arith.index_cast %mul3A_1952 : i32 to index
        %get3A_1972 = tpu.vector_load %arg24[%get3A_1970, %get3A_1971] {strides = array<i32>} : memref<8x512xf32, #tpu.memory_space<vmem>>, vector<1x16xf32>,
        %get3A_1973 = vector.shape_cast %get3A_1972 : vector<1x16xf32> to vector<16xf32>
        %sub3A_1974 = arith.subf %get3A_1969, %get3A_1973 : vector<16xf32>
        %abs3A_1975 = math.absf %sub3A_1974 : vector<16xf32>
        %jit3A_1976 = arith.constant 0.000000e+00 : f32
        %broadcast_in_dim3A_1977 = vector.broadcast %jit3A_1976 : f32 to vector<16xf32>
        %select_n3A_1978 = arith.select %gt3A_1959, %abs3A_1975, %broadcast_in_dim3A_1977 : vector<16xi1>, vector<16xf32>
        %add3A_1979 = arith.addf %add3A_1857, %select_n3A_1978 : vector<16xf32>
        %get3A_1980 = arith.index_cast %scan3A_1804 : i32 to index
        %get3A_1981 = arith.index_cast %mul3A_1952 : i32 to index
        %get3A_1982 = tpu.vector_load %arg22[%get3A_1980, %get3A_1981] {strides = array<i32>} : memref<8x512xf32, #tpu.memory_space<vmem>>, vector<1x16xf32>,
        %get3A_1983 = vector.shape_cast %get3A_1982 : vector<1x16xf32> to vector<16xf32>
        %get3A_1984 = arith.index_cast %scan3A_1804 : i32 to index
        %get3A_1985 = arith.index_cast %mul3A_1952 : i32 to index
        %get3A_1986 = tpu.vector_load %arg25[%get3A_1984, %get3A_1985] {strides = array<i32>} : memref<8x512xf32, #tpu.memory_space<vmem>>, vector<1x16xf32>,
        %get3A_1987 = vector.shape_cast %get3A_1986 : vector<1x16xf32> to vector<16xf32>
        %sub3A_1988 = arith.subf %get3A_1983, %get3A_1987 : vector<16xf32>
        %abs3A_1989 = math.absf %sub3A_1988 : vector<16xf32>
        %jit3A_1990 = arith.constant 0.000000e+00 : f32
        %broadcast_in_dim3A_1991 = vector.broadcast %jit3A_1990 : f32 to vector<16xf32>
        %select_n3A_1992 = arith.select %gt3A_1959, %abs3A_1989, %broadcast_in_dim3A_1991 : vector<16xi1>, vector<16xf32>
        %add3A_1993 = arith.addf %add3A_1871, %select_n3A_1992 : vector<16xf32>
        %get3A_1994 = arith.index_cast %scan3A_1804 : i32 to index
        %get3A_1995 = arith.index_cast %mul3A_1952 : i32 to index
        %get3A_1996 = tpu.vector_load %arg23[%get3A_1994, %get3A_1995] {strides = array<i32>} : memref<8x512xf32, #tpu.memory_space<vmem>>, vector<1x16xf32>,
        %get3A_1997 = vector.shape_cast %get3A_1996 : vector<1x16xf32> to vector<16xf32>
        %get3A_1998 = arith.index_cast %scan3A_1804 : i32 to index
        %get3A_1999 = arith.index_cast %mul3A_1952 : i32 to index
        %get3A_2000 = tpu.vector_load %arg26[%get3A_1998, %get3A_1999] {strides = array<i32>} : memref<8x512xf32, #tpu.memory_space<vmem>>, vector<1x16xf32>,
        %get3A_2001 = vector.shape_cast %get3A_2000 : vector<1x16xf32> to vector<16xf32>
        %sub3A_2002 = arith.subf %get3A_1997, %get3A_2001 : vector<16xf32>
        %abs3A_2003 = math.absf %sub3A_2002 : vector<16xf32>
        %jit3A_2004 = arith.constant 0.000000e+00 : f32
        %broadcast_in_dim3A_2005 = vector.broadcast %jit3A_2004 : f32 to vector<16xf32>
        %select_n3A_2006 = arith.select %gt3A_1959, %abs3A_2003, %broadcast_in_dim3A_2005 : vector<16xi1>, vector<16xf32>
        %add3A_2007 = arith.addf %add3A_1885, %select_n3A_2006 : vector<16xf32>
        %mul3A_2008 = arith.constant 4 : i32
        %mul3A_2009 = arith.muli %scan3A_1819, %mul3A_2008 : i32
        %add3A_2010 = arith.constant 3 : i32
        %add3A_2011 = arith.addi %mul3A_2009, %add3A_2010 : i32
        %mul3A_2012 = arith.constant 16 : i32
        %mul3A_2013 = arith.muli %add3A_2011, %mul3A_2012 : i32
        %get3A_2014 = arith.index_cast %scan3A_1804 : i32 to index
        %get3A_2015 = arith.index_cast %mul3A_2013 : i32 to index
        %get3A_2016 = tpu.vector_load %arg20[%get3A_2014, %get3A_2015] {strides = array<i32>} : memref<8x512xf32, #tpu.memory_space<vmem>>, vector<1x16xf32>,
        %get3A_2017 = vector.shape_cast %get3A_2016 : vector<1x16xf32> to vector<16xf32>
        %gt3A_2018 = arith.constant 0.00999999977 : f32
        %gt3A_2019 = vector.broadcast %gt3A_2018 : f32 to vector<16xf32>
        %gt3A_2020 = arith.cmpf ogt, %get3A_2017, %gt3A_2019 : vector<16xf32>
        %jit3A_2021 = arith.constant 1.000000e+00 : f32
        %jit3A_2022 = arith.constant 0.000000e+00 : f32
        %broadcast_in_dim3A_2023 = vector.broadcast %jit3A_2021 : f32 to vector<16xf32>
        %broadcast_in_dim3A_2024 = vector.broadcast %jit3A_2022 : f32 to vector<16xf32>
        %select_n3A_2025 = arith.select %gt3A_2020, %broadcast_in_dim3A_2023, %broadcast_in_dim3A_2024 : vector<16xi1>, vector<16xf32>
        %add3A_2026 = arith.addf %add3A_1904, %select_n3A_2025 : vector<16xf32>
        %get3A_2027 = arith.index_cast %scan3A_1804 : i32 to index
        %get3A_2028 = arith.index_cast %mul3A_2013 : i32 to index
        %get3A_2029 = tpu.vector_load %arg21[%get3A_2027, %get3A_2028] {strides = array<i32>} : memref<8x512xf32, #tpu.memory_space<vmem>>, vector<1x16xf32>,
        %get3A_2030 = vector.shape_cast %get3A_2029 : vector<1x16xf32> to vector<16xf32>
        %get3A_2031 = arith.index_cast %scan3A_1804 : i32 to index
        %get3A_2032 = arith.index_cast %mul3A_2013 : i32 to index
        %get3A_2033 = tpu.vector_load %arg24[%get3A_2031, %get3A_2032] {strides = array<i32>} : memref<8x512xf32, #tpu.memory_space<vmem>>, vector<1x16xf32>,
        %get3A_2034 = vector.shape_cast %get3A_2033 : vector<1x16xf32> to vector<16xf32>
        %sub3A_2035 = arith.subf %get3A_2030, %get3A_2034 : vector<16xf32>
        %abs3A_2036 = math.absf %sub3A_2035 : vector<16xf32>
        %jit3A_2037 = arith.constant 0.000000e+00 : f32
        %broadcast_in_dim3A_2038 = vector.broadcast %jit3A_2037 : f32 to vector<16xf32>
        %select_n3A_2039 = arith.select %gt3A_2020, %abs3A_2036, %broadcast_in_dim3A_2038 : vector<16xi1>, vector<16xf32>
        %add3A_2040 = arith.addf %add3A_1918, %select_n3A_2039 : vector<16xf32>
        %get3A_2041 = arith.index_cast %scan3A_1804 : i32 to index
        %get3A_2042 = arith.index_cast %mul3A_2013 : i32 to index
        %get3A_2043 = tpu.vector_load %arg22[%get3A_2041, %get3A_2042] {strides = array<i32>} : memref<8x512xf32, #tpu.memory_space<vmem>>, vector<1x16xf32>,
        %get3A_2044 = vector.shape_cast %get3A_2043 : vector<1x16xf32> to vector<16xf32>
        %get3A_2045 = arith.index_cast %scan3A_1804 : i32 to index
        %get3A_2046 = arith.index_cast %mul3A_2013 : i32 to index
        %get3A_2047 = tpu.vector_load %arg25[%get3A_2045, %get3A_2046] {strides = array<i32>} : memref<8x512xf32, #tpu.memory_space<vmem>>, vector<1x16xf32>,
        %get3A_2048 = vector.shape_cast %get3A_2047 : vector<1x16xf32> to vector<16xf32>
        %sub3A_2049 = arith.subf %get3A_2044, %get3A_2048 : vector<16xf32>
        %abs3A_2050 = math.absf %sub3A_2049 : vector<16xf32>
        %jit3A_2051 = arith.constant 0.000000e+00 : f32
        %broadcast_in_dim3A_2052 = vector.broadcast %jit3A_2051 : f32 to vector<16xf32>
        %select_n3A_2053 = arith.select %gt3A_2020, %abs3A_2050, %broadcast_in_dim3A_2052 : vector<16xi1>, vector<16xf32>
        %add3A_2054 = arith.addf %add3A_1932, %select_n3A_2053 : vector<16xf32>
        %get3A_2055 = arith.index_cast %scan3A_1804 : i32 to index
        %get3A_2056 = arith.index_cast %mul3A_2013 : i32 to index
        %get3A_2057 = tpu.vector_load %arg23[%get3A_2055, %get3A_2056] {strides = array<i32>} : memref<8x512xf32, #tpu.memory_space<vmem>>, vector<1x16xf32>,
        %get3A_2058 = vector.shape_cast %get3A_2057 : vector<1x16xf32> to vector<16xf32>
        %get3A_2059 = arith.index_cast %scan3A_1804 : i32 to index
        %get3A_2060 = arith.index_cast %mul3A_2013 : i32 to index
        %get3A_2061 = tpu.vector_load %arg26[%get3A_2059, %get3A_2060] {strides = array<i32>} : memref<8x512xf32, #tpu.memory_space<vmem>>, vector<1x16xf32>,
        %get3A_2062 = vector.shape_cast %get3A_2061 : vector<1x16xf32> to vector<16xf32>
        %sub3A_2063 = arith.subf %get3A_2058, %get3A_2062 : vector<16xf32>
        %abs3A_2064 = math.absf %sub3A_2063 : vector<16xf32>
        %jit3A_2065 = arith.constant 0.000000e+00 : f32
        %broadcast_in_dim3A_2066 = vector.broadcast %jit3A_2065 : f32 to vector<16xf32>
        %select_n3A_2067 = arith.select %gt3A_2020, %abs3A_2064, %broadcast_in_dim3A_2066 : vector<16xi1>, vector<16xf32>
        %add3A_2068 = arith.addf %add3A_1946, %select_n3A_2067 : vector<16xf32>
        scf.yield %add3A_1979, %add3A_2040, %add3A_1993, %add3A_2054, %add3A_2007, %add3A_2068, %add3A_1965, %add3A_2026 : vector<16xf32>, vector<16xf32>, vector<16xf32>, vector<16xf32>, vector<16xf32>, vector<16xf32>, vector<16xf32>, vector<16xf32>
      }
      %scan3A_1818 = arith.constant 8 : i32
      scf.yield %scan3A_1817#0, %scan3A_1817#1, %scan3A_1817#2, %scan3A_1817#3, %scan3A_1817#4, %scan3A_1817#5, %scan3A_1817#6, %scan3A_1817#7 : vector<16xf32>, vector<16xf32>, vector<16xf32>, vector<16xf32>, vector<16xf32>, vector<16xf32>, vector<16xf32>, vector<16xf32>
    }
    %scan3A_1755 = arith.constant 8 : i32
    %dma_wait3A_1756 = arith.constant 0 : i32
    %dma_wait3A_1757 = tpu.memref_slice %arg4[%multiple_of3A_1557, %dma_wait3A_1756] : memref<8192x512xf32, #tpu.memory_space<hbm>> -> memref<8x512xf32, #tpu.memory_space<hbm>>
    %dma_wait3A_1758 = arith.constant 0 : i32
    %dma_wait3A_1759 = tpu.memref_slice %arg4[%multiple_of3A_1557, %dma_wait3A_1758] : memref<8192x512xf32, #tpu.memory_space<hbm>> -> memref<8x512xf32, #tpu.memory_space<hbm>>
    tpu.wait_dma2 semaphore(%arg39 : memref<!tpu.dma_semaphore, #tpu.memory_space<semaphore_mem>>) src(%dma_wait3A_1759 : memref<8x512xf32, #tpu.memory_space<hbm>>) dst(%arg27 : memref<8x512xf32, #tpu.memory_space<vmem>>)
    %dma_wait3A_1760 = arith.constant 0 : i32
    %dma_wait3A_1761 = tpu.memref_slice %arg2[%multiple_of3A_1593, %dma_wait3A_1760] : memref<24576x512xf32, #tpu.memory_space<hbm>> -> memref<8x512xf32, #tpu.memory_space<hbm>>
    %dma_wait3A_1762 = arith.constant 0 : i32
    %dma_wait3A_1763 = tpu.memref_slice %arg2[%multiple_of3A_1593, %dma_wait3A_1762] : memref<24576x512xf32, #tpu.memory_space<hbm>> -> memref<8x512xf32, #tpu.memory_space<hbm>>
    tpu.wait_dma2 semaphore(%arg39 : memref<!tpu.dma_semaphore, #tpu.memory_space<semaphore_mem>>) src(%dma_wait3A_1763 : memref<8x512xf32, #tpu.memory_space<hbm>>) dst(%arg28 : memref<8x512xf32, #tpu.memory_space<vmem>>)
    %dma_wait3A_1764 = arith.constant 0 : i32
    %dma_wait3A_1765 = tpu.memref_slice %arg3[%multiple_of3A_1593, %dma_wait3A_1764] : memref<24576x512xf32, #tpu.memory_space<hbm>> -> memref<8x512xf32, #tpu.memory_space<hbm>>
    %dma_wait3A_1766 = arith.constant 0 : i32
    %dma_wait3A_1767 = tpu.memref_slice %arg3[%multiple_of3A_1593, %dma_wait3A_1766] : memref<24576x512xf32, #tpu.memory_space<hbm>> -> memref<8x512xf32, #tpu.memory_space<hbm>>
    tpu.wait_dma2 semaphore(%arg39 : memref<!tpu.dma_semaphore, #tpu.memory_space<semaphore_mem>>) src(%dma_wait3A_1767 : memref<8x512xf32, #tpu.memory_space<hbm>>) dst(%arg31 : memref<8x512xf32, #tpu.memory_space<vmem>>)
    %dma_wait3A_1768 = arith.constant 0 : i32
    %dma_wait3A_1769 = tpu.memref_slice %arg2[%multiple_of3A_1633, %dma_wait3A_1768] : memref<24576x512xf32, #tpu.memory_space<hbm>> -> memref<8x512xf32, #tpu.memory_space<hbm>>
    %dma_wait3A_1770 = arith.constant 0 : i32
    %dma_wait3A_1771 = tpu.memref_slice %arg2[%multiple_of3A_1633, %dma_wait3A_1770] : memref<24576x512xf32, #tpu.memory_space<hbm>> -> memref<8x512xf32, #tpu.memory_space<hbm>>
    tpu.wait_dma2 semaphore(%arg39 : memref<!tpu.dma_semaphore, #tpu.memory_space<semaphore_mem>>) src(%dma_wait3A_1771 : memref<8x512xf32, #tpu.memory_space<hbm>>) dst(%arg29 : memref<8x512xf32, #tpu.memory_space<vmem>>)
    %dma_wait3A_1772 = arith.constant 0 : i32
    %dma_wait3A_1773 = tpu.memref_slice %arg3[%multiple_of3A_1633, %dma_wait3A_1772] : memref<24576x512xf32, #tpu.memory_space<hbm>> -> memref<8x512xf32, #tpu.memory_space<hbm>>
    %dma_wait3A_1774 = arith.constant 0 : i32
    %dma_wait3A_1775 = tpu.memref_slice %arg3[%multiple_of3A_1633, %dma_wait3A_1774] : memref<24576x512xf32, #tpu.memory_space<hbm>> -> memref<8x512xf32, #tpu.memory_space<hbm>>
    tpu.wait_dma2 semaphore(%arg39 : memref<!tpu.dma_semaphore, #tpu.memory_space<semaphore_mem>>) src(%dma_wait3A_1775 : memref<8x512xf32, #tpu.memory_space<hbm>>) dst(%arg32 : memref<8x512xf32, #tpu.memory_space<vmem>>)
    %dma_wait3A_1776 = arith.constant 0 : i32
    %dma_wait3A_1777 = tpu.memref_slice %arg2[%multiple_of3A_1673, %dma_wait3A_1776] : memref<24576x512xf32, #tpu.memory_space<hbm>> -> memref<8x512xf32, #tpu.memory_space<hbm>>
    %dma_wait3A_1778 = arith.constant 0 : i32
    %dma_wait3A_1779 = tpu.memref_slice %arg2[%multiple_of3A_1673, %dma_wait3A_1778] : memref<24576x512xf32, #tpu.memory_space<hbm>> -> memref<8x512xf32, #tpu.memory_space<hbm>>
    tpu.wait_dma2 semaphore(%arg39 : memref<!tpu.dma_semaphore, #tpu.memory_space<semaphore_mem>>) src(%dma_wait3A_1779 : memref<8x512xf32, #tpu.memory_space<hbm>>) dst(%arg30 : memref<8x512xf32, #tpu.memory_space<vmem>>)
    %dma_wait3A_1780 = arith.constant 0 : i32
    %dma_wait3A_1781 = tpu.memref_slice %arg3[%multiple_of3A_1673, %dma_wait3A_1780] : memref<24576x512xf32, #tpu.memory_space<hbm>> -> memref<8x512xf32, #tpu.memory_space<hbm>>
    %dma_wait3A_1782 = arith.constant 0 : i32
    %dma_wait3A_1783 = tpu.memref_slice %arg3[%multiple_of3A_1673, %dma_wait3A_1782] : memref<24576x512xf32, #tpu.memory_space<hbm>> -> memref<8x512xf32, #tpu.memory_space<hbm>>
    tpu.wait_dma2 semaphore(%arg39 : memref<!tpu.dma_semaphore, #tpu.memory_space<semaphore_mem>>) src(%dma_wait3A_1783 : memref<8x512xf32, #tpu.memory_space<hbm>>) dst(%arg33 : memref<8x512xf32, #tpu.memory_space<vmem>>)
    %scan3A_1784 = arith.constant 0 : i32
    %scan3A_1785 = arith.constant 8 : i32
    %scan3A_1786 = arith.addi %scan3A_1784, %scan3A_1785 : i32
    %scan3A_1787 = arith.constant 1 : i32
    %scan3A_1788:8 = scf.for %scan3A_1804 = %scan3A_1784 to %scan3A_1786 step %scan3A_1787 iter_args(%scan3A_1805 = %scan3A_1754#0, %scan3A_1806 = %scan3A_1754#1, %scan3A_1807 = %scan3A_1754#2, %scan3A_1808 = %scan3A_1754#3, %scan3A_1809 = %scan3A_1754#4, %scan3A_1810 = %scan3A_1754#5, %scan3A_1811 = %scan3A_1754#6, %scan3A_1812 = %scan3A_1754#7) -> (vector<16xf32>, vector<16xf32>, vector<16xf32>, vector<16xf32>, vector<16xf32>, vector<16xf32>, vector<16xf32>, vector<16xf32>)  : i32 {
      %scan3A_1813 = arith.constant 0 : i32
      %scan3A_1814 = arith.constant 8 : i32
      %scan3A_1815 = arith.addi %scan3A_1813, %scan3A_1814 : i32
      %scan3A_1816 = arith.constant 1 : i32
      %scan3A_1817:8 = scf.for %scan3A_1819 = %scan3A_1813 to %scan3A_1815 step %scan3A_1816 iter_args(%scan3A_1820 = %scan3A_1805, %scan3A_1821 = %scan3A_1806, %scan3A_1822 = %scan3A_1807, %scan3A_1823 = %scan3A_1808, %scan3A_1824 = %scan3A_1809, %scan3A_1825 = %scan3A_1810, %scan3A_1826 = %scan3A_1811, %scan3A_1827 = %scan3A_1812) -> (vector<16xf32>, vector<16xf32>, vector<16xf32>, vector<16xf32>, vector<16xf32>, vector<16xf32>, vector<16xf32>, vector<16xf32>)  : i32 {
        %mul3A_1828 = arith.constant 4 : i32
        %mul3A_1829 = arith.muli %scan3A_1819, %mul3A_1828 : i32
        %add3A_1830 = arith.constant 0 : i32
        %add3A_1831 = arith.addi %mul3A_1829, %add3A_1830 : i32
        %mul3A_1832 = arith.constant 16 : i32
        %mul3A_1833 = arith.muli %add3A_1831, %mul3A_1832 : i32
        %get3A = arith.index_cast %scan3A_1804 : i32 to index
        %get3A_1834 = arith.index_cast %mul3A_1833 : i32 to index
        %get3A_1835 = tpu.vector_load %arg27[%get3A, %get3A_1834] {strides = array<i32>} : memref<8x512xf32, #tpu.memory_space<vmem>>, vector<1x16xf32>,
        %get3A_1836 = vector.shape_cast %get3A_1835 : vector<1x16xf32> to vector<16xf32>
        %gt3A = arith.constant 0.00999999977 : f32
        %gt3A_1837 = vector.broadcast %gt3A : f32 to vector<16xf32>
        %gt3A_1838 = arith.cmpf ogt, %get3A_1836, %gt3A_1837 : vector<16xf32>
        %jit3A_1839 = arith.constant 1.000000e+00 : f32
        %jit3A_1840 = arith.constant 0.000000e+00 : f32
        %broadcast_in_dim3A_1841 = vector.broadcast %jit3A_1839 : f32 to vector<16xf32>
        %broadcast_in_dim3A_1842 = vector.broadcast %jit3A_1840 : f32 to vector<16xf32>
        %select_n3A_1843 = arith.select %gt3A_1838, %broadcast_in_dim3A_1841, %broadcast_in_dim3A_1842 : vector<16xi1>, vector<16xf32>
        %add3A_1844 = arith.addf %scan3A_1826, %select_n3A_1843 : vector<16xf32>
        %get3A_1845 = arith.index_cast %scan3A_1804 : i32 to index
        %get3A_1846 = arith.index_cast %mul3A_1833 : i32 to index
        %get3A_1847 = tpu.vector_load %arg28[%get3A_1845, %get3A_1846] {strides = array<i32>} : memref<8x512xf32, #tpu.memory_space<vmem>>, vector<1x16xf32>,
        %get3A_1848 = vector.shape_cast %get3A_1847 : vector<1x16xf32> to vector<16xf32>
        %get3A_1849 = arith.index_cast %scan3A_1804 : i32 to index
        %get3A_1850 = arith.index_cast %mul3A_1833 : i32 to index
        %get3A_1851 = tpu.vector_load %arg31[%get3A_1849, %get3A_1850] {strides = array<i32>} : memref<8x512xf32, #tpu.memory_space<vmem>>, vector<1x16xf32>,
        %get3A_1852 = vector.shape_cast %get3A_1851 : vector<1x16xf32> to vector<16xf32>
        %sub3A_1853 = arith.subf %get3A_1848, %get3A_1852 : vector<16xf32>
        %abs3A = math.absf %sub3A_1853 : vector<16xf32>
        %jit3A_1854 = arith.constant 0.000000e+00 : f32
        %broadcast_in_dim3A_1855 = vector.broadcast %jit3A_1854 : f32 to vector<16xf32>
        %select_n3A_1856 = arith.select %gt3A_1838, %abs3A, %broadcast_in_dim3A_1855 : vector<16xi1>, vector<16xf32>
        %add3A_1857 = arith.addf %scan3A_1820, %select_n3A_1856 : vector<16xf32>
        %get3A_1858 = arith.index_cast %scan3A_1804 : i32 to index
        %get3A_1859 = arith.index_cast %mul3A_1833 : i32 to index
        %get3A_1860 = tpu.vector_load %arg29[%get3A_1858, %get3A_1859] {strides = array<i32>} : memref<8x512xf32, #tpu.memory_space<vmem>>, vector<1x16xf32>,
        %get3A_1861 = vector.shape_cast %get3A_1860 : vector<1x16xf32> to vector<16xf32>
        %get3A_1862 = arith.index_cast %scan3A_1804 : i32 to index
        %get3A_1863 = arith.index_cast %mul3A_1833 : i32 to index
        %get3A_1864 = tpu.vector_load %arg32[%get3A_1862, %get3A_1863] {strides = array<i32>} : memref<8x512xf32, #tpu.memory_space<vmem>>, vector<1x16xf32>,
        %get3A_1865 = vector.shape_cast %get3A_1864 : vector<1x16xf32> to vector<16xf32>
        %sub3A_1866 = arith.subf %get3A_1861, %get3A_1865 : vector<16xf32>
        %abs3A_1867 = math.absf %sub3A_1866 : vector<16xf32>
        %jit3A_1868 = arith.constant 0.000000e+00 : f32
        %broadcast_in_dim3A_1869 = vector.broadcast %jit3A_1868 : f32 to vector<16xf32>
        %select_n3A_1870 = arith.select %gt3A_1838, %abs3A_1867, %broadcast_in_dim3A_1869 : vector<16xi1>, vector<16xf32>
        %add3A_1871 = arith.addf %scan3A_1822, %select_n3A_1870 : vector<16xf32>
        %get3A_1872 = arith.index_cast %scan3A_1804 : i32 to index
        %get3A_1873 = arith.index_cast %mul3A_1833 : i32 to index
        %get3A_1874 = tpu.vector_load %arg30[%get3A_1872, %get3A_1873] {strides = array<i32>} : memref<8x512xf32, #tpu.memory_space<vmem>>, vector<1x16xf32>,
        %get3A_1875 = vector.shape_cast %get3A_1874 : vector<1x16xf32> to vector<16xf32>
        %get3A_1876 = arith.index_cast %scan3A_1804 : i32 to index
        %get3A_1877 = arith.index_cast %mul3A_1833 : i32 to index
        %get3A_1878 = tpu.vector_load %arg33[%get3A_1876, %get3A_1877] {strides = array<i32>} : memref<8x512xf32, #tpu.memory_space<vmem>>, vector<1x16xf32>,
        %get3A_1879 = vector.shape_cast %get3A_1878 : vector<1x16xf32> to vector<16xf32>
        %sub3A_1880 = arith.subf %get3A_1875, %get3A_1879 : vector<16xf32>
        %abs3A_1881 = math.absf %sub3A_1880 : vector<16xf32>
        %jit3A_1882 = arith.constant 0.000000e+00 : f32
        %broadcast_in_dim3A_1883 = vector.broadcast %jit3A_1882 : f32 to vector<16xf32>
        %select_n3A_1884 = arith.select %gt3A_1838, %abs3A_1881, %broadcast_in_dim3A_1883 : vector<16xi1>, vector<16xf32>
        %add3A_1885 = arith.addf %scan3A_1824, %select_n3A_1884 : vector<16xf32>
        %mul3A_1886 = arith.constant 4 : i32
        %mul3A_1887 = arith.muli %scan3A_1819, %mul3A_1886 : i32
        %add3A_1888 = arith.constant 1 : i32
        %add3A_1889 = arith.addi %mul3A_1887, %add3A_1888 : i32
        %mul3A_1890 = arith.constant 16 : i32
        %mul3A_1891 = arith.muli %add3A_1889, %mul3A_1890 : i32
        %get3A_1892 = arith.index_cast %scan3A_1804 : i32 to index
        %get3A_1893 = arith.index_cast %mul3A_1891 : i32 to index
        %get3A_1894 = tpu.vector_load %arg27[%get3A_1892, %get3A_1893] {strides = array<i32>} : memref<8x512xf32, #tpu.memory_space<vmem>>, vector<1x16xf32>,
        %get3A_1895 = vector.shape_cast %get3A_1894 : vector<1x16xf32> to vector<16xf32>
        %gt3A_1896 = arith.constant 0.00999999977 : f32
        %gt3A_1897 = vector.broadcast %gt3A_1896 : f32 to vector<16xf32>
        %gt3A_1898 = arith.cmpf ogt, %get3A_1895, %gt3A_1897 : vector<16xf32>
        %jit3A_1899 = arith.constant 1.000000e+00 : f32
        %jit3A_1900 = arith.constant 0.000000e+00 : f32
        %broadcast_in_dim3A_1901 = vector.broadcast %jit3A_1899 : f32 to vector<16xf32>
        %broadcast_in_dim3A_1902 = vector.broadcast %jit3A_1900 : f32 to vector<16xf32>
        %select_n3A_1903 = arith.select %gt3A_1898, %broadcast_in_dim3A_1901, %broadcast_in_dim3A_1902 : vector<16xi1>, vector<16xf32>
        %add3A_1904 = arith.addf %scan3A_1827, %select_n3A_1903 : vector<16xf32>
        %get3A_1905 = arith.index_cast %scan3A_1804 : i32 to index
        %get3A_1906 = arith.index_cast %mul3A_1891 : i32 to index
        %get3A_1907 = tpu.vector_load %arg28[%get3A_1905, %get3A_1906] {strides = array<i32>} : memref<8x512xf32, #tpu.memory_space<vmem>>, vector<1x16xf32>,
        %get3A_1908 = vector.shape_cast %get3A_1907 : vector<1x16xf32> to vector<16xf32>
        %get3A_1909 = arith.index_cast %scan3A_1804 : i32 to index
        %get3A_1910 = arith.index_cast %mul3A_1891 : i32 to index
        %get3A_1911 = tpu.vector_load %arg31[%get3A_1909, %get3A_1910] {strides = array<i32>} : memref<8x512xf32, #tpu.memory_space<vmem>>, vector<1x16xf32>,
        %get3A_1912 = vector.shape_cast %get3A_1911 : vector<1x16xf32> to vector<16xf32>
        %sub3A_1913 = arith.subf %get3A_1908, %get3A_1912 : vector<16xf32>
        %abs3A_1914 = math.absf %sub3A_1913 : vector<16xf32>
        %jit3A_1915 = arith.constant 0.000000e+00 : f32
        %broadcast_in_dim3A_1916 = vector.broadcast %jit3A_1915 : f32 to vector<16xf32>
        %select_n3A_1917 = arith.select %gt3A_1898, %abs3A_1914, %broadcast_in_dim3A_1916 : vector<16xi1>, vector<16xf32>
        %add3A_1918 = arith.addf %scan3A_1821, %select_n3A_1917 : vector<16xf32>
        %get3A_1919 = arith.index_cast %scan3A_1804 : i32 to index
        %get3A_1920 = arith.index_cast %mul3A_1891 : i32 to index
        %get3A_1921 = tpu.vector_load %arg29[%get3A_1919, %get3A_1920] {strides = array<i32>} : memref<8x512xf32, #tpu.memory_space<vmem>>, vector<1x16xf32>,
        %get3A_1922 = vector.shape_cast %get3A_1921 : vector<1x16xf32> to vector<16xf32>
        %get3A_1923 = arith.index_cast %scan3A_1804 : i32 to index
        %get3A_1924 = arith.index_cast %mul3A_1891 : i32 to index
        %get3A_1925 = tpu.vector_load %arg32[%get3A_1923, %get3A_1924] {strides = array<i32>} : memref<8x512xf32, #tpu.memory_space<vmem>>, vector<1x16xf32>,
        %get3A_1926 = vector.shape_cast %get3A_1925 : vector<1x16xf32> to vector<16xf32>
        %sub3A_1927 = arith.subf %get3A_1922, %get3A_1926 : vector<16xf32>
        %abs3A_1928 = math.absf %sub3A_1927 : vector<16xf32>
        %jit3A_1929 = arith.constant 0.000000e+00 : f32
        %broadcast_in_dim3A_1930 = vector.broadcast %jit3A_1929 : f32 to vector<16xf32>
        %select_n3A_1931 = arith.select %gt3A_1898, %abs3A_1928, %broadcast_in_dim3A_1930 : vector<16xi1>, vector<16xf32>
        %add3A_1932 = arith.addf %scan3A_1823, %select_n3A_1931 : vector<16xf32>
        %get3A_1933 = arith.index_cast %scan3A_1804 : i32 to index
        %get3A_1934 = arith.index_cast %mul3A_1891 : i32 to index
        %get3A_1935 = tpu.vector_load %arg30[%get3A_1933, %get3A_1934] {strides = array<i32>} : memref<8x512xf32, #tpu.memory_space<vmem>>, vector<1x16xf32>,
        %get3A_1936 = vector.shape_cast %get3A_1935 : vector<1x16xf32> to vector<16xf32>
        %get3A_1937 = arith.index_cast %scan3A_1804 : i32 to index
        %get3A_1938 = arith.index_cast %mul3A_1891 : i32 to index
        %get3A_1939 = tpu.vector_load %arg33[%get3A_1937, %get3A_1938] {strides = array<i32>} : memref<8x512xf32, #tpu.memory_space<vmem>>, vector<1x16xf32>,
        %get3A_1940 = vector.shape_cast %get3A_1939 : vector<1x16xf32> to vector<16xf32>
        %sub3A_1941 = arith.subf %get3A_1936, %get3A_1940 : vector<16xf32>
        %abs3A_1942 = math.absf %sub3A_1941 : vector<16xf32>
        %jit3A_1943 = arith.constant 0.000000e+00 : f32
        %broadcast_in_dim3A_1944 = vector.broadcast %jit3A_1943 : f32 to vector<16xf32>
        %select_n3A_1945 = arith.select %gt3A_1898, %abs3A_1942, %broadcast_in_dim3A_1944 : vector<16xi1>, vector<16xf32>
        %add3A_1946 = arith.addf %scan3A_1825, %select_n3A_1945 : vector<16xf32>
        %mul3A_1947 = arith.constant 4 : i32
        %mul3A_1948 = arith.muli %scan3A_1819, %mul3A_1947 : i32
        %add3A_1949 = arith.constant 2 : i32
        %add3A_1950 = arith.addi %mul3A_1948, %add3A_1949 : i32
        %mul3A_1951 = arith.constant 16 : i32
        %mul3A_1952 = arith.muli %add3A_1950, %mul3A_1951 : i32
        %get3A_1953 = arith.index_cast %scan3A_1804 : i32 to index
        %get3A_1954 = arith.index_cast %mul3A_1952 : i32 to index
        %get3A_1955 = tpu.vector_load %arg27[%get3A_1953, %get3A_1954] {strides = array<i32>} : memref<8x512xf32, #tpu.memory_space<vmem>>, vector<1x16xf32>,
        %get3A_1956 = vector.shape_cast %get3A_1955 : vector<1x16xf32> to vector<16xf32>
        %gt3A_1957 = arith.constant 0.00999999977 : f32
        %gt3A_1958 = vector.broadcast %gt3A_1957 : f32 to vector<16xf32>
        %gt3A_1959 = arith.cmpf ogt, %get3A_1956, %gt3A_1958 : vector<16xf32>
        %jit3A_1960 = arith.constant 1.000000e+00 : f32
        %jit3A_1961 = arith.constant 0.000000e+00 : f32
        %broadcast_in_dim3A_1962 = vector.broadcast %jit3A_1960 : f32 to vector<16xf32>
        %broadcast_in_dim3A_1963 = vector.broadcast %jit3A_1961 : f32 to vector<16xf32>
        %select_n3A_1964 = arith.select %gt3A_1959, %broadcast_in_dim3A_1962, %broadcast_in_dim3A_1963 : vector<16xi1>, vector<16xf32>
        %add3A_1965 = arith.addf %add3A_1844, %select_n3A_1964 : vector<16xf32>
        %get3A_1966 = arith.index_cast %scan3A_1804 : i32 to index
        %get3A_1967 = arith.index_cast %mul3A_1952 : i32 to index
        %get3A_1968 = tpu.vector_load %arg28[%get3A_1966, %get3A_1967] {strides = array<i32>} : memref<8x512xf32, #tpu.memory_space<vmem>>, vector<1x16xf32>,
        %get3A_1969 = vector.shape_cast %get3A_1968 : vector<1x16xf32> to vector<16xf32>
        %get3A_1970 = arith.index_cast %scan3A_1804 : i32 to index
        %get3A_1971 = arith.index_cast %mul3A_1952 : i32 to index
        %get3A_1972 = tpu.vector_load %arg31[%get3A_1970, %get3A_1971] {strides = array<i32>} : memref<8x512xf32, #tpu.memory_space<vmem>>, vector<1x16xf32>,
        %get3A_1973 = vector.shape_cast %get3A_1972 : vector<1x16xf32> to vector<16xf32>
        %sub3A_1974 = arith.subf %get3A_1969, %get3A_1973 : vector<16xf32>
        %abs3A_1975 = math.absf %sub3A_1974 : vector<16xf32>
        %jit3A_1976 = arith.constant 0.000000e+00 : f32
        %broadcast_in_dim3A_1977 = vector.broadcast %jit3A_1976 : f32 to vector<16xf32>
        %select_n3A_1978 = arith.select %gt3A_1959, %abs3A_1975, %broadcast_in_dim3A_1977 : vector<16xi1>, vector<16xf32>
        %add3A_1979 = arith.addf %add3A_1857, %select_n3A_1978 : vector<16xf32>
        %get3A_1980 = arith.index_cast %scan3A_1804 : i32 to index
        %get3A_1981 = arith.index_cast %mul3A_1952 : i32 to index
        %get3A_1982 = tpu.vector_load %arg29[%get3A_1980, %get3A_1981] {strides = array<i32>} : memref<8x512xf32, #tpu.memory_space<vmem>>, vector<1x16xf32>,
        %get3A_1983 = vector.shape_cast %get3A_1982 : vector<1x16xf32> to vector<16xf32>
        %get3A_1984 = arith.index_cast %scan3A_1804 : i32 to index
        %get3A_1985 = arith.index_cast %mul3A_1952 : i32 to index
        %get3A_1986 = tpu.vector_load %arg32[%get3A_1984, %get3A_1985] {strides = array<i32>} : memref<8x512xf32, #tpu.memory_space<vmem>>, vector<1x16xf32>,
        %get3A_1987 = vector.shape_cast %get3A_1986 : vector<1x16xf32> to vector<16xf32>
        %sub3A_1988 = arith.subf %get3A_1983, %get3A_1987 : vector<16xf32>
        %abs3A_1989 = math.absf %sub3A_1988 : vector<16xf32>
        %jit3A_1990 = arith.constant 0.000000e+00 : f32
        %broadcast_in_dim3A_1991 = vector.broadcast %jit3A_1990 : f32 to vector<16xf32>
        %select_n3A_1992 = arith.select %gt3A_1959, %abs3A_1989, %broadcast_in_dim3A_1991 : vector<16xi1>, vector<16xf32>
        %add3A_1993 = arith.addf %add3A_1871, %select_n3A_1992 : vector<16xf32>
        %get3A_1994 = arith.index_cast %scan3A_1804 : i32 to index
        %get3A_1995 = arith.index_cast %mul3A_1952 : i32 to index
        %get3A_1996 = tpu.vector_load %arg30[%get3A_1994, %get3A_1995] {strides = array<i32>} : memref<8x512xf32, #tpu.memory_space<vmem>>, vector<1x16xf32>,
        %get3A_1997 = vector.shape_cast %get3A_1996 : vector<1x16xf32> to vector<16xf32>
        %get3A_1998 = arith.index_cast %scan3A_1804 : i32 to index
        %get3A_1999 = arith.index_cast %mul3A_1952 : i32 to index
        %get3A_2000 = tpu.vector_load %arg33[%get3A_1998, %get3A_1999] {strides = array<i32>} : memref<8x512xf32, #tpu.memory_space<vmem>>, vector<1x16xf32>,
        %get3A_2001 = vector.shape_cast %get3A_2000 : vector<1x16xf32> to vector<16xf32>
        %sub3A_2002 = arith.subf %get3A_1997, %get3A_2001 : vector<16xf32>
        %abs3A_2003 = math.absf %sub3A_2002 : vector<16xf32>
        %jit3A_2004 = arith.constant 0.000000e+00 : f32
        %broadcast_in_dim3A_2005 = vector.broadcast %jit3A_2004 : f32 to vector<16xf32>
        %select_n3A_2006 = arith.select %gt3A_1959, %abs3A_2003, %broadcast_in_dim3A_2005 : vector<16xi1>, vector<16xf32>
        %add3A_2007 = arith.addf %add3A_1885, %select_n3A_2006 : vector<16xf32>
        %mul3A_2008 = arith.constant 4 : i32
        %mul3A_2009 = arith.muli %scan3A_1819, %mul3A_2008 : i32
        %add3A_2010 = arith.constant 3 : i32
        %add3A_2011 = arith.addi %mul3A_2009, %add3A_2010 : i32
        %mul3A_2012 = arith.constant 16 : i32
        %mul3A_2013 = arith.muli %add3A_2011, %mul3A_2012 : i32
        %get3A_2014 = arith.index_cast %scan3A_1804 : i32 to index
        %get3A_2015 = arith.index_cast %mul3A_2013 : i32 to index
        %get3A_2016 = tpu.vector_load %arg27[%get3A_2014, %get3A_2015] {strides = array<i32>} : memref<8x512xf32, #tpu.memory_space<vmem>>, vector<1x16xf32>,
        %get3A_2017 = vector.shape_cast %get3A_2016 : vector<1x16xf32> to vector<16xf32>
        %gt3A_2018 = arith.constant 0.00999999977 : f32
        %gt3A_2019 = vector.broadcast %gt3A_2018 : f32 to vector<16xf32>
        %gt3A_2020 = arith.cmpf ogt, %get3A_2017, %gt3A_2019 : vector<16xf32>
        %jit3A_2021 = arith.constant 1.000000e+00 : f32
        %jit3A_2022 = arith.constant 0.000000e+00 : f32
        %broadcast_in_dim3A_2023 = vector.broadcast %jit3A_2021 : f32 to vector<16xf32>
        %broadcast_in_dim3A_2024 = vector.broadcast %jit3A_2022 : f32 to vector<16xf32>
        %select_n3A_2025 = arith.select %gt3A_2020, %broadcast_in_dim3A_2023, %broadcast_in_dim3A_2024 : vector<16xi1>, vector<16xf32>
        %add3A_2026 = arith.addf %add3A_1904, %select_n3A_2025 : vector<16xf32>
        %get3A_2027 = arith.index_cast %scan3A_1804 : i32 to index
        %get3A_2028 = arith.index_cast %mul3A_2013 : i32 to index
        %get3A_2029 = tpu.vector_load %arg28[%get3A_2027, %get3A_2028] {strides = array<i32>} : memref<8x512xf32, #tpu.memory_space<vmem>>, vector<1x16xf32>,
        %get3A_2030 = vector.shape_cast %get3A_2029 : vector<1x16xf32> to vector<16xf32>
        %get3A_2031 = arith.index_cast %scan3A_1804 : i32 to index
        %get3A_2032 = arith.index_cast %mul3A_2013 : i32 to index
        %get3A_2033 = tpu.vector_load %arg31[%get3A_2031, %get3A_2032] {strides = array<i32>} : memref<8x512xf32, #tpu.memory_space<vmem>>, vector<1x16xf32>,
        %get3A_2034 = vector.shape_cast %get3A_2033 : vector<1x16xf32> to vector<16xf32>
        %sub3A_2035 = arith.subf %get3A_2030, %get3A_2034 : vector<16xf32>
        %abs3A_2036 = math.absf %sub3A_2035 : vector<16xf32>
        %jit3A_2037 = arith.constant 0.000000e+00 : f32
        %broadcast_in_dim3A_2038 = vector.broadcast %jit3A_2037 : f32 to vector<16xf32>
        %select_n3A_2039 = arith.select %gt3A_2020, %abs3A_2036, %broadcast_in_dim3A_2038 : vector<16xi1>, vector<16xf32>
        %add3A_2040 = arith.addf %add3A_1918, %select_n3A_2039 : vector<16xf32>
        %get3A_2041 = arith.index_cast %scan3A_1804 : i32 to index
        %get3A_2042 = arith.index_cast %mul3A_2013 : i32 to index
        %get3A_2043 = tpu.vector_load %arg29[%get3A_2041, %get3A_2042] {strides = array<i32>} : memref<8x512xf32, #tpu.memory_space<vmem>>, vector<1x16xf32>,
        %get3A_2044 = vector.shape_cast %get3A_2043 : vector<1x16xf32> to vector<16xf32>
        %get3A_2045 = arith.index_cast %scan3A_1804 : i32 to index
        %get3A_2046 = arith.index_cast %mul3A_2013 : i32 to index
        %get3A_2047 = tpu.vector_load %arg32[%get3A_2045, %get3A_2046] {strides = array<i32>} : memref<8x512xf32, #tpu.memory_space<vmem>>, vector<1x16xf32>,
        %get3A_2048 = vector.shape_cast %get3A_2047 : vector<1x16xf32> to vector<16xf32>
        %sub3A_2049 = arith.subf %get3A_2044, %get3A_2048 : vector<16xf32>
        %abs3A_2050 = math.absf %sub3A_2049 : vector<16xf32>
        %jit3A_2051 = arith.constant 0.000000e+00 : f32
        %broadcast_in_dim3A_2052 = vector.broadcast %jit3A_2051 : f32 to vector<16xf32>
        %select_n3A_2053 = arith.select %gt3A_2020, %abs3A_2050, %broadcast_in_dim3A_2052 : vector<16xi1>, vector<16xf32>
        %add3A_2054 = arith.addf %add3A_1932, %select_n3A_2053 : vector<16xf32>
        %get3A_2055 = arith.index_cast %scan3A_1804 : i32 to index
        %get3A_2056 = arith.index_cast %mul3A_2013 : i32 to index
        %get3A_2057 = tpu.vector_load %arg30[%get3A_2055, %get3A_2056] {strides = array<i32>} : memref<8x512xf32, #tpu.memory_space<vmem>>, vector<1x16xf32>,
        %get3A_2058 = vector.shape_cast %get3A_2057 : vector<1x16xf32> to vector<16xf32>
        %get3A_2059 = arith.index_cast %scan3A_1804 : i32 to index
        %get3A_2060 = arith.index_cast %mul3A_2013 : i32 to index
        %get3A_2061 = tpu.vector_load %arg33[%get3A_2059, %get3A_2060] {strides = array<i32>} : memref<8x512xf32, #tpu.memory_space<vmem>>, vector<1x16xf32>,
        %get3A_2062 = vector.shape_cast %get3A_2061 : vector<1x16xf32> to vector<16xf32>
        %sub3A_2063 = arith.subf %get3A_2058, %get3A_2062 : vector<16xf32>
        %abs3A_2064 = math.absf %sub3A_2063 : vector<16xf32>
        %jit3A_2065 = arith.constant 0.000000e+00 : f32
        %broadcast_in_dim3A_2066 = vector.broadcast %jit3A_2065 : f32 to vector<16xf32>
        %select_n3A_2067 = arith.select %gt3A_2020, %abs3A_2064, %broadcast_in_dim3A_2066 : vector<16xi1>, vector<16xf32>
        %add3A_2068 = arith.addf %add3A_1946, %select_n3A_2067 : vector<16xf32>
        scf.yield %add3A_1979, %add3A_2040, %add3A_1993, %add3A_2054, %add3A_2007, %add3A_2068, %add3A_1965, %add3A_2026 : vector<16xf32>, vector<16xf32>, vector<16xf32>, vector<16xf32>, vector<16xf32>, vector<16xf32>, vector<16xf32>, vector<16xf32>
      }
      %scan3A_1818 = arith.constant 8 : i32
      scf.yield %scan3A_1817#0, %scan3A_1817#1, %scan3A_1817#2, %scan3A_1817#3, %scan3A_1817#4, %scan3A_1817#5, %scan3A_1817#6, %scan3A_1817#7 : vector<16xf32>, vector<16xf32>, vector<16xf32>, vector<16xf32>, vector<16xf32>, vector<16xf32>, vector<16xf32>, vector<16xf32>
    }
    %scan3A_1789 = arith.constant 8 : i32
    %add3A_1790 = arith.addf %scan3A_1788#0, %scan3A_1788#1 : vector<16xf32>
    %add3A_1791 = arith.addf %scan3A_1788#2, %scan3A_1788#3 : vector<16xf32>
    %add3A_1792 = arith.addf %add3A_1790, %add3A_1791 : vector<16xf32>
    %add3A_1793 = arith.addf %scan3A_1788#4, %scan3A_1788#5 : vector<16xf32>
    %add3A_1794 = arith.addf %add3A_1792, %add3A_1793 : vector<16xf32>
    %swap3A = arith.constant 0 : index
    %swap3A_1795 = tpu.vector_load %arg34[%swap3A] {strides = array<i32>} : memref<16xf32, #tpu.memory_space<vmem>>, vector<16xf32>,
    %swap3A_1796 = vector.shape_cast %swap3A_1795 : vector<16xf32> to vector<16xf32>
    %swap3A_1797 = vector.shape_cast %add3A_1794 : vector<16xf32> to vector<16xf32>
    tpu.vector_store %arg34[%swap3A], %swap3A_1797 {strides = array<i32>} : memref<16xf32, #tpu.memory_space<vmem>>, vector<16xf32>,
    %add3A_1798 = arith.addf %scan3A_1788#6, %scan3A_1788#7 : vector<16xf32>
    %swap3A_1799 = arith.constant 0 : index
    %swap3A_1800 = tpu.vector_load %arg35[%swap3A_1799] {strides = array<i32>} : memref<16xf32, #tpu.memory_space<vmem>>, vector<16xf32>,
    %swap3A_1801 = vector.shape_cast %swap3A_1800 : vector<16xf32> to vector<16xf32>
    %swap3A_1802 = vector.shape_cast %add3A_1798 : vector<16xf32> to vector<16xf32>
    tpu.vector_store %arg35[%swap3A_1799], %swap3A_1802 {strides = array<i32>} : memref<16xf32, #tpu.memory_space<vmem>>, vector<16xf32>,
    %run_scoped3A = arith.constant 0 : i32
    "tpu.region"() ({
      %run_scoped3A_1804 = tpu.sem_alloc : memref<!tpu.dma_semaphore, #tpu.memory_space<semaphore_mem>>
      %dma_start3A_1805 = arith.constant 0 : i32
      %dma_start3A_1806 = tpu.memref_slice %arg5[%run_scoped3A, %add3A, %dma_start3A_1805] : memref<2x32x16xf32, #tpu.memory_space<hbm>> -> memref<1x1x16xf32, #tpu.memory_space<hbm>>
      %dma_start3A_1807 = tpu.memref_squeeze %dma_start3A_1806 : memref<1x1x16xf32, #tpu.memory_space<hbm>> -> memref<16xf32, #tpu.memory_space<hbm>>
      %dma_start3A_1808 = arith.constant 0 : i32
      %dma_start3A_1809 = tpu.memref_slice %arg5[%run_scoped3A, %add3A, %dma_start3A_1808] : memref<2x32x16xf32, #tpu.memory_space<hbm>> -> memref<1x1x16xf32, #tpu.memory_space<hbm>>
      %dma_start3A_1810 = tpu.memref_squeeze %dma_start3A_1809 : memref<1x1x16xf32, #tpu.memory_space<hbm>> -> memref<16xf32, #tpu.memory_space<hbm>>
      tpu.enqueue_dma source(%arg34 : memref<16xf32, #tpu.memory_space<vmem>>) target(%dma_start3A_1810 : memref<16xf32, #tpu.memory_space<hbm>>) target_semaphore(%run_scoped3A_1804 : memref<!tpu.dma_semaphore, #tpu.memory_space<semaphore_mem>>)
      %dma_wait3A_1811 = arith.constant 0 : i32
      %dma_wait3A_1812 = tpu.memref_slice %arg5[%run_scoped3A, %add3A, %dma_wait3A_1811] : memref<2x32x16xf32, #tpu.memory_space<hbm>> -> memref<1x1x16xf32, #tpu.memory_space<hbm>>
      %dma_wait3A_1813 = tpu.memref_squeeze %dma_wait3A_1812 : memref<1x1x16xf32, #tpu.memory_space<hbm>> -> memref<16xf32, #tpu.memory_space<hbm>>
      %dma_wait3A_1814 = arith.constant 0 : i32
      %dma_wait3A_1815 = tpu.memref_slice %arg5[%run_scoped3A, %add3A, %dma_wait3A_1814] : memref<2x32x16xf32, #tpu.memory_space<hbm>> -> memref<1x1x16xf32, #tpu.memory_space<hbm>>
      %dma_wait3A_1816 = tpu.memref_squeeze %dma_wait3A_1815 : memref<1x1x16xf32, #tpu.memory_space<hbm>> -> memref<16xf32, #tpu.memory_space<hbm>>
      tpu.wait_dma2 semaphore(%run_scoped3A_1804 : memref<!tpu.dma_semaphore, #tpu.memory_space<semaphore_mem>>) src(%arg34 : memref<16xf32, #tpu.memory_space<vmem>>) dst(%dma_wait3A_1816 : memref<16xf32, #tpu.memory_space<hbm>>)
      tpu.yield
    }) : () -> ()
    %run_scoped3A_1803 = arith.constant 1 : i32
    "tpu.region"() ({
      %run_scoped3A_1804 = tpu.sem_alloc : memref<!tpu.dma_semaphore, #tpu.memory_space<semaphore_mem>>
      %dma_start3A_1805 = arith.constant 0 : i32
      %dma_start3A_1806 = tpu.memref_slice %arg5[%run_scoped3A_1803, %add3A, %dma_start3A_1805] : memref<2x32x16xf32, #tpu.memory_space<hbm>> -> memref<1x1x16xf32, #tpu.memory_space<hbm>>
      %dma_start3A_1807 = tpu.memref_squeeze %dma_start3A_1806 : memref<1x1x16xf32, #tpu.memory_space<hbm>> -> memref<16xf32, #tpu.memory_space<hbm>>
      %dma_start3A_1808 = arith.constant 0 : i32
      %dma_start3A_1809 = tpu.memref_slice %arg5[%run_scoped3A_1803, %add3A, %dma_start3A_1808] : memref<2x32x16xf32, #tpu.memory_space<hbm>> -> memref<1x1x16xf32, #tpu.memory_space<hbm>>
      %dma_start3A_1810 = tpu.memref_squeeze %dma_start3A_1809 : memref<1x1x16xf32, #tpu.memory_space<hbm>> -> memref<16xf32, #tpu.memory_space<hbm>>
      tpu.enqueue_dma source(%arg35 : memref<16xf32, #tpu.memory_space<vmem>>) target(%dma_start3A_1810 : memref<16xf32, #tpu.memory_space<hbm>>) target_semaphore(%run_scoped3A_1804 : memref<!tpu.dma_semaphore, #tpu.memory_space<semaphore_mem>>)
      %dma_wait3A_1811 = arith.constant 0 : i32
      %dma_wait3A_1812 = tpu.memref_slice %arg5[%run_scoped3A_1803, %add3A, %dma_wait3A_1811] : memref<2x32x16xf32, #tpu.memory_space<hbm>> -> memref<1x1x16xf32, #tpu.memory_space<hbm>>
      %dma_wait3A_1813 = tpu.memref_squeeze %dma_wait3A_1812 : memref<1x1x16xf32, #tpu.memory_space<hbm>> -> memref<16xf32, #tpu.memory_space<hbm>>
      %dma_wait3A_1814 = arith.constant 0 : i32
      %dma_wait3A_1815 = tpu.memref_slice %arg5[%run_scoped3A_1803, %add3A, %dma_wait3A_1814] : memref<2x32x16xf32, #tpu.memory_space<hbm>> -> memref<1x1x16xf32, #tpu.memory_space<hbm>>
      %dma_wait3A_1816 = tpu.memref_squeeze %dma_wait3A_1815 : memref<1x1x16xf32, #tpu.memory_space<hbm>> -> memref<16xf32, #tpu.memory_space<hbm>>
      tpu.wait_dma2 semaphore(%run_scoped3A_1804 : memref<!tpu.dma_semaphore, #tpu.memory_space<semaphore_mem>>) src(%arg35 : memref<16xf32, #tpu.memory_space<vmem>>) dst(%dma_wait3A_1816 : memref<16xf32, #tpu.memory_space<hbm>>)
      tpu.yield
    }) : () -> ()
    return
  }
}

module attributes {stable_mosaic.version = 14 : i64} {
  func.func @_tc_body(%arg0: i32, %arg1: memref<1x3x512x512xf32, #tpu.memory_space<vmem>>, %arg2: memref<1x3x512x512xf32, #tpu.memory_space<vmem>>, %arg3: memref<1x1x512x512xf32, #tpu.memory_space<vmem>>, %arg4: memref<2x8x512xf32, #tpu.memory_space<vmem>>) attributes {dimension_semantics = [#tpu.dimension_semantics<arbitrary>], iteration_bounds = array<i64: 12>, scalar_prefetch = 0 : i64, scratch_operands = 0 : i64, tpu.core_type = #tpu.core_type<tc>, window_params = [{transform_indices = @transform_0, window_bounds = array<i64: 1, 3, 512, 512>}, {transform_indices = @transform_1, window_bounds = array<i64: 1, 3, 512, 512>}, {transform_indices = @transform_2, window_bounds = array<i64: 1, 1, 512, 512>}, {pipeline_mode = #tpu.pipeline_mode<synchronous>, transform_indices = @transform_3, window_bounds = array<i64: 2, 8, 512>}]} {
    %broadcast_in_dim3A = arith.constant 0.000000e+00 : f32
    %broadcast_in_dim3A_0 = vector.broadcast %broadcast_in_dim3A : f32 to vector<8x512xf32>
    %broadcast_in_dim3A_1 = arith.constant 0.000000e+00 : f32
    %broadcast_in_dim3A_2 = vector.broadcast %broadcast_in_dim3A_1 : f32 to vector<8x512xf32>
    %get3A = arith.constant 0 : index
    %get3A_3 = arith.constant 0 : index
    %get3A_4 = arith.constant 0 : index
    %get3A_5 = arith.constant 0 : index
    %get3A_6 = vector.load %arg3[%get3A, %get3A_3, %get3A_4, %get3A_5] : memref<1x1x512x512xf32, #tpu.memory_space<vmem>>, vector<1x1x512x512xf32>
    %get3A_7 = vector.shape_cast %get3A_6 : vector<1x1x512x512xf32> to vector<512x512xf32>
    %gt3A = arith.constant 0.00999999977 : f32
    %gt3A_8 = vector.broadcast %gt3A : f32 to vector<512x512xf32>
    %gt3A_9 = arith.cmpf ogt, %get3A_7, %gt3A_8 : vector<512x512xf32>
    %jit3A = arith.constant 1.000000e+00 : f32
    %jit3A_10 = arith.constant 0.000000e+00 : f32
    %broadcast_in_dim3A_11 = vector.broadcast %jit3A : f32 to vector<512x512xf32>
    %broadcast_in_dim3A_12 = vector.broadcast %jit3A_10 : f32 to vector<512x512xf32>
    %select_n3A = arith.select %gt3A_9, %broadcast_in_dim3A_11, %broadcast_in_dim3A_12 : vector<512x512xi1>, vector<512x512xf32>
    %get3A_13 = arith.constant 0 : index
    %get3A_14 = arith.constant 0 : index
    %get3A_15 = arith.constant 0 : index
    %get3A_16 = arith.constant 0 : index
    %get3A_17 = vector.load %arg1[%get3A_13, %get3A_14, %get3A_15, %get3A_16] : memref<1x3x512x512xf32, #tpu.memory_space<vmem>>, vector<1x3x512x512xf32>
    %get3A_18 = vector.shape_cast %get3A_17 : vector<1x3x512x512xf32> to vector<3x512x512xf32>
    %get3A_19 = arith.constant 0 : index
    %get3A_20 = arith.constant 0 : index
    %get3A_21 = arith.constant 0 : index
    %get3A_22 = arith.constant 0 : index
    %get3A_23 = vector.load %arg2[%get3A_19, %get3A_20, %get3A_21, %get3A_22] : memref<1x3x512x512xf32, #tpu.memory_space<vmem>>, vector<1x3x512x512xf32>
    %get3A_24 = vector.shape_cast %get3A_23 : vector<1x3x512x512xf32> to vector<3x512x512xf32>
    %slice3A = vector.extract_strided_slice %get3A_18 {offsets = [0, 0, 0], sizes = [1, 512, 512], strides = [1, 1, 1]} : vector<3x512x512xf32> to vector<1x512x512xf32>
    %squeeze3A = vector.shape_cast %slice3A : vector<1x512x512xf32> to vector<512x512xf32>
    %slice3A_25 = vector.extract_strided_slice %get3A_24 {offsets = [0, 0, 0], sizes = [1, 512, 512], strides = [1, 1, 1]} : vector<3x512x512xf32> to vector<1x512x512xf32>
    %squeeze3A_26 = vector.shape_cast %slice3A_25 : vector<1x512x512xf32> to vector<512x512xf32>
    %sub3A = arith.subf %squeeze3A, %squeeze3A_26 : vector<512x512xf32>
    %abs3A = math.absf %sub3A : vector<512x512xf32>
    %slice3A_27 = vector.extract_strided_slice %get3A_18 {offsets = [1, 0, 0], sizes = [1, 512, 512], strides = [1, 1, 1]} : vector<3x512x512xf32> to vector<1x512x512xf32>
    %squeeze3A_28 = vector.shape_cast %slice3A_27 : vector<1x512x512xf32> to vector<512x512xf32>
    %slice3A_29 = vector.extract_strided_slice %get3A_24 {offsets = [1, 0, 0], sizes = [1, 512, 512], strides = [1, 1, 1]} : vector<3x512x512xf32> to vector<1x512x512xf32>
    %squeeze3A_30 = vector.shape_cast %slice3A_29 : vector<1x512x512xf32> to vector<512x512xf32>
    %sub3A_31 = arith.subf %squeeze3A_28, %squeeze3A_30 : vector<512x512xf32>
    %abs3A_32 = math.absf %sub3A_31 : vector<512x512xf32>
    %add3A = arith.addf %abs3A, %abs3A_32 : vector<512x512xf32>
    %slice3A_33 = vector.extract_strided_slice %get3A_18 {offsets = [2, 0, 0], sizes = [1, 512, 512], strides = [1, 1, 1]} : vector<3x512x512xf32> to vector<1x512x512xf32>
    %squeeze3A_34 = vector.shape_cast %slice3A_33 : vector<1x512x512xf32> to vector<512x512xf32>
    %slice3A_35 = vector.extract_strided_slice %get3A_24 {offsets = [2, 0, 0], sizes = [1, 512, 512], strides = [1, 1, 1]} : vector<3x512x512xf32> to vector<1x512x512xf32>
    %squeeze3A_36 = vector.shape_cast %slice3A_35 : vector<1x512x512xf32> to vector<512x512xf32>
    %sub3A_37 = arith.subf %squeeze3A_34, %squeeze3A_36 : vector<512x512xf32>
    %abs3A_38 = math.absf %sub3A_37 : vector<512x512xf32>
    %add3A_39 = arith.addf %add3A, %abs3A_38 : vector<512x512xf32>
    %mul3A = arith.mulf %add3A_39, %select_n3A : vector<512x512xf32>
    %reshape3A = vector.shape_cast %mul3A : vector<512x512xf32> to vector<64x8x512xf32>
    %reduce_sum3A = arith.constant dense<0.000000e+00> : vector<8x512xf32>
    %reduce_sum3A_40 = vector.multi_reduction <add>, %reshape3A, %reduce_sum3A [0] : vector<64x8x512xf32> to vector<8x512xf32>
    %add3A_41 = arith.addf %broadcast_in_dim3A_0, %reduce_sum3A_40 : vector<8x512xf32>
    %reshape3A_42 = vector.shape_cast %select_n3A : vector<512x512xf32> to vector<64x8x512xf32>
    %reduce_sum3A_43 = arith.constant dense<0.000000e+00> : vector<8x512xf32>
    %reduce_sum3A_44 = vector.multi_reduction <add>, %reshape3A_42, %reduce_sum3A_43 [0] : vector<64x8x512xf32> to vector<8x512xf32>
    %add3A_45 = arith.addf %broadcast_in_dim3A_2, %reduce_sum3A_44 : vector<8x512xf32>
    %eq3A = arith.constant 0 : i32
    %eq3A_46 = arith.cmpi eq, %arg0, %eq3A : i32
    %convert_element_type3A = arith.extui %eq3A_46 : i1 to i32
    %cond3A = arith.constant 0 : i32
    %cond3A_47 = arith.cmpi ne, %convert_element_type3A, %cond3A : i32
    scf.if %cond3A_47 {
      %swap3A = arith.constant 0 : index
      %swap3A_53 = arith.constant 0 : index
      %swap3A_54 = arith.constant 0 : index
      %swap3A_55 = vector.load %arg4[%swap3A, %swap3A_53, %swap3A_54] : memref<2x8x512xf32, #tpu.memory_space<vmem>>, vector<1x8x512xf32>
      %swap3A_56 = vector.shape_cast %swap3A_55 : vector<1x8x512xf32> to vector<8x512xf32>
      %swap3A_57 = vector.shape_cast %add3A_41 : vector<8x512xf32> to vector<1x8x512xf32>
      tpu.vector_store %arg4[%swap3A, %swap3A_53, %swap3A_54], %swap3A_57 {strides = array<i32>} : memref<2x8x512xf32, #tpu.memory_space<vmem>>, vector<1x8x512xf32>,
      %swap3A_58 = arith.constant 1 : index
      %swap3A_59 = arith.constant 0 : index
      %swap3A_60 = arith.constant 0 : index
      %swap3A_61 = vector.load %arg4[%swap3A_58, %swap3A_59, %swap3A_60] : memref<2x8x512xf32, #tpu.memory_space<vmem>>, vector<1x8x512xf32>
      %swap3A_62 = vector.shape_cast %swap3A_61 : vector<1x8x512xf32> to vector<8x512xf32>
      %swap3A_63 = vector.shape_cast %add3A_45 : vector<8x512xf32> to vector<1x8x512xf32>
      tpu.vector_store %arg4[%swap3A_58, %swap3A_59, %swap3A_60], %swap3A_63 {strides = array<i32>} : memref<2x8x512xf32, #tpu.memory_space<vmem>>, vector<1x8x512xf32>,
    } else {
    }
    %gt3A_48 = arith.constant 0 : i32
    %gt3A_49 = arith.cmpi sgt, %arg0, %gt3A_48 : i32
    %convert_element_type3A_50 = arith.extui %gt3A_49 : i1 to i32
    %cond3A_51 = arith.constant 0 : i32
    %cond3A_52 = arith.cmpi ne, %convert_element_type3A_50, %cond3A_51 : i32
    scf.if %cond3A_52 {
      %get3A_53 = arith.constant 0 : index
      %get3A_54 = arith.constant 0 : index
      %get3A_55 = arith.constant 0 : index
      %get3A_56 = vector.load %arg4[%get3A_53, %get3A_54, %get3A_55] : memref<2x8x512xf32, #tpu.memory_space<vmem>>, vector<1x8x512xf32>
      %get3A_57 = vector.shape_cast %get3A_56 : vector<1x8x512xf32> to vector<8x512xf32>
      %add3A_58 = arith.addf %get3A_57, %add3A_41 : vector<8x512xf32>
      %swap3A = arith.constant 0 : index
      %swap3A_59 = arith.constant 0 : index
      %swap3A_60 = arith.constant 0 : index
      %swap3A_61 = vector.load %arg4[%swap3A, %swap3A_59, %swap3A_60] : memref<2x8x512xf32, #tpu.memory_space<vmem>>, vector<1x8x512xf32>
      %swap3A_62 = vector.shape_cast %swap3A_61 : vector<1x8x512xf32> to vector<8x512xf32>
      %swap3A_63 = vector.shape_cast %add3A_58 : vector<8x512xf32> to vector<1x8x512xf32>
      tpu.vector_store %arg4[%swap3A, %swap3A_59, %swap3A_60], %swap3A_63 {strides = array<i32>} : memref<2x8x512xf32, #tpu.memory_space<vmem>>, vector<1x8x512xf32>,
      %get3A_64 = arith.constant 1 : index
      %get3A_65 = arith.constant 0 : index
      %get3A_66 = arith.constant 0 : index
      %get3A_67 = vector.load %arg4[%get3A_64, %get3A_65, %get3A_66] : memref<2x8x512xf32, #tpu.memory_space<vmem>>, vector<1x8x512xf32>
      %get3A_68 = vector.shape_cast %get3A_67 : vector<1x8x512xf32> to vector<8x512xf32>
      %add3A_69 = arith.addf %get3A_68, %add3A_45 : vector<8x512xf32>
      %swap3A_70 = arith.constant 1 : index
      %swap3A_71 = arith.constant 0 : index
      %swap3A_72 = arith.constant 0 : index
      %swap3A_73 = vector.load %arg4[%swap3A_70, %swap3A_71, %swap3A_72] : memref<2x8x512xf32, #tpu.memory_space<vmem>>, vector<1x8x512xf32>
      %swap3A_74 = vector.shape_cast %swap3A_73 : vector<1x8x512xf32> to vector<8x512xf32>
      %swap3A_75 = vector.shape_cast %add3A_69 : vector<8x512xf32> to vector<1x8x512xf32>
      tpu.vector_store %arg4[%swap3A_70, %swap3A_71, %swap3A_72], %swap3A_75 {strides = array<i32>} : memref<2x8x512xf32, #tpu.memory_space<vmem>>, vector<1x8x512xf32>,
    } else {
    }
    return
  }
  func.func @transform_0(%arg0: i32) -> (i32, i32, i32, i32) {
    %add3A = arith.constant 4 : i32
    %add3A_0 = arith.addi %arg0, %add3A : i32
    %c0_i32 = arith.constant 0 : i32
    %c0_i32_1 = arith.constant 0 : i32
    %c0_i32_2 = arith.constant 0 : i32
    %c0_i32_3 = arith.constant 0 : i32
    return %add3A_0, %c0_i32, %c0_i32_1, %c0_i32_2 : i32, i32, i32, i32
  }
  func.func @transform_1(%arg0: i32) -> (i32, i32, i32, i32) {
    %add3A = arith.constant 4 : i32
    %add3A_0 = arith.addi %arg0, %add3A : i32
    %c0_i32 = arith.constant 0 : i32
    %c0_i32_1 = arith.constant 0 : i32
    %c0_i32_2 = arith.constant 0 : i32
    %c0_i32_3 = arith.constant 0 : i32
    return %add3A_0, %c0_i32, %c0_i32_1, %c0_i32_2 : i32, i32, i32, i32
  }
  func.func @transform_2(%arg0: i32) -> (i32, i32, i32, i32) {
    %add3A = arith.constant 4 : i32
    %add3A_0 = arith.addi %arg0, %add3A : i32
    %c0_i32 = arith.constant 0 : i32
    %c0_i32_1 = arith.constant 0 : i32
    %c0_i32_2 = arith.constant 0 : i32
    %c0_i32_3 = arith.constant 0 : i32
    return %add3A_0, %c0_i32, %c0_i32_1, %c0_i32_2 : i32, i32, i32, i32
  }
  func.func @transform_3(%arg0: i32) -> (i32, i32, i32) {
    %c0_i32 = arith.constant 0 : i32
    %c0_i32_0 = arith.constant 0 : i32
    %c0_i32_1 = arith.constant 0 : i32
    %c0_i32_2 = arith.constant 0 : i32
    return %c0_i32, %c0_i32_0, %c0_i32_1 : i32, i32, i32
  }
}

</mosaic_0001>

<sc_bundles>
// kernel: kernel.4.cloned.1.call-start
scs
__scs_entry_jumppad:
0x0: {  	(pc) =	sbr.rel $0x88, $3  }
0x1: {  	(tag) =	ssettag $0x0;
	lr =	simm.s32 $0x1  }
0x2: {  	[smem:$0x3F9E] =	sst lr;
	_ =	strace $0xD0000000  }
0x3: {  	_ = 	snop  }
0x4: {  	_ = 	snop  }
0x5: {  	_ = 	snop  }
0x6: {  	_ = 	snop  }
0x7: {  	_ = 	snop  }
__scs_overlays_trampoline_lowered:
0x8: {  	[smem:$0x3FAD] =	sst s0  }
0x9: {  	[smem:$0x3FAE] =	sst s1  }
0xa: {  	[smem:$0x3FAF] =	sst s2  }
0xb: {  	[smem:$0x3FB0] =	sst s3  }
0xc: {  	[smem:$0x3FB1] =	sst s4  }
0xd: {  	[smem:$0x3FB2] =	sst s5  }
0xe: {  	[smem:$0x3FB3] =	sst s6  }
0xf: {  	[smem:$0x3FB4] =	sst s7  }
0x10: {  	[smem:$0x3FB5] =	sst s8  }
0x11: {  	[smem:$0x3FB6] =	sst s9;
	s0 =	simm.s32 @!p0 $0x0  }
0x12: {  	s1 =	sld [smem:$0x3F9C];
	s0 =	simm.s32 @p0 $0x1  }
0x13: {  	[smem:$0x3FB7] =	sst s0;
	s0 =	simm.s32 @!p1 $0x0  }
0x14: {  	s2 =	sld [smem:$0x3F9B];
	s0 =	simm.s32 @p1 $0x1  }
0x15: {  	[smem:$0x3FB8] =	sst s0;
	s0 =	simm.s32 @!p2 $0x0  }
0x16: {  	s3 =	sld [smem:$0x3FDB];
	s0 =	simm.s32 @p2 $0x1  }
0x17: {  	s4 =	simm.s32 $0x1BF5;
	[smem:$0x3FBA] =	sst s0  }
0x18: {  	s0 =	sld [smem:$0x3F9D];
	_ =	swait.ge [sflag:s4], $0x0  }
0x19: {  	s7 =	sld [smem:$0x3F9E]  }
0x1a: {  	s8 =	sadd.s32 $0xFFFFE003, lr  }
0x1b: {  	s9 =	sadd.s32 $0xFFFFFEF7, lr;
	s5 =	simm.s32 $0xFFFFFFFF;
	p2 =	slt.u32 s8, $0xFFFFF086  }
0x1c: {  	p1 =	slt.u32 s9, $0xF7A;
	s5 =	simm.s32 @!p2 $0x0  }
0x1d: {  	s5 =	simm.s32 @p1 $0x1;
	p0 =	seq.s32 s7, s2  }
0x1e: {  	s7 =	smul.u32 @!p0 $0xF7A, s2;
	p2 =	seq.s32 @!p0 s5, $0x0  }
0x1f: {  	s9 =	smul.u32 $0xF7A, s1;
	s8 =	simm.s32 @!p0 $0x1BF5;
	p2 =	por !p2, p0  }
0x20: {  	[sflag:s8] =	ssyncset.s32 @!p0 $0xFFFFF086;
	s6 =	sadd.s32 @!p0 s3, s7;
	s7 =	simm.s32 @!p0 $0x108  }
0x21: {  	s3 =	sadd.s32 s3, s9;
	s6 =	sadd.s32 @!p0 $0x88, s6;
	s7 =	simm.s32 @p2 $0x1082  }
0x22: {  	[simem:s7], [sflag:s8] =	dma.local @!p0 [hbm:s6], $0xF7A  }
0x23: {  	s9 =	sor.u32 $0xD0000000, s2;
	s6 =	simm.s32 $0x108;
	_ =	swait.ge @!p0 [sflag:s8], $0x0  }
0x24: {  	s3 =	sadd.s32 $0x88, s3;
	s6 =	simm.s32 @!p1 $0x1082;
	[sflag:s4] =	ssyncset.s32 $0xFFFFF086  }
0x25: {  	[simem:s6], [sflag:s4] =	dma.local [hbm:s3], $0xF7A  }
0x26: {  	[smem:$0x3F9E] =	sst s1;
	(tag) =	ssettag s2;
	_ =	strace s9  }
0x27: {  	s1 =	sld [smem:$0x3FAE]  }
0x28: {  	s2 =	sld [smem:$0x3FAF]  }
0x29: {  	s4 =	sld [smem:$0x3FB1]  }
0x2a: {  	p0 =	seq.s32 s5, $0x0;
	s5 =	sld [smem:$0x3FB2]  }
0x2b: {  	s6 =	sld [smem:$0x3FB3]  }
0x2c: {  	s7 =	sld [smem:$0x3FB4]  }
0x2d: {  	s3 =	simm.s32 $0x108;
	s8 =	sld [smem:$0x3FB5]  }
0x2e: {  	s3 =	simm.s32 @!p0 $0x1082;
	s9 =	sld [smem:$0x3FB6]  }
0x2f: {  	lr =	sadd.s32 s0, s3;
	s0 =	sld [smem:$0x3FAD]  }
0x30: {  	s3 =	sld [smem:$0x3FB0]  }
0x31: {  	[smem:$0x3FB9] =	sst s10  }
0x32: {  	s10 =	sld [smem:$0x3FB7];
	_ =	sdelay $0x3  }
0x33: {  	p0 =	seq.s32 s10, $0x1;
	s10 =	sld [smem:$0x3FB9];
	_ =	sdelay $0x3  }
0x34: {  	[smem:$0x3FB9] =	sst s10  }
0x35: {  	s10 =	sld [smem:$0x3FB8];
	_ =	sdelay $0x3  }
0x36: {  	p1 =	seq.s32 s10, $0x1;
	s10 =	sld [smem:$0x3FB9];
	_ =	sdelay $0x3  }
0x37: {  	[smem:$0x3FB9] =	sst s10  }
0x38: {  	s10 =	sld [smem:$0x3FBA]  }
0x39: {  	_ = 	snop;
	(pc) =	sbr.ind lr, $3  }
0x3a: {  	_ = 	snop  }
0x3b: {  	_ = 	snop  }
0x3c: {  	p2 =	seq.s32 s10, $0x1;
	s10 =	sld [smem:$0x3FB9]  }
0x3d: {  	_ =	shalt  }
0x3e: {  	_ =	shalt  }
0x3f: {  	_ =	shalt  }
0x40: {  	_ =	shalt  }
0x41: {  	_ =	shalt  }
0x42: {  	_ =	shalt  }
0x43: {  	_ =	shalt  }
0x44: {  	_ =	shalt  }
0x45: {  	_ =	shalt  }
0x46: {  	_ =	shalt  }
0x47: {  	_ =	shalt  }
0x48: {  	_ =	shalt  }
0x49: {  	_ =	shalt  }
0x4a: {  	_ =	shalt  }
0x4b: {  	_ =	shalt  }
0x4c: {  	_ =	shalt  }
0x4d: {  	_ =	shalt  }
0x4e: {  	_ =	shalt  }
0x4f: {  	_ =	shalt  }
0x50: {  	_ =	shalt  }
0x51: {  	_ =	shalt  }
0x52: {  	_ =	shalt  }
0x53: {  	_ =	shalt  }
0x54: {  	_ =	shalt  }
0x55: {  	_ =	shalt  }
0x56: {  	_ =	shalt  }
0x57: {  	_ =	shalt  }
0x58: {  	_ =	shalt  }
0x59: {  	_ =	shalt  }
0x5a: {  	_ =	shalt  }
0x5b: {  	_ =	shalt  }
0x5c: {  	_ =	shalt  }
0x5d: {  	_ =	shalt  }
0x5e: {  	_ =	shalt  }
0x5f: {  	_ =	shalt  }
0x60: {  	_ =	shalt  }
0x61: {  	_ =	shalt  }
0x62: {  	_ =	shalt  }
0x63: {  	_ =	shalt  }
0x64: {  	_ =	shalt  }
0x65: {  	_ =	shalt  }
0x66: {  	_ =	shalt  }
0x67: {  	_ =	shalt  }
0x68: {  	_ =	shalt  }
0x69: {  	_ =	shalt  }
0x6a: {  	_ =	shalt  }
0x6b: {  	_ =	shalt  }
0x6c: {  	_ =	shalt  }
0x6d: {  	_ =	shalt  }
0x6e: {  	_ =	shalt  }
0x6f: {  	_ =	shalt  }
0x70: {  	_ =	shalt  }
0x71: {  	_ =	shalt  }
0x72: {  	_ =	shalt  }
0x73: {  	_ =	shalt  }
0x74: {  	_ =	shalt  }
0x75: {  	_ =	shalt  }
0x76: {  	_ =	shalt  }
0x77: {  	_ =	shalt  }
0x78: {  	_ =	shalt  }
0x79: {  	_ =	shalt  }
0x7a: {  	_ =	shalt  }
0x7b: {  	_ =	shalt  }
0x7c: {  	_ =	shalt  }
0x7d: {  	_ =	shalt  }
0x7e: {  	_ =	shalt  }
0x7f: {  	_ =	shalt  }
0x80: {  	_ =	shalt  }
0x81: {  	_ =	shalt  }
0x82: {  	_ =	shalt  }
0x83: {  	_ =	shalt  }
0x84: {  	_ =	shalt  }
0x85: {  	_ =	shalt  }
0x86: {  	_ =	shalt  }
0x87: {  	_ =	shalt  }
.Lfunc_end0:
.L_simem_size_0:
called_computation_lowered:
.L_overlay_start_0:
0x88: {  	s2 =	sld [smem:$0x3FD9]  }
0x89: {  	s3 =	sld [smem:$0x3FFE];
	_ =	sdelay $0x1  }
0x8a: {  	s1 =	srdreg.scid  }
0x8b: {  	s0 =	sand.u32 $0x1, s1  }
0x8c: {  	s17 =	sshll.u32 s0, $0xA;
	s2 =	sadd.s32 s3, s2  }
0x8d: {  	s2 =	sadd.s32 s2, s17  }
0x8e: {  	[smem:$0x3FC5] =	sst s2  }
0x8f: {  	_ = 	snop  }
0x90: {  	s2 =	sld [smem:$0x3FC9]  }
0x91: {  	s18 =	sld [smem:$0x3FC8]  }
0x92: {  	s4 =	sld [smem:$0x3FC7];
	(tm) =	ssettm $0x1  }
0x93: {  	s5 =	sld [smem:$0x3FFB];
	_ =	sdelay $0x3  }
0x94: {  	_ =	strace s5  }
0x95: {  	s5 =	sld [smem:$0x3FFC];
	_ =	sdelay $0x3  }
0x96: {  	_ =	strace s5  }
0x97: {  	s5 =	sld [smem:$0x3FFD];
	_ =	sdelay $0x3  }
0x98: {  	_ =	strace s5  }
0x99: {  	_ =	strace $0x8FFFFFFF  }
0x9a: {  	s19 =	sld [smem:$0x3FDB];
	_ =	sdelay $0x1  }
0x9b: {  	s6 =	simm.s32 $_scs_section_size  }
0x9c: {  	s7 =	simm.s32 $_size__tile_overlayer_lowered;
	s8 =	simm.s32 $_tile_overlayer_lowered  }
0x9d: {  	s22 =	simm.s32 $0x1BFF;
	s21 =	sshll.u32 s8, $0x1;
	s5 =	sadd.s32 s6, s19  }
0x9e: {  	s9 =	simm.s32 $0x0;
	s20 =	sshll.u32 s7, $0x1;
	s7 =	sadd.s32 s21, s5  }
0x9f: {  	[timem:s9], [sflag:s22] =	dma.local [hbm:s7], s20  }
0xa0: {  	_ =	swait.ge [sflag:s22], s20  }
0xa1: {  	s6 =	ssub.s32 $0x0, s20;
	[sflag:s22] =	ssyncset.done $0x0  }
0xa2: {  	[sflag:s22] =	ssyncadd.s32 s6;
	_ =	sdelay $0x1  }
0xa3: {  	s23 =	simm.s32 $0x1B8B  }
0xa4: {  	_ =	swait.ge [sflag:s23], $0x1  }
0xa5: {  	[sflag:s23] =	ssyncset.done $0x0  }
0xa6: {  	s25 =	simm.s32 $0x1B8E;
	s24 =	sld [smem:$0x3FFE];
	[sflag:s23] =	ssyncadd.s32 $0xFFFFFFFF  }
0xa7: {  	s26 =	simm.s32 $execute0_lowered;
	[smem:$0x3FD2] =	sst s25  }
0xa8: {  	s7 =	sshll.u32 s26, $0x1;
	_ =	strace $0x80000046;
	[dreg:$0x1] =	wrdreg $0xFFFFFFFF  }
0xa9: {  	s28 =	simm.s32 $_size_execute0_lowered;
	s5 =	sadd.s32 s5, s7;
	[dreg:$0x0] =	wrdreg $0x0  }
0xaa: {  	s7 =	sshll.u32 s28, $0x1;
	[dreg:$0x2] =	wrdreg s5  }
0xab: {  	[dreg:$0x3] =	wrdreg s7  }
0xac: {  	[dreg:$0x4] =	wrdreg $0xC0  }
0xad: {  	_ =	task [dreg:s9], $0x5FFFF  }
0xae: {  	[dreg:$0x1] =	wrdreg $0xFFFFFFFF  }
0xaf: {  	[dreg:$0x0] =	wrdreg $0x60  }
0xb0: {  	[dreg:$0x2] =	wrdreg s2  }
0xb1: {  	[dreg:$0x3] =	wrdreg s18  }
0xb2: {  	[dreg:$0x4] =	wrdreg s4  }
0xb3: {  	[dreg:$0x5] =	wrdreg s24  }
0xb4: {  	[dreg:$0x6] =	wrdreg $0x9  }
0xb5: {  	_ =	task.clear_ibuf [dreg:s9], $0x7FFFF;
	_ =	strace $0x90000046  }
0xb6: {  	s29 =	simm.s32 $0x9;
	_ =	strace $0x80000048  }
0xb7: {  	_ =	swait.ge [sflag:s29], $0x1  }
0xb8: {  	[sflag:s29] =	ssyncadd.s32 $0xFFFFFFFF  }
0xb9: {  	_ =	strace $0x90000048  }
0xba: {  	_ =	sfence  }
0xbb: {  	s30 =	sld [smem:$0x0];
	_ =	sdelay $0x2  }
0xbc: {  	s31 =	sshll.u32 s1, $0xD;
	s1 =	sshrl.u32 s1, $0x2  }
0xbd: {  	s3 =	sand.u32 $0x4000, s31;
	s1 =	sadd.s32 s1, s30  }
0xbe: {  	s0 =	sor.u32 s3, s0;
	s1 =	sshll.u32 s1, $0x11  }
0xbf: {  	s0 =	sor.u32 s1, s0  }
0xc0: {  	s0 =	sadd.s32 $0x8F2B, s0  }
0xc1: {  	[sflag:s0] =	ssyncadd.remote.s32 $0x1  }
0xc2: {  	_ =	sfence.sel $0xFFFF  }
0xc3: {  	[dreg:$0x0] =	wrdreg $0xFFFFFFFF;
	(pc) =	sbr.abs _section_cstart, $3  }
0xc4: {  	[dreg:$0x1] =	wrdreg $0xFFFFFFFF  }
0xc5: {  	_ =	task.clear_ibuf [dreg:s9], $0x2FFFF;
	_ =	strace $0x9FFFFFFF  }
0xc6: {  	(tm) =	ssettm $0x7FFFFFFF  }
0xc7: {  	_ =	shalt  }
tec
execute0_lowered:
.L_overlay_start_1:
0x0: {  	(tag) =	ssettag $0x1  }
0x1: {  	s3 =	rddreg [dreg:$0x2];
	s1 =	simm.s32 $0x0;
	s0 =	srdreg.scid  }
0x2: {  	s5 =	stileid.u32;
	[smem:$0x7FF] =	sst s1  }
0x3: {  	s0 =	sand.u32 $0x1, s0;
	s2 =	sshll.u32 s5, $0x1;
	s22 =	sshrl.u32 s5, $0x2  }
0x4: {  	s4 =	ssub.s32 $0x2, s0;
	s0 =	sor.u32 s0, s2;
	s7 =	smul.u32 $0xC0000, s22  }
0x5: {  	s23 =	sshrl.u32 s4, $0x1;
	s6 =	sshll.u32 s0, $0xF;
	s25 =	sshll.u32 s0, $0xC  }
0x6: {  	s2 =	ssub.s32 s4, s23;
	s24 =	sand.u32 $0x38000, s6;
	s5 =	sadd.s32 s3, s25  }
0x7: {  	s11 =	sadd.s32 $0x80000, s7;
	s8 =	sor.u32 $0x1000, s6;
	s19 =	sor.u32 $0x2000, s6  }
0x8: {  	s13 =	sor.u32 $0x3000, s6;
	s16 =	sor.u32 $0x4000, s6;
	[dreg:$0x5] =	wrdreg s5  }
0x9: {  	s9 =	sor.u32 s7, s24;
	s5 =	sadd.s32 $0x40000, s7;
	s12 =	sor.u32 s11, s24  }
0xa: {  	s26 =	sand.u32 $0x39000, s8;
	s8 =	sshrl.u32 s8, $0x3;
	s14 =	sshrl.u32 s19, $0x3  }
0xb: {  	s15 =	sshrl.u32 s13, $0x3;
	s21 =	sshrl.u32 s16, $0x3;
	s25 =	sand.u32 $0x3B000, s13  }
0xc: {  	s10 =	sor.u32 s5, s24;
	s8 =	sadd.s32 s3, s8;
	s14 =	sadd.s32 s3, s14  }
0xd: {  	s20 =	sadd.s32 s3, s15;
	s15 =	sor.u32 $0x6000, s6;
	[dreg:$0x6] =	wrdreg s8  }
0xe: {  	s24 =	sand.u32 $0x3A000, s19;
	s19 =	sor.u32 s11, s26;
	[dreg:$0x7] =	wrdreg s14  }
0xf: {  	s13 =	sor.u32 s7, s25;
	s9 =	sshrl.u32 s9, $0x3;
	[dreg:$0x8] =	wrdreg s20  }
0x10: {  	s14 =	sadd.s32 s3, s21;
	s18 =	sshrl.u32 s15, $0x3;
	s20 =	sor.u32 s7, s24  }
0x11: {  	s21 =	sor.u32 s5, s24;
	[dreg:$0x9] =	wrdreg s14;
	s14 =	sor.u32 $0x5000, s6  }
0x12: {  	s6 =	sor.u32 $0x7000, s6;
	s22 =	sadd.s32 s3, s18;
	s18 =	sor.u32 s5, s26  }
0x13: {  	s17 =	sshrl.u32 s14, $0x3;
	[dreg:$0xb] =	wrdreg s22;
	s23 =	sshrl.u32 s6, $0x3  }
0x14: {  	s22 =	sor.u32 s11, s24;
	s8 =	sand.u32 $0x3D000, s14;
	s4 =	sand.u32 $0x3F000, s6  }
0x15: {  	s17 =	sadd.s32 s3, s17;
	s3 =	sadd.s32 s3, s23;
	s23 =	sor.u32 s11, s25  }
0x16: {  	s28 =	sor.u32 s5, s8;
	s29 =	sor.u32 s11, s8;
	[dreg:$0xa] =	wrdreg s17  }
0x17: {  	[dreg:$0xc] =	wrdreg s3;
	s17 =	sor.u32 s7, s26;
	s26 =	sand.u32 $0x3C000, s16  }
0x18: {  	s16 =	sor.u32 s5, s25;
	s14 =	sor.u32 s7, s26;
	s24 =	sor.u32 s5, s26  }
0x19: {  	s25 =	sor.u32 s11, s26;
	s26 =	sor.u32 s7, s8;
	s8 =	sand.u32 $0x3E000, s15  }
0x1a: {  	s6 =	sor.u32 s5, s4;
	s3 =	rddreg [dreg:$0x0];
	s15 =	sor.u32 s7, s8  }
0x1b: {  	s30 =	sor.u32 s5, s8;
	s8 =	sor.u32 s11, s8;
	s7 =	sor.u32 s7, s4  }
0x1c: {  	s5 =	sor.u32 s11, s4;
	s4 =	rddreg [dreg:$0x1];
	s11 =	sadd.s32 s3, s9  }
0x1d: {  	s10 =	sshrl.u32 s10, $0x3;
	[dreg:$0xd] =	wrdreg s11;
	s9 =	sadd.s32 s4, s9  }
0x1e: {  	[dreg:$0xe] =	wrdreg s9;
	s9 =	sshrl.u32 s12, $0x3;
	s12 =	sadd.s32 s3, s10  }
0x1f: {  	s10 =	sadd.s32 s4, s10;
	[dreg:$0xf] =	wrdreg s12  }
0x20: {  	[dreg:$0x10] =	wrdreg s10;
	s10 =	sshrl.u32 s17, $0x3;
	s17 =	sadd.s32 s3, s9  }
0x21: {  	s9 =	sadd.s32 s4, s9;
	[dreg:$0x11] =	wrdreg s17  }
0x22: {  	[dreg:$0x12] =	wrdreg s9;
	s17 =	sadd.s32 s3, s10  }
0x23: {  	s12 =	sshrl.u32 s18, $0x3;
	s10 =	sadd.s32 s4, s10;
	[dreg:$0x13] =	wrdreg s17  }
0x24: {  	s18 =	sshrl.u32 s19, $0x3;
	s19 =	sadd.s32 s3, s12;
	[dreg:$0x14] =	wrdreg s10  }
0x25: {  	s9 =	sadd.s32 s4, s12;
	[dreg:$0x15] =	wrdreg s19  }
0x26: {  	s12 =	sadd.s32 s3, s18;
	[dreg:$0x16] =	wrdreg s9  }
0x27: {  	s20 =	sshrl.u32 s20, $0x3;
	[dreg:$0x17] =	wrdreg s12;
	s10 =	sadd.s32 s4, s18  }
0x28: {  	s18 =	sadd.s32 s3, s20;
	[dreg:$0x18] =	wrdreg s10  }
0x29: {  	s17 =	sshrl.u32 s21, $0x3;
	s9 =	sadd.s32 s4, s20;
	[dreg:$0x19] =	wrdreg s18  }
0x2a: {  	[dreg:$0x1a] =	wrdreg s9;
	s20 =	sadd.s32 s3, s17  }
0x2b: {  	s19 =	sshrl.u32 s22, $0x3;
	s10 =	sadd.s32 s4, s17;
	[dreg:$0x1b] =	wrdreg s20  }
0x2c: {  	s22 =	sadd.s32 s3, s19;
	[dreg:$0x1c] =	wrdreg s10  }
0x2d: {  	s21 =	sshrl.u32 s13, $0x3;
	s9 =	sadd.s32 s4, s19;
	[dreg:$0x1d] =	wrdreg s22  }
0x2e: {  	s12 =	sshrl.u32 s16, $0x3;
	s13 =	sadd.s32 s3, s21;
	[dreg:$0x1e] =	wrdreg s9  }
0x2f: {  	s16 =	sshrl.u32 s23, $0x3;
	s17 =	sadd.s32 s3, s12;
	[dreg:$0x1f] =	wrdreg s13  }
0x30: {  	s19 =	sadd.s32 s3, s16;
	[smem:$0x7E5] =	sst s17  }
0x31: {  	s10 =	sadd.s32 s4, s21;
	[smem:$0x7E7] =	sst s19  }
0x32: {  	s18 =	sshrl.u32 s14, $0x3;
	s9 =	sadd.s32 s4, s12;
	[smem:$0x7E4] =	sst s10  }
0x33: {  	s21 =	sadd.s32 s3, s18;
	[smem:$0x7E6] =	sst s9  }
0x34: {  	s10 =	sadd.s32 s4, s16;
	[smem:$0x7E9] =	sst s21  }
0x35: {  	s20 =	sshrl.u32 s24, $0x3;
	s9 =	sadd.s32 s4, s18;
	[smem:$0x7E8] =	sst s10  }
0x36: {  	s22 =	sshrl.u32 s25, $0x3;
	s23 =	sadd.s32 s3, s20;
	[smem:$0x7EA] =	sst s9  }
0x37: {  	s24 =	sshrl.u32 s26, $0x3;
	s25 =	sadd.s32 s3, s22;
	[smem:$0x7EB] =	sst s23  }
0x38: {  	s26 =	sshrl.u32 s28, $0x3;
	s12 =	sadd.s32 s3, s24;
	[smem:$0x7ED] =	sst s25  }
0x39: {  	s13 =	sshrl.u32 s29, $0x3;
	s14 =	sadd.s32 s3, s26;
	[smem:$0x7EF] =	sst s12  }
0x3a: {  	s15 =	sshrl.u32 s15, $0x3;
	s16 =	sadd.s32 s3, s13;
	[smem:$0x7F1] =	sst s14  }
0x3b: {  	s17 =	sshrl.u32 s30, $0x3;
	s18 =	sadd.s32 s3, s15;
	[smem:$0x7F3] =	sst s16  }
0x3c: {  	s8 =	sshrl.u32 s8, $0x3;
	s19 =	sadd.s32 s3, s17;
	[smem:$0x7F5] =	sst s18  }
0x3d: {  	s21 =	sadd.s32 s3, s8;
	[smem:$0x7F7] =	sst s19  }
0x3e: {  	s0 =	sshll.u32 s0, $0x4;
	s8 =	sadd.s32 s4, s8;
	[smem:$0x7F9] =	sst s21  }
0x3f: {  	s6 =	sshrl.u32 s6, $0x3;
	s10 =	sadd.s32 s4, s20;
	[smem:$0x7FA] =	sst s8  }
0x40: {  	s7 =	sshrl.u32 s7, $0x3;
	s9 =	sadd.s32 s4, s22;
	[smem:$0x7EC] =	sst s10  }
0x41: {  	s5 =	sshrl.u32 s5, $0x3;
	s20 =	sadd.s32 s4, s17;
	[smem:$0x7EE] =	sst s9  }
0x42: {  	s28 =	sadd.s32 s4, s5;
	s22 =	sadd.s32 s3, s7;
	[smem:$0x7F8] =	sst s20  }
0x43: {  	s30 =	smax.u32 s2, $0x1;
	s7 =	sadd.s32 s4, s7;
	[smem:$0x7FB] =	sst s22  }
0x44: {  	s23 =	sadd.s32 s3, s6;
	s25 =	sadd.s32 s4, s6;
	[smem:$0x7FC] =	sst s7  }
0x45: {  	s16 =	simm.s32 $0x2;
	s17 =	simm.s32 $0x4;
	[smem:$0x7FD] =	sst s23  }
0x46: {  	s18 =	simm.s32 $0x0;
	s10 =	sadd.s32 s4, s24;
	s24 =	rddreg [dreg:$0x3]  }
0x47: {  	s9 =	sadd.s32 s4, s26;
	s26 =	sadd.s32 s3, s5;
	[smem:$0x7F0] =	sst s10  }
0x48: {  	s3 =	simm.s32 $0x18000;
	s5 =	simm.s32 $0x5;
	[smem:$0x7F2] =	sst s9  }
0x49: {  	s10 =	sadd.s32 s4, s13;
	s9 =	sadd.s32 s4, s15;
	s29 =	sadd.s32 s24, s0  }
0x4a: {  	s13 =	simm.s32 $0x1;
	s15 =	simm.s32 $0x1A000;
	[smem:$0x7F4] =	sst s10  }
0x4b: {  	s4 =	simm.s32 $0x1B000;
	[smem:$0x7F6] =	sst s9;
	s31 =	sadd.s32 $0x200, s29  }
0x4c: {  	v0 =	vimm.f32 $0.0e+00;
	s9 =	simm.s32 $0x1000;
	s10 =	simm.s32 $0x3;
	_ =	strace $0x80000047  }
.LBB2_1:
0x4d: {  	s0 =	rddreg [dreg:$0x5]  }
0x4e: {  	[tilespmem:s1], [sflag:$0x1] =	stream.linear.gather [hbm4b:s0+s1], $0x1000, $0x38;
	[tilespmem:$0x1C100] =	vst v63  }
0x4f: {  	s6 =	rddreg [dreg:$0xd]  }
0x50: {  	[tilespmem:s9], [sflag:$0x1] =	stream.linear.gather [hbm4b:s6+s1], $0x1000, $0x38;
	[tilespmem:$0x1C100] =	vst v63  }
0x51: {  	s7 =	rddreg [dreg:$0xe];
	s2 =	simm.s32 $0x4000  }
0x52: {  	[tilespmem:s2], [sflag:$0x1] =	stream.linear.gather [hbm4b:s7+s1], $0x1000, $0x38;
	[tilespmem:$0x1C100] =	vst v63  }
0x53: {  	s8 =	rddreg [dreg:$0xf];
	s11 =	simm.s32 $0x2000  }
0x54: {  	[tilespmem:s11], [sflag:$0x1] =	stream.linear.gather [hbm4b:s8+s1], $0x1000, $0x38;
	[tilespmem:$0x1C100] =	vst v63  }
0x55: {  	s12 =	rddreg [dreg:$0x10];
	s14 =	simm.s32 $0x5000  }
0x56: {  	[tilespmem:s14], [sflag:$0x1] =	stream.linear.gather [hbm4b:s12+s1], $0x1000, $0x38;
	[tilespmem:$0x1C100] =	vst v63  }
0x57: {  	s19 =	rddreg [dreg:$0x11];
	s20 =	simm.s32 $0x3000  }
0x58: {  	[tilespmem:s20], [sflag:$0x1] =	stream.linear.gather [hbm4b:s19+s1], $0x1000, $0x38;
	[tilespmem:$0x1C100] =	vst v63  }
0x59: {  	s21 =	rddreg [dreg:$0x12];
	s22 =	simm.s32 $0x6000  }
0x5a: {  	[tilespmem:s22], [sflag:$0x1] =	stream.linear.gather [hbm4b:s21+s1], $0x1000, $0x38;
	[tilespmem:$0x1C100] =	vst v63  }
0x5b: {  	s23 =	rddreg [dreg:$0x6];
	s24 =	simm.s32 $0x7000  }
0x5c: {  	[tilespmem:s24], [sflag:$0x2] =	stream.linear.gather [hbm4b:s23+s1], $0x1000, $0x38;
	[tilespmem:$0x1C100] =	vst v63  }
0x5d: {  	s6 =	rddreg [dreg:$0x13];
	s7 =	simm.s32 $0x8000  }
0x5e: {  	[tilespmem:s7], [sflag:$0x2] =	stream.linear.gather [hbm4b:s6+s1], $0x1000, $0x38;
	[tilespmem:$0x1C100] =	vst v63  }
0x5f: {  	s8 =	rddreg [dreg:$0x14];
	s11 =	simm.s32 $0xB000  }
0x60: {  	[tilespmem:s11], [sflag:$0x2] =	stream.linear.gather [hbm4b:s8+s1], $0x1000, $0x38;
	[tilespmem:$0x1C100] =	vst v63  }
0x61: {  	s12 =	rddreg [dreg:$0x15];
	s14 =	simm.s32 $0x9000  }
0x62: {  	[tilespmem:s14], [sflag:$0x2] =	stream.linear.gather [hbm4b:s12+s1], $0x1000, $0x38;
	[tilespmem:$0x1C100] =	vst v63  }
0x63: {  	s19 =	rddreg [dreg:$0x16];
	s20 =	simm.s32 $0xC000  }
0x64: {  	[tilespmem:s20], [sflag:$0x2] =	stream.linear.gather [hbm4b:s19+s1], $0x1000, $0x38;
	[tilespmem:$0x1C100] =	vst v63  }
0x65: {  	s21 =	rddreg [dreg:$0x17];
	s22 =	simm.s32 $0xA000  }
0x66: {  	[tilespmem:s22], [sflag:$0x2] =	stream.linear.gather [hbm4b:s21+s1], $0x1000, $0x38;
	[tilespmem:$0x1C100] =	vst v63  }
0x67: {  	s23 =	rddreg [dreg:$0x18];
	s24 =	simm.s32 $0xD000  }
0x68: {  	[tilespmem:s24], [sflag:$0x2] =	stream.linear.gather [hbm4b:s23+s1], $0x1000, $0x38;
	[tilespmem:$0x1C100] =	vst v63  }
0x69: {  	s6 =	rddreg [dreg:$0x7];
	s7 =	simm.s32 $0xE000  }
0x6a: {  	[tilespmem:s7], [sflag:$0x3] =	stream.linear.gather [hbm4b:s6+s1], $0x1000, $0x38;
	[tilespmem:$0x1C100] =	vst v63  }
0x6b: {  	s8 =	rddreg [dreg:$0x19];
	s11 =	simm.s32 $0xF000  }
0x6c: {  	[tilespmem:s11], [sflag:$0x3] =	stream.linear.gather [hbm4b:s8+s1], $0x1000, $0x38;
	[tilespmem:$0x1C100] =	vst v63  }
0x6d: {  	s12 =	rddreg [dreg:$0x1a];
	s14 =	simm.s32 $0x12000  }
0x6e: {  	[tilespmem:s14], [sflag:$0x3] =	stream.linear.gather [hbm4b:s12+s1], $0x1000, $0x38;
	[tilespmem:$0x1C100] =	vst v63  }
0x6f: {  	s19 =	rddreg [dreg:$0x1b];
	s20 =	simm.s32 $0x10000  }
0x70: {  	[tilespmem:s20], [sflag:$0x3] =	stream.linear.gather [hbm4b:s19+s1], $0x1000, $0x38;
	[tilespmem:$0x1C100] =	vst v63  }
0x71: {  	s21 =	rddreg [dreg:$0x1c];
	s22 =	simm.s32 $0x13000  }
0x72: {  	[tilespmem:s22], [sflag:$0x3] =	stream.linear.gather [hbm4b:s21+s1], $0x1000, $0x38;
	[tilespmem:$0x1C100] =	vst v63  }
0x73: {  	s23 =	rddreg [dreg:$0x1d];
	s24 =	simm.s32 $0x11000  }
0x74: {  	[tilespmem:s24], [sflag:$0x3] =	stream.linear.gather [hbm4b:s23+s1], $0x1000, $0x38;
	[tilespmem:$0x1C100] =	vst v63  }
0x75: {  	s2 =	rddreg [dreg:$0x1e];
	s6 =	simm.s32 $0x14000  }
0x76: {  	[tilespmem:s6], [sflag:$0x3] =	stream.linear.gather [hbm4b:s2+s1], $0x1000, $0x38;
	[tilespmem:$0x1C100] =	vst v63  }
0x77: {  	_ =	swait.ge [sflag:s13], $0x1000  }
0x78: {  	[sflag:s13] =	ssyncset.done $0x0  }
0x79: {  	[sflag:s13] =	ssyncadd.s32 $0xFFFFF000  }
0x7a: {  	_ =	swait.ge [sflag:s13], $0x1000  }
0x7b: {  	[sflag:s13] =	ssyncset.done $0x0  }
0x7c: {  	[sflag:s13] =	ssyncadd.s32 $0xFFFFF000  }
0x7d: {  	_ =	swait.ge [sflag:s13], $0x1000  }
0x7e: {  	[sflag:s13] =	ssyncset.done $0x0  }
0x7f: {  	[sflag:s13] =	ssyncadd.s32 $0xFFFFF000  }
0x80: {  	_ =	swait.ge [sflag:s13], $0x1000  }
0x81: {  	[sflag:s13] =	ssyncset.done $0x0  }
0x82: {  	[sflag:s13] =	ssyncadd.s32 $0xFFFFF000  }
0x83: {  	_ =	swait.ge [sflag:s13], $0x1000  }
0x84: {  	[sflag:s13] =	ssyncset.done $0x0  }
0x85: {  	[sflag:s13] =	ssyncadd.s32 $0xFFFFF000  }
0x86: {  	_ =	swait.ge [sflag:s13], $0x1000  }
0x87: {  	[sflag:s13] =	ssyncset.done $0x0  }
0x88: {  	[sflag:s13] =	ssyncadd.s32 $0xFFFFF000  }
0x89: {  	_ =	swait.ge [sflag:s13], $0x1000  }
0x8a: {  	[sflag:s13] =	ssyncset.done $0x0;
	s7 =	rddreg [dreg:$0x8]  }
0x8b: {  	s8 =	simm.s32 $0x15000;
	s11 =	rddreg [dreg:$0x1f];
	[sflag:s13] =	ssyncadd.s32 $0xFFFFF000  }
0x8c: {  	[tilespmem:s8], [sflag:$0x4] =	stream.linear.gather [hbm4b:s7+s1], $0x1000, $0x38;
	[tilespmem:$0x1C100] =	vst v63  }
0x8d: {  	s12 =	simm.s32 $0x16000;
	s14 =	sld [smem:$0x7E4]  }
0x8e: {  	[tilespmem:s12], [sflag:$0x4] =	stream.linear.gather [hbm4b:s11+s1], $0x1000, $0x38;
	[tilespmem:$0x1C100] =	vst v63  }
0x8f: {  	s19 =	simm.s32 $0x19000;
	s20 =	sld [smem:$0x7E5]  }
0x90: {  	[tilespmem:s19], [sflag:$0x4] =	stream.linear.gather [hbm4b:s14+s1], $0x1000, $0x38;
	[tilespmem:$0x1C100] =	vst v63  }
0x91: {  	s21 =	simm.s32 $0x17000;
	s22 =	sld [smem:$0x7E6]  }
0x92: {  	[tilespmem:s21], [sflag:$0x4] =	stream.linear.gather [hbm4b:s20+s1], $0x1000, $0x38;
	[tilespmem:$0x1C100] =	vst v63  }
0x93: {  	s23 =	sld [smem:$0x7E7]  }
0x94: {  	[tilespmem:s15], [sflag:$0x4] =	stream.linear.gather [hbm4b:s22+s1], $0x1000, $0x38;
	[tilespmem:$0x1C100] =	vst v63  }
0x95: {  	s24 =	sld [smem:$0x7E8]  }
0x96: {  	v6 =	vimm.f32 $0.0e+00;
	v7 =	vimm.f32 $0.0e+00;
	[tilespmem:s3], [sflag:$0x4] =	stream.linear.gather [hbm4b:s23+s1], $0x1000, $0x38;
	[tilespmem:$0x1C100] =	vst v63  }
0x97: {  	v1 =	vimm.f32 $0.0e+00;
	v2 =	vimm.f32 $0.0e+00;
	v5 =	vimm.f32 $0.0e+00;
	s11 =	simm.s32 $0x0  }
0x98: {  	v4 =	vimm.f32 $0.0e+00;
	v3 =	vimm.f32 $0.0e+00;
	v8 =	vimm.f32 $0.0e+00;
	[tilespmem:s4], [sflag:$0x4] =	stream.linear.gather [hbm4b:s24+s1], $0x1000, $0x38;
	[tilespmem:$0x1C100] =	vst v63  }
.LBB2_2:
0x99: {  	s6 =	sshll.u32 s11, $0x7;
	s0 =	simm.s32 $0x0  }
0x9a: {  	s7 =	sor.u32 $0x30, s6;
	s8 =	sand.u32 $0x40, s0  }
0x9b: {  	s20 =	sor.u32 $0x20, s6;
	s0 =	sand.u32 $0xC00, s0;
	s12 =	sor.u32 s7, s8  }
0x9c: {  	s21 =	sor.u32 s20, s8;
	s19 =	sor.u32 s0, s12  }
0x9d: {  	s21 =	sor.u32 s0, s21;
	v10 =	vld [tilespmem:s19+$0x1000]  }
0x9e: {  	v11 =	vld [tilespmem:s21+$0x4000]  }
0x9f: {  	v9 =	vld [tilespmem:s19+$0x5000]  }
0xa0: {  	v13 =	vld [tilespmem:s21+$0x1000]  }
0xa1: {  	s22 =	sor.u32 s6, s8;
	v14 =	vld [tilespmem:s21+$0x5000]  }
0xa2: {  	s22 =	sor.u32 s0, s22;
	v15 =	vld [tilespmem:s21+$0x2000]  }
0xa3: {  	v16 =	vld [tilespmem:s22+$0x0]  }
0xa4: {  	v17 =	vld [tilespmem:s22+$0x4000]  }
0xa5: {  	v18 =	vld [tilespmem:s22+$0x1000]  }
0xa6: {  	v12 =	vld [tilespmem:s22+$0x6000]  }
0xa7: {  	s12 =	sor.u32 $0x10, s6;
	v22 =	vld [tilespmem:s22+$0x5000]  }
0xa8: {  	s8 =	sor.u32 s12, s8;
	v26 =	vld [tilespmem:s22+$0x2000]  }
0xa9: {  	v20 =	vld [tilespmem:s19+$0x4000];
	s0 =	sor.u32 s0, s8  }
0xaa: {  	v21 =	vld [tilespmem:s0+$0x4000]  }
0xab: {  	v24 =	vld [tilespmem:s0+$0x5000]  }
0xac: {  	v19 =	vld [tilespmem:s0+$0x0]  }
0xad: {  	v25 =	vld [tilespmem:s0+$0x6000]  }
0xae: {  	v17 =	vsub.f32 v18, v17;
	v18 =	vld [tilespmem:s0+$0x3000]  }
0xaf: {  	v23 =	vld [tilespmem:s0+$0x1000];
	v15 =	vsub.f32 v15, v14  }
0xb0: {  	vm1 =	vgt.f32 v16, $9.999999770e-03;
	v11 =	vsub.f32 v13, v11;
	v16 =	vand.u32 $0x7FFFFFFF, v17;
	v17 =	vld [tilespmem:s0+$0x2000]  }
0xb1: {  	v14 =	vld [tilespmem:s21+$0x0];
	v13 =	vsub.f32 v26, v22;
	vm0 =	vgt.f32 v19, $9.999999770e-03;
	v19 =	vsel vm1, $0x3F800000, v0  }
0xb2: {  	v11 =	vand.u32 $0x7FFFFFFF, v11;
	v16 =	vnsel vm1, $0x0, v16;
	v7 =	vadd.f32 v19, v7;
	v19 =	vld [tilespmem:s22+$0x3000]  }
0xb3: {  	v8 =	vadd.f32 v16, v8;
	v16 =	vand.u32 $0x7FFFFFFF, v15;
	v15 =	vld [tilespmem:s21+$0x6000];
	v25 =	vsub.f32 v18, v25  }
0xb4: {  	v22 =	vand.u32 $0x7FFFFFFF, v13;
	v23 =	vsub.f32 v23, v21;
	v63 =	vsel vm0, $0x3F800000, v0;
	v18 =	vld [tilespmem:s19+$0x2000]  }
0xb5: {  	s8 =	simm.s32 $0x40;
	s0 =	simm.s32 $0x200;
	v6 =	vadd.f32 v63, v6;
	v21 =	vsub.f32 v17, v24;
	v13 =	vand.u32 $0x7FFFFFFF, v25;
	v17 =	vld [tilespmem:s19+$0x0]  }
.LBB2_3:
0xb6: {  	s23 =	sand.u32 $0x40, s8  }
0xb7: {  	s2 =	sand.u32 $0xC00, s0;
	v22 =	vnsel vm1, $0x0, v22;
	v23 =	vand.u32 $0x7FFFFFFF, v23;
	v24 =	vld [tilespmem:s21+$0x3000];
	v20 =	vsub.f32 v10, v20;
	s21 =	smov.u32 s8;
	s22 =	sadd.s32 $0x40, s8  }
0xb8: {  	s14 =	sor.u32 s6, s23;
	s21 =	sor.u32 s20, s23;
	s24 =	sor.u32 s7, s23;
	v12 =	vsub.f32 v19, v12;
	v19 =	vnsel vm0, $0x0, v23;
	v10 =	vand.u32 $0x7FFFFFFF, v21;
	v21 =	vld [tilespmem:s19+$0x3000]  }
0xb9: {  	p0 =	sne.s32 s8, $0x1C0;
	v4 =	vadd.f32 v22, v4;
	s21 =	sor.u32 s2, s21;
	v22 =	vnsel vm0, $0x0, v10;
	v9 =	vsub.f32 v18, v9;
	v18 =	vld [tilespmem:s19+$0x6000];
	s19 =	sor.u32 s2, s24  }
0xba: {  	vm2 =	vgt.f32 v14, $9.999999770e-03;
	s8 =	sor.u32 s2, s14;
	v14 =	vand.u32 $0x7FFFFFFF, v20;
	v10 =	vld [tilespmem:s19+$0x1000];
	v12 =	vand.u32 $0x7FFFFFFF, v12  }
0xbb: {  	v16 =	vnsel vm2, $0x0, v16;
	v20 =	vld [tilespmem:s21+$0x4000];
	v12 =	vnsel vm1, $0x0, v12;
	v23 =	vand.u32 $0x7FFFFFFF, v9  }
0xbc: {  	v5 =	vadd.f32 v22, v5;
	vm1 =	vgt.f32 v17, $9.999999770e-03;
	v9 =	vld [tilespmem:s19+$0x5000];
	v15 =	vsub.f32 v24, v15  }
0xbd: {  	v3 =	vadd.f32 v19, v3;
	v4 =	vadd.f32 v16, v4;
	v14 =	vnsel vm1, $0x0, v14;
	v17 =	vld [tilespmem:s21+$0x1000]  }
0xbe: {  	v11 =	vnsel vm2, $0x0, v11;
	s14 =	sor.u32 s12, s23;
	v2 =	vadd.f32 v12, v2;
	v16 =	vld [tilespmem:s21+$0x5000];
	v12 =	vand.u32 $0x7FFFFFFF, v15  }
0xbf: {  	s2 =	sor.u32 s2, s14;
	v19 =	vsel vm1, $0x3F800000, v0;
	v22 =	vnsel vm1, $0x0, v23;
	v15 =	vld [tilespmem:s21+$0x2000];
	v12 =	vnsel vm2, $0x0, v12  }
0xc0: {  	v13 =	vnsel vm0, $0x0, v13;
	v6 =	vadd.f32 v19, v6;
	v18 =	vsub.f32 v21, v18;
	v23 =	vld [tilespmem:s8+$0x0]  }
0xc1: {  	v1 =	vadd.f32 v13, v1;
	v13 =	vsel vm2, $0x3F800000, v0;
	v3 =	vadd.f32 v14, v3;
	v19 =	vld [tilespmem:s8+$0x4000]  }
0xc2: {  	v7 =	vadd.f32 v13, v7;
	v2 =	vadd.f32 v12, v2;
	v12 =	vand.u32 $0x7FFFFFFF, v18;
	v21 =	vld [tilespmem:s2+$0x4000]  }
0xc3: {  	v8 =	vadd.f32 v11, v8;
	v5 =	vadd.f32 v22, v5;
	v11 =	vnsel vm1, $0x0, v12;
	v13 =	vld [tilespmem:s8+$0x1000]  }
0xc4: {  	v1 =	vadd.f32 v11, v1;
	v24 =	vld [tilespmem:s2+$0x5000];
	v15 =	vsub.f32 v15, v16  }
0xc5: {  	v12 =	vld [tilespmem:s8+$0x6000]  }
0xc6: {  	v16 =	vld [tilespmem:s2+$0x1000]  }
0xc7: {  	v11 =	vld [tilespmem:s2+$0x0]  }
0xc8: {  	v13 =	vsub.f32 v13, v19;
	v18 =	vld [tilespmem:s8+$0x5000]  }
0xc9: {  	v22 =	vld [tilespmem:s2+$0x6000]  }
0xca: {  	v19 =	vld [tilespmem:s8+$0x2000]  }
0xcb: {  	vm1 =	vgt.f32 v23, $9.999999770e-03;
	v13 =	vand.u32 $0x7FFFFFFF, v13;
	v23 =	vld [tilespmem:s2+$0x3000]  }
0xcc: {  	v25 =	vsel vm1, $0x3F800000, v0;
	v13 =	vnsel vm1, $0x0, v13;
	vm0 =	vgt.f32 v11, $9.999999770e-03;
	v14 =	vld [tilespmem:s21+$0x0]  }
0xcd: {  	v7 =	vadd.f32 v25, v7;
	v25 =	vld [tilespmem:s2+$0x2000]  }
.Ltmp0:
0xce: {  	v11 =	vsub.f32 v17, v20;
	v20 =	vld [tilespmem:s19+$0x4000];
	(pc) =	sbr.rel @p0 .LBB2_3-.Ltmp0, $4  }
0xcf: {  	v26 =	vsel vm0, $0x3F800000, v0;
	v17 =	vsub.f32 v19, v18;
	v19 =	vld [tilespmem:s8+$0x3000]  }
0xd0: {  	v8 =	vadd.f32 v13, v8;
	v11 =	vand.u32 $0x7FFFFFFF, v11;
	v13 =	vsub.f32 v23, v22;
	v18 =	vld [tilespmem:s19+$0x2000]  }
0xd1: {  	v23 =	vsub.f32 v16, v21;
	v16 =	vand.u32 $0x7FFFFFFF, v15;
	v22 =	vand.u32 $0x7FFFFFFF, v17;
	v15 =	vld [tilespmem:s21+$0x6000]  }
0xd2: {  	s0 =	sadd.s32 $0x200, s0;
	v6 =	vadd.f32 v26, v6;
	s8 =	smov.u32 s22;
	v21 =	vsub.f32 v25, v24;
	v13 =	vand.u32 $0x7FFFFFFF, v13;
	v17 =	vld [tilespmem:s19+$0x0]  }
0xd3: {  	v22 =	vnsel vm1, $0x0, v22;
	v23 =	vand.u32 $0x7FFFFFFF, v23  }
0xd4: {  	v10 =	vsub.f32 v10, v20;
	vm2 =	vgt.f32 v14, $9.999999770e-03;
	v13 =	vnsel vm0, $0x0, v13  }
0xd5: {  	v24 =	vld [tilespmem:s21+$0x3000];
	v12 =	vsub.f32 v19, v12;
	v57 =	vand.u32 $0x7FFFFFFF, v21;
	v58 =	vnsel vm0, $0x0, v23  }
0xd6: {  	v59 =	vld [tilespmem:s19+$0x3000];
	v4 =	vadd.f32 v22, v4;
	v16 =	vnsel vm2, $0x0, v16;
	v11 =	vnsel vm2, $0x0, v11  }
0xd7: {  	v60 =	vld [tilespmem:s19+$0x6000];
	v1 =	vadd.f32 v13, v1;
	v63 =	vsel vm2, $0x3F800000, v0;
	v19 =	vnsel vm0, $0x0, v57  }
0xd8: {  	v9 =	vsub.f32 v18, v9;
	v10 =	vand.u32 $0x7FFFFFFF, v10;
	v3 =	vadd.f32 v58, v3  }
0xd9: {  	v7 =	vadd.f32 v63, v7;
	v8 =	vadd.f32 v11, v8;
	v12 =	vand.u32 $0x7FFFFFFF, v12  }
0xda: {  	s11 =	sadd.s32 $0x1, s11;
	v5 =	vadd.f32 v19, v5;
	v4 =	vadd.f32 v16, v4;
	v12 =	vnsel vm1, $0x0, v12  }
0xdb: {  	p0 =	sne.s32 s11, $0x8;
	v9 =	vand.u32 $0x7FFFFFFF, v9;
	vm15 =	vgt.f32 v17, $9.999999770e-03;
	v15 =	vsub.f32 v24, v15  }
.Ltmp1:
0xdc: {  	v10 =	vnsel vm15, $0x0, v10;
	v62 =	vsel vm15, $0x3F800000, v0;
	v14 =	vsub.f32 v59, v60;
	(pc) =	sbr.rel @p0 .LBB2_2-.Ltmp1, $4  }
0xdd: {  	v2 =	vadd.f32 v12, v2;
	v9 =	vnsel vm15, $0x0, v9;
	v6 =	vadd.f32 v62, v6  }
0xde: {  	v3 =	vadd.f32 v10, v3;
	v61 =	vand.u32 $0x7FFFFFFF, v15;
	v10 =	vand.u32 $0x7FFFFFFF, v14  }
0xdf: {  	v5 =	vadd.f32 v9, v5;
	v12 =	vnsel vm2, $0x0, v61;
	v10 =	vnsel vm15, $0x0, v10  }
0xe0: {  	v2 =	vadd.f32 v12, v2;
	v1 =	vadd.f32 v10, v1  }
0xe1: {  	_ =	swait.ge [sflag:s16], $0x1000  }
0xe2: {  	[sflag:s16] =	ssyncset.done $0x0  }
0xe3: {  	[sflag:s16] =	ssyncadd.s32 $0xFFFFF000  }
0xe4: {  	_ =	swait.ge [sflag:s16], $0x1000  }
0xe5: {  	[sflag:s16] =	ssyncset.done $0x0  }
0xe6: {  	[sflag:s16] =	ssyncadd.s32 $0xFFFFF000  }
0xe7: {  	_ =	swait.ge [sflag:s16], $0x1000  }
0xe8: {  	[sflag:s16] =	ssyncset.done $0x0  }
0xe9: {  	[sflag:s16] =	ssyncadd.s32 $0xFFFFF000  }
0xea: {  	_ =	swait.ge [sflag:s16], $0x1000  }
0xeb: {  	[sflag:s16] =	ssyncset.done $0x0  }
0xec: {  	[sflag:s16] =	ssyncadd.s32 $0xFFFFF000  }
0xed: {  	_ =	swait.ge [sflag:s16], $0x1000  }
0xee: {  	[sflag:s16] =	ssyncset.done $0x0  }
0xef: {  	[sflag:s16] =	ssyncadd.s32 $0xFFFFF000  }
0xf0: {  	_ =	swait.ge [sflag:s16], $0x1000  }
0xf1: {  	[sflag:s16] =	ssyncset.done $0x0  }
0xf2: {  	[sflag:s16] =	ssyncadd.s32 $0xFFFFF000  }
0xf3: {  	_ =	swait.ge [sflag:s16], $0x1000  }
0xf4: {  	[sflag:s16] =	ssyncset.done $0x0;
	s0 =	rddreg [dreg:$0x9]  }
0xf5: {  	s11 =	simm.s32 $0x0;
	s8 =	sld [smem:$0x7E9];
	[sflag:s16] =	ssyncadd.s32 $0xFFFFF000  }
0xf6: {  	[tilespmem:s11], [sflag:$0x1] =	stream.linear.gather [hbm4b:s0+s11], $0x1000, $0x38;
	[tilespmem:$0x1C100] =	vst v63  }
0xf7: {  	_ = 	snop  }
0xf8: {  	[tilespmem:s9], [sflag:$0x1] =	stream.linear.gather [hbm4b:s8+s11], $0x1000, $0x38;
	[tilespmem:$0x1C100] =	vst v63  }
0xf9: {  	s9 =	sld [smem:$0x7EA];
	_ =	sdelay $0x1  }
0xfa: {  	s2 =	simm.s32 $0x4000;
	s12 =	sld [smem:$0x7EB]  }
0xfb: {  	[tilespmem:s2], [sflag:$0x1] =	stream.linear.gather [hbm4b:s9+s11], $0x1000, $0x38;
	[tilespmem:$0x1C100] =	vst v63  }
0xfc: {  	s14 =	simm.s32 $0x2000;
	s19 =	sld [smem:$0x7EC]  }
0xfd: {  	[tilespmem:s14], [sflag:$0x1] =	stream.linear.gather [hbm4b:s12+s11], $0x1000, $0x38;
	[tilespmem:$0x1C100] =	vst v63  }
0xfe: {  	s20 =	simm.s32 $0x5000;
	s21 =	sld [smem:$0x7ED]  }
0xff: {  	[tilespmem:s20], [sflag:$0x1] =	stream.linear.gather [hbm4b:s19+s11], $0x1000, $0x38;
	[tilespmem:$0x1C100] =	vst v63  }
0x100: {  	s22 =	simm.s32 $0x3000;
	s23 =	sld [smem:$0x7EE]  }
0x101: {  	[tilespmem:s22], [sflag:$0x1] =	stream.linear.gather [hbm4b:s21+s11], $0x1000, $0x38;
	[tilespmem:$0x1C100] =	vst v63  }
0x102: {  	s24 =	simm.s32 $0x6000;
	s19 =	simm.s32 $0x0  }
0x103: {  	[tilespmem:s24], [sflag:$0x1] =	stream.linear.gather [hbm4b:s23+s11], $0x1000, $0x38;
	[tilespmem:$0x1C100] =	vst v63  }
.LBB2_6:
0x104: {  	s7 =	sshll.u32 s19, $0x7  }
0x105: {  	s2 =	sand.u32 $0x40, s11;
	s20 =	sor.u32 $0x30, s7  }
0x106: {  	s8 =	sand.u32 $0xC00, s11;
	s12 =	sor.u32 $0x20, s7;
	s0 =	sor.u32 s20, s2  }
0x107: {  	s14 =	sor.u32 s12, s2;
	s6 =	sor.u32 s8, s0  }
0x108: {  	s0 =	sor.u32 s8, s14;
	v10 =	vld [tilespmem:s6+$0x8000]  }
0x109: {  	v11 =	vld [tilespmem:s0+$0xB000]  }
0x10a: {  	v9 =	vld [tilespmem:s6+$0xC000]  }
0x10b: {  	v13 =	vld [tilespmem:s0+$0x8000]  }
0x10c: {  	s24 =	sor.u32 s7, s2;
	v14 =	vld [tilespmem:s0+$0xC000]  }
0x10d: {  	s21 =	sor.u32 $0x10, s7;
	s14 =	sor.u32 s8, s24;
	v15 =	vld [tilespmem:s0+$0x9000]  }
0x10e: {  	s2 =	sor.u32 s21, s2;
	v16 =	vld [tilespmem:s14+$0x7000]  }
0x10f: {  	s2 =	sor.u32 s8, s2;
	v17 =	vld [tilespmem:s14+$0xB000]  }
0x110: {  	v21 =	vld [tilespmem:s2+$0xB000]  }
0x111: {  	v18 =	vld [tilespmem:s14+$0x8000]  }
0x112: {  	v24 =	vld [tilespmem:s2+$0xC000]  }
0x113: {  	v12 =	vld [tilespmem:s14+$0xD000]  }
0x114: {  	v23 =	vld [tilespmem:s2+$0x8000]  }
0x115: {  	v19 =	vld [tilespmem:s2+$0x7000]  }
0x116: {  	v22 =	vld [tilespmem:s14+$0xC000]  }
0x117: {  	v26 =	vld [tilespmem:s14+$0x9000]  }
0x118: {  	v25 =	vld [tilespmem:s2+$0xD000]  }
0x119: {  	v17 =	vsub.f32 v18, v17;
	v18 =	vld [tilespmem:s2+$0xA000]  }
0x11a: {  	v20 =	vld [tilespmem:s6+$0xB000];
	v15 =	vsub.f32 v15, v14  }
0x11b: {  	vm1 =	vgt.f32 v16, $9.999999770e-03;
	vm0 =	vgt.f32 v19, $9.999999770e-03;
	v16 =	vand.u32 $0x7FFFFFFF, v17;
	v17 =	vld [tilespmem:s2+$0x9000]  }
0x11c: {  	v14 =	vld [tilespmem:s0+$0x7000];
	v11 =	vsub.f32 v13, v11;
	v13 =	vsub.f32 v26, v22;
	v19 =	vsel vm1, $0x3F800000, v0  }
0x11d: {  	v23 =	vsub.f32 v23, v21;
	v7 =	vadd.f32 v19, v7;
	v19 =	vld [tilespmem:s14+$0xA000];
	v16 =	vnsel vm1, $0x0, v16  }
0x11e: {  	v8 =	vadd.f32 v16, v8;
	v16 =	vand.u32 $0x7FFFFFFF, v15;
	v15 =	vld [tilespmem:s0+$0xD000];
	v25 =	vsub.f32 v18, v25  }
0x11f: {  	v63 =	vsel vm0, $0x3F800000, v0;
	v11 =	vand.u32 $0x7FFFFFFF, v11;
	v22 =	vand.u32 $0x7FFFFFFF, v13;
	v18 =	vld [tilespmem:s6+$0x9000]  }
0x120: {  	s23 =	simm.s32 $0x40;
	s22 =	simm.s32 $0x200;
	v6 =	vadd.f32 v63, v6;
	v21 =	vsub.f32 v17, v24;
	v13 =	vand.u32 $0x7FFFFFFF, v25;
	v17 =	vld [tilespmem:s6+$0x7000]  }
.LBB2_7:
0x121: {  	s2 =	sand.u32 $0x40, s23  }
0x122: {  	s14 =	sand.u32 $0xC00, s22;
	v22 =	vnsel vm1, $0x0, v22;
	v23 =	vand.u32 $0x7FFFFFFF, v23;
	v24 =	vld [tilespmem:s0+$0xA000];
	v20 =	vsub.f32 v10, v20;
	s0 =	smov.u32 s23;
	s8 =	sadd.s32 $0x40, s23  }
0x123: {  	s24 =	sor.u32 s7, s2;
	s0 =	sor.u32 s12, s2;
	s9 =	sor.u32 s20, s2;
	v12 =	vsub.f32 v19, v12;
	v19 =	vnsel vm0, $0x0, v23;
	v10 =	vand.u32 $0x7FFFFFFF, v21;
	v21 =	vld [tilespmem:s6+$0xA000]  }
0x124: {  	p0 =	sne.s32 s23, $0x1C0;
	v4 =	vadd.f32 v22, v4;
	s0 =	sor.u32 s14, s0;
	v22 =	vnsel vm0, $0x0, v10;
	v9 =	vsub.f32 v18, v9;
	v18 =	vld [tilespmem:s6+$0xD000];
	s6 =	sor.u32 s14, s9  }
0x125: {  	vm2 =	vgt.f32 v14, $9.999999770e-03;
	s23 =	sor.u32 s14, s24;
	v14 =	vand.u32 $0x7FFFFFFF, v20;
	v10 =	vld [tilespmem:s6+$0x8000];
	v12 =	vand.u32 $0x7FFFFFFF, v12  }
0x126: {  	v16 =	vnsel vm2, $0x0, v16;
	v20 =	vld [tilespmem:s0+$0xB000];
	v12 =	vnsel vm1, $0x0, v12;
	v23 =	vand.u32 $0x7FFFFFFF, v9  }
0x127: {  	v5 =	vadd.f32 v22, v5;
	vm1 =	vgt.f32 v17, $9.999999770e-03;
	v9 =	vld [tilespmem:s6+$0xC000];
	v15 =	vsub.f32 v24, v15  }
0x128: {  	v3 =	vadd.f32 v19, v3;
	v4 =	vadd.f32 v16, v4;
	v14 =	vnsel vm1, $0x0, v14;
	v17 =	vld [tilespmem:s0+$0x8000]  }
0x129: {  	s2 =	sor.u32 s21, s2;
	v11 =	vnsel vm2, $0x0, v11;
	v2 =	vadd.f32 v12, v2;
	v16 =	vld [tilespmem:s0+$0xC000];
	v12 =	vand.u32 $0x7FFFFFFF, v15  }
0x12a: {  	s2 =	sor.u32 s14, s2;
	v19 =	vsel vm1, $0x3F800000, v0;
	v22 =	vnsel vm1, $0x0, v23;
	v15 =	vld [tilespmem:s0+$0x9000];
	v12 =	vnsel vm2, $0x0, v12  }
0x12b: {  	v13 =	vnsel vm0, $0x0, v13;
	v6 =	vadd.f32 v19, v6;
	v18 =	vsub.f32 v21, v18;
	v23 =	vld [tilespmem:s23+$0x7000]  }
0x12c: {  	v1 =	vadd.f32 v13, v1;
	v13 =	vsel vm2, $0x3F800000, v0;
	v3 =	vadd.f32 v14, v3;
	v19 =	vld [tilespmem:s23+$0xB000]  }
0x12d: {  	v7 =	vadd.f32 v13, v7;
	v2 =	vadd.f32 v12, v2;
	v12 =	vand.u32 $0x7FFFFFFF, v18;
	v21 =	vld [tilespmem:s2+$0xB000]  }
0x12e: {  	v8 =	vadd.f32 v11, v8;
	v5 =	vadd.f32 v22, v5;
	v11 =	vnsel vm1, $0x0, v12;
	v13 =	vld [tilespmem:s23+$0x8000]  }
0x12f: {  	v1 =	vadd.f32 v11, v1;
	v24 =	vld [tilespmem:s2+$0xC000];
	v15 =	vsub.f32 v15, v16  }
0x130: {  	v12 =	vld [tilespmem:s23+$0xD000]  }
0x131: {  	v16 =	vld [tilespmem:s2+$0x8000]  }
0x132: {  	v11 =	vld [tilespmem:s2+$0x7000]  }
0x133: {  	v13 =	vsub.f32 v13, v19;
	v18 =	vld [tilespmem:s23+$0xC000]  }
0x134: {  	v22 =	vld [tilespmem:s2+$0xD000]  }
0x135: {  	v19 =	vld [tilespmem:s23+$0x9000]  }
0x136: {  	vm1 =	vgt.f32 v23, $9.999999770e-03;
	v13 =	vand.u32 $0x7FFFFFFF, v13;
	v23 =	vld [tilespmem:s2+$0xA000]  }
0x137: {  	v25 =	vsel vm1, $0x3F800000, v0;
	v13 =	vnsel vm1, $0x0, v13;
	vm0 =	vgt.f32 v11, $9.999999770e-03;
	v14 =	vld [tilespmem:s0+$0x7000]  }
0x138: {  	v7 =	vadd.f32 v25, v7;
	v25 =	vld [tilespmem:s2+$0x9000]  }
.Ltmp2:
0x139: {  	v11 =	vsub.f32 v17, v20;
	v20 =	vld [tilespmem:s6+$0xB000];
	(pc) =	sbr.rel @p0 .LBB2_7-.Ltmp2, $4  }
0x13a: {  	v26 =	vsel vm0, $0x3F800000, v0;
	v17 =	vsub.f32 v19, v18;
	v19 =	vld [tilespmem:s23+$0xA000]  }
0x13b: {  	v8 =	vadd.f32 v13, v8;
	v11 =	vand.u32 $0x7FFFFFFF, v11;
	v13 =	vsub.f32 v23, v22;
	v18 =	vld [tilespmem:s6+$0x9000]  }
0x13c: {  	v23 =	vsub.f32 v16, v21;
	v16 =	vand.u32 $0x7FFFFFFF, v15;
	v22 =	vand.u32 $0x7FFFFFFF, v17;
	v15 =	vld [tilespmem:s0+$0xD000]  }
0x13d: {  	s22 =	sadd.s32 $0x200, s22;
	v6 =	vadd.f32 v26, v6;
	s23 =	smov.u32 s8;
	v21 =	vsub.f32 v25, v24;
	v13 =	vand.u32 $0x7FFFFFFF, v13;
	v17 =	vld [tilespmem:s6+$0x7000]  }
0x13e: {  	v22 =	vnsel vm1, $0x0, v22;
	v23 =	vand.u32 $0x7FFFFFFF, v23  }
0x13f: {  	v10 =	vsub.f32 v10, v20;
	vm2 =	vgt.f32 v14, $9.999999770e-03;
	v13 =	vnsel vm0, $0x0, v13  }
0x140: {  	v24 =	vld [tilespmem:s0+$0xA000];
	v12 =	vsub.f32 v19, v12;
	v57 =	vand.u32 $0x7FFFFFFF, v21;
	v58 =	vnsel vm0, $0x0, v23  }
0x141: {  	v59 =	vld [tilespmem:s6+$0xA000];
	v4 =	vadd.f32 v22, v4;
	v16 =	vnsel vm2, $0x0, v16;
	v11 =	vnsel vm2, $0x0, v11  }
0x142: {  	v60 =	vld [tilespmem:s6+$0xD000];
	v1 =	vadd.f32 v13, v1;
	v63 =	vsel vm2, $0x3F800000, v0;
	v19 =	vnsel vm0, $0x0, v57  }
0x143: {  	v9 =	vsub.f32 v18, v9;
	v10 =	vand.u32 $0x7FFFFFFF, v10;
	v3 =	vadd.f32 v58, v3  }
0x144: {  	v7 =	vadd.f32 v63, v7;
	v8 =	vadd.f32 v11, v8;
	v12 =	vand.u32 $0x7FFFFFFF, v12  }
0x145: {  	s19 =	sadd.s32 $0x1, s19;
	v5 =	vadd.f32 v19, v5;
	v4 =	vadd.f32 v16, v4;
	v12 =	vnsel vm1, $0x0, v12  }
0x146: {  	p0 =	sne.s32 s19, $0x8;
	v9 =	vand.u32 $0x7FFFFFFF, v9;
	vm15 =	vgt.f32 v17, $9.999999770e-03;
	v15 =	vsub.f32 v24, v15  }
.Ltmp3:
0x147: {  	v10 =	vnsel vm15, $0x0, v10;
	v62 =	vsel vm15, $0x3F800000, v0;
	v14 =	vsub.f32 v59, v60;
	(pc) =	sbr.rel @p0 .LBB2_6-.Ltmp3, $4  }
0x148: {  	v2 =	vadd.f32 v12, v2;
	v9 =	vnsel vm15, $0x0, v9;
	v6 =	vadd.f32 v62, v6  }
0x149: {  	v3 =	vadd.f32 v10, v3;
	v61 =	vand.u32 $0x7FFFFFFF, v15;
	v10 =	vand.u32 $0x7FFFFFFF, v14  }
0x14a: {  	v5 =	vadd.f32 v9, v5;
	v12 =	vnsel vm2, $0x0, v61;
	v10 =	vnsel vm15, $0x0, v10  }
0x14b: {  	v2 =	vadd.f32 v12, v2;
	v1 =	vadd.f32 v10, v1  }
0x14c: {  	_ =	swait.ge [sflag:s10], $0x1000  }
0x14d: {  	[sflag:s10] =	ssyncset.done $0x0  }
0x14e: {  	[sflag:s10] =	ssyncadd.s32 $0xFFFFF000  }
0x14f: {  	_ =	swait.ge [sflag:s10], $0x1000  }
0x150: {  	[sflag:s10] =	ssyncset.done $0x0  }
0x151: {  	[sflag:s10] =	ssyncadd.s32 $0xFFFFF000  }
0x152: {  	_ =	swait.ge [sflag:s10], $0x1000  }
0x153: {  	[sflag:s10] =	ssyncset.done $0x0  }
0x154: {  	[sflag:s10] =	ssyncadd.s32 $0xFFFFF000  }
0x155: {  	_ =	swait.ge [sflag:s10], $0x1000  }
0x156: {  	[sflag:s10] =	ssyncset.done $0x0  }
0x157: {  	[sflag:s10] =	ssyncadd.s32 $0xFFFFF000  }
0x158: {  	_ =	swait.ge [sflag:s10], $0x1000  }
0x159: {  	[sflag:s10] =	ssyncset.done $0x0  }
0x15a: {  	[sflag:s10] =	ssyncadd.s32 $0xFFFFF000  }
0x15b: {  	_ =	swait.ge [sflag:s10], $0x1000  }
0x15c: {  	[sflag:s10] =	ssyncset.done $0x0  }
0x15d: {  	[sflag:s10] =	ssyncadd.s32 $0xFFFFF000  }
0x15e: {  	_ =	swait.ge [sflag:s10], $0x1000  }
0x15f: {  	s11 =	simm.s32 $0x0;
	[sflag:s10] =	ssyncset.done $0x0;
	s0 =	rddreg [dreg:$0xa]  }
0x160: {  	s2 =	simm.s32 $0x7000;
	s6 =	sld [smem:$0x7EF];
	[sflag:s10] =	ssyncadd.s32 $0xFFFFF000  }
0x161: {  	[tilespmem:s2], [sflag:$0x2] =	stream.linear.gather [hbm4b:s0+s11], $0x1000, $0x38;
	[tilespmem:$0x1C100] =	vst v63  }
0x162: {  	s7 =	simm.s32 $0x8000;
	s8 =	sld [smem:$0x7F0]  }
0x163: {  	[tilespmem:s7], [sflag:$0x2] =	stream.linear.gather [hbm4b:s6+s11], $0x1000, $0x38;
	[tilespmem:$0x1C100] =	vst v63  }
0x164: {  	s9 =	simm.s32 $0xB000;
	s12 =	sld [smem:$0x7F1]  }
0x165: {  	[tilespmem:s9], [sflag:$0x2] =	stream.linear.gather [hbm4b:s8+s11], $0x1000, $0x38;
	[tilespmem:$0x1C100] =	vst v63  }
0x166: {  	s14 =	simm.s32 $0x9000;
	s19 =	sld [smem:$0x7F2]  }
0x167: {  	[tilespmem:s14], [sflag:$0x2] =	stream.linear.gather [hbm4b:s12+s11], $0x1000, $0x38;
	[tilespmem:$0x1C100] =	vst v63  }
0x168: {  	s20 =	simm.s32 $0xC000;
	s21 =	sld [smem:$0x7F3]  }
0x169: {  	[tilespmem:s20], [sflag:$0x2] =	stream.linear.gather [hbm4b:s19+s11], $0x1000, $0x38;
	[tilespmem:$0x1C100] =	vst v63  }
0x16a: {  	s22 =	simm.s32 $0xA000;
	s23 =	sld [smem:$0x7F4]  }
0x16b: {  	[tilespmem:s22], [sflag:$0x2] =	stream.linear.gather [hbm4b:s21+s11], $0x1000, $0x38;
	[tilespmem:$0x1C100] =	vst v63  }
0x16c: {  	s24 =	simm.s32 $0xD000;
	s19 =	simm.s32 $0x0  }
0x16d: {  	[tilespmem:s24], [sflag:$0x2] =	stream.linear.gather [hbm4b:s23+s11], $0x1000, $0x38;
	[tilespmem:$0x1C100] =	vst v63  }
.LBB2_10:
0x16e: {  	s7 =	sshll.u32 s19, $0x7  }
0x16f: {  	s2 =	sand.u32 $0x40, s11;
	s20 =	sor.u32 $0x30, s7  }
0x170: {  	s8 =	sand.u32 $0xC00, s11;
	s12 =	sor.u32 $0x20, s7;
	s0 =	sor.u32 s20, s2  }
0x171: {  	s9 =	sor.u32 s12, s2;
	s6 =	sor.u32 s8, s0  }
0x172: {  	s0 =	sor.u32 s8, s9;
	v10 =	vld [tilespmem:s6+$0xF000]  }
0x173: {  	v11 =	vld [tilespmem:s0+$0x12000]  }
0x174: {  	v9 =	vld [tilespmem:s6+$0x13000]  }
0x175: {  	v13 =	vld [tilespmem:s0+$0xF000]  }
0x176: {  	s24 =	sor.u32 s7, s2;
	v14 =	vld [tilespmem:s0+$0x13000]  }
0x177: {  	s21 =	sor.u32 $0x10, s7;
	s9 =	sor.u32 s8, s24;
	v15 =	vld [tilespmem:s0+$0x10000]  }
0x178: {  	s2 =	sor.u32 s21, s2;
	v16 =	vld [tilespmem:s9+$0xE000]  }
0x179: {  	s2 =	sor.u32 s8, s2;
	v17 =	vld [tilespmem:s9+$0x12000]  }
0x17a: {  	v21 =	vld [tilespmem:s2+$0x12000]  }
0x17b: {  	v18 =	vld [tilespmem:s9+$0xF000]  }
0x17c: {  	v24 =	vld [tilespmem:s2+$0x13000]  }
0x17d: {  	v12 =	vld [tilespmem:s9+$0x14000]  }
0x17e: {  	v23 =	vld [tilespmem:s2+$0xF000]  }
0x17f: {  	v19 =	vld [tilespmem:s2+$0xE000]  }
0x180: {  	v22 =	vld [tilespmem:s9+$0x13000]  }
0x181: {  	v26 =	vld [tilespmem:s9+$0x10000]  }
0x182: {  	v25 =	vld [tilespmem:s2+$0x14000]  }
0x183: {  	v17 =	vsub.f32 v18, v17;
	v18 =	vld [tilespmem:s2+$0x11000]  }
0x184: {  	v20 =	vld [tilespmem:s6+$0x12000];
	v15 =	vsub.f32 v15, v14  }
0x185: {  	vm1 =	vgt.f32 v16, $9.999999770e-03;
	vm0 =	vgt.f32 v19, $9.999999770e-03;
	v16 =	vand.u32 $0x7FFFFFFF, v17;
	v17 =	vld [tilespmem:s2+$0x10000]  }
0x186: {  	v14 =	vld [tilespmem:s0+$0xE000];
	v11 =	vsub.f32 v13, v11;
	v13 =	vsub.f32 v26, v22;
	v19 =	vsel vm1, $0x3F800000, v0  }
0x187: {  	v23 =	vsub.f32 v23, v21;
	v7 =	vadd.f32 v19, v7;
	v19 =	vld [tilespmem:s9+$0x11000];
	v16 =	vnsel vm1, $0x0, v16  }
0x188: {  	v8 =	vadd.f32 v16, v8;
	v16 =	vand.u32 $0x7FFFFFFF, v15;
	v15 =	vld [tilespmem:s0+$0x14000];
	v25 =	vsub.f32 v18, v25  }
0x189: {  	v63 =	vsel vm0, $0x3F800000, v0;
	v11 =	vand.u32 $0x7FFFFFFF, v11;
	v22 =	vand.u32 $0x7FFFFFFF, v13;
	v18 =	vld [tilespmem:s6+$0x10000]  }
0x18a: {  	s23 =	simm.s32 $0x40;
	s22 =	simm.s32 $0x200;
	v6 =	vadd.f32 v63, v6;
	v21 =	vsub.f32 v17, v24;
	v13 =	vand.u32 $0x7FFFFFFF, v25;
	v17 =	vld [tilespmem:s6+$0xE000]  }
.LBB2_11:
0x18b: {  	s2 =	sand.u32 $0x40, s23  }
0x18c: {  	s9 =	sand.u32 $0xC00, s22;
	v22 =	vnsel vm1, $0x0, v22;
	v23 =	vand.u32 $0x7FFFFFFF, v23;
	v24 =	vld [tilespmem:s0+$0x11000];
	v20 =	vsub.f32 v10, v20;
	s0 =	smov.u32 s23;
	s8 =	sadd.s32 $0x40, s23  }
0x18d: {  	s14 =	sor.u32 s7, s2;
	s0 =	sor.u32 s12, s2;
	s24 =	sor.u32 s20, s2;
	v12 =	vsub.f32 v19, v12;
	v19 =	vnsel vm0, $0x0, v23;
	v10 =	vand.u32 $0x7FFFFFFF, v21;
	v21 =	vld [tilespmem:s6+$0x11000]  }
0x18e: {  	p0 =	sne.s32 s23, $0x1C0;
	v4 =	vadd.f32 v22, v4;
	s0 =	sor.u32 s9, s0;
	v22 =	vnsel vm0, $0x0, v10;
	v9 =	vsub.f32 v18, v9;
	v18 =	vld [tilespmem:s6+$0x14000];
	s6 =	sor.u32 s9, s24  }
0x18f: {  	vm2 =	vgt.f32 v14, $9.999999770e-03;
	s23 =	sor.u32 s9, s14;
	v14 =	vand.u32 $0x7FFFFFFF, v20;
	v10 =	vld [tilespmem:s6+$0xF000];
	v12 =	vand.u32 $0x7FFFFFFF, v12  }
0x190: {  	v16 =	vnsel vm2, $0x0, v16;
	v20 =	vld [tilespmem:s0+$0x12000];
	v12 =	vnsel vm1, $0x0, v12;
	v23 =	vand.u32 $0x7FFFFFFF, v9  }
0x191: {  	v5 =	vadd.f32 v22, v5;
	vm1 =	vgt.f32 v17, $9.999999770e-03;
	v9 =	vld [tilespmem:s6+$0x13000];
	v15 =	vsub.f32 v24, v15  }
0x192: {  	v3 =	vadd.f32 v19, v3;
	v4 =	vadd.f32 v16, v4;
	v14 =	vnsel vm1, $0x0, v14;
	v17 =	vld [tilespmem:s0+$0xF000]  }
0x193: {  	s2 =	sor.u32 s21, s2;
	v11 =	vnsel vm2, $0x0, v11;
	v2 =	vadd.f32 v12, v2;
	v16 =	vld [tilespmem:s0+$0x13000];
	v12 =	vand.u32 $0x7FFFFFFF, v15  }
0x194: {  	s2 =	sor.u32 s9, s2;
	v19 =	vsel vm1, $0x3F800000, v0;
	v22 =	vnsel vm1, $0x0, v23;
	v15 =	vld [tilespmem:s0+$0x10000];
	v12 =	vnsel vm2, $0x0, v12  }
0x195: {  	v13 =	vnsel vm0, $0x0, v13;
	v6 =	vadd.f32 v19, v6;
	v18 =	vsub.f32 v21, v18;
	v23 =	vld [tilespmem:s23+$0xE000]  }
0x196: {  	v1 =	vadd.f32 v13, v1;
	v13 =	vsel vm2, $0x3F800000, v0;
	v3 =	vadd.f32 v14, v3;
	v19 =	vld [tilespmem:s23+$0x12000]  }
0x197: {  	v7 =	vadd.f32 v13, v7;
	v2 =	vadd.f32 v12, v2;
	v12 =	vand.u32 $0x7FFFFFFF, v18;
	v21 =	vld [tilespmem:s2+$0x12000]  }
0x198: {  	v8 =	vadd.f32 v11, v8;
	v5 =	vadd.f32 v22, v5;
	v11 =	vnsel vm1, $0x0, v12;
	v13 =	vld [tilespmem:s23+$0xF000]  }
0x199: {  	v1 =	vadd.f32 v11, v1;
	v24 =	vld [tilespmem:s2+$0x13000];
	v15 =	vsub.f32 v15, v16  }
0x19a: {  	v12 =	vld [tilespmem:s23+$0x14000]  }
0x19b: {  	v16 =	vld [tilespmem:s2+$0xF000]  }
0x19c: {  	v11 =	vld [tilespmem:s2+$0xE000]  }
0x19d: {  	v13 =	vsub.f32 v13, v19;
	v18 =	vld [tilespmem:s23+$0x13000]  }
0x19e: {  	v22 =	vld [tilespmem:s2+$0x14000]  }
0x19f: {  	v19 =	vld [tilespmem:s23+$0x10000]  }
0x1a0: {  	vm1 =	vgt.f32 v23, $9.999999770e-03;
	v13 =	vand.u32 $0x7FFFFFFF, v13;
	v23 =	vld [tilespmem:s2+$0x11000]  }
0x1a1: {  	v25 =	vsel vm1, $0x3F800000, v0;
	v13 =	vnsel vm1, $0x0, v13;
	vm0 =	vgt.f32 v11, $9.999999770e-03;
	v14 =	vld [tilespmem:s0+$0xE000]  }
0x1a2: {  	v7 =	vadd.f32 v25, v7;
	v25 =	vld [tilespmem:s2+$0x10000]  }
.Ltmp4:
0x1a3: {  	v11 =	vsub.f32 v17, v20;
	v20 =	vld [tilespmem:s6+$0x12000];
	(pc) =	sbr.rel @p0 .LBB2_11-.Ltmp4, $4  }
0x1a4: {  	v26 =	vsel vm0, $0x3F800000, v0;
	v17 =	vsub.f32 v19, v18;
	v19 =	vld [tilespmem:s23+$0x11000]  }
0x1a5: {  	v8 =	vadd.f32 v13, v8;
	v11 =	vand.u32 $0x7FFFFFFF, v11;
	v13 =	vsub.f32 v23, v22;
	v18 =	vld [tilespmem:s6+$0x10000]  }
0x1a6: {  	v23 =	vsub.f32 v16, v21;
	v16 =	vand.u32 $0x7FFFFFFF, v15;
	v22 =	vand.u32 $0x7FFFFFFF, v17;
	v15 =	vld [tilespmem:s0+$0x14000]  }
0x1a7: {  	s22 =	sadd.s32 $0x200, s22;
	v6 =	vadd.f32 v26, v6;
	s23 =	smov.u32 s8;
	v21 =	vsub.f32 v25, v24;
	v13 =	vand.u32 $0x7FFFFFFF, v13;
	v17 =	vld [tilespmem:s6+$0xE000]  }
0x1a8: {  	v22 =	vnsel vm1, $0x0, v22;
	v23 =	vand.u32 $0x7FFFFFFF, v23  }
0x1a9: {  	v10 =	vsub.f32 v10, v20;
	vm2 =	vgt.f32 v14, $9.999999770e-03;
	v13 =	vnsel vm0, $0x0, v13  }
0x1aa: {  	v24 =	vld [tilespmem:s0+$0x11000];
	v12 =	vsub.f32 v19, v12;
	v57 =	vand.u32 $0x7FFFFFFF, v21;
	v58 =	vnsel vm0, $0x0, v23  }
0x1ab: {  	v59 =	vld [tilespmem:s6+$0x11000];
	v4 =	vadd.f32 v22, v4;
	v16 =	vnsel vm2, $0x0, v16;
	v11 =	vnsel vm2, $0x0, v11  }
0x1ac: {  	v60 =	vld [tilespmem:s6+$0x14000];
	v1 =	vadd.f32 v13, v1;
	v63 =	vsel vm2, $0x3F800000, v0;
	v19 =	vnsel vm0, $0x0, v57  }
0x1ad: {  	v9 =	vsub.f32 v18, v9;
	v10 =	vand.u32 $0x7FFFFFFF, v10;
	v3 =	vadd.f32 v58, v3  }
0x1ae: {  	v7 =	vadd.f32 v63, v7;
	v8 =	vadd.f32 v11, v8;
	v12 =	vand.u32 $0x7FFFFFFF, v12  }
0x1af: {  	s19 =	sadd.s32 $0x1, s19;
	v5 =	vadd.f32 v19, v5;
	v4 =	vadd.f32 v16, v4;
	v12 =	vnsel vm1, $0x0, v12  }
0x1b0: {  	p0 =	sne.s32 s19, $0x8;
	v9 =	vand.u32 $0x7FFFFFFF, v9;
	vm15 =	vgt.f32 v17, $9.999999770e-03;
	v15 =	vsub.f32 v24, v15  }
.Ltmp5:
0x1b1: {  	v10 =	vnsel vm15, $0x0, v10;
	v62 =	vsel vm15, $0x3F800000, v0;
	v14 =	vsub.f32 v59, v60;
	(pc) =	sbr.rel @p0 .LBB2_10-.Ltmp5, $4  }
0x1b2: {  	v2 =	vadd.f32 v12, v2;
	v9 =	vnsel vm15, $0x0, v9;
	v6 =	vadd.f32 v62, v6  }
0x1b3: {  	v3 =	vadd.f32 v10, v3;
	v61 =	vand.u32 $0x7FFFFFFF, v15;
	v10 =	vand.u32 $0x7FFFFFFF, v14  }
0x1b4: {  	v5 =	vadd.f32 v9, v5;
	v12 =	vnsel vm2, $0x0, v61;
	v10 =	vnsel vm15, $0x0, v10  }
0x1b5: {  	v2 =	vadd.f32 v12, v2;
	v1 =	vadd.f32 v10, v1  }
0x1b6: {  	_ =	swait.ge [sflag:s17], $0x1000  }
0x1b7: {  	[sflag:s17] =	ssyncset.done $0x0  }
0x1b8: {  	[sflag:s17] =	ssyncadd.s32 $0xFFFFF000  }
0x1b9: {  	_ =	swait.ge [sflag:s17], $0x1000  }
0x1ba: {  	[sflag:s17] =	ssyncset.done $0x0  }
0x1bb: {  	[sflag:s17] =	ssyncadd.s32 $0xFFFFF000  }
0x1bc: {  	_ =	swait.ge [sflag:s17], $0x1000  }
0x1bd: {  	[sflag:s17] =	ssyncset.done $0x0  }
0x1be: {  	[sflag:s17] =	ssyncadd.s32 $0xFFFFF000  }
0x1bf: {  	_ =	swait.ge [sflag:s17], $0x1000  }
0x1c0: {  	[sflag:s17] =	ssyncset.done $0x0  }
0x1c1: {  	[sflag:s17] =	ssyncadd.s32 $0xFFFFF000  }
0x1c2: {  	_ =	swait.ge [sflag:s17], $0x1000  }
0x1c3: {  	[sflag:s17] =	ssyncset.done $0x0  }
0x1c4: {  	[sflag:s17] =	ssyncadd.s32 $0xFFFFF000  }
0x1c5: {  	_ =	swait.ge [sflag:s17], $0x1000  }
0x1c6: {  	[sflag:s17] =	ssyncset.done $0x0  }
0x1c7: {  	[sflag:s17] =	ssyncadd.s32 $0xFFFFF000  }
0x1c8: {  	_ =	swait.ge [sflag:s17], $0x1000  }
0x1c9: {  	s11 =	simm.s32 $0x0;
	[sflag:s17] =	ssyncset.done $0x0;
	s0 =	rddreg [dreg:$0xb]  }
0x1ca: {  	s2 =	simm.s32 $0xE000;
	s6 =	sld [smem:$0x7F5];
	[sflag:s17] =	ssyncadd.s32 $0xFFFFF000  }
0x1cb: {  	[tilespmem:s2], [sflag:$0x3] =	stream.linear.gather [hbm4b:s0+s11], $0x1000, $0x38;
	[tilespmem:$0x1C100] =	vst v63  }
0x1cc: {  	s7 =	simm.s32 $0xF000;
	s8 =	sld [smem:$0x7F6]  }
0x1cd: {  	[tilespmem:s7], [sflag:$0x3] =	stream.linear.gather [hbm4b:s6+s11], $0x1000, $0x38;
	[tilespmem:$0x1C100] =	vst v63  }
0x1ce: {  	s9 =	simm.s32 $0x12000;
	s12 =	sld [smem:$0x7F7]  }
0x1cf: {  	[tilespmem:s9], [sflag:$0x3] =	stream.linear.gather [hbm4b:s8+s11], $0x1000, $0x38;
	[tilespmem:$0x1C100] =	vst v63  }
0x1d0: {  	s14 =	simm.s32 $0x10000;
	s19 =	sld [smem:$0x7F8]  }
0x1d1: {  	[tilespmem:s14], [sflag:$0x3] =	stream.linear.gather [hbm4b:s12+s11], $0x1000, $0x38;
	[tilespmem:$0x1C100] =	vst v63  }
0x1d2: {  	s20 =	simm.s32 $0x13000;
	s21 =	sld [smem:$0x7F9]  }
0x1d3: {  	[tilespmem:s20], [sflag:$0x3] =	stream.linear.gather [hbm4b:s19+s11], $0x1000, $0x38;
	[tilespmem:$0x1C100] =	vst v63  }
0x1d4: {  	s22 =	simm.s32 $0x11000;
	s23 =	sld [smem:$0x7FA]  }
0x1d5: {  	[tilespmem:s22], [sflag:$0x3] =	stream.linear.gather [hbm4b:s21+s11], $0x1000, $0x38;
	[tilespmem:$0x1C100] =	vst v63  }
0x1d6: {  	s24 =	simm.s32 $0x14000;
	s19 =	simm.s32 $0x0  }
0x1d7: {  	[tilespmem:s24], [sflag:$0x3] =	stream.linear.gather [hbm4b:s23+s11], $0x1000, $0x38;
	[tilespmem:$0x1C100] =	vst v63  }
.LBB2_14:
0x1d8: {  	s7 =	sshll.u32 s19, $0x7  }
0x1d9: {  	s2 =	sand.u32 $0x40, s11;
	s20 =	sor.u32 $0x30, s7  }
0x1da: {  	s8 =	sand.u32 $0xC00, s11;
	s12 =	sor.u32 $0x20, s7;
	s0 =	sor.u32 s20, s2  }
0x1db: {  	s9 =	sor.u32 s12, s2;
	s6 =	sor.u32 s8, s0  }
0x1dc: {  	s0 =	sor.u32 s8, s9;
	v10 =	vld [tilespmem:s6+$0x16000]  }
0x1dd: {  	v11 =	vld [tilespmem:s0+$0x19000]  }
0x1de: {  	v9 =	vld [tilespmem:s6+$0x1A000]  }
0x1df: {  	v13 =	vld [tilespmem:s0+$0x16000]  }
0x1e0: {  	s24 =	sor.u32 s7, s2;
	v14 =	vld [tilespmem:s0+$0x1A000]  }
0x1e1: {  	s21 =	sor.u32 $0x10, s7;
	s9 =	sor.u32 s8, s24;
	v15 =	vld [tilespmem:s0+$0x17000]  }
0x1e2: {  	s2 =	sor.u32 s21, s2;
	v16 =	vld [tilespmem:s9+$0x15000]  }
0x1e3: {  	s2 =	sor.u32 s8, s2;
	v17 =	vld [tilespmem:s9+$0x19000]  }
0x1e4: {  	v21 =	vld [tilespmem:s2+$0x19000]  }
0x1e5: {  	v18 =	vld [tilespmem:s9+$0x16000]  }
0x1e6: {  	v24 =	vld [tilespmem:s2+$0x1A000]  }
0x1e7: {  	v12 =	vld [tilespmem:s9+$0x1B000]  }
0x1e8: {  	v23 =	vld [tilespmem:s2+$0x16000]  }
0x1e9: {  	v19 =	vld [tilespmem:s2+$0x15000]  }
0x1ea: {  	v22 =	vld [tilespmem:s9+$0x1A000]  }
0x1eb: {  	v26 =	vld [tilespmem:s9+$0x17000]  }
0x1ec: {  	v25 =	vld [tilespmem:s2+$0x1B000]  }
0x1ed: {  	v17 =	vsub.f32 v18, v17;
	v18 =	vld [tilespmem:s2+$0x18000]  }
0x1ee: {  	v20 =	vld [tilespmem:s6+$0x19000];
	v15 =	vsub.f32 v15, v14  }
0x1ef: {  	vm1 =	vgt.f32 v16, $9.999999770e-03;
	vm0 =	vgt.f32 v19, $9.999999770e-03;
	v16 =	vand.u32 $0x7FFFFFFF, v17;
	v17 =	vld [tilespmem:s2+$0x17000]  }
0x1f0: {  	v14 =	vld [tilespmem:s0+$0x15000];
	v11 =	vsub.f32 v13, v11;
	v13 =	vsub.f32 v26, v22;
	v19 =	vsel vm1, $0x3F800000, v0  }
0x1f1: {  	v23 =	vsub.f32 v23, v21;
	v7 =	vadd.f32 v19, v7;
	v19 =	vld [tilespmem:s9+$0x18000];
	v16 =	vnsel vm1, $0x0, v16  }
0x1f2: {  	v8 =	vadd.f32 v16, v8;
	v16 =	vand.u32 $0x7FFFFFFF, v15;
	v15 =	vld [tilespmem:s0+$0x1B000];
	v25 =	vsub.f32 v18, v25  }
0x1f3: {  	v63 =	vsel vm0, $0x3F800000, v0;
	v11 =	vand.u32 $0x7FFFFFFF, v11;
	v22 =	vand.u32 $0x7FFFFFFF, v13;
	v18 =	vld [tilespmem:s6+$0x17000]  }
0x1f4: {  	s23 =	simm.s32 $0x40;
	s22 =	simm.s32 $0x200;
	v6 =	vadd.f32 v63, v6;
	v21 =	vsub.f32 v17, v24;
	v13 =	vand.u32 $0x7FFFFFFF, v25;
	v17 =	vld [tilespmem:s6+$0x15000]  }
.LBB2_15:
0x1f5: {  	s2 =	sand.u32 $0x40, s23  }
0x1f6: {  	s9 =	sand.u32 $0xC00, s22;
	v22 =	vnsel vm1, $0x0, v22;
	v23 =	vand.u32 $0x7FFFFFFF, v23;
	v24 =	vld [tilespmem:s0+$0x18000];
	v20 =	vsub.f32 v10, v20;
	s0 =	smov.u32 s23;
	s8 =	sadd.s32 $0x40, s23  }
0x1f7: {  	s14 =	sor.u32 s7, s2;
	s0 =	sor.u32 s12, s2;
	s24 =	sor.u32 s20, s2;
	v12 =	vsub.f32 v19, v12;
	v19 =	vnsel vm0, $0x0, v23;
	v10 =	vand.u32 $0x7FFFFFFF, v21;
	v21 =	vld [tilespmem:s6+$0x18000]  }
0x1f8: {  	p0 =	sne.s32 s23, $0x1C0;
	v4 =	vadd.f32 v22, v4;
	s0 =	sor.u32 s9, s0;
	v22 =	vnsel vm0, $0x0, v10;
	v9 =	vsub.f32 v18, v9;
	v18 =	vld [tilespmem:s6+$0x1B000];
	s6 =	sor.u32 s9, s24  }
0x1f9: {  	vm2 =	vgt.f32 v14, $9.999999770e-03;
	s23 =	sor.u32 s9, s14;
	v14 =	vand.u32 $0x7FFFFFFF, v20;
	v10 =	vld [tilespmem:s6+$0x16000];
	v12 =	vand.u32 $0x7FFFFFFF, v12  }
0x1fa: {  	v16 =	vnsel vm2, $0x0, v16;
	v20 =	vld [tilespmem:s0+$0x19000];
	v12 =	vnsel vm1, $0x0, v12;
	v23 =	vand.u32 $0x7FFFFFFF, v9  }
0x1fb: {  	v5 =	vadd.f32 v22, v5;
	vm1 =	vgt.f32 v17, $9.999999770e-03;
	v9 =	vld [tilespmem:s6+$0x1A000];
	v15 =	vsub.f32 v24, v15  }
0x1fc: {  	v3 =	vadd.f32 v19, v3;
	v4 =	vadd.f32 v16, v4;
	v14 =	vnsel vm1, $0x0, v14;
	v17 =	vld [tilespmem:s0+$0x16000]  }
0x1fd: {  	s2 =	sor.u32 s21, s2;
	v11 =	vnsel vm2, $0x0, v11;
	v2 =	vadd.f32 v12, v2;
	v16 =	vld [tilespmem:s0+$0x1A000];
	v12 =	vand.u32 $0x7FFFFFFF, v15  }
0x1fe: {  	s2 =	sor.u32 s9, s2;
	v19 =	vsel vm1, $0x3F800000, v0;
	v22 =	vnsel vm1, $0x0, v23;
	v15 =	vld [tilespmem:s0+$0x17000];
	v12 =	vnsel vm2, $0x0, v12  }
0x1ff: {  	v13 =	vnsel vm0, $0x0, v13;
	v6 =	vadd.f32 v19, v6;
	v18 =	vsub.f32 v21, v18;
	v23 =	vld [tilespmem:s23+$0x15000]  }
0x200: {  	v1 =	vadd.f32 v13, v1;
	v13 =	vsel vm2, $0x3F800000, v0;
	v3 =	vadd.f32 v14, v3;
	v19 =	vld [tilespmem:s23+$0x19000]  }
0x201: {  	v7 =	vadd.f32 v13, v7;
	v2 =	vadd.f32 v12, v2;
	v12 =	vand.u32 $0x7FFFFFFF, v18;
	v21 =	vld [tilespmem:s2+$0x19000]  }
0x202: {  	v8 =	vadd.f32 v11, v8;
	v5 =	vadd.f32 v22, v5;
	v11 =	vnsel vm1, $0x0, v12;
	v13 =	vld [tilespmem:s23+$0x16000]  }
0x203: {  	v1 =	vadd.f32 v11, v1;
	v24 =	vld [tilespmem:s2+$0x1A000];
	v15 =	vsub.f32 v15, v16  }
0x204: {  	v12 =	vld [tilespmem:s23+$0x1B000]  }
0x205: {  	v16 =	vld [tilespmem:s2+$0x16000]  }
0x206: {  	v11 =	vld [tilespmem:s2+$0x15000]  }
0x207: {  	v13 =	vsub.f32 v13, v19;
	v18 =	vld [tilespmem:s23+$0x1A000]  }
0x208: {  	v22 =	vld [tilespmem:s2+$0x1B000]  }
0x209: {  	v19 =	vld [tilespmem:s23+$0x17000]  }
0x20a: {  	vm1 =	vgt.f32 v23, $9.999999770e-03;
	v13 =	vand.u32 $0x7FFFFFFF, v13;
	v23 =	vld [tilespmem:s2+$0x18000]  }
0x20b: {  	v25 =	vsel vm1, $0x3F800000, v0;
	v13 =	vnsel vm1, $0x0, v13;
	vm0 =	vgt.f32 v11, $9.999999770e-03;
	v14 =	vld [tilespmem:s0+$0x15000]  }
0x20c: {  	v7 =	vadd.f32 v25, v7;
	v25 =	vld [tilespmem:s2+$0x17000]  }
.Ltmp6:
0x20d: {  	v11 =	vsub.f32 v17, v20;
	v20 =	vld [tilespmem:s6+$0x19000];
	(pc) =	sbr.rel @p0 .LBB2_15-.Ltmp6, $4  }
0x20e: {  	v26 =	vsel vm0, $0x3F800000, v0;
	v17 =	vsub.f32 v19, v18;
	v19 =	vld [tilespmem:s23+$0x18000]  }
0x20f: {  	v8 =	vadd.f32 v13, v8;
	v11 =	vand.u32 $0x7FFFFFFF, v11;
	v13 =	vsub.f32 v23, v22;
	v18 =	vld [tilespmem:s6+$0x17000]  }
0x210: {  	v23 =	vsub.f32 v16, v21;
	v16 =	vand.u32 $0x7FFFFFFF, v15;
	v22 =	vand.u32 $0x7FFFFFFF, v17;
	v15 =	vld [tilespmem:s0+$0x1B000]  }
0x211: {  	s22 =	sadd.s32 $0x200, s22;
	v6 =	vadd.f32 v26, v6;
	s23 =	smov.u32 s8;
	v21 =	vsub.f32 v25, v24;
	v13 =	vand.u32 $0x7FFFFFFF, v13;
	v17 =	vld [tilespmem:s6+$0x15000]  }
0x212: {  	v22 =	vnsel vm1, $0x0, v22;
	v23 =	vand.u32 $0x7FFFFFFF, v23  }
0x213: {  	v10 =	vsub.f32 v10, v20;
	vm2 =	vgt.f32 v14, $9.999999770e-03;
	v13 =	vnsel vm0, $0x0, v13  }
0x214: {  	v24 =	vld [tilespmem:s0+$0x18000];
	v12 =	vsub.f32 v19, v12;
	v57 =	vand.u32 $0x7FFFFFFF, v21;
	v58 =	vnsel vm0, $0x0, v23  }
0x215: {  	v59 =	vld [tilespmem:s6+$0x18000];
	v4 =	vadd.f32 v22, v4;
	v16 =	vnsel vm2, $0x0, v16;
	v11 =	vnsel vm2, $0x0, v11  }
0x216: {  	v60 =	vld [tilespmem:s6+$0x1B000];
	v1 =	vadd.f32 v13, v1;
	v63 =	vsel vm2, $0x3F800000, v0;
	v19 =	vnsel vm0, $0x0, v57  }
0x217: {  	v9 =	vsub.f32 v18, v9;
	v10 =	vand.u32 $0x7FFFFFFF, v10;
	v3 =	vadd.f32 v58, v3  }
0x218: {  	v7 =	vadd.f32 v63, v7;
	v8 =	vadd.f32 v11, v8;
	v12 =	vand.u32 $0x7FFFFFFF, v12  }
0x219: {  	s19 =	sadd.s32 $0x1, s19;
	v5 =	vadd.f32 v19, v5;
	v4 =	vadd.f32 v16, v4;
	v12 =	vnsel vm1, $0x0, v12  }
0x21a: {  	p0 =	sne.s32 s19, $0x8;
	v9 =	vand.u32 $0x7FFFFFFF, v9;
	vm15 =	vgt.f32 v17, $9.999999770e-03;
	v15 =	vsub.f32 v24, v15  }
.Ltmp7:
0x21b: {  	v10 =	vnsel vm15, $0x0, v10;
	v62 =	vsel vm15, $0x3F800000, v0;
	v14 =	vsub.f32 v59, v60;
	(pc) =	sbr.rel @p0 .LBB2_14-.Ltmp7, $4  }
0x21c: {  	v2 =	vadd.f32 v12, v2;
	v9 =	vnsel vm15, $0x0, v9;
	v6 =	vadd.f32 v62, v6  }
0x21d: {  	v3 =	vadd.f32 v10, v3;
	v61 =	vand.u32 $0x7FFFFFFF, v15;
	v10 =	vand.u32 $0x7FFFFFFF, v14  }
0x21e: {  	v5 =	vadd.f32 v9, v5;
	v12 =	vnsel vm2, $0x0, v61;
	v10 =	vnsel vm15, $0x0, v10  }
0x21f: {  	v2 =	vadd.f32 v12, v2;
	v1 =	vadd.f32 v10, v1  }
0x220: {  	_ =	swait.ge [sflag:s13], $0x1000  }
0x221: {  	[sflag:s13] =	ssyncset.done $0x0  }
0x222: {  	[sflag:s13] =	ssyncadd.s32 $0xFFFFF000  }
0x223: {  	_ =	swait.ge [sflag:s13], $0x1000  }
0x224: {  	[sflag:s13] =	ssyncset.done $0x0  }
0x225: {  	[sflag:s13] =	ssyncadd.s32 $0xFFFFF000  }
0x226: {  	_ =	swait.ge [sflag:s13], $0x1000  }
0x227: {  	[sflag:s13] =	ssyncset.done $0x0  }
0x228: {  	[sflag:s13] =	ssyncadd.s32 $0xFFFFF000  }
0x229: {  	_ =	swait.ge [sflag:s13], $0x1000  }
0x22a: {  	[sflag:s13] =	ssyncset.done $0x0  }
0x22b: {  	[sflag:s13] =	ssyncadd.s32 $0xFFFFF000  }
0x22c: {  	_ =	swait.ge [sflag:s13], $0x1000  }
0x22d: {  	[sflag:s13] =	ssyncset.done $0x0  }
0x22e: {  	[sflag:s13] =	ssyncadd.s32 $0xFFFFF000  }
0x22f: {  	_ =	swait.ge [sflag:s13], $0x1000  }
0x230: {  	[sflag:s13] =	ssyncset.done $0x0  }
0x231: {  	[sflag:s13] =	ssyncadd.s32 $0xFFFFF000  }
0x232: {  	_ =	swait.ge [sflag:s13], $0x1000  }
0x233: {  	s11 =	simm.s32 $0x0;
	[sflag:s13] =	ssyncset.done $0x0;
	s0 =	rddreg [dreg:$0xc]  }
0x234: {  	s2 =	simm.s32 $0x15000;
	s19 =	sld [smem:$0x7FB];
	[sflag:s13] =	ssyncadd.s32 $0xFFFFF000  }
0x235: {  	[tilespmem:s2], [sflag:$0x4] =	stream.linear.gather [hbm4b:s0+s11], $0x1000, $0x38;
	[tilespmem:$0x1C100] =	vst v63  }
0x236: {  	s20 =	simm.s32 $0x16000;
	s21 =	sld [smem:$0x7FC]  }
0x237: {  	[tilespmem:s20], [sflag:$0x4] =	stream.linear.gather [hbm4b:s19+s11], $0x1000, $0x38;
	[tilespmem:$0x1C100] =	vst v63  }
0x238: {  	s22 =	simm.s32 $0x19000;
	s23 =	sld [smem:$0x7FD]  }
0x239: {  	[tilespmem:s22], [sflag:$0x4] =	stream.linear.gather [hbm4b:s21+s11], $0x1000, $0x38;
	[tilespmem:$0x1C100] =	vst v63  }
0x23a: {  	s24 =	simm.s32 $0x17000  }
0x23b: {  	[tilespmem:s24], [sflag:$0x4] =	stream.linear.gather [hbm4b:s23+s11], $0x1000, $0x38;
	[tilespmem:$0x1C100] =	vst v63  }
0x23c: {  	_ = 	snop  }
0x23d: {  	[tilespmem:s15], [sflag:$0x4] =	stream.linear.gather [hbm4b:s25+s11], $0x1000, $0x38;
	[tilespmem:$0x1C100] =	vst v63  }
0x23e: {  	_ = 	snop  }
0x23f: {  	[tilespmem:s3], [sflag:$0x4] =	stream.linear.gather [hbm4b:s26+s11], $0x1000, $0x38;
	[tilespmem:$0x1C100] =	vst v63  }
0x240: {  	s19 =	simm.s32 $0x0  }
0x241: {  	[tilespmem:s4], [sflag:$0x4] =	stream.linear.gather [hbm4b:s28+s11], $0x1000, $0x38;
	[tilespmem:$0x1C100] =	vst v63  }
.LBB2_18:
0x242: {  	s7 =	sshll.u32 s19, $0x7  }
0x243: {  	s2 =	sand.u32 $0x40, s11;
	s20 =	sor.u32 $0x30, s7  }
0x244: {  	s8 =	sand.u32 $0xC00, s11;
	s12 =	sor.u32 $0x20, s7;
	s0 =	sor.u32 s20, s2  }
0x245: {  	s9 =	sor.u32 s12, s2;
	s6 =	sor.u32 s8, s0  }
0x246: {  	s0 =	sor.u32 s8, s9;
	v10 =	vld [tilespmem:s6+$0x1000]  }
0x247: {  	v11 =	vld [tilespmem:s0+$0x4000]  }
0x248: {  	v9 =	vld [tilespmem:s6+$0x5000]  }
0x249: {  	v13 =	vld [tilespmem:s0+$0x1000]  }
0x24a: {  	s24 =	sor.u32 s7, s2;
	v14 =	vld [tilespmem:s0+$0x5000]  }
0x24b: {  	s21 =	sor.u32 $0x10, s7;
	s9 =	sor.u32 s8, s24;
	v15 =	vld [tilespmem:s0+$0x2000]  }
0x24c: {  	s2 =	sor.u32 s21, s2;
	v16 =	vld [tilespmem:s9+$0x0]  }
0x24d: {  	s2 =	sor.u32 s8, s2;
	v17 =	vld [tilespmem:s9+$0x4000]  }
0x24e: {  	v21 =	vld [tilespmem:s2+$0x4000]  }
0x24f: {  	v18 =	vld [tilespmem:s9+$0x1000]  }
0x250: {  	v24 =	vld [tilespmem:s2+$0x5000]  }
0x251: {  	v12 =	vld [tilespmem:s9+$0x6000]  }
0x252: {  	v23 =	vld [tilespmem:s2+$0x1000]  }
0x253: {  	v19 =	vld [tilespmem:s2+$0x0]  }
0x254: {  	v22 =	vld [tilespmem:s9+$0x5000]  }
0x255: {  	v26 =	vld [tilespmem:s9+$0x2000]  }
0x256: {  	v25 =	vld [tilespmem:s2+$0x6000]  }
0x257: {  	v17 =	vsub.f32 v18, v17;
	v18 =	vld [tilespmem:s2+$0x3000]  }
0x258: {  	v20 =	vld [tilespmem:s6+$0x4000];
	v15 =	vsub.f32 v15, v14  }
0x259: {  	vm1 =	vgt.f32 v16, $9.999999770e-03;
	vm0 =	vgt.f32 v19, $9.999999770e-03;
	v16 =	vand.u32 $0x7FFFFFFF, v17;
	v17 =	vld [tilespmem:s2+$0x2000]  }
0x25a: {  	v14 =	vld [tilespmem:s0+$0x0];
	v11 =	vsub.f32 v13, v11;
	v13 =	vsub.f32 v26, v22;
	v19 =	vsel vm1, $0x3F800000, v0  }
0x25b: {  	v23 =	vsub.f32 v23, v21;
	v7 =	vadd.f32 v19, v7;
	v19 =	vld [tilespmem:s9+$0x3000];
	v16 =	vnsel vm1, $0x0, v16  }
0x25c: {  	v8 =	vadd.f32 v16, v8;
	v16 =	vand.u32 $0x7FFFFFFF, v15;
	v15 =	vld [tilespmem:s0+$0x6000];
	v25 =	vsub.f32 v18, v25  }
0x25d: {  	v63 =	vsel vm0, $0x3F800000, v0;
	v11 =	vand.u32 $0x7FFFFFFF, v11;
	v22 =	vand.u32 $0x7FFFFFFF, v13;
	v18 =	vld [tilespmem:s6+$0x2000]  }
0x25e: {  	s23 =	simm.s32 $0x40;
	s22 =	simm.s32 $0x200;
	v6 =	vadd.f32 v63, v6;
	v21 =	vsub.f32 v17, v24;
	v13 =	vand.u32 $0x7FFFFFFF, v25;
	v17 =	vld [tilespmem:s6+$0x0]  }
.LBB2_19:
0x25f: {  	s2 =	sand.u32 $0x40, s23  }
0x260: {  	s9 =	sand.u32 $0xC00, s22;
	v22 =	vnsel vm1, $0x0, v22;
	v23 =	vand.u32 $0x7FFFFFFF, v23;
	v24 =	vld [tilespmem:s0+$0x3000];
	v20 =	vsub.f32 v10, v20;
	s0 =	smov.u32 s23;
	s8 =	sadd.s32 $0x40, s23  }
0x261: {  	s14 =	sor.u32 s7, s2;
	s0 =	sor.u32 s12, s2;
	s24 =	sor.u32 s20, s2;
	v12 =	vsub.f32 v19, v12;
	v19 =	vnsel vm0, $0x0, v23;
	v10 =	vand.u32 $0x7FFFFFFF, v21;
	v21 =	vld [tilespmem:s6+$0x3000]  }
0x262: {  	p0 =	sne.s32 s23, $0x1C0;
	v4 =	vadd.f32 v22, v4;
	s0 =	sor.u32 s9, s0;
	v22 =	vnsel vm0, $0x0, v10;
	v9 =	vsub.f32 v18, v9;
	v18 =	vld [tilespmem:s6+$0x6000];
	s6 =	sor.u32 s9, s24  }
0x263: {  	vm2 =	vgt.f32 v14, $9.999999770e-03;
	s23 =	sor.u32 s9, s14;
	v14 =	vand.u32 $0x7FFFFFFF, v20;
	v10 =	vld [tilespmem:s6+$0x1000];
	v12 =	vand.u32 $0x7FFFFFFF, v12  }
0x264: {  	v16 =	vnsel vm2, $0x0, v16;
	v20 =	vld [tilespmem:s0+$0x4000];
	v12 =	vnsel vm1, $0x0, v12;
	v23 =	vand.u32 $0x7FFFFFFF, v9  }
0x265: {  	v5 =	vadd.f32 v22, v5;
	vm1 =	vgt.f32 v17, $9.999999770e-03;
	v9 =	vld [tilespmem:s6+$0x5000];
	v15 =	vsub.f32 v24, v15  }
0x266: {  	v3 =	vadd.f32 v19, v3;
	v4 =	vadd.f32 v16, v4;
	v14 =	vnsel vm1, $0x0, v14;
	v17 =	vld [tilespmem:s0+$0x1000]  }
0x267: {  	s2 =	sor.u32 s21, s2;
	v11 =	vnsel vm2, $0x0, v11;
	v2 =	vadd.f32 v12, v2;
	v16 =	vld [tilespmem:s0+$0x5000];
	v12 =	vand.u32 $0x7FFFFFFF, v15  }
0x268: {  	s2 =	sor.u32 s9, s2;
	v19 =	vsel vm1, $0x3F800000, v0;
	v22 =	vnsel vm1, $0x0, v23;
	v15 =	vld [tilespmem:s0+$0x2000];
	v12 =	vnsel vm2, $0x0, v12  }
0x269: {  	v13 =	vnsel vm0, $0x0, v13;
	v6 =	vadd.f32 v19, v6;
	v18 =	vsub.f32 v21, v18;
	v23 =	vld [tilespmem:s23+$0x0]  }
0x26a: {  	v1 =	vadd.f32 v13, v1;
	v13 =	vsel vm2, $0x3F800000, v0;
	v3 =	vadd.f32 v14, v3;
	v19 =	vld [tilespmem:s23+$0x4000]  }
0x26b: {  	v7 =	vadd.f32 v13, v7;
	v2 =	vadd.f32 v12, v2;
	v12 =	vand.u32 $0x7FFFFFFF, v18;
	v21 =	vld [tilespmem:s2+$0x4000]  }
0x26c: {  	v8 =	vadd.f32 v11, v8;
	v5 =	vadd.f32 v22, v5;
	v11 =	vnsel vm1, $0x0, v12;
	v13 =	vld [tilespmem:s23+$0x1000]  }
0x26d: {  	v1 =	vadd.f32 v11, v1;
	v24 =	vld [tilespmem:s2+$0x5000];
	v15 =	vsub.f32 v15, v16  }
0x26e: {  	v12 =	vld [tilespmem:s23+$0x6000]  }
0x26f: {  	v16 =	vld [tilespmem:s2+$0x1000]  }
0x270: {  	v11 =	vld [tilespmem:s2+$0x0]  }
0x271: {  	v13 =	vsub.f32 v13, v19;
	v18 =	vld [tilespmem:s23+$0x5000]  }
0x272: {  	v22 =	vld [tilespmem:s2+$0x6000]  }
0x273: {  	v19 =	vld [tilespmem:s23+$0x2000]  }
0x274: {  	vm1 =	vgt.f32 v23, $9.999999770e-03;
	v13 =	vand.u32 $0x7FFFFFFF, v13;
	v23 =	vld [tilespmem:s2+$0x3000]  }
0x275: {  	v25 =	vsel vm1, $0x3F800000, v0;
	v13 =	vnsel vm1, $0x0, v13;
	vm0 =	vgt.f32 v11, $9.999999770e-03;
	v14 =	vld [tilespmem:s0+$0x0]  }
0x276: {  	v7 =	vadd.f32 v25, v7;
	v25 =	vld [tilespmem:s2+$0x2000]  }
.Ltmp8:
0x277: {  	v11 =	vsub.f32 v17, v20;
	v20 =	vld [tilespmem:s6+$0x4000];
	(pc) =	sbr.rel @p0 .LBB2_19-.Ltmp8, $4  }
0x278: {  	v26 =	vsel vm0, $0x3F800000, v0;
	v17 =	vsub.f32 v19, v18;
	v19 =	vld [tilespmem:s23+$0x3000]  }
0x279: {  	v8 =	vadd.f32 v13, v8;
	v11 =	vand.u32 $0x7FFFFFFF, v11;
	v13 =	vsub.f32 v23, v22;
	v18 =	vld [tilespmem:s6+$0x2000]  }
0x27a: {  	v23 =	vsub.f32 v16, v21;
	v16 =	vand.u32 $0x7FFFFFFF, v15;
	v22 =	vand.u32 $0x7FFFFFFF, v17;
	v15 =	vld [tilespmem:s0+$0x6000]  }
0x27b: {  	s22 =	sadd.s32 $0x200, s22;
	v6 =	vadd.f32 v26, v6;
	s23 =	smov.u32 s8;
	v21 =	vsub.f32 v25, v24;
	v13 =	vand.u32 $0x7FFFFFFF, v13;
	v17 =	vld [tilespmem:s6+$0x0]  }
0x27c: {  	v22 =	vnsel vm1, $0x0, v22;
	v23 =	vand.u32 $0x7FFFFFFF, v23  }
0x27d: {  	v10 =	vsub.f32 v10, v20;
	vm2 =	vgt.f32 v14, $9.999999770e-03;
	v13 =	vnsel vm0, $0x0, v13  }
0x27e: {  	v24 =	vld [tilespmem:s0+$0x3000];
	v12 =	vsub.f32 v19, v12;
	v57 =	vand.u32 $0x7FFFFFFF, v21;
	v58 =	vnsel vm0, $0x0, v23  }
0x27f: {  	v59 =	vld [tilespmem:s6+$0x3000];
	v4 =	vadd.f32 v22, v4;
	v16 =	vnsel vm2, $0x0, v16;
	v11 =	vnsel vm2, $0x0, v11  }
0x280: {  	v60 =	vld [tilespmem:s6+$0x6000];
	v1 =	vadd.f32 v13, v1;
	v63 =	vsel vm2, $0x3F800000, v0;
	v19 =	vnsel vm0, $0x0, v57  }
0x281: {  	v9 =	vsub.f32 v18, v9;
	v10 =	vand.u32 $0x7FFFFFFF, v10;
	v3 =	vadd.f32 v58, v3  }
0x282: {  	v7 =	vadd.f32 v63, v7;
	v8 =	vadd.f32 v11, v8;
	v12 =	vand.u32 $0x7FFFFFFF, v12  }
0x283: {  	s19 =	sadd.s32 $0x1, s19;
	v5 =	vadd.f32 v19, v5;
	v4 =	vadd.f32 v16, v4;
	v12 =	vnsel vm1, $0x0, v12  }
0x284: {  	p0 =	sne.s32 s19, $0x8;
	v9 =	vand.u32 $0x7FFFFFFF, v9;
	vm15 =	vgt.f32 v17, $9.999999770e-03;
	v15 =	vsub.f32 v24, v15  }
.Ltmp9:
0x285: {  	v10 =	vnsel vm15, $0x0, v10;
	v62 =	vsel vm15, $0x3F800000, v0;
	v14 =	vsub.f32 v59, v60;
	(pc) =	sbr.rel @p0 .LBB2_18-.Ltmp9, $4  }
0x286: {  	v2 =	vadd.f32 v12, v2;
	v9 =	vnsel vm15, $0x0, v9;
	v6 =	vadd.f32 v62, v6  }
0x287: {  	v3 =	vadd.f32 v10, v3;
	v61 =	vand.u32 $0x7FFFFFFF, v15;
	v10 =	vand.u32 $0x7FFFFFFF, v14  }
0x288: {  	v5 =	vadd.f32 v9, v5;
	v12 =	vnsel vm2, $0x0, v61;
	v10 =	vnsel vm15, $0x0, v10  }
0x289: {  	v2 =	vadd.f32 v12, v2;
	v1 =	vadd.f32 v10, v1  }
0x28a: {  	_ =	swait.ge [sflag:s16], $0x1000  }
0x28b: {  	[sflag:s16] =	ssyncset.done $0x0  }
0x28c: {  	[sflag:s16] =	ssyncadd.s32 $0xFFFFF000  }
0x28d: {  	_ =	swait.ge [sflag:s16], $0x1000  }
0x28e: {  	[sflag:s16] =	ssyncset.done $0x0  }
0x28f: {  	[sflag:s16] =	ssyncadd.s32 $0xFFFFF000  }
0x290: {  	_ =	swait.ge [sflag:s16], $0x1000  }
0x291: {  	[sflag:s16] =	ssyncset.done $0x0  }
0x292: {  	[sflag:s16] =	ssyncadd.s32 $0xFFFFF000  }
0x293: {  	_ =	swait.ge [sflag:s16], $0x1000  }
0x294: {  	[sflag:s16] =	ssyncset.done $0x0  }
0x295: {  	[sflag:s16] =	ssyncadd.s32 $0xFFFFF000  }
0x296: {  	_ =	swait.ge [sflag:s16], $0x1000  }
0x297: {  	[sflag:s16] =	ssyncset.done $0x0  }
0x298: {  	[sflag:s16] =	ssyncadd.s32 $0xFFFFF000  }
0x299: {  	_ =	swait.ge [sflag:s16], $0x1000  }
0x29a: {  	[sflag:s16] =	ssyncset.done $0x0  }
0x29b: {  	[sflag:s16] =	ssyncadd.s32 $0xFFFFF000  }
0x29c: {  	_ =	swait.ge [sflag:s16], $0x1000  }
0x29d: {  	[sflag:s16] =	ssyncset.done $0x0  }
0x29e: {  	s11 =	simm.s32 $0x0;
	s19 =	simm.s32 $0x0;
	[sflag:s16] =	ssyncadd.s32 $0xFFFFF000  }
.LBB2_22:
0x29f: {  	s7 =	sshll.u32 s19, $0x7  }
0x2a0: {  	s2 =	sand.u32 $0x40, s11;
	s20 =	sor.u32 $0x30, s7  }
0x2a1: {  	s8 =	sand.u32 $0xC00, s11;
	s12 =	sor.u32 $0x20, s7;
	s0 =	sor.u32 s20, s2  }
0x2a2: {  	s9 =	sor.u32 s12, s2;
	s6 =	sor.u32 s8, s0  }
0x2a3: {  	s0 =	sor.u32 s8, s9;
	v10 =	vld [tilespmem:s6+$0x8000]  }
0x2a4: {  	v11 =	vld [tilespmem:s0+$0xB000]  }
0x2a5: {  	v9 =	vld [tilespmem:s6+$0xC000]  }
0x2a6: {  	v13 =	vld [tilespmem:s0+$0x8000]  }
0x2a7: {  	s24 =	sor.u32 s7, s2;
	v14 =	vld [tilespmem:s0+$0xC000]  }
0x2a8: {  	s21 =	sor.u32 $0x10, s7;
	s9 =	sor.u32 s8, s24;
	v15 =	vld [tilespmem:s0+$0x9000]  }
0x2a9: {  	s2 =	sor.u32 s21, s2;
	v16 =	vld [tilespmem:s9+$0x7000]  }
0x2aa: {  	s2 =	sor.u32 s8, s2;
	v17 =	vld [tilespmem:s9+$0xB000]  }
0x2ab: {  	v21 =	vld [tilespmem:s2+$0xB000]  }
0x2ac: {  	v18 =	vld [tilespmem:s9+$0x8000]  }
0x2ad: {  	v24 =	vld [tilespmem:s2+$0xC000]  }
0x2ae: {  	v12 =	vld [tilespmem:s9+$0xD000]  }
0x2af: {  	v23 =	vld [tilespmem:s2+$0x8000]  }
0x2b0: {  	v19 =	vld [tilespmem:s2+$0x7000]  }
0x2b1: {  	v22 =	vld [tilespmem:s9+$0xC000]  }
0x2b2: {  	v26 =	vld [tilespmem:s9+$0x9000]  }
0x2b3: {  	v25 =	vld [tilespmem:s2+$0xD000]  }
0x2b4: {  	v17 =	vsub.f32 v18, v17;
	v18 =	vld [tilespmem:s2+$0xA000]  }
0x2b5: {  	v20 =	vld [tilespmem:s6+$0xB000];
	v15 =	vsub.f32 v15, v14  }
0x2b6: {  	vm1 =	vgt.f32 v16, $9.999999770e-03;
	vm0 =	vgt.f32 v19, $9.999999770e-03;
	v16 =	vand.u32 $0x7FFFFFFF, v17;
	v17 =	vld [tilespmem:s2+$0x9000]  }
0x2b7: {  	v14 =	vld [tilespmem:s0+$0x7000];
	v11 =	vsub.f32 v13, v11;
	v13 =	vsub.f32 v26, v22;
	v19 =	vsel vm1, $0x3F800000, v0  }
0x2b8: {  	v23 =	vsub.f32 v23, v21;
	v7 =	vadd.f32 v19, v7;
	v19 =	vld [tilespmem:s9+$0xA000];
	v16 =	vnsel vm1, $0x0, v16  }
0x2b9: {  	v8 =	vadd.f32 v16, v8;
	v16 =	vand.u32 $0x7FFFFFFF, v15;
	v15 =	vld [tilespmem:s0+$0xD000];
	v25 =	vsub.f32 v18, v25  }
0x2ba: {  	v63 =	vsel vm0, $0x3F800000, v0;
	v11 =	vand.u32 $0x7FFFFFFF, v11;
	v22 =	vand.u32 $0x7FFFFFFF, v13;
	v18 =	vld [tilespmem:s6+$0x9000]  }
0x2bb: {  	s23 =	simm.s32 $0x40;
	s22 =	simm.s32 $0x200;
	v6 =	vadd.f32 v63, v6;
	v21 =	vsub.f32 v17, v24;
	v13 =	vand.u32 $0x7FFFFFFF, v25;
	v17 =	vld [tilespmem:s6+$0x7000]  }
.LBB2_23:
0x2bc: {  	s2 =	sand.u32 $0x40, s23  }
0x2bd: {  	s9 =	sand.u32 $0xC00, s22;
	v22 =	vnsel vm1, $0x0, v22;
	v23 =	vand.u32 $0x7FFFFFFF, v23;
	v24 =	vld [tilespmem:s0+$0xA000];
	v20 =	vsub.f32 v10, v20;
	s0 =	smov.u32 s23;
	s8 =	sadd.s32 $0x40, s23  }
0x2be: {  	s14 =	sor.u32 s7, s2;
	s0 =	sor.u32 s12, s2;
	s24 =	sor.u32 s20, s2;
	v12 =	vsub.f32 v19, v12;
	v19 =	vnsel vm0, $0x0, v23;
	v10 =	vand.u32 $0x7FFFFFFF, v21;
	v21 =	vld [tilespmem:s6+$0xA000]  }
0x2bf: {  	p0 =	sne.s32 s23, $0x1C0;
	v4 =	vadd.f32 v22, v4;
	s0 =	sor.u32 s9, s0;
	v22 =	vnsel vm0, $0x0, v10;
	v9 =	vsub.f32 v18, v9;
	v18 =	vld [tilespmem:s6+$0xD000];
	s6 =	sor.u32 s9, s24  }
0x2c0: {  	vm2 =	vgt.f32 v14, $9.999999770e-03;
	s23 =	sor.u32 s9, s14;
	v14 =	vand.u32 $0x7FFFFFFF, v20;
	v10 =	vld [tilespmem:s6+$0x8000];
	v12 =	vand.u32 $0x7FFFFFFF, v12  }
0x2c1: {  	v16 =	vnsel vm2, $0x0, v16;
	v20 =	vld [tilespmem:s0+$0xB000];
	v12 =	vnsel vm1, $0x0, v12;
	v23 =	vand.u32 $0x7FFFFFFF, v9  }
0x2c2: {  	v5 =	vadd.f32 v22, v5;
	vm1 =	vgt.f32 v17, $9.999999770e-03;
	v9 =	vld [tilespmem:s6+$0xC000];
	v15 =	vsub.f32 v24, v15  }
0x2c3: {  	v3 =	vadd.f32 v19, v3;
	v4 =	vadd.f32 v16, v4;
	v14 =	vnsel vm1, $0x0, v14;
	v17 =	vld [tilespmem:s0+$0x8000]  }
0x2c4: {  	s2 =	sor.u32 s21, s2;
	v11 =	vnsel vm2, $0x0, v11;
	v2 =	vadd.f32 v12, v2;
	v16 =	vld [tilespmem:s0+$0xC000];
	v12 =	vand.u32 $0x7FFFFFFF, v15  }
0x2c5: {  	s2 =	sor.u32 s9, s2;
	v19 =	vsel vm1, $0x3F800000, v0;
	v22 =	vnsel vm1, $0x0, v23;
	v15 =	vld [tilespmem:s0+$0x9000];
	v12 =	vnsel vm2, $0x0, v12  }
0x2c6: {  	v13 =	vnsel vm0, $0x0, v13;
	v6 =	vadd.f32 v19, v6;
	v18 =	vsub.f32 v21, v18;
	v23 =	vld [tilespmem:s23+$0x7000]  }
0x2c7: {  	v1 =	vadd.f32 v13, v1;
	v13 =	vsel vm2, $0x3F800000, v0;
	v3 =	vadd.f32 v14, v3;
	v19 =	vld [tilespmem:s23+$0xB000]  }
0x2c8: {  	v7 =	vadd.f32 v13, v7;
	v2 =	vadd.f32 v12, v2;
	v12 =	vand.u32 $0x7FFFFFFF, v18;
	v21 =	vld [tilespmem:s2+$0xB000]  }
0x2c9: {  	v8 =	vadd.f32 v11, v8;
	v5 =	vadd.f32 v22, v5;
	v11 =	vnsel vm1, $0x0, v12;
	v13 =	vld [tilespmem:s23+$0x8000]  }
0x2ca: {  	v1 =	vadd.f32 v11, v1;
	v24 =	vld [tilespmem:s2+$0xC000];
	v15 =	vsub.f32 v15, v16  }
0x2cb: {  	v12 =	vld [tilespmem:s23+$0xD000]  }
0x2cc: {  	v16 =	vld [tilespmem:s2+$0x8000]  }
0x2cd: {  	v11 =	vld [tilespmem:s2+$0x7000]  }
0x2ce: {  	v13 =	vsub.f32 v13, v19;
	v18 =	vld [tilespmem:s23+$0xC000]  }
0x2cf: {  	v22 =	vld [tilespmem:s2+$0xD000]  }
0x2d0: {  	v19 =	vld [tilespmem:s23+$0x9000]  }
0x2d1: {  	vm1 =	vgt.f32 v23, $9.999999770e-03;
	v13 =	vand.u32 $0x7FFFFFFF, v13;
	v23 =	vld [tilespmem:s2+$0xA000]  }
0x2d2: {  	v25 =	vsel vm1, $0x3F800000, v0;
	v13 =	vnsel vm1, $0x0, v13;
	vm0 =	vgt.f32 v11, $9.999999770e-03;
	v14 =	vld [tilespmem:s0+$0x7000]  }
0x2d3: {  	v7 =	vadd.f32 v25, v7;
	v25 =	vld [tilespmem:s2+$0x9000]  }
.Ltmp10:
0x2d4: {  	v11 =	vsub.f32 v17, v20;
	v20 =	vld [tilespmem:s6+$0xB000];
	(pc) =	sbr.rel @p0 .LBB2_23-.Ltmp10, $4  }
0x2d5: {  	v26 =	vsel vm0, $0x3F800000, v0;
	v17 =	vsub.f32 v19, v18;
	v19 =	vld [tilespmem:s23+$0xA000]  }
0x2d6: {  	v8 =	vadd.f32 v13, v8;
	v11 =	vand.u32 $0x7FFFFFFF, v11;
	v13 =	vsub.f32 v23, v22;
	v18 =	vld [tilespmem:s6+$0x9000]  }
0x2d7: {  	v23 =	vsub.f32 v16, v21;
	v16 =	vand.u32 $0x7FFFFFFF, v15;
	v22 =	vand.u32 $0x7FFFFFFF, v17;
	v15 =	vld [tilespmem:s0+$0xD000]  }
0x2d8: {  	s22 =	sadd.s32 $0x200, s22;
	v6 =	vadd.f32 v26, v6;
	s23 =	smov.u32 s8;
	v21 =	vsub.f32 v25, v24;
	v13 =	vand.u32 $0x7FFFFFFF, v13;
	v17 =	vld [tilespmem:s6+$0x7000]  }
0x2d9: {  	v22 =	vnsel vm1, $0x0, v22;
	v23 =	vand.u32 $0x7FFFFFFF, v23  }
0x2da: {  	v10 =	vsub.f32 v10, v20;
	vm2 =	vgt.f32 v14, $9.999999770e-03;
	v13 =	vnsel vm0, $0x0, v13  }
0x2db: {  	v24 =	vld [tilespmem:s0+$0xA000];
	v12 =	vsub.f32 v19, v12;
	v57 =	vand.u32 $0x7FFFFFFF, v21;
	v58 =	vnsel vm0, $0x0, v23  }
0x2dc: {  	v59 =	vld [tilespmem:s6+$0xA000];
	v4 =	vadd.f32 v22, v4;
	v16 =	vnsel vm2, $0x0, v16;
	v11 =	vnsel vm2, $0x0, v11  }
0x2dd: {  	v60 =	vld [tilespmem:s6+$0xD000];
	v1 =	vadd.f32 v13, v1;
	v63 =	vsel vm2, $0x3F800000, v0;
	v19 =	vnsel vm0, $0x0, v57  }
0x2de: {  	v9 =	vsub.f32 v18, v9;
	v10 =	vand.u32 $0x7FFFFFFF, v10;
	v3 =	vadd.f32 v58, v3  }
0x2df: {  	v7 =	vadd.f32 v63, v7;
	v8 =	vadd.f32 v11, v8;
	v12 =	vand.u32 $0x7FFFFFFF, v12  }
0x2e0: {  	s19 =	sadd.s32 $0x1, s19;
	v5 =	vadd.f32 v19, v5;
	v4 =	vadd.f32 v16, v4;
	v12 =	vnsel vm1, $0x0, v12  }
0x2e1: {  	p0 =	sne.s32 s19, $0x8;
	v9 =	vand.u32 $0x7FFFFFFF, v9;
	vm15 =	vgt.f32 v17, $9.999999770e-03;
	v15 =	vsub.f32 v24, v15  }
.Ltmp11:
0x2e2: {  	v10 =	vnsel vm15, $0x0, v10;
	v62 =	vsel vm15, $0x3F800000, v0;
	v14 =	vsub.f32 v59, v60;
	(pc) =	sbr.rel @p0 .LBB2_22-.Ltmp11, $4  }
0x2e3: {  	v2 =	vadd.f32 v12, v2;
	v9 =	vnsel vm15, $0x0, v9;
	v6 =	vadd.f32 v62, v6  }
0x2e4: {  	v3 =	vadd.f32 v10, v3;
	v61 =	vand.u32 $0x7FFFFFFF, v15;
	v10 =	vand.u32 $0x7FFFFFFF, v14  }
0x2e5: {  	v5 =	vadd.f32 v9, v5;
	v12 =	vnsel vm2, $0x0, v61;
	v10 =	vnsel vm15, $0x0, v10  }
0x2e6: {  	v2 =	vadd.f32 v12, v2;
	v1 =	vadd.f32 v10, v1  }
0x2e7: {  	_ =	swait.ge [sflag:s10], $0x1000  }
0x2e8: {  	[sflag:s10] =	ssyncset.done $0x0  }
0x2e9: {  	[sflag:s10] =	ssyncadd.s32 $0xFFFFF000  }
0x2ea: {  	_ =	swait.ge [sflag:s10], $0x1000  }
0x2eb: {  	[sflag:s10] =	ssyncset.done $0x0  }
0x2ec: {  	[sflag:s10] =	ssyncadd.s32 $0xFFFFF000  }
0x2ed: {  	_ =	swait.ge [sflag:s10], $0x1000  }
0x2ee: {  	[sflag:s10] =	ssyncset.done $0x0  }
0x2ef: {  	[sflag:s10] =	ssyncadd.s32 $0xFFFFF000  }
0x2f0: {  	_ =	swait.ge [sflag:s10], $0x1000  }
0x2f1: {  	[sflag:s10] =	ssyncset.done $0x0  }
0x2f2: {  	[sflag:s10] =	ssyncadd.s32 $0xFFFFF000  }
0x2f3: {  	_ =	swait.ge [sflag:s10], $0x1000  }
0x2f4: {  	[sflag:s10] =	ssyncset.done $0x0  }
0x2f5: {  	[sflag:s10] =	ssyncadd.s32 $0xFFFFF000  }
0x2f6: {  	_ =	swait.ge [sflag:s10], $0x1000  }
0x2f7: {  	[sflag:s10] =	ssyncset.done $0x0  }
0x2f8: {  	[sflag:s10] =	ssyncadd.s32 $0xFFFFF000  }
0x2f9: {  	_ =	swait.ge [sflag:s10], $0x1000  }
0x2fa: {  	[sflag:s10] =	ssyncset.done $0x0  }
0x2fb: {  	s11 =	simm.s32 $0x0;
	s19 =	simm.s32 $0x0;
	[sflag:s10] =	ssyncadd.s32 $0xFFFFF000  }
.LBB2_26:
0x2fc: {  	s7 =	sshll.u32 s19, $0x7  }
0x2fd: {  	s2 =	sand.u32 $0x40, s11;
	s20 =	sor.u32 $0x30, s7  }
0x2fe: {  	s8 =	sand.u32 $0xC00, s11;
	s12 =	sor.u32 $0x20, s7;
	s0 =	sor.u32 s20, s2  }
0x2ff: {  	s9 =	sor.u32 s12, s2;
	s6 =	sor.u32 s8, s0  }
0x300: {  	s0 =	sor.u32 s8, s9;
	v10 =	vld [tilespmem:s6+$0xF000]  }
0x301: {  	v11 =	vld [tilespmem:s0+$0x12000]  }
0x302: {  	v9 =	vld [tilespmem:s6+$0x13000]  }
0x303: {  	v13 =	vld [tilespmem:s0+$0xF000]  }
0x304: {  	s24 =	sor.u32 s7, s2;
	v14 =	vld [tilespmem:s0+$0x13000]  }
0x305: {  	s21 =	sor.u32 $0x10, s7;
	s9 =	sor.u32 s8, s24;
	v15 =	vld [tilespmem:s0+$0x10000]  }
0x306: {  	s2 =	sor.u32 s21, s2;
	v16 =	vld [tilespmem:s9+$0xE000]  }
0x307: {  	s2 =	sor.u32 s8, s2;
	v17 =	vld [tilespmem:s9+$0x12000]  }
0x308: {  	v21 =	vld [tilespmem:s2+$0x12000]  }
0x309: {  	v18 =	vld [tilespmem:s9+$0xF000]  }
0x30a: {  	v24 =	vld [tilespmem:s2+$0x13000]  }
0x30b: {  	v12 =	vld [tilespmem:s9+$0x14000]  }
0x30c: {  	v23 =	vld [tilespmem:s2+$0xF000]  }
0x30d: {  	v19 =	vld [tilespmem:s2+$0xE000]  }
0x30e: {  	v22 =	vld [tilespmem:s9+$0x13000]  }
0x30f: {  	v26 =	vld [tilespmem:s9+$0x10000]  }
0x310: {  	v25 =	vld [tilespmem:s2+$0x14000]  }
0x311: {  	v17 =	vsub.f32 v18, v17;
	v18 =	vld [tilespmem:s2+$0x11000]  }
0x312: {  	v20 =	vld [tilespmem:s6+$0x12000];
	v15 =	vsub.f32 v15, v14  }
0x313: {  	vm1 =	vgt.f32 v16, $9.999999770e-03;
	vm0 =	vgt.f32 v19, $9.999999770e-03;
	v16 =	vand.u32 $0x7FFFFFFF, v17;
	v17 =	vld [tilespmem:s2+$0x10000]  }
0x314: {  	v14 =	vld [tilespmem:s0+$0xE000];
	v11 =	vsub.f32 v13, v11;
	v13 =	vsub.f32 v26, v22;
	v19 =	vsel vm1, $0x3F800000, v0  }
0x315: {  	v23 =	vsub.f32 v23, v21;
	v7 =	vadd.f32 v19, v7;
	v19 =	vld [tilespmem:s9+$0x11000];
	v16 =	vnsel vm1, $0x0, v16  }
0x316: {  	v8 =	vadd.f32 v16, v8;
	v16 =	vand.u32 $0x7FFFFFFF, v15;
	v15 =	vld [tilespmem:s0+$0x14000];
	v25 =	vsub.f32 v18, v25  }
0x317: {  	v63 =	vsel vm0, $0x3F800000, v0;
	v11 =	vand.u32 $0x7FFFFFFF, v11;
	v22 =	vand.u32 $0x7FFFFFFF, v13;
	v18 =	vld [tilespmem:s6+$0x10000]  }
0x318: {  	s23 =	simm.s32 $0x40;
	s22 =	simm.s32 $0x200;
	v6 =	vadd.f32 v63, v6;
	v21 =	vsub.f32 v17, v24;
	v13 =	vand.u32 $0x7FFFFFFF, v25;
	v17 =	vld [tilespmem:s6+$0xE000]  }
.LBB2_27:
0x319: {  	s2 =	sand.u32 $0x40, s23  }
0x31a: {  	s9 =	sand.u32 $0xC00, s22;
	v22 =	vnsel vm1, $0x0, v22;
	v23 =	vand.u32 $0x7FFFFFFF, v23;
	v24 =	vld [tilespmem:s0+$0x11000];
	v20 =	vsub.f32 v10, v20;
	s0 =	smov.u32 s23;
	s8 =	sadd.s32 $0x40, s23  }
0x31b: {  	s14 =	sor.u32 s7, s2;
	s0 =	sor.u32 s12, s2;
	s24 =	sor.u32 s20, s2;
	v12 =	vsub.f32 v19, v12;
	v19 =	vnsel vm0, $0x0, v23;
	v10 =	vand.u32 $0x7FFFFFFF, v21;
	v21 =	vld [tilespmem:s6+$0x11000]  }
0x31c: {  	p0 =	sne.s32 s23, $0x1C0;
	v4 =	vadd.f32 v22, v4;
	s0 =	sor.u32 s9, s0;
	v22 =	vnsel vm0, $0x0, v10;
	v9 =	vsub.f32 v18, v9;
	v18 =	vld [tilespmem:s6+$0x14000];
	s6 =	sor.u32 s9, s24  }
0x31d: {  	vm2 =	vgt.f32 v14, $9.999999770e-03;
	s23 =	sor.u32 s9, s14;
	v14 =	vand.u32 $0x7FFFFFFF, v20;
	v10 =	vld [tilespmem:s6+$0xF000];
	v12 =	vand.u32 $0x7FFFFFFF, v12  }
0x31e: {  	v16 =	vnsel vm2, $0x0, v16;
	v20 =	vld [tilespmem:s0+$0x12000];
	v12 =	vnsel vm1, $0x0, v12;
	v23 =	vand.u32 $0x7FFFFFFF, v9  }
0x31f: {  	v5 =	vadd.f32 v22, v5;
	vm1 =	vgt.f32 v17, $9.999999770e-03;
	v9 =	vld [tilespmem:s6+$0x13000];
	v15 =	vsub.f32 v24, v15  }
0x320: {  	v3 =	vadd.f32 v19, v3;
	v4 =	vadd.f32 v16, v4;
	v14 =	vnsel vm1, $0x0, v14;
	v17 =	vld [tilespmem:s0+$0xF000]  }
0x321: {  	s2 =	sor.u32 s21, s2;
	v11 =	vnsel vm2, $0x0, v11;
	v2 =	vadd.f32 v12, v2;
	v16 =	vld [tilespmem:s0+$0x13000];
	v12 =	vand.u32 $0x7FFFFFFF, v15  }
0x322: {  	s2 =	sor.u32 s9, s2;
	v19 =	vsel vm1, $0x3F800000, v0;
	v22 =	vnsel vm1, $0x0, v23;
	v15 =	vld [tilespmem:s0+$0x10000];
	v12 =	vnsel vm2, $0x0, v12  }
0x323: {  	v13 =	vnsel vm0, $0x0, v13;
	v6 =	vadd.f32 v19, v6;
	v18 =	vsub.f32 v21, v18;
	v23 =	vld [tilespmem:s23+$0xE000]  }
0x324: {  	v1 =	vadd.f32 v13, v1;
	v13 =	vsel vm2, $0x3F800000, v0;
	v3 =	vadd.f32 v14, v3;
	v19 =	vld [tilespmem:s23+$0x12000]  }
0x325: {  	v7 =	vadd.f32 v13, v7;
	v2 =	vadd.f32 v12, v2;
	v12 =	vand.u32 $0x7FFFFFFF, v18;
	v21 =	vld [tilespmem:s2+$0x12000]  }
0x326: {  	v8 =	vadd.f32 v11, v8;
	v5 =	vadd.f32 v22, v5;
	v11 =	vnsel vm1, $0x0, v12;
	v13 =	vld [tilespmem:s23+$0xF000]  }
0x327: {  	v1 =	vadd.f32 v11, v1;
	v24 =	vld [tilespmem:s2+$0x13000];
	v15 =	vsub.f32 v15, v16  }
0x328: {  	v12 =	vld [tilespmem:s23+$0x14000]  }
0x329: {  	v16 =	vld [tilespmem:s2+$0xF000]  }
0x32a: {  	v11 =	vld [tilespmem:s2+$0xE000]  }
0x32b: {  	v13 =	vsub.f32 v13, v19;
	v18 =	vld [tilespmem:s23+$0x13000]  }
0x32c: {  	v22 =	vld [tilespmem:s2+$0x14000]  }
0x32d: {  	v19 =	vld [tilespmem:s23+$0x10000]  }
0x32e: {  	vm1 =	vgt.f32 v23, $9.999999770e-03;
	v13 =	vand.u32 $0x7FFFFFFF, v13;
	v23 =	vld [tilespmem:s2+$0x11000]  }
0x32f: {  	v25 =	vsel vm1, $0x3F800000, v0;
	v13 =	vnsel vm1, $0x0, v13;
	vm0 =	vgt.f32 v11, $9.999999770e-03;
	v14 =	vld [tilespmem:s0+$0xE000]  }
0x330: {  	v7 =	vadd.f32 v25, v7;
	v25 =	vld [tilespmem:s2+$0x10000]  }
.Ltmp12:
0x331: {  	v11 =	vsub.f32 v17, v20;
	v20 =	vld [tilespmem:s6+$0x12000];
	(pc) =	sbr.rel @p0 .LBB2_27-.Ltmp12, $4  }
0x332: {  	v26 =	vsel vm0, $0x3F800000, v0;
	v17 =	vsub.f32 v19, v18;
	v19 =	vld [tilespmem:s23+$0x11000]  }
0x333: {  	v8 =	vadd.f32 v13, v8;
	v11 =	vand.u32 $0x7FFFFFFF, v11;
	v13 =	vsub.f32 v23, v22;
	v18 =	vld [tilespmem:s6+$0x10000]  }
0x334: {  	v23 =	vsub.f32 v16, v21;
	v16 =	vand.u32 $0x7FFFFFFF, v15;
	v22 =	vand.u32 $0x7FFFFFFF, v17;
	v15 =	vld [tilespmem:s0+$0x14000]  }
0x335: {  	s22 =	sadd.s32 $0x200, s22;
	v6 =	vadd.f32 v26, v6;
	s23 =	smov.u32 s8;
	v21 =	vsub.f32 v25, v24;
	v13 =	vand.u32 $0x7FFFFFFF, v13;
	v17 =	vld [tilespmem:s6+$0xE000]  }
0x336: {  	v22 =	vnsel vm1, $0x0, v22;
	v23 =	vand.u32 $0x7FFFFFFF, v23  }
0x337: {  	v10 =	vsub.f32 v10, v20;
	vm2 =	vgt.f32 v14, $9.999999770e-03;
	v13 =	vnsel vm0, $0x0, v13  }
0x338: {  	v24 =	vld [tilespmem:s0+$0x11000];
	v12 =	vsub.f32 v19, v12;
	v57 =	vand.u32 $0x7FFFFFFF, v21;
	v58 =	vnsel vm0, $0x0, v23  }
0x339: {  	v59 =	vld [tilespmem:s6+$0x11000];
	v4 =	vadd.f32 v22, v4;
	v16 =	vnsel vm2, $0x0, v16;
	v11 =	vnsel vm2, $0x0, v11  }
0x33a: {  	v60 =	vld [tilespmem:s6+$0x14000];
	v1 =	vadd.f32 v13, v1;
	v63 =	vsel vm2, $0x3F800000, v0;
	v19 =	vnsel vm0, $0x0, v57  }
0x33b: {  	v9 =	vsub.f32 v18, v9;
	v10 =	vand.u32 $0x7FFFFFFF, v10;
	v3 =	vadd.f32 v58, v3  }
0x33c: {  	v7 =	vadd.f32 v63, v7;
	v8 =	vadd.f32 v11, v8;
	v12 =	vand.u32 $0x7FFFFFFF, v12  }
0x33d: {  	s19 =	sadd.s32 $0x1, s19;
	v5 =	vadd.f32 v19, v5;
	v4 =	vadd.f32 v16, v4;
	v12 =	vnsel vm1, $0x0, v12  }
0x33e: {  	p0 =	sne.s32 s19, $0x8;
	v9 =	vand.u32 $0x7FFFFFFF, v9;
	vm15 =	vgt.f32 v17, $9.999999770e-03;
	v15 =	vsub.f32 v24, v15  }
.Ltmp13:
0x33f: {  	v10 =	vnsel vm15, $0x0, v10;
	v62 =	vsel vm15, $0x3F800000, v0;
	v14 =	vsub.f32 v59, v60;
	(pc) =	sbr.rel @p0 .LBB2_26-.Ltmp13, $4  }
0x340: {  	v2 =	vadd.f32 v12, v2;
	v9 =	vnsel vm15, $0x0, v9;
	v6 =	vadd.f32 v62, v6  }
0x341: {  	v3 =	vadd.f32 v10, v3;
	v61 =	vand.u32 $0x7FFFFFFF, v15;
	v10 =	vand.u32 $0x7FFFFFFF, v14  }
0x342: {  	v5 =	vadd.f32 v9, v5;
	v12 =	vnsel vm2, $0x0, v61;
	v10 =	vnsel vm15, $0x0, v10  }
0x343: {  	v2 =	vadd.f32 v12, v2;
	v1 =	vadd.f32 v10, v1  }
0x344: {  	_ =	swait.ge [sflag:s17], $0x1000  }
0x345: {  	[sflag:s17] =	ssyncset.done $0x0  }
0x346: {  	[sflag:s17] =	ssyncadd.s32 $0xFFFFF000  }
0x347: {  	_ =	swait.ge [sflag:s17], $0x1000  }
0x348: {  	[sflag:s17] =	ssyncset.done $0x0  }
0x349: {  	[sflag:s17] =	ssyncadd.s32 $0xFFFFF000  }
0x34a: {  	_ =	swait.ge [sflag:s17], $0x1000  }
0x34b: {  	[sflag:s17] =	ssyncset.done $0x0  }
0x34c: {  	[sflag:s17] =	ssyncadd.s32 $0xFFFFF000  }
0x34d: {  	_ =	swait.ge [sflag:s17], $0x1000  }
0x34e: {  	[sflag:s17] =	ssyncset.done $0x0  }
0x34f: {  	[sflag:s17] =	ssyncadd.s32 $0xFFFFF000  }
0x350: {  	_ =	swait.ge [sflag:s17], $0x1000  }
0x351: {  	[sflag:s17] =	ssyncset.done $0x0  }
0x352: {  	[sflag:s17] =	ssyncadd.s32 $0xFFFFF000  }
0x353: {  	_ =	swait.ge [sflag:s17], $0x1000  }
0x354: {  	[sflag:s17] =	ssyncset.done $0x0  }
0x355: {  	[sflag:s17] =	ssyncadd.s32 $0xFFFFF000  }
0x356: {  	_ =	swait.ge [sflag:s17], $0x1000  }
0x357: {  	[sflag:s17] =	ssyncset.done $0x0  }
0x358: {  	s11 =	simm.s32 $0x0;
	s19 =	simm.s32 $0x0;
	[sflag:s17] =	ssyncadd.s32 $0xFFFFF000  }
.LBB2_30:
0x359: {  	s7 =	sshll.u32 s19, $0x7  }
0x35a: {  	s2 =	sand.u32 $0x40, s11;
	s20 =	sor.u32 $0x30, s7  }
0x35b: {  	s8 =	sand.u32 $0xC00, s11;
	s12 =	sor.u32 $0x20, s7;
	s0 =	sor.u32 s20, s2  }
0x35c: {  	s9 =	sor.u32 s12, s2;
	s6 =	sor.u32 s8, s0  }
0x35d: {  	s0 =	sor.u32 s8, s9;
	v10 =	vld [tilespmem:s6+$0x16000]  }
0x35e: {  	v11 =	vld [tilespmem:s0+$0x19000]  }
0x35f: {  	v9 =	vld [tilespmem:s6+$0x1A000]  }
0x360: {  	v13 =	vld [tilespmem:s0+$0x16000]  }
0x361: {  	s24 =	sor.u32 s7, s2;
	v14 =	vld [tilespmem:s0+$0x1A000]  }
0x362: {  	s21 =	sor.u32 $0x10, s7;
	s9 =	sor.u32 s8, s24;
	v15 =	vld [tilespmem:s0+$0x17000]  }
0x363: {  	s2 =	sor.u32 s21, s2;
	v16 =	vld [tilespmem:s9+$0x15000]  }
0x364: {  	s2 =	sor.u32 s8, s2;
	v17 =	vld [tilespmem:s9+$0x19000]  }
0x365: {  	v21 =	vld [tilespmem:s2+$0x19000]  }
0x366: {  	v18 =	vld [tilespmem:s9+$0x16000]  }
0x367: {  	v24 =	vld [tilespmem:s2+$0x1A000]  }
0x368: {  	v12 =	vld [tilespmem:s9+$0x1B000]  }
0x369: {  	v23 =	vld [tilespmem:s2+$0x16000]  }
0x36a: {  	v19 =	vld [tilespmem:s2+$0x15000]  }
0x36b: {  	v22 =	vld [tilespmem:s9+$0x1A000]  }
0x36c: {  	v26 =	vld [tilespmem:s9+$0x17000]  }
0x36d: {  	v25 =	vld [tilespmem:s2+$0x1B000]  }
0x36e: {  	v17 =	vsub.f32 v18, v17;
	v18 =	vld [tilespmem:s2+$0x18000]  }
0x36f: {  	v20 =	vld [tilespmem:s6+$0x19000];
	v15 =	vsub.f32 v15, v14  }
0x370: {  	vm1 =	vgt.f32 v16, $9.999999770e-03;
	vm0 =	vgt.f32 v19, $9.999999770e-03;
	v16 =	vand.u32 $0x7FFFFFFF, v17;
	v17 =	vld [tilespmem:s2+$0x17000]  }
0x371: {  	v14 =	vld [tilespmem:s0+$0x15000];
	v11 =	vsub.f32 v13, v11;
	v13 =	vsub.f32 v26, v22;
	v19 =	vsel vm1, $0x3F800000, v0  }
0x372: {  	v23 =	vsub.f32 v23, v21;
	v7 =	vadd.f32 v19, v7;
	v19 =	vld [tilespmem:s9+$0x18000];
	v16 =	vnsel vm1, $0x0, v16  }
0x373: {  	v8 =	vadd.f32 v16, v8;
	v16 =	vand.u32 $0x7FFFFFFF, v15;
	v15 =	vld [tilespmem:s0+$0x1B000];
	v25 =	vsub.f32 v18, v25  }
0x374: {  	v63 =	vsel vm0, $0x3F800000, v0;
	v11 =	vand.u32 $0x7FFFFFFF, v11;
	v22 =	vand.u32 $0x7FFFFFFF, v13;
	v18 =	vld [tilespmem:s6+$0x17000]  }
0x375: {  	s23 =	simm.s32 $0x40;
	s22 =	simm.s32 $0x200;
	v6 =	vadd.f32 v63, v6;
	v21 =	vsub.f32 v17, v24;
	v13 =	vand.u32 $0x7FFFFFFF, v25;
	v17 =	vld [tilespmem:s6+$0x15000]  }
.LBB2_31:
0x376: {  	s2 =	sand.u32 $0x40, s23  }
0x377: {  	s9 =	sand.u32 $0xC00, s22;
	v22 =	vnsel vm1, $0x0, v22;
	v23 =	vand.u32 $0x7FFFFFFF, v23;
	v24 =	vld [tilespmem:s0+$0x18000];
	v20 =	vsub.f32 v10, v20;
	s0 =	smov.u32 s23;
	s8 =	sadd.s32 $0x40, s23  }
0x378: {  	s14 =	sor.u32 s7, s2;
	s0 =	sor.u32 s12, s2;
	s24 =	sor.u32 s20, s2;
	v12 =	vsub.f32 v19, v12;
	v19 =	vnsel vm0, $0x0, v23;
	v10 =	vand.u32 $0x7FFFFFFF, v21;
	v21 =	vld [tilespmem:s6+$0x18000]  }
0x379: {  	p0 =	sne.s32 s23, $0x1C0;
	v4 =	vadd.f32 v22, v4;
	s0 =	sor.u32 s9, s0;
	v22 =	vnsel vm0, $0x0, v10;
	v9 =	vsub.f32 v18, v9;
	v18 =	vld [tilespmem:s6+$0x1B000];
	s6 =	sor.u32 s9, s24  }
0x37a: {  	vm2 =	vgt.f32 v14, $9.999999770e-03;
	s23 =	sor.u32 s9, s14;
	v14 =	vand.u32 $0x7FFFFFFF, v20;
	v10 =	vld [tilespmem:s6+$0x16000];
	v12 =	vand.u32 $0x7FFFFFFF, v12  }
0x37b: {  	v16 =	vnsel vm2, $0x0, v16;
	v20 =	vld [tilespmem:s0+$0x19000];
	v12 =	vnsel vm1, $0x0, v12;
	v23 =	vand.u32 $0x7FFFFFFF, v9  }
0x37c: {  	v5 =	vadd.f32 v22, v5;
	vm1 =	vgt.f32 v17, $9.999999770e-03;
	v9 =	vld [tilespmem:s6+$0x1A000];
	v15 =	vsub.f32 v24, v15  }
0x37d: {  	v3 =	vadd.f32 v19, v3;
	v4 =	vadd.f32 v16, v4;
	v14 =	vnsel vm1, $0x0, v14;
	v17 =	vld [tilespmem:s0+$0x16000]  }
0x37e: {  	s2 =	sor.u32 s21, s2;
	v11 =	vnsel vm2, $0x0, v11;
	v2 =	vadd.f32 v12, v2;
	v16 =	vld [tilespmem:s0+$0x1A000];
	v12 =	vand.u32 $0x7FFFFFFF, v15  }
0x37f: {  	s2 =	sor.u32 s9, s2;
	v19 =	vsel vm1, $0x3F800000, v0;
	v22 =	vnsel vm1, $0x0, v23;
	v15 =	vld [tilespmem:s0+$0x17000];
	v12 =	vnsel vm2, $0x0, v12  }
0x380: {  	v13 =	vnsel vm0, $0x0, v13;
	v6 =	vadd.f32 v19, v6;
	v18 =	vsub.f32 v21, v18;
	v23 =	vld [tilespmem:s23+$0x15000]  }
0x381: {  	v1 =	vadd.f32 v13, v1;
	v13 =	vsel vm2, $0x3F800000, v0;
	v3 =	vadd.f32 v14, v3;
	v19 =	vld [tilespmem:s23+$0x19000]  }
0x382: {  	v7 =	vadd.f32 v13, v7;
	v2 =	vadd.f32 v12, v2;
	v12 =	vand.u32 $0x7FFFFFFF, v18;
	v21 =	vld [tilespmem:s2+$0x19000]  }
0x383: {  	v8 =	vadd.f32 v11, v8;
	v5 =	vadd.f32 v22, v5;
	v11 =	vnsel vm1, $0x0, v12;
	v13 =	vld [tilespmem:s23+$0x16000]  }
0x384: {  	v1 =	vadd.f32 v11, v1;
	v24 =	vld [tilespmem:s2+$0x1A000];
	v15 =	vsub.f32 v15, v16  }
0x385: {  	v12 =	vld [tilespmem:s23+$0x1B000]  }
0x386: {  	v16 =	vld [tilespmem:s2+$0x16000]  }
0x387: {  	v11 =	vld [tilespmem:s2+$0x15000]  }
0x388: {  	v13 =	vsub.f32 v13, v19;
	v18 =	vld [tilespmem:s23+$0x1A000]  }
0x389: {  	v22 =	vld [tilespmem:s2+$0x1B000]  }
0x38a: {  	v19 =	vld [tilespmem:s23+$0x17000]  }
0x38b: {  	vm1 =	vgt.f32 v23, $9.999999770e-03;
	v13 =	vand.u32 $0x7FFFFFFF, v13;
	v23 =	vld [tilespmem:s2+$0x18000]  }
0x38c: {  	v25 =	vsel vm1, $0x3F800000, v0;
	v13 =	vnsel vm1, $0x0, v13;
	vm0 =	vgt.f32 v11, $9.999999770e-03;
	v14 =	vld [tilespmem:s0+$0x15000]  }
0x38d: {  	v7 =	vadd.f32 v25, v7;
	v25 =	vld [tilespmem:s2+$0x17000]  }
.Ltmp14:
0x38e: {  	v11 =	vsub.f32 v17, v20;
	v20 =	vld [tilespmem:s6+$0x19000];
	(pc) =	sbr.rel @p0 .LBB2_31-.Ltmp14, $4  }
0x38f: {  	v26 =	vsel vm0, $0x3F800000, v0;
	v17 =	vsub.f32 v19, v18;
	v19 =	vld [tilespmem:s23+$0x18000]  }
0x390: {  	v8 =	vadd.f32 v13, v8;
	v11 =	vand.u32 $0x7FFFFFFF, v11;
	v13 =	vsub.f32 v23, v22;
	v18 =	vld [tilespmem:s6+$0x17000]  }
0x391: {  	v23 =	vsub.f32 v16, v21;
	v16 =	vand.u32 $0x7FFFFFFF, v15;
	v22 =	vand.u32 $0x7FFFFFFF, v17;
	v15 =	vld [tilespmem:s0+$0x1B000]  }
0x392: {  	s22 =	sadd.s32 $0x200, s22;
	v6 =	vadd.f32 v26, v6;
	s23 =	smov.u32 s8;
	v21 =	vsub.f32 v25, v24;
	v13 =	vand.u32 $0x7FFFFFFF, v13;
	v17 =	vld [tilespmem:s6+$0x15000]  }
0x393: {  	v22 =	vnsel vm1, $0x0, v22;
	v23 =	vand.u32 $0x7FFFFFFF, v23  }
0x394: {  	v10 =	vsub.f32 v10, v20;
	vm2 =	vgt.f32 v14, $9.999999770e-03;
	v13 =	vnsel vm0, $0x0, v13  }
0x395: {  	v24 =	vld [tilespmem:s0+$0x18000];
	v12 =	vsub.f32 v19, v12;
	v57 =	vand.u32 $0x7FFFFFFF, v21;
	v58 =	vnsel vm0, $0x0, v23  }
0x396: {  	v59 =	vld [tilespmem:s6+$0x18000];
	v4 =	vadd.f32 v22, v4;
	v16 =	vnsel vm2, $0x0, v16;
	v11 =	vnsel vm2, $0x0, v11  }
0x397: {  	v60 =	vld [tilespmem:s6+$0x1B000];
	v1 =	vadd.f32 v13, v1;
	v63 =	vsel vm2, $0x3F800000, v0;
	v19 =	vnsel vm0, $0x0, v57  }
0x398: {  	v9 =	vsub.f32 v18, v9;
	v10 =	vand.u32 $0x7FFFFFFF, v10;
	v3 =	vadd.f32 v58, v3  }
0x399: {  	v7 =	vadd.f32 v63, v7;
	v8 =	vadd.f32 v11, v8;
	v12 =	vand.u32 $0x7FFFFFFF, v12  }
0x39a: {  	s19 =	sadd.s32 $0x1, s19;
	v5 =	vadd.f32 v19, v5;
	v4 =	vadd.f32 v16, v4;
	v12 =	vnsel vm1, $0x0, v12  }
0x39b: {  	p0 =	sne.s32 s19, $0x8;
	v9 =	vand.u32 $0x7FFFFFFF, v9;
	vm15 =	vgt.f32 v17, $9.999999770e-03;
	v15 =	vsub.f32 v24, v15  }
.Ltmp15:
0x39c: {  	v10 =	vnsel vm15, $0x0, v10;
	v62 =	vsel vm15, $0x3F800000, v0;
	v14 =	vsub.f32 v59, v60;
	(pc) =	sbr.rel @p0 .LBB2_30-.Ltmp15, $4  }
0x39d: {  	v2 =	vadd.f32 v12, v2;
	v9 =	vnsel vm15, $0x0, v9;
	v6 =	vadd.f32 v62, v6  }
0x39e: {  	v3 =	vadd.f32 v10, v3;
	v61 =	vand.u32 $0x7FFFFFFF, v15;
	v10 =	vand.u32 $0x7FFFFFFF, v14  }
0x39f: {  	v5 =	vadd.f32 v9, v5;
	v12 =	vnsel vm2, $0x0, v61;
	v10 =	vnsel vm15, $0x0, v10  }
0x3a0: {  	v2 =	vadd.f32 v12, v2;
	v1 =	vadd.f32 v10, v1  }
0x3a1: {  	v3 =	vadd.f32 v3, v8;
	v4 =	vadd.f32 v5, v4;
	_ =	sdelay $0x1  }
0x3a2: {  	v1 =	vadd.f32 v1, v2;
	v3 =	vadd.f32 v4, v3  }
0x3a3: {  	v2 =	vadd.f32 v6, v7  }
0x3a4: {  	v1 =	vadd.f32 v1, v3  }
0x3a5: {  	[tilespmem:$0x1C080] =	vst v2  }
0x3a6: {  	s0 =	simm.s32 $0x1C000;
	[tilespmem:$0x1C000] =	vst v1  }
0x3a7: {  	[hbm4b:s29+s1] =	stream.linear.scatter [tilespmem:s0], [sflag:$0x5], $0x80, $0x38;
	[tilespmem:$0x1C100] =	vst v63  }
0x3a8: {  	s18 =	sadd.s32 $0x1, s18;
	_ =	swait.ge [sflag:s5], $0x80  }
0x3a9: {  	p0 =	sne.s32 s18, s30;
	[sflag:s5] =	ssyncset.done $0x0  }
.Ltmp16:
0x3aa: {  	s24 =	simm.s32 $0x1C080;
	[sflag:s5] =	ssyncadd.s32 $0xFFFFFF80;
	(pc) =	sbr.rel @p0 .LBB2_1-.Ltmp16, $4  }
0x3ab: {  	[hbm4b:s31+s1] =	stream.linear.scatter [tilespmem:s24], [sflag:$0x5], $0x80, $0x38;
	[tilespmem:$0x1C100] =	vst v63  }
0x3ac: {  	_ =	swait.ge [sflag:s5], $0x80  }
0x3ad: {  	[sflag:s5] =	ssyncset.done $0x0  }
0x3ae: {  	s9 =	simm.s32 $0x1000;
	[sflag:s5] =	ssyncadd.s32 $0xFFFFFF80  }
0x3af: {  	_ =	sfence.sel $0x180000  }
0x3b0: {  	[bflag:$0x0] =	sbarrier.arrive $0xFFFF  }
0x3b1: {  	_ =	strace $0x90000047  }
0x3b2: {  	s0 =	stileid.u32;
	[bflag:$0x2] =	sbarrier.arrive $0xFFFF  }
0x3b3: {  	p0 =	sne.s32 s0, $0x0;
	s0 =	rddreg [dreg:$0x4]  }
0x3b4: {  	s0 =	sadd.s32 @!p0 $0x100000, s0  }
0x3b5: {  	[sflag:s0] =	ssyncadd.tile.s32 @!p0 $0x1;
	_ =	shalt  }
.Lfunc_end2:
_tile_overlayer_lowered:
.L_overlay_start_2:
0x3b6: {  	(tag) =	ssettag $0x2  }
0x3b7: {  	s0 =	rddreg [dreg:$0x0];
	s2 =	stileid.u32  }
0x3b8: {  	s1 =	rddreg [dreg:$0x1];
	p0 =	sne.s32 s2, $0x0  }
0x3b9: {  	s3 =	rddreg [dreg:$0x2];
	[bflag:$0x3] =	sbarrier.arrive $0xFFFF;
	s2 =	simm.s32 @!p0 $0x1C05  }
0x3ba: {  	[timem:s3], [sflag:s2] =	dma.local @!p0 [hbm:s0], s1  }
0x3bb: {  	s0 =	simm.s32 @!p0 $0x5  }
0x3bc: {  	_ =	swait.ge @!p0 [sflag:s0], s1  }
0x3bd: {  	s1 =	ssub.s32 @!p0 $0x0, s1;
	[sflag:s0] =	ssyncset.done @!p0 $0x0  }
0x3be: {  	[sflag:s0] =	ssyncadd.s32 @!p0 s1  }
0x3bf: {  	[bflag:$0x3] =	sbarrier.arrive $0xFFFF  }
0x3c0: {  	_ =	shalt  }

</sc_bundles>
